<compile_context>
chip_gen: v7x
topology: tpu7x:2x2x1
jax: 0.10.2.dev20260603
libtpu: 0.0.44.dev20260713+nightly
codegen_flags: <defaults>
</compile_context>

<pallas_src>
import functools

import jax
import jax.numpy as jnp
from jax import lax
from jax.experimental import pallas as pl
from jax.experimental.pallas import tpu as pltpu
from jax.experimental.pallas import tpu_sc as plsc

NC = 2
NS = 16
NW = NC * NS


_D = 5


def _deg_kernel(n_pad, e, chunk):
  e_per_w = e // NW
  nch = e_per_w // chunk
  rows_per_tec = n_pad // NS

  mesh = plsc.VectorSubcoreMesh(
      core_axis_name="c", subcore_axis_name="s",
      num_cores=NC, num_subcores=NS)

  @functools.partial(
      pl.kernel,
      out_type=jax.ShapeDtypeStruct((NC * n_pad,), jnp.float32),
      mesh=mesh,
      scratch_types=(
          [pltpu.VMEM((chunk,), jnp.int32)] * _D +
          [pltpu.VMEM((((chunk + 15) // 16) * 16,), jnp.float32)] +
          [pltpu.VMEM((rows_per_tec,), jnp.float32)] +
          [pltpu.VMEM_SHARED((n_pad,), jnp.float32)] +
          [pltpu.SemaphoreType.DMA] * (2 * _D)
      ),
  )
  def k(ei_hbm, out_hbm, *scr):
    didx = scr[:_D]
    ones, fbuf, acc = scr[_D], scr[_D + 1], scr[_D + 2]
    sems = scr[_D + 3:]
    isem = sems[:_D]
    ssem = sems[_D:]
    core = lax.axis_index("c")
    sub = lax.axis_index("s")
    wid = core * NS + sub
    estart = wid * e_per_w

    def fill(i, _):
      ones[pl.ds(i * 16, 16)] = jnp.full((16,), 1.0, jnp.float32)
      return 0
    lax.fori_loop(0, (chunk + 15) // 16, fill, 0)

    def zero(i, _):
      fbuf[pl.ds(i * 16, 16)] = jnp.zeros((16,), jnp.float32)
      return 0
    lax.fori_loop(0, rows_per_tec // 16, zero, 0)
    pltpu.sync_copy(fbuf, acc.at[pl.ds(sub * rows_per_tec, rows_per_tec)])
    plsc.subcore_barrier()

    def idx_load(i, b):
      return pltpu.make_async_copy(
          ei_hbm.at[pl.ds(e + estart + i * chunk, chunk)], didx[b], isem[b])

    for b in range(_D):
      idx_load(b, b).start()

    def group(g, _):
      for b in range(_D):
        i = g * _D + b
        idx_load(i, b).wait()
        sc = pltpu.make_async_copy(
            ones.at[pl.ds(0, chunk)], acc.at[didx[b]], ssem[b])
        sc.start(add=True)
        sc.wait()

        @pl.when(i + _D < nch)
        def _():
          idx_load(i + _D, b).start()
      return 0
    lax.fori_loop(0, nch // _D, group, 0)
    plsc.subcore_barrier()

    pltpu.sync_copy(
        acc.at[pl.ds(sub * rows_per_tec, rows_per_tec)],
        out_hbm.at[pl.ds(core * n_pad + sub * rows_per_tec, rows_per_tec)])

  return k


def _edge_agg_kernel(n_pad, d, e, chunk, fch):
  e_per_w = e // NW
  nch = e_per_w // chunk
  rows_per_tec = n_pad // NS
  nf = rows_per_tec // fch

  mesh = plsc.VectorSubcoreMesh(
      core_axis_name="c", subcore_axis_name="s",
      num_cores=NC, num_subcores=NS)

  @functools.partial(
      pl.kernel,
      out_type=jax.ShapeDtypeStruct((NC, n_pad, d), jnp.float32),
      mesh=mesh,
      scratch_types=(
          [pltpu.VMEM((chunk,), jnp.int32)] * (2 * _D) +
          [pltpu.VMEM((chunk,), jnp.int32)] * (2 * _D) +
          [pltpu.VMEM((chunk, d), jnp.float32)] * _D +
          [pltpu.VMEM((fch, d), jnp.float32)] +
          [pltpu.VMEM_SHARED((n_pad, d), jnp.float32)] +
          [pltpu.SemaphoreType.DMA] * (6 * _D)
      ),
  )
  def k(g_hbm, ei_hbm, out_hbm, *scr):
    sidx = scr[:2 * _D]
    didx = scr[2 * _D:4 * _D]
    rows = scr[4 * _D:5 * _D]
    fbuf, acc = scr[5 * _D], scr[5 * _D + 1]
    sems = scr[5 * _D + 2:]
    isem_s = sems[:2 * _D]
    isem_d = sems[2 * _D:4 * _D]
    gsem = sems[4 * _D:5 * _D]
    ssem = sems[5 * _D:]
    core = lax.axis_index("c")
    sub = lax.axis_index("s")
    wid = core * NS + sub
    estart = wid * e_per_w

    def zero(i, _):
      r = i // (d // 16)
      c = (i % (d // 16)) * 16
      fbuf[r, pl.ds(c, 16)] = jnp.zeros((16,), jnp.float32)
      return 0
    lax.fori_loop(0, fch * (d // 16), zero, 0)

    def zero_dma(f):
      r0 = sub * rows_per_tec + f * fch
      return pltpu.make_async_copy(fbuf, acc.at[pl.ds(r0, fch)], ssem[f % _D])
    for f in range(nf):
      zero_dma(f).start()
    for f in range(nf):
      zero_dma(f).wait()
    plsc.subcore_barrier()

    def sidx_load(i, c):
      return pltpu.make_async_copy(
          ei_hbm.at[pl.ds(estart + i * chunk, chunk)], sidx[c], isem_s[c])

    def didx_load(i, c):
      return pltpu.make_async_copy(
          ei_hbm.at[pl.ds(e + estart + i * chunk, chunk)], didx[c], isem_d[c])

    def gather(b, c):
      return pltpu.make_async_copy(g_hbm.at[sidx[c]], rows[b], gsem[b])

    def scatter(b, c):
      return pltpu.make_async_copy(rows[b], acc.at[didx[c]], ssem[b])

    for c in range(2 * _D):
      sidx_load(c, c).start()
      didx_load(c, c).start()
    for b in range(_D - 1):
      sidx_load(b, b).wait()
      gather(b, b).start()

    def group(g, _):
      for h in range(2):
        for b in range(_D):
          i = g * (2 * _D) + h * _D + b
          c = h * _D + b
          jb = (b + _D - 1) % _D
          jc = (c + _D - 1) % (2 * _D)
          pc = (c + 2 * _D - 1) % (2 * _D)

          @pl.when((i + _D - 1 < nch) & (i >= 1))
          def _():
            scatter(jb, pc).wait()

          @pl.when(i + _D - 1 < nch)
          def _():
            sidx_load(i + _D - 1, jc).wait()
            gather(jb, jc).start()

          gather(b, c).wait()
          didx_load(i, c).wait()
          scatter(b, c).start(add=True)

          @pl.when((i >= 1) & (i + 2 * _D - 1 < nch))
          def _():
            sidx_load(i + 2 * _D - 1, pc).start()
            didx_load(i + 2 * _D - 1, pc).start()
      return 0
    lax.fori_loop(0, nch // (2 * _D), group, 0)

    for b in range(_D):
      i = nch - _D + b
      scatter(i % _D, i % (2 * _D)).wait()
    plsc.subcore_barrier()

    def flush_dma(f):
      r0 = sub * rows_per_tec + f * fch
      return pltpu.make_async_copy(
          acc.at[pl.ds(r0, fch)], out_hbm.at[core, pl.ds(r0, fch)],
          ssem[f % _D])
    for f in range(nf):
      flush_dma(f).start()
    for f in range(nf):
      flush_dma(f).wait()

  return k



def _dis_from_deg(deg_ref):
  deg = deg_ref[:, 0:1] + deg_ref[:, 1:2] + 1.0
  return lax.rsqrt(jnp.maximum(deg, 1.0))


def _tc0_body(x_ref, w1_ref, h1_ref):
  h = jnp.dot(x_ref[...], w1_ref[...],
              preferred_element_type=jnp.float32,
              precision=lax.Precision.HIGHEST)
  dhid = h.shape[1]
  h1_ref[:, :dhid] = h
  h1_ref[:, dhid:] = jnp.zeros(
      (h.shape[0], h1_ref.shape[1] - dhid), jnp.float32)


def _tc1_body(deg_ref, h1_ref, g1_ref):
  dis = _dis_from_deg(deg_ref)
  g1_ref[...] = h1_ref[...] * dis


def _tc2_body(acc_ref, g1_ref, deg_ref, b1_ref, w2_ref, g2_ref):
  dis = _dis_from_deg(deg_ref)
  dhid = w2_ref.shape[0]
  s = acc_ref[0, :, :dhid] + acc_ref[1, :, :dhid] + g1_ref[:, :dhid]
  out1 = jnp.maximum(s * dis + b1_ref[...], 0.0)
  h2 = jnp.dot(out1, w2_ref[...], preferred_element_type=jnp.float32,
               precision=lax.Precision.HIGHEST)
  g2_ref[...] = h2 * dis


def _tc3_body(acc_ref, g2_ref, deg_ref, b2_ref, o_ref):
  dis = _dis_from_deg(deg_ref)
  s = acc_ref[0] + acc_ref[1] + g2_ref[...]
  o = s * dis + b2_ref[...]
  m = jnp.max(o, axis=1, keepdims=True)
  z = o - m
  lse = jnp.log(jnp.sum(jnp.exp(z), axis=1, keepdims=True))
  o_ref[...] = z - lse



@jax.jit
def kernel(x, edge_index, W1, b1, W2, b2):
  n, d_in = x.shape
  e = edge_index.shape[1]
  d_hid = W1.shape[1]
  d_out = W2.shape[1]

  ei_flat = edge_index.reshape(-1)

  dh = 128

  n_pad = ((n + (128 * NS) - 1) // (128 * NS)) * (128 * NS)
  chunk = 40
  fch = 128

  deg2 = _deg_kernel(n_pad, e, 2 * chunk)(ei_flat)
  deg2 = deg2.reshape(NC, n_pad).T

  bm = 1000
  grid = n // bm

  deg_spec = pl.BlockSpec((bm, NC), lambda i: (i, 0))
  acc_spec_h = pl.BlockSpec((NC, bm, dh), lambda i: (0, i, 0))
  acc_spec_o = pl.BlockSpec((NC, bm, d_out), lambda i: (0, i, 0))

  h1 = pl.pallas_call(
      _tc0_body,
      grid=(grid,),
      in_specs=[
          pl.BlockSpec((bm, d_in), lambda i: (i, 0)),
          pl.BlockSpec((d_in, d_hid), lambda i: (0, 0)),
      ],
      out_specs=pl.BlockSpec((bm, dh), lambda i: (i, 0)),
      out_shape=jax.ShapeDtypeStruct((n, dh), jnp.float32),
  )(x, W1)

  g1 = pl.pallas_call(
      _tc1_body,
      grid=(grid,),
      in_specs=[
          deg_spec,
          pl.BlockSpec((bm, dh), lambda i: (i, 0)),
      ],
      out_specs=pl.BlockSpec((bm, dh), lambda i: (i, 0)),
      out_shape=jax.ShapeDtypeStruct((n, dh), jnp.float32),
  )(deg2, h1)

  edge_agg = _edge_agg_kernel(n_pad, dh, e, chunk, fch)
  acc1 = edge_agg(g1, ei_flat)

  g2 = pl.pallas_call(
      _tc2_body,
      grid=(grid,),
      in_specs=[
          acc_spec_h,
          pl.BlockSpec((bm, dh), lambda i: (i, 0)),
          deg_spec,
          pl.BlockSpec((1, d_hid), lambda i: (0, 0)),
          pl.BlockSpec((d_hid, d_out), lambda i: (0, 0)),
      ],
      out_specs=pl.BlockSpec((bm, d_out), lambda i: (i, 0)),
      out_shape=jax.ShapeDtypeStruct((n, d_out), jnp.float32),
  )(acc1, g1, deg2, b1.reshape(1, d_hid), W2)

  acc2 = edge_agg(g2, ei_flat)

  out = pl.pallas_call(
      _tc3_body,
      grid=(grid,),
      in_specs=[
          acc_spec_o,
          pl.BlockSpec((bm, d_out), lambda i: (i, 0)),
          deg_spec,
          pl.BlockSpec((1, d_out), lambda i: (0, 0)),
      ],
      out_specs=pl.BlockSpec((bm, d_out), lambda i: (i, 0)),
      out_shape=jax.ShapeDtypeStruct((n, d_out), jnp.float32),
  )(acc2, g2, deg2, b2.reshape(1, d_out))

  return out

# --- scband reference (transcript-rebuilt; emitter-appended) ---
"""Pipeline reference for scband-gcnmodel-39848706573592 (READ-ONLY COPY).

The authoritative reference and input builder live on the scoring server;
editing this copy changes nothing except your own understanding.
"""

import jax, jax.numpy as jnp
import numpy as np

N = 10000
E = 320000
D_IN = 128
D_HID = 64
D_OUT = 128


def setup_inputs(seed: int = 0) -> dict:
    key = jax.random.key(seed)
    k1, k2, k3, k4 = jax.random.split(key, 4)
    x = jax.random.normal(k1, (N, D_IN), dtype=jnp.float32)
    edge_index = jax.random.randint(k2, (2, E), 0, N, dtype=jnp.int32)
    W1 = jax.random.normal(k3, (D_IN, D_HID), dtype=jnp.float32) * (1.0 / np.sqrt(D_IN))
    b1 = jnp.zeros((D_HID,), dtype=jnp.float32)
    W2 = jax.random.normal(k4, (D_HID, D_OUT), dtype=jnp.float32) * (1.0 / np.sqrt(D_HID))
    b2 = jnp.zeros((D_OUT,), dtype=jnp.float32)
    return {"x": x, "edge_index": edge_index, "W1": W1, "b1": b1, "W2": W2, "b2": b2}


def _gcn_layer(x, src, dst, W, b):
    n = x.shape[0]
    loop = jnp.arange(n, dtype=src.dtype)
    s = jnp.concatenate([src, loop])
    d = jnp.concatenate([dst, loop])
    deg = jax.ops.segment_sum(jnp.ones(s.shape[0], dtype=x.dtype), d, num_segments=n)
    dis = jax.lax.rsqrt(jnp.maximum(deg, 1.0))
    norm = dis[s] * dis[d]
    h = x @ W
    msg = h[s] * norm[:, None]
    out = jax.ops.segment_sum(msg, d, num_segments=n) + b
    return out


def reference(x, edge_index, W1, b1, W2, b2):
    src = edge_index[0]
    dst = edge_index[1]
    h = jax.nn.relu(_gcn_layer(x, src, dst, W1, b1))
    o = _gcn_layer(h, src, dst, W2, b2)
    return jax.nn.log_softmax(o, axis=1)

if __name__ == "__main__":
    import jax
    _d = setup_inputs()
    print(jax.jit(kernel)(*tuple(_d.values())))

</pallas_src>

<mosaic_0001>
#map = affine_map<(d0, d1) -> (0)>
module attributes {stable_mosaic.version = 14 : i64} {
  func.func @k(%arg0: i32, %arg1: i32, %arg2: memref<640000xi32, #tpu.memory_space<hbm>>, %arg3: memref<20480xf32, #tpu.memory_space<hbm>>, %arg4: memref<80xi32, #tpu.memory_space<vmem>>, %arg5: memref<80xi32, #tpu.memory_space<vmem>>, %arg6: memref<80xi32, #tpu.memory_space<vmem>>, %arg7: memref<80xi32, #tpu.memory_space<vmem>>, %arg8: memref<80xi32, #tpu.memory_space<vmem>>, %arg9: memref<80xf32, #tpu.memory_space<vmem>>, %arg10: memref<640xf32, #tpu.memory_space<vmem>>, %arg11: memref<10240xf32, #tpu.memory_space<vmem_shared>>, %arg12: memref<!tpu.dma_semaphore, #tpu.memory_space<semaphore_mem>>, %arg13: memref<!tpu.dma_semaphore, #tpu.memory_space<semaphore_mem>>, %arg14: memref<!tpu.dma_semaphore, #tpu.memory_space<semaphore_mem>>, %arg15: memref<!tpu.dma_semaphore, #tpu.memory_space<semaphore_mem>>, %arg16: memref<!tpu.dma_semaphore, #tpu.memory_space<semaphore_mem>>, %arg17: memref<!tpu.dma_semaphore, #tpu.memory_space<semaphore_mem>>, %arg18: memref<!tpu.dma_semaphore, #tpu.memory_space<semaphore_mem>>, %arg19: memref<!tpu.dma_semaphore, #tpu.memory_space<semaphore_mem>>, %arg20: memref<!tpu.dma_semaphore, #tpu.memory_space<semaphore_mem>>, %arg21: memref<!tpu.dma_semaphore, #tpu.memory_space<semaphore_mem>>) attributes {dimension_semantics = [#tpu.dimension_semantics<core_parallel>, #tpu.dimension_semantics<subcore_parallel>], iteration_bounds = array<i64: 2, 16>, scalar_prefetch = 0 : i64, scratch_operands = 18 : i64, tpu.core_type = #tpu.core_type<sc_vector_subcore>, window_params = [{transform_indices = #map}, {transform_indices = #map}]} {
    %mul3A = arith.constant 16 : i32
    %mul3A_0 = arith.muli %arg0, %mul3A : i32
    %add3A = arith.addi %mul3A_0, %arg1 : i32
    %mul3A_1 = arith.constant 10000 : i32
    %mul3A_2 = arith.muli %add3A, %mul3A_1 : i32
    %scan3A = arith.constant 0 : i32
    %scan3A_3 = arith.constant 0 : i32
    %scan3A_4 = arith.constant 5 : i32
    %scan3A_5 = arith.addi %scan3A_3, %scan3A_4 : i32
    %scan3A_6 = arith.constant 1 : i32
    %scan3A_7 = scf.for %scan3A_62 = %scan3A_3 to %scan3A_5 step %scan3A_6 iter_args(%scan3A_63 = %scan3A) -> (i32)  : i32 {
      %broadcast_in_dim3A = arith.constant 1.000000e+00 : f32
      %broadcast_in_dim3A_64 = vector.broadcast %broadcast_in_dim3A : f32 to vector<16xf32>
      %mul3A_65 = arith.constant 16 : i32
      %mul3A_66 = arith.muli %scan3A_62, %mul3A_65 : i32
      %swap3A = arith.index_cast %mul3A_66 : i32 to index
      %swap3A_67 = tpu.vector_load %arg9[%swap3A] {strides = array<i32>} : memref<80xf32, #tpu.memory_space<vmem>>, vector<16xf32>,
      %swap3A_68 = vector.shape_cast %swap3A_67 : vector<16xf32> to vector<16xf32>
      %swap3A_69 = vector.shape_cast %broadcast_in_dim3A_64 : vector<16xf32> to vector<16xf32>
      tpu.vector_store %arg9[%swap3A], %swap3A_69 {strides = array<i32>} : memref<80xf32, #tpu.memory_space<vmem>>, vector<16xf32>,
      %scan3A_70 = arith.constant 0 : i32
      scf.yield %scan3A_70 : i32
    }
    %scan3A_8 = arith.constant 5 : i32
    %scan3A_9 = arith.constant 0 : i32
    %scan3A_10 = arith.constant 0 : i32
    %scan3A_11 = arith.constant 40 : i32
    %scan3A_12 = arith.addi %scan3A_10, %scan3A_11 : i32
    %scan3A_13 = arith.constant 1 : i32
    %scan3A_14 = scf.for %scan3A_62 = %scan3A_10 to %scan3A_12 step %scan3A_13 iter_args(%scan3A_63 = %scan3A_9) -> (i32)  : i32 {
      %broadcast_in_dim3A = arith.constant 0.000000e+00 : f32
      %broadcast_in_dim3A_64 = vector.broadcast %broadcast_in_dim3A : f32 to vector<16xf32>
      %mul3A_65 = arith.constant 16 : i32
      %mul3A_66 = arith.muli %scan3A_62, %mul3A_65 : i32
      %swap3A = arith.index_cast %mul3A_66 : i32 to index
      %swap3A_67 = tpu.vector_load %arg10[%swap3A] {strides = array<i32>} : memref<640xf32, #tpu.memory_space<vmem>>, vector<16xf32>,
      %swap3A_68 = vector.shape_cast %swap3A_67 : vector<16xf32> to vector<16xf32>
      %swap3A_69 = vector.shape_cast %broadcast_in_dim3A_64 : vector<16xf32> to vector<16xf32>
      tpu.vector_store %arg10[%swap3A], %swap3A_69 {strides = array<i32>} : memref<640xf32, #tpu.memory_space<vmem>>, vector<16xf32>,
      %scan3A_70 = arith.constant 0 : i32
      scf.yield %scan3A_70 : i32
    }
    %scan3A_15 = arith.constant 40 : i32
    %mul3A_16 = arith.constant 640 : i32
    %mul3A_17 = arith.muli %arg1, %mul3A_16 : i32
    "tpu.region"() ({
      %run_scoped3A = tpu.sem_alloc : memref<!tpu.dma_semaphore, #tpu.memory_space<semaphore_mem>>
      %dma_start3A_62 = tpu.memref_slice %arg11[%mul3A_17] : memref<10240xf32, #tpu.memory_space<vmem_shared>> -> memref<640xf32, #tpu.memory_space<vmem_shared>>
      %dma_start3A_63 = tpu.memref_slice %arg11[%mul3A_17] : memref<10240xf32, #tpu.memory_space<vmem_shared>> -> memref<640xf32, #tpu.memory_space<vmem_shared>>
      tpu.enqueue_dma source(%arg10 : memref<640xf32, #tpu.memory_space<vmem>>) target(%dma_start3A_63 : memref<640xf32, #tpu.memory_space<vmem_shared>>) target_semaphore(%run_scoped3A : memref<!tpu.dma_semaphore, #tpu.memory_space<semaphore_mem>>)
      %dma_wait3A = tpu.memref_slice %arg11[%mul3A_17] : memref<10240xf32, #tpu.memory_space<vmem_shared>> -> memref<640xf32, #tpu.memory_space<vmem_shared>>
      %dma_wait3A_64 = tpu.memref_slice %arg11[%mul3A_17] : memref<10240xf32, #tpu.memory_space<vmem_shared>> -> memref<640xf32, #tpu.memory_space<vmem_shared>>
      tpu.wait_dma2 semaphore(%run_scoped3A : memref<!tpu.dma_semaphore, #tpu.memory_space<semaphore_mem>>) src(%arg10 : memref<640xf32, #tpu.memory_space<vmem>>) dst(%dma_wait3A_64 : memref<640xf32, #tpu.memory_space<vmem_shared>>)
      tpu.yield
    }) : () -> ()
    %barrier3A = arith.constant 0 : index
    tpu.barrier barrier_id(%barrier3A)
    %add3A_18 = arith.constant 320000 : i32
    %add3A_19 = arith.addi %add3A_18, %mul3A_2 : i32
    %add3A_20 = arith.constant 0 : i32
    %add3A_21 = arith.addi %add3A_19, %add3A_20 : i32
    %dma_start3A = tpu.memref_slice %arg2[%add3A_21] : memref<640000xi32, #tpu.memory_space<hbm>> -> memref<80xi32, #tpu.memory_space<hbm>>
    %dma_start3A_22 = tpu.memref_slice %arg2[%add3A_21] : memref<640000xi32, #tpu.memory_space<hbm>> -> memref<80xi32, #tpu.memory_space<hbm>>
    tpu.enqueue_dma source(%dma_start3A_22 : memref<80xi32, #tpu.memory_space<hbm>>) target(%arg4 : memref<80xi32, #tpu.memory_space<vmem>>) target_semaphore(%arg12 : memref<!tpu.dma_semaphore, #tpu.memory_space<semaphore_mem>>)
    %add3A_23 = arith.constant 320000 : i32
    %add3A_24 = arith.addi %add3A_23, %mul3A_2 : i32
    %add3A_25 = arith.constant 80 : i32
    %add3A_26 = arith.addi %add3A_24, %add3A_25 : i32
    %dma_start3A_27 = tpu.memref_slice %arg2[%add3A_26] : memref<640000xi32, #tpu.memory_space<hbm>> -> memref<80xi32, #tpu.memory_space<hbm>>
    %dma_start3A_28 = tpu.memref_slice %arg2[%add3A_26] : memref<640000xi32, #tpu.memory_space<hbm>> -> memref<80xi32, #tpu.memory_space<hbm>>
    tpu.enqueue_dma source(%dma_start3A_28 : memref<80xi32, #tpu.memory_space<hbm>>) target(%arg5 : memref<80xi32, #tpu.memory_space<vmem>>) target_semaphore(%arg13 : memref<!tpu.dma_semaphore, #tpu.memory_space<semaphore_mem>>)
    %add3A_29 = arith.constant 320000 : i32
    %add3A_30 = arith.addi %add3A_29, %mul3A_2 : i32
    %add3A_31 = arith.constant 160 : i32
    %add3A_32 = arith.addi %add3A_30, %add3A_31 : i32
    %dma_start3A_33 = tpu.memref_slice %arg2[%add3A_32] : memref<640000xi32, #tpu.memory_space<hbm>> -> memref<80xi32, #tpu.memory_space<hbm>>
    %dma_start3A_34 = tpu.memref_slice %arg2[%add3A_32] : memref<640000xi32, #tpu.memory_space<hbm>> -> memref<80xi32, #tpu.memory_space<hbm>>
    tpu.enqueue_dma source(%dma_start3A_34 : memref<80xi32, #tpu.memory_space<hbm>>) target(%arg6 : memref<80xi32, #tpu.memory_space<vmem>>) target_semaphore(%arg14 : memref<!tpu.dma_semaphore, #tpu.memory_space<semaphore_mem>>)
    %add3A_35 = arith.constant 320000 : i32
    %add3A_36 = arith.addi %add3A_35, %mul3A_2 : i32
    %add3A_37 = arith.constant 240 : i32
    %add3A_38 = arith.addi %add3A_36, %add3A_37 : i32
    %dma_start3A_39 = tpu.memref_slice %arg2[%add3A_38] : memref<640000xi32, #tpu.memory_space<hbm>> -> memref<80xi32, #tpu.memory_space<hbm>>
    %dma_start3A_40 = tpu.memref_slice %arg2[%add3A_38] : memref<640000xi32, #tpu.memory_space<hbm>> -> memref<80xi32, #tpu.memory_space<hbm>>
    tpu.enqueue_dma source(%dma_start3A_40 : memref<80xi32, #tpu.memory_space<hbm>>) target(%arg7 : memref<80xi32, #tpu.memory_space<vmem>>) target_semaphore(%arg15 : memref<!tpu.dma_semaphore, #tpu.memory_space<semaphore_mem>>)
    %add3A_41 = arith.constant 320000 : i32
    %add3A_42 = arith.addi %add3A_41, %mul3A_2 : i32
    %add3A_43 = arith.constant 320 : i32
    %add3A_44 = arith.addi %add3A_42, %add3A_43 : i32
    %dma_start3A_45 = tpu.memref_slice %arg2[%add3A_44] : memref<640000xi32, #tpu.memory_space<hbm>> -> memref<80xi32, #tpu.memory_space<hbm>>
    %dma_start3A_46 = tpu.memref_slice %arg2[%add3A_44] : memref<640000xi32, #tpu.memory_space<hbm>> -> memref<80xi32, #tpu.memory_space<hbm>>
    tpu.enqueue_dma source(%dma_start3A_46 : memref<80xi32, #tpu.memory_space<hbm>>) target(%arg8 : memref<80xi32, #tpu.memory_space<vmem>>) target_semaphore(%arg16 : memref<!tpu.dma_semaphore, #tpu.memory_space<semaphore_mem>>)
    %scan3A_47 = arith.constant 0 : i32
    %scan3A_48 = arith.constant 0 : i32
    %scan3A_49 = arith.constant 25 : i32
    %scan3A_50 = arith.addi %scan3A_48, %scan3A_49 : i32
    %scan3A_51 = arith.constant 1 : i32
    %scan3A_52 = scf.for %scan3A_62 = %scan3A_48 to %scan3A_50 step %scan3A_51 iter_args(%scan3A_63 = %scan3A_47) -> (i32)  : i32 {
      %mul3A_64 = arith.constant 5 : i32
      %mul3A_65 = arith.muli %scan3A_62, %mul3A_64 : i32
      %add3A_66 = arith.constant 0 : i32
      %add3A_67 = arith.addi %mul3A_65, %add3A_66 : i32
      %add3A_68 = arith.constant 320000 : i32
      %add3A_69 = arith.addi %add3A_68, %mul3A_2 : i32
      %mul3A_70 = arith.constant 80 : i32
      %mul3A_71 = arith.muli %add3A_67, %mul3A_70 : i32
      %add3A_72 = arith.addi %add3A_69, %mul3A_71 : i32
      %dma_wait3A = tpu.memref_slice %arg2[%add3A_72] : memref<640000xi32, #tpu.memory_space<hbm>> -> memref<80xi32, #tpu.memory_space<hbm>>
      %dma_wait3A_73 = tpu.memref_slice %arg2[%add3A_72] : memref<640000xi32, #tpu.memory_space<hbm>> -> memref<80xi32, #tpu.memory_space<hbm>>
      tpu.wait_dma2 semaphore(%arg12 : memref<!tpu.dma_semaphore, #tpu.memory_space<semaphore_mem>>) src(%dma_wait3A_73 : memref<80xi32, #tpu.memory_space<hbm>>) dst(%arg4 : memref<80xi32, #tpu.memory_space<vmem>>)
      %dma_start3A_74 = arith.constant 0 : i32
      %dma_start3A_75 = tpu.memref_slice %arg9[%dma_start3A_74] : memref<80xf32, #tpu.memory_space<vmem>> -> memref<80xf32, #tpu.memory_space<vmem>>
      %dma_start3A_76 = arith.constant 0 : i32
      %dma_start3A_77 = tpu.memref_slice %arg11[%dma_start3A_76] : memref<10240xf32, #tpu.memory_space<vmem_shared>> -> memref<10240xf32, #tpu.memory_space<vmem_shared>>
      tpu.enqueue_indirect_dma source(%dma_start3A_75 : memref<80xf32, #tpu.memory_space<vmem>>) target(%dma_start3A_77 : memref<10240xf32, #tpu.memory_space<vmem_shared>>) offsets(%arg4 : memref<80xi32, #tpu.memory_space<vmem>>) semaphore(%arg17 : memref<!tpu.dma_semaphore, #tpu.memory_space<semaphore_mem>>) {add = true}
      %dma_wait3A_78 = arith.constant 0 : i32
      %dma_wait3A_79 = tpu.memref_slice %arg9[%dma_wait3A_78] : memref<80xf32, #tpu.memory_space<vmem>> -> memref<80xf32, #tpu.memory_space<vmem>>
      %dma_wait3A_80 = arith.constant 0 : i32
      %dma_wait3A_81 = tpu.memref_slice %arg11[%dma_wait3A_80] : memref<10240xf32, #tpu.memory_space<vmem_shared>> -> memref<10240xf32, #tpu.memory_space<vmem_shared>>
      tpu.wait_indirect_dma semaphore(%arg17 : memref<!tpu.dma_semaphore, #tpu.memory_space<semaphore_mem>>) src(%dma_wait3A_79 : memref<80xf32, #tpu.memory_space<vmem>>) dst(%dma_wait3A_81 : memref<10240xf32, #tpu.memory_space<vmem_shared>>)
      %add3A_82 = arith.constant 5 : i32
      %add3A_83 = arith.addi %add3A_67, %add3A_82 : i32
      %lt3A = arith.constant 125 : i32
      %lt3A_84 = arith.cmpi slt, %add3A_83, %lt3A : i32
      %convert_element_type3A = arith.extui %lt3A_84 : i1 to i32
      %cond3A = arith.constant 0 : i32
      %cond3A_85 = arith.cmpi ne, %convert_element_type3A, %cond3A : i32
      scf.if %cond3A_85 {
        %add3A_191 = arith.constant 5 : i32
        %add3A_192 = arith.addi %add3A_67, %add3A_191 : i32
        %add3A_193 = arith.constant 320000 : i32
        %add3A_194 = arith.addi %add3A_193, %mul3A_2 : i32
        %mul3A_195 = arith.constant 80 : i32
        %mul3A_196 = arith.muli %add3A_192, %mul3A_195 : i32
        %add3A_197 = arith.addi %add3A_194, %mul3A_196 : i32
        %dma_start3A_198 = tpu.memref_slice %arg2[%add3A_197] : memref<640000xi32, #tpu.memory_space<hbm>> -> memref<80xi32, #tpu.memory_space<hbm>>
        %dma_start3A_199 = tpu.memref_slice %arg2[%add3A_197] : memref<640000xi32, #tpu.memory_space<hbm>> -> memref<80xi32, #tpu.memory_space<hbm>>
        tpu.enqueue_dma source(%dma_start3A_199 : memref<80xi32, #tpu.memory_space<hbm>>) target(%arg4 : memref<80xi32, #tpu.memory_space<vmem>>) target_semaphore(%arg12 : memref<!tpu.dma_semaphore, #tpu.memory_space<semaphore_mem>>)
      } else {
      }
      %mul3A_86 = arith.constant 5 : i32
      %mul3A_87 = arith.muli %scan3A_62, %mul3A_86 : i32
      %add3A_88 = arith.constant 1 : i32
      %add3A_89 = arith.addi %mul3A_87, %add3A_88 : i32
      %add3A_90 = arith.constant 320000 : i32
      %add3A_91 = arith.addi %add3A_90, %mul3A_2 : i32
      %mul3A_92 = arith.constant 80 : i32
      %mul3A_93 = arith.muli %add3A_89, %mul3A_92 : i32
      %add3A_94 = arith.addi %add3A_91, %mul3A_93 : i32
      %dma_wait3A_95 = tpu.memref_slice %arg2[%add3A_94] : memref<640000xi32, #tpu.memory_space<hbm>> -> memref<80xi32, #tpu.memory_space<hbm>>
      %dma_wait3A_96 = tpu.memref_slice %arg2[%add3A_94] : memref<640000xi32, #tpu.memory_space<hbm>> -> memref<80xi32, #tpu.memory_space<hbm>>
      tpu.wait_dma2 semaphore(%arg13 : memref<!tpu.dma_semaphore, #tpu.memory_space<semaphore_mem>>) src(%dma_wait3A_96 : memref<80xi32, #tpu.memory_space<hbm>>) dst(%arg5 : memref<80xi32, #tpu.memory_space<vmem>>)
      %dma_start3A_97 = arith.constant 0 : i32
      %dma_start3A_98 = tpu.memref_slice %arg9[%dma_start3A_97] : memref<80xf32, #tpu.memory_space<vmem>> -> memref<80xf32, #tpu.memory_space<vmem>>
      %dma_start3A_99 = arith.constant 0 : i32
      %dma_start3A_100 = tpu.memref_slice %arg11[%dma_start3A_99] : memref<10240xf32, #tpu.memory_space<vmem_shared>> -> memref<10240xf32, #tpu.memory_space<vmem_shared>>
      tpu.enqueue_indirect_dma source(%dma_start3A_98 : memref<80xf32, #tpu.memory_space<vmem>>) target(%dma_start3A_100 : memref<10240xf32, #tpu.memory_space<vmem_shared>>) offsets(%arg5 : memref<80xi32, #tpu.memory_space<vmem>>) semaphore(%arg18 : memref<!tpu.dma_semaphore, #tpu.memory_space<semaphore_mem>>) {add = true}
      %dma_wait3A_101 = arith.constant 0 : i32
      %dma_wait3A_102 = tpu.memref_slice %arg9[%dma_wait3A_101] : memref<80xf32, #tpu.memory_space<vmem>> -> memref<80xf32, #tpu.memory_space<vmem>>
      %dma_wait3A_103 = arith.constant 0 : i32
      %dma_wait3A_104 = tpu.memref_slice %arg11[%dma_wait3A_103] : memref<10240xf32, #tpu.memory_space<vmem_shared>> -> memref<10240xf32, #tpu.memory_space<vmem_shared>>
      tpu.wait_indirect_dma semaphore(%arg18 : memref<!tpu.dma_semaphore, #tpu.memory_space<semaphore_mem>>) src(%dma_wait3A_102 : memref<80xf32, #tpu.memory_space<vmem>>) dst(%dma_wait3A_104 : memref<10240xf32, #tpu.memory_space<vmem_shared>>)
      %add3A_105 = arith.constant 5 : i32
      %add3A_106 = arith.addi %add3A_89, %add3A_105 : i32
      %lt3A_107 = arith.constant 125 : i32
      %lt3A_108 = arith.cmpi slt, %add3A_106, %lt3A_107 : i32
      %convert_element_type3A_109 = arith.extui %lt3A_108 : i1 to i32
      %cond3A_110 = arith.constant 0 : i32
      %cond3A_111 = arith.cmpi ne, %convert_element_type3A_109, %cond3A_110 : i32
      scf.if %cond3A_111 {
        %add3A_191 = arith.constant 5 : i32
        %add3A_192 = arith.addi %add3A_89, %add3A_191 : i32
        %add3A_193 = arith.constant 320000 : i32
        %add3A_194 = arith.addi %add3A_193, %mul3A_2 : i32
        %mul3A_195 = arith.constant 80 : i32
        %mul3A_196 = arith.muli %add3A_192, %mul3A_195 : i32
        %add3A_197 = arith.addi %add3A_194, %mul3A_196 : i32
        %dma_start3A_198 = tpu.memref_slice %arg2[%add3A_197] : memref<640000xi32, #tpu.memory_space<hbm>> -> memref<80xi32, #tpu.memory_space<hbm>>
        %dma_start3A_199 = tpu.memref_slice %arg2[%add3A_197] : memref<640000xi32, #tpu.memory_space<hbm>> -> memref<80xi32, #tpu.memory_space<hbm>>
        tpu.enqueue_dma source(%dma_start3A_199 : memref<80xi32, #tpu.memory_space<hbm>>) target(%arg5 : memref<80xi32, #tpu.memory_space<vmem>>) target_semaphore(%arg13 : memref<!tpu.dma_semaphore, #tpu.memory_space<semaphore_mem>>)
      } else {
      }
      %mul3A_112 = arith.constant 5 : i32
      %mul3A_113 = arith.muli %scan3A_62, %mul3A_112 : i32
      %add3A_114 = arith.constant 2 : i32
      %add3A_115 = arith.addi %mul3A_113, %add3A_114 : i32
      %add3A_116 = arith.constant 320000 : i32
      %add3A_117 = arith.addi %add3A_116, %mul3A_2 : i32
      %mul3A_118 = arith.constant 80 : i32
      %mul3A_119 = arith.muli %add3A_115, %mul3A_118 : i32
      %add3A_120 = arith.addi %add3A_117, %mul3A_119 : i32
      %dma_wait3A_121 = tpu.memref_slice %arg2[%add3A_120] : memref<640000xi32, #tpu.memory_space<hbm>> -> memref<80xi32, #tpu.memory_space<hbm>>
      %dma_wait3A_122 = tpu.memref_slice %arg2[%add3A_120] : memref<640000xi32, #tpu.memory_space<hbm>> -> memref<80xi32, #tpu.memory_space<hbm>>
      tpu.wait_dma2 semaphore(%arg14 : memref<!tpu.dma_semaphore, #tpu.memory_space<semaphore_mem>>) src(%dma_wait3A_122 : memref<80xi32, #tpu.memory_space<hbm>>) dst(%arg6 : memref<80xi32, #tpu.memory_space<vmem>>)
      %dma_start3A_123 = arith.constant 0 : i32
      %dma_start3A_124 = tpu.memref_slice %arg9[%dma_start3A_123] : memref<80xf32, #tpu.memory_space<vmem>> -> memref<80xf32, #tpu.memory_space<vmem>>
      %dma_start3A_125 = arith.constant 0 : i32
      %dma_start3A_126 = tpu.memref_slice %arg11[%dma_start3A_125] : memref<10240xf32, #tpu.memory_space<vmem_shared>> -> memref<10240xf32, #tpu.memory_space<vmem_shared>>
      tpu.enqueue_indirect_dma source(%dma_start3A_124 : memref<80xf32, #tpu.memory_space<vmem>>) target(%dma_start3A_126 : memref<10240xf32, #tpu.memory_space<vmem_shared>>) offsets(%arg6 : memref<80xi32, #tpu.memory_space<vmem>>) semaphore(%arg19 : memref<!tpu.dma_semaphore, #tpu.memory_space<semaphore_mem>>) {add = true}
      %dma_wait3A_127 = arith.constant 0 : i32
      %dma_wait3A_128 = tpu.memref_slice %arg9[%dma_wait3A_127] : memref<80xf32, #tpu.memory_space<vmem>> -> memref<80xf32, #tpu.memory_space<vmem>>
      %dma_wait3A_129 = arith.constant 0 : i32
      %dma_wait3A_130 = tpu.memref_slice %arg11[%dma_wait3A_129] : memref<10240xf32, #tpu.memory_space<vmem_shared>> -> memref<10240xf32, #tpu.memory_space<vmem_shared>>
      tpu.wait_indirect_dma semaphore(%arg19 : memref<!tpu.dma_semaphore, #tpu.memory_space<semaphore_mem>>) src(%dma_wait3A_128 : memref<80xf32, #tpu.memory_space<vmem>>) dst(%dma_wait3A_130 : memref<10240xf32, #tpu.memory_space<vmem_shared>>)
      %add3A_131 = arith.constant 5 : i32
      %add3A_132 = arith.addi %add3A_115, %add3A_131 : i32
      %lt3A_133 = arith.constant 125 : i32
      %lt3A_134 = arith.cmpi slt, %add3A_132, %lt3A_133 : i32
      %convert_element_type3A_135 = arith.extui %lt3A_134 : i1 to i32
      %cond3A_136 = arith.constant 0 : i32
      %cond3A_137 = arith.cmpi ne, %convert_element_type3A_135, %cond3A_136 : i32
      scf.if %cond3A_137 {
        %add3A_191 = arith.constant 5 : i32
        %add3A_192 = arith.addi %add3A_115, %add3A_191 : i32
        %add3A_193 = arith.constant 320000 : i32
        %add3A_194 = arith.addi %add3A_193, %mul3A_2 : i32
        %mul3A_195 = arith.constant 80 : i32
        %mul3A_196 = arith.muli %add3A_192, %mul3A_195 : i32
        %add3A_197 = arith.addi %add3A_194, %mul3A_196 : i32
        %dma_start3A_198 = tpu.memref_slice %arg2[%add3A_197] : memref<640000xi32, #tpu.memory_space<hbm>> -> memref<80xi32, #tpu.memory_space<hbm>>
        %dma_start3A_199 = tpu.memref_slice %arg2[%add3A_197] : memref<640000xi32, #tpu.memory_space<hbm>> -> memref<80xi32, #tpu.memory_space<hbm>>
        tpu.enqueue_dma source(%dma_start3A_199 : memref<80xi32, #tpu.memory_space<hbm>>) target(%arg6 : memref<80xi32, #tpu.memory_space<vmem>>) target_semaphore(%arg14 : memref<!tpu.dma_semaphore, #tpu.memory_space<semaphore_mem>>)
      } else {
      }
      %mul3A_138 = arith.constant 5 : i32
      %mul3A_139 = arith.muli %scan3A_62, %mul3A_138 : i32
      %add3A_140 = arith.constant 3 : i32
      %add3A_141 = arith.addi %mul3A_139, %add3A_140 : i32
      %add3A_142 = arith.constant 320000 : i32
      %add3A_143 = arith.addi %add3A_142, %mul3A_2 : i32
      %mul3A_144 = arith.constant 80 : i32
      %mul3A_145 = arith.muli %add3A_141, %mul3A_144 : i32
      %add3A_146 = arith.addi %add3A_143, %mul3A_145 : i32
      %dma_wait3A_147 = tpu.memref_slice %arg2[%add3A_146] : memref<640000xi32, #tpu.memory_space<hbm>> -> memref<80xi32, #tpu.memory_space<hbm>>
      %dma_wait3A_148 = tpu.memref_slice %arg2[%add3A_146] : memref<640000xi32, #tpu.memory_space<hbm>> -> memref<80xi32, #tpu.memory_space<hbm>>
      tpu.wait_dma2 semaphore(%arg15 : memref<!tpu.dma_semaphore, #tpu.memory_space<semaphore_mem>>) src(%dma_wait3A_148 : memref<80xi32, #tpu.memory_space<hbm>>) dst(%arg7 : memref<80xi32, #tpu.memory_space<vmem>>)
      %dma_start3A_149 = arith.constant 0 : i32
      %dma_start3A_150 = tpu.memref_slice %arg9[%dma_start3A_149] : memref<80xf32, #tpu.memory_space<vmem>> -> memref<80xf32, #tpu.memory_space<vmem>>
      %dma_start3A_151 = arith.constant 0 : i32
      %dma_start3A_152 = tpu.memref_slice %arg11[%dma_start3A_151] : memref<10240xf32, #tpu.memory_space<vmem_shared>> -> memref<10240xf32, #tpu.memory_space<vmem_shared>>
      tpu.enqueue_indirect_dma source(%dma_start3A_150 : memref<80xf32, #tpu.memory_space<vmem>>) target(%dma_start3A_152 : memref<10240xf32, #tpu.memory_space<vmem_shared>>) offsets(%arg7 : memref<80xi32, #tpu.memory_space<vmem>>) semaphore(%arg20 : memref<!tpu.dma_semaphore, #tpu.memory_space<semaphore_mem>>) {add = true}
      %dma_wait3A_153 = arith.constant 0 : i32
      %dma_wait3A_154 = tpu.memref_slice %arg9[%dma_wait3A_153] : memref<80xf32, #tpu.memory_space<vmem>> -> memref<80xf32, #tpu.memory_space<vmem>>
      %dma_wait3A_155 = arith.constant 0 : i32
      %dma_wait3A_156 = tpu.memref_slice %arg11[%dma_wait3A_155] : memref<10240xf32, #tpu.memory_space<vmem_shared>> -> memref<10240xf32, #tpu.memory_space<vmem_shared>>
      tpu.wait_indirect_dma semaphore(%arg20 : memref<!tpu.dma_semaphore, #tpu.memory_space<semaphore_mem>>) src(%dma_wait3A_154 : memref<80xf32, #tpu.memory_space<vmem>>) dst(%dma_wait3A_156 : memref<10240xf32, #tpu.memory_space<vmem_shared>>)
      %add3A_157 = arith.constant 5 : i32
      %add3A_158 = arith.addi %add3A_141, %add3A_157 : i32
      %lt3A_159 = arith.constant 125 : i32
      %lt3A_160 = arith.cmpi slt, %add3A_158, %lt3A_159 : i32
      %convert_element_type3A_161 = arith.extui %lt3A_160 : i1 to i32
      %cond3A_162 = arith.constant 0 : i32
      %cond3A_163 = arith.cmpi ne, %convert_element_type3A_161, %cond3A_162 : i32
      scf.if %cond3A_163 {
        %add3A_191 = arith.constant 5 : i32
        %add3A_192 = arith.addi %add3A_141, %add3A_191 : i32
        %add3A_193 = arith.constant 320000 : i32
        %add3A_194 = arith.addi %add3A_193, %mul3A_2 : i32
        %mul3A_195 = arith.constant 80 : i32
        %mul3A_196 = arith.muli %add3A_192, %mul3A_195 : i32
        %add3A_197 = arith.addi %add3A_194, %mul3A_196 : i32
        %dma_start3A_198 = tpu.memref_slice %arg2[%add3A_197] : memref<640000xi32, #tpu.memory_space<hbm>> -> memref<80xi32, #tpu.memory_space<hbm>>
        %dma_start3A_199 = tpu.memref_slice %arg2[%add3A_197] : memref<640000xi32, #tpu.memory_space<hbm>> -> memref<80xi32, #tpu.memory_space<hbm>>
        tpu.enqueue_dma source(%dma_start3A_199 : memref<80xi32, #tpu.memory_space<hbm>>) target(%arg7 : memref<80xi32, #tpu.memory_space<vmem>>) target_semaphore(%arg15 : memref<!tpu.dma_semaphore, #tpu.memory_space<semaphore_mem>>)
      } else {
      }
      %mul3A_164 = arith.constant 5 : i32
      %mul3A_165 = arith.muli %scan3A_62, %mul3A_164 : i32
      %add3A_166 = arith.constant 4 : i32
      %add3A_167 = arith.addi %mul3A_165, %add3A_166 : i32
      %add3A_168 = arith.constant 320000 : i32
      %add3A_169 = arith.addi %add3A_168, %mul3A_2 : i32
      %mul3A_170 = arith.constant 80 : i32
      %mul3A_171 = arith.muli %add3A_167, %mul3A_170 : i32
      %add3A_172 = arith.addi %add3A_169, %mul3A_171 : i32
      %dma_wait3A_173 = tpu.memref_slice %arg2[%add3A_172] : memref<640000xi32, #tpu.memory_space<hbm>> -> memref<80xi32, #tpu.memory_space<hbm>>
      %dma_wait3A_174 = tpu.memref_slice %arg2[%add3A_172] : memref<640000xi32, #tpu.memory_space<hbm>> -> memref<80xi32, #tpu.memory_space<hbm>>
      tpu.wait_dma2 semaphore(%arg16 : memref<!tpu.dma_semaphore, #tpu.memory_space<semaphore_mem>>) src(%dma_wait3A_174 : memref<80xi32, #tpu.memory_space<hbm>>) dst(%arg8 : memref<80xi32, #tpu.memory_space<vmem>>)
      %dma_start3A_175 = arith.constant 0 : i32
      %dma_start3A_176 = tpu.memref_slice %arg9[%dma_start3A_175] : memref<80xf32, #tpu.memory_space<vmem>> -> memref<80xf32, #tpu.memory_space<vmem>>
      %dma_start3A_177 = arith.constant 0 : i32
      %dma_start3A_178 = tpu.memref_slice %arg11[%dma_start3A_177] : memref<10240xf32, #tpu.memory_space<vmem_shared>> -> memref<10240xf32, #tpu.memory_space<vmem_shared>>
      tpu.enqueue_indirect_dma source(%dma_start3A_176 : memref<80xf32, #tpu.memory_space<vmem>>) target(%dma_start3A_178 : memref<10240xf32, #tpu.memory_space<vmem_shared>>) offsets(%arg8 : memref<80xi32, #tpu.memory_space<vmem>>) semaphore(%arg21 : memref<!tpu.dma_semaphore, #tpu.memory_space<semaphore_mem>>) {add = true}
      %dma_wait3A_179 = arith.constant 0 : i32
      %dma_wait3A_180 = tpu.memref_slice %arg9[%dma_wait3A_179] : memref<80xf32, #tpu.memory_space<vmem>> -> memref<80xf32, #tpu.memory_space<vmem>>
      %dma_wait3A_181 = arith.constant 0 : i32
      %dma_wait3A_182 = tpu.memref_slice %arg11[%dma_wait3A_181] : memref<10240xf32, #tpu.memory_space<vmem_shared>> -> memref<10240xf32, #tpu.memory_space<vmem_shared>>
      tpu.wait_indirect_dma semaphore(%arg21 : memref<!tpu.dma_semaphore, #tpu.memory_space<semaphore_mem>>) src(%dma_wait3A_180 : memref<80xf32, #tpu.memory_space<vmem>>) dst(%dma_wait3A_182 : memref<10240xf32, #tpu.memory_space<vmem_shared>>)
      %add3A_183 = arith.constant 5 : i32
      %add3A_184 = arith.addi %add3A_167, %add3A_183 : i32
      %lt3A_185 = arith.constant 125 : i32
      %lt3A_186 = arith.cmpi slt, %add3A_184, %lt3A_185 : i32
      %convert_element_type3A_187 = arith.extui %lt3A_186 : i1 to i32
      %cond3A_188 = arith.constant 0 : i32
      %cond3A_189 = arith.cmpi ne, %convert_element_type3A_187, %cond3A_188 : i32
      scf.if %cond3A_189 {
        %add3A_191 = arith.constant 5 : i32
        %add3A_192 = arith.addi %add3A_167, %add3A_191 : i32
        %add3A_193 = arith.constant 320000 : i32
        %add3A_194 = arith.addi %add3A_193, %mul3A_2 : i32
        %mul3A_195 = arith.constant 80 : i32
        %mul3A_196 = arith.muli %add3A_192, %mul3A_195 : i32
        %add3A_197 = arith.addi %add3A_194, %mul3A_196 : i32
        %dma_start3A_198 = tpu.memref_slice %arg2[%add3A_197] : memref<640000xi32, #tpu.memory_space<hbm>> -> memref<80xi32, #tpu.memory_space<hbm>>
        %dma_start3A_199 = tpu.memref_slice %arg2[%add3A_197] : memref<640000xi32, #tpu.memory_space<hbm>> -> memref<80xi32, #tpu.memory_space<hbm>>
        tpu.enqueue_dma source(%dma_start3A_199 : memref<80xi32, #tpu.memory_space<hbm>>) target(%arg8 : memref<80xi32, #tpu.memory_space<vmem>>) target_semaphore(%arg16 : memref<!tpu.dma_semaphore, #tpu.memory_space<semaphore_mem>>)
      } else {
      }
      %scan3A_190 = arith.constant 0 : i32
      scf.yield %scan3A_190 : i32
    }
    %scan3A_53 = arith.constant 25 : i32
    %barrier3A_54 = arith.constant 0 : index
    tpu.barrier barrier_id(%barrier3A_54)
    %mul3A_55 = arith.constant 640 : i32
    %mul3A_56 = arith.muli %arg1, %mul3A_55 : i32
    %mul3A_57 = arith.constant 10240 : i32
    %mul3A_58 = arith.muli %arg0, %mul3A_57 : i32
    %mul3A_59 = arith.constant 640 : i32
    %mul3A_60 = arith.muli %arg1, %mul3A_59 : i32
    %add3A_61 = arith.addi %mul3A_58, %mul3A_60 : i32
    "tpu.region"() ({
      %run_scoped3A = tpu.sem_alloc : memref<!tpu.dma_semaphore, #tpu.memory_space<semaphore_mem>>
      %dma_start3A_62 = tpu.memref_slice %arg3[%add3A_61] : memref<20480xf32, #tpu.memory_space<hbm>> -> memref<640xf32, #tpu.memory_space<hbm>>
      %dma_start3A_63 = tpu.memref_slice %arg11[%mul3A_56] : memref<10240xf32, #tpu.memory_space<vmem_shared>> -> memref<640xf32, #tpu.memory_space<vmem_shared>>
      tpu.enqueue_dma source(%dma_start3A_63 : memref<640xf32, #tpu.memory_space<vmem_shared>>) target(%dma_start3A_62 : memref<640xf32, #tpu.memory_space<hbm>>) target_semaphore(%run_scoped3A : memref<!tpu.dma_semaphore, #tpu.memory_space<semaphore_mem>>)
      %dma_wait3A = tpu.memref_slice %arg3[%add3A_61] : memref<20480xf32, #tpu.memory_space<hbm>> -> memref<640xf32, #tpu.memory_space<hbm>>
      %dma_wait3A_64 = tpu.memref_slice %arg11[%mul3A_56] : memref<10240xf32, #tpu.memory_space<vmem_shared>> -> memref<640xf32, #tpu.memory_space<vmem_shared>>
      tpu.wait_dma2 semaphore(%run_scoped3A : memref<!tpu.dma_semaphore, #tpu.memory_space<semaphore_mem>>) src(%dma_wait3A_64 : memref<640xf32, #tpu.memory_space<vmem_shared>>) dst(%dma_wait3A : memref<640xf32, #tpu.memory_space<hbm>>)
      tpu.yield
    }) : () -> ()
    return
  }
}

#map = affine_map<(d0, d1) -> (0, 0)>
#map1 = affine_map<(d0, d1) -> (0)>
#map2 = affine_map<(d0, d1) -> (0, 0, 0)>
module attributes {stable_mosaic.version = 14 : i64} {
  func.func @k(%arg0: i32, %arg1: i32, %arg2: memref<10000x128xf32, #tpu.memory_space<hbm>>, %arg3: memref<640000xi32, #tpu.memory_space<hbm>>, %arg4: memref<2x10240x128xf32, #tpu.memory_space<hbm>>, %arg5: memref<40xi32, #tpu.memory_space<vmem>>, %arg6: memref<40xi32, #tpu.memory_space<vmem>>, %arg7: memref<40xi32, #tpu.memory_space<vmem>>, %arg8: memref<40xi32, #tpu.memory_space<vmem>>, %arg9: memref<40xi32, #tpu.memory_space<vmem>>, %arg10: memref<40xi32, #tpu.memory_space<vmem>>, %arg11: memref<40xi32, #tpu.memory_space<vmem>>, %arg12: memref<40xi32, #tpu.memory_space<vmem>>, %arg13: memref<40xi32, #tpu.memory_space<vmem>>, %arg14: memref<40xi32, #tpu.memory_space<vmem>>, %arg15: memref<40xi32, #tpu.memory_space<vmem>>, %arg16: memref<40xi32, #tpu.memory_space<vmem>>, %arg17: memref<40xi32, #tpu.memory_space<vmem>>, %arg18: memref<40xi32, #tpu.memory_space<vmem>>, %arg19: memref<40xi32, #tpu.memory_space<vmem>>, %arg20: memref<40xi32, #tpu.memory_space<vmem>>, %arg21: memref<40xi32, #tpu.memory_space<vmem>>, %arg22: memref<40xi32, #tpu.memory_space<vmem>>, %arg23: memref<40xi32, #tpu.memory_space<vmem>>, %arg24: memref<40xi32, #tpu.memory_space<vmem>>, %arg25: memref<40x128xf32, #tpu.memory_space<vmem>>, %arg26: memref<40x128xf32, #tpu.memory_space<vmem>>, %arg27: memref<40x128xf32, #tpu.memory_space<vmem>>, %arg28: memref<40x128xf32, #tpu.memory_space<vmem>>, %arg29: memref<40x128xf32, #tpu.memory_space<vmem>>, %arg30: memref<128x128xf32, #tpu.memory_space<vmem>>, %arg31: memref<10240x128xf32, #tpu.memory_space<vmem_shared>>, %arg32: memref<!tpu.dma_semaphore, #tpu.memory_space<semaphore_mem>>, %arg33: memref<!tpu.dma_semaphore, #tpu.memory_space<semaphore_mem>>, %arg34: memref<!tpu.dma_semaphore, #tpu.memory_space<semaphore_mem>>, %arg35: memref<!tpu.dma_semaphore, #tpu.memory_space<semaphore_mem>>, %arg36: memref<!tpu.dma_semaphore, #tpu.memory_space<semaphore_mem>>, %arg37: memref<!tpu.dma_semaphore, #tpu.memory_space<semaphore_mem>>, %arg38: memref<!tpu.dma_semaphore, #tpu.memory_space<semaphore_mem>>, %arg39: memref<!tpu.dma_semaphore, #tpu.memory_space<semaphore_mem>>, %arg40: memref<!tpu.dma_semaphore, #tpu.memory_space<semaphore_mem>>, %arg41: memref<!tpu.dma_semaphore, #tpu.memory_space<semaphore_mem>>, %arg42: memref<!tpu.dma_semaphore, #tpu.memory_space<semaphore_mem>>, %arg43: memref<!tpu.dma_semaphore, #tpu.memory_space<semaphore_mem>>, %arg44: memref<!tpu.dma_semaphore, #tpu.memory_space<semaphore_mem>>, %arg45: memref<!tpu.dma_semaphore, #tpu.memory_space<semaphore_mem>>, %arg46: memref<!tpu.dma_semaphore, #tpu.memory_space<semaphore_mem>>, %arg47: memref<!tpu.dma_semaphore, #tpu.memory_space<semaphore_mem>>, %arg48: memref<!tpu.dma_semaphore, #tpu.memory_space<semaphore_mem>>, %arg49: memref<!tpu.dma_semaphore, #tpu.memory_space<semaphore_mem>>, %arg50: memref<!tpu.dma_semaphore, #tpu.memory_space<semaphore_mem>>, %arg51: memref<!tpu.dma_semaphore, #tpu.memory_space<semaphore_mem>>, %arg52: memref<!tpu.dma_semaphore, #tpu.memory_space<semaphore_mem>>, %arg53: memref<!tpu.dma_semaphore, #tpu.memory_space<semaphore_mem>>, %arg54: memref<!tpu.dma_semaphore, #tpu.memory_space<semaphore_mem>>, %arg55: memref<!tpu.dma_semaphore, #tpu.memory_space<semaphore_mem>>, %arg56: memref<!tpu.dma_semaphore, #tpu.memory_space<semaphore_mem>>, %arg57: memref<!tpu.dma_semaphore, #tpu.memory_space<semaphore_mem>>, %arg58: memref<!tpu.dma_semaphore, #tpu.memory_space<semaphore_mem>>, %arg59: memref<!tpu.dma_semaphore, #tpu.memory_space<semaphore_mem>>, %arg60: memref<!tpu.dma_semaphore, #tpu.memory_space<semaphore_mem>>, %arg61: memref<!tpu.dma_semaphore, #tpu.memory_space<semaphore_mem>>) attributes {dimension_semantics = [#tpu.dimension_semantics<core_parallel>, #tpu.dimension_semantics<subcore_parallel>], iteration_bounds = array<i64: 2, 16>, scalar_prefetch = 0 : i64, scratch_operands = 57 : i64, tpu.core_type = #tpu.core_type<sc_vector_subcore>, window_params = [{transform_indices = #map}, {transform_indices = #map1}, {transform_indices = #map2}]} {
    %mul3A = arith.constant 16 : i32
    %mul3A_0 = arith.muli %arg0, %mul3A : i32
    %add3A = arith.addi %mul3A_0, %arg1 : i32
    %mul3A_1 = arith.constant 10000 : i32
    %mul3A_2 = arith.muli %add3A, %mul3A_1 : i32
    %scan3A = arith.constant 0 : i32
    %scan3A_3 = arith.constant 0 : i32
    %scan3A_4 = arith.constant 1024 : i32
    %scan3A_5 = arith.addi %scan3A_3, %scan3A_4 : i32
    %scan3A_6 = arith.constant 1 : i32
    %scan3A_7 = scf.for %scan3A_328 = %scan3A_3 to %scan3A_5 step %scan3A_6 iter_args(%scan3A_329 = %scan3A) -> (i32)  : i32 {
      %jit3A = arith.constant 8 : i32
      %div3A = arith.divsi %scan3A_328, %jit3A : i32
      %sign3A = arith.constant 0 : i32
      %sign3A_330 = arith.cmpi sgt, %scan3A_328, %sign3A : i32
      %sign3A_331 = arith.extui %sign3A_330 : i1 to i32
      %sign3A_332 = arith.constant 0 : i32
      %sign3A_333 = arith.cmpi slt, %scan3A_328, %sign3A_332 : i32
      %sign3A_334 = arith.extui %sign3A_333 : i1 to i32
      %sign3A_335 = arith.subi %sign3A_331, %sign3A_334 : i32
      %sign3A_336 = arith.constant 0 : i32
      %sign3A_337 = arith.cmpi sgt, %jit3A, %sign3A_336 : i32
      %sign3A_338 = arith.extui %sign3A_337 : i1 to i32
      %sign3A_339 = arith.constant 0 : i32
      %sign3A_340 = arith.cmpi slt, %jit3A, %sign3A_339 : i32
      %sign3A_341 = arith.extui %sign3A_340 : i1 to i32
      %sign3A_342 = arith.subi %sign3A_338, %sign3A_341 : i32
      %ne3A = arith.cmpi ne, %sign3A_335, %sign3A_342 : i32
      %rem3A = arith.remsi %scan3A_328, %jit3A : i32
      %ne3A_343 = arith.constant 0 : i32
      %ne3A_344 = arith.cmpi ne, %rem3A, %ne3A_343 : i32
      %and3A = arith.andi %ne3A, %ne3A_344 : i1
      %sub3A = arith.constant 1 : i32
      %sub3A_345 = arith.subi %div3A, %sub3A : i32
      %select_n3A = arith.select %and3A, %sub3A_345, %div3A : i32
      %jit3A_346 = arith.constant 8 : i32
      %eq3A = arith.constant 0 : i32
      %eq3A_347 = arith.cmpi eq, %jit3A_346, %eq3A : i32
      %jit3A_348 = arith.constant 1 : i32
      %select_n3A_349 = arith.select %eq3A_347, %jit3A_348, %jit3A_346 : i32
      %rem3A_350 = arith.remsi %scan3A_328, %select_n3A_349 : i32
      %ne3A_351 = arith.constant 0 : i32
      %ne3A_352 = arith.cmpi ne, %rem3A_350, %ne3A_351 : i32
      %lt3A = arith.constant 0 : i32
      %lt3A_353 = arith.cmpi slt, %rem3A_350, %lt3A : i32
      %lt3A_354 = arith.constant 0 : i32
      %lt3A_355 = arith.cmpi slt, %select_n3A_349, %lt3A_354 : i32
      %ne3A_356 = arith.xori %lt3A_353, %lt3A_355 : i1
      %and3A_357 = arith.andi %ne3A_356, %ne3A_352 : i1
      %add3A_358 = arith.addi %rem3A_350, %select_n3A_349 : i32
      %select_n3A_359 = arith.select %and3A_357, %add3A_358, %rem3A_350 : i32
      %mul3A_360 = arith.constant 16 : i32
      %mul3A_361 = arith.muli %select_n3A_359, %mul3A_360 : i32
      %broadcast_in_dim3A = arith.constant 0.000000e+00 : f32
      %broadcast_in_dim3A_362 = vector.broadcast %broadcast_in_dim3A : f32 to vector<16xf32>
      %swap3A = arith.index_cast %select_n3A : i32 to index
      %swap3A_363 = arith.index_cast %mul3A_361 : i32 to index
      %swap3A_364 = tpu.vector_load %arg30[%swap3A, %swap3A_363] {strides = array<i32>} : memref<128x128xf32, #tpu.memory_space<vmem>>, vector<1x16xf32>,
      %swap3A_365 = vector.shape_cast %swap3A_364 : vector<1x16xf32> to vector<16xf32>
      %swap3A_366 = vector.shape_cast %broadcast_in_dim3A_362 : vector<16xf32> to vector<1x16xf32>
      tpu.vector_store %arg30[%swap3A, %swap3A_363], %swap3A_366 {strides = array<i32>} : memref<128x128xf32, #tpu.memory_space<vmem>>, vector<1x16xf32>,
      %scan3A_367 = arith.constant 0 : i32
      scf.yield %scan3A_367 : i32
    }
    %scan3A_8 = arith.constant 1024 : i32
    %mul3A_9 = arith.constant 640 : i32
    %mul3A_10 = arith.muli %arg1, %mul3A_9 : i32
    %add3A_11 = arith.constant 0 : i32
    %add3A_12 = arith.addi %mul3A_10, %add3A_11 : i32
    %dma_start3A = arith.constant 0 : i32
    %dma_start3A_13 = tpu.memref_slice %arg31[%add3A_12, %dma_start3A] : memref<10240x128xf32, #tpu.memory_space<vmem_shared>> -> memref<128x128xf32, #tpu.memory_space<vmem_shared>>
    %dma_start3A_14 = arith.constant 0 : i32
    %dma_start3A_15 = tpu.memref_slice %arg31[%add3A_12, %dma_start3A_14] : memref<10240x128xf32, #tpu.memory_space<vmem_shared>> -> memref<128x128xf32, #tpu.memory_space<vmem_shared>>
    tpu.enqueue_dma source(%arg30 : memref<128x128xf32, #tpu.memory_space<vmem>>) target(%dma_start3A_15 : memref<128x128xf32, #tpu.memory_space<vmem_shared>>) target_semaphore(%arg57 : memref<!tpu.dma_semaphore, #tpu.memory_space<semaphore_mem>>)
    %mul3A_16 = arith.constant 640 : i32
    %mul3A_17 = arith.muli %arg1, %mul3A_16 : i32
    %add3A_18 = arith.constant 128 : i32
    %add3A_19 = arith.addi %mul3A_17, %add3A_18 : i32
    %dma_start3A_20 = arith.constant 0 : i32
    %dma_start3A_21 = tpu.memref_slice %arg31[%add3A_19, %dma_start3A_20] : memref<10240x128xf32, #tpu.memory_space<vmem_shared>> -> memref<128x128xf32, #tpu.memory_space<vmem_shared>>
    %dma_start3A_22 = arith.constant 0 : i32
    %dma_start3A_23 = tpu.memref_slice %arg31[%add3A_19, %dma_start3A_22] : memref<10240x128xf32, #tpu.memory_space<vmem_shared>> -> memref<128x128xf32, #tpu.memory_space<vmem_shared>>
    tpu.enqueue_dma source(%arg30 : memref<128x128xf32, #tpu.memory_space<vmem>>) target(%dma_start3A_23 : memref<128x128xf32, #tpu.memory_space<vmem_shared>>) target_semaphore(%arg58 : memref<!tpu.dma_semaphore, #tpu.memory_space<semaphore_mem>>)
    %mul3A_24 = arith.constant 640 : i32
    %mul3A_25 = arith.muli %arg1, %mul3A_24 : i32
    %add3A_26 = arith.constant 256 : i32
    %add3A_27 = arith.addi %mul3A_25, %add3A_26 : i32
    %dma_start3A_28 = arith.constant 0 : i32
    %dma_start3A_29 = tpu.memref_slice %arg31[%add3A_27, %dma_start3A_28] : memref<10240x128xf32, #tpu.memory_space<vmem_shared>> -> memref<128x128xf32, #tpu.memory_space<vmem_shared>>
    %dma_start3A_30 = arith.constant 0 : i32
    %dma_start3A_31 = tpu.memref_slice %arg31[%add3A_27, %dma_start3A_30] : memref<10240x128xf32, #tpu.memory_space<vmem_shared>> -> memref<128x128xf32, #tpu.memory_space<vmem_shared>>
    tpu.enqueue_dma source(%arg30 : memref<128x128xf32, #tpu.memory_space<vmem>>) target(%dma_start3A_31 : memref<128x128xf32, #tpu.memory_space<vmem_shared>>) target_semaphore(%arg59 : memref<!tpu.dma_semaphore, #tpu.memory_space<semaphore_mem>>)
    %mul3A_32 = arith.constant 640 : i32
    %mul3A_33 = arith.muli %arg1, %mul3A_32 : i32
    %add3A_34 = arith.constant 384 : i32
    %add3A_35 = arith.addi %mul3A_33, %add3A_34 : i32
    %dma_start3A_36 = arith.constant 0 : i32
    %dma_start3A_37 = tpu.memref_slice %arg31[%add3A_35, %dma_start3A_36] : memref<10240x128xf32, #tpu.memory_space<vmem_shared>> -> memref<128x128xf32, #tpu.memory_space<vmem_shared>>
    %dma_start3A_38 = arith.constant 0 : i32
    %dma_start3A_39 = tpu.memref_slice %arg31[%add3A_35, %dma_start3A_38] : memref<10240x128xf32, #tpu.memory_space<vmem_shared>> -> memref<128x128xf32, #tpu.memory_space<vmem_shared>>
    tpu.enqueue_dma source(%arg30 : memref<128x128xf32, #tpu.memory_space<vmem>>) target(%dma_start3A_39 : memref<128x128xf32, #tpu.memory_space<vmem_shared>>) target_semaphore(%arg60 : memref<!tpu.dma_semaphore, #tpu.memory_space<semaphore_mem>>)
    %mul3A_40 = arith.constant 640 : i32
    %mul3A_41 = arith.muli %arg1, %mul3A_40 : i32
    %add3A_42 = arith.constant 512 : i32
    %add3A_43 = arith.addi %mul3A_41, %add3A_42 : i32
    %dma_start3A_44 = arith.constant 0 : i32
    %dma_start3A_45 = tpu.memref_slice %arg31[%add3A_43, %dma_start3A_44] : memref<10240x128xf32, #tpu.memory_space<vmem_shared>> -> memref<128x128xf32, #tpu.memory_space<vmem_shared>>
    %dma_start3A_46 = arith.constant 0 : i32
    %dma_start3A_47 = tpu.memref_slice %arg31[%add3A_43, %dma_start3A_46] : memref<10240x128xf32, #tpu.memory_space<vmem_shared>> -> memref<128x128xf32, #tpu.memory_space<vmem_shared>>
    tpu.enqueue_dma source(%arg30 : memref<128x128xf32, #tpu.memory_space<vmem>>) target(%dma_start3A_47 : memref<128x128xf32, #tpu.memory_space<vmem_shared>>) target_semaphore(%arg61 : memref<!tpu.dma_semaphore, #tpu.memory_space<semaphore_mem>>)
    %mul3A_48 = arith.constant 640 : i32
    %mul3A_49 = arith.muli %arg1, %mul3A_48 : i32
    %add3A_50 = arith.constant 0 : i32
    %add3A_51 = arith.addi %mul3A_49, %add3A_50 : i32
    %dma_wait3A = arith.constant 0 : i32
    %dma_wait3A_52 = tpu.memref_slice %arg31[%add3A_51, %dma_wait3A] : memref<10240x128xf32, #tpu.memory_space<vmem_shared>> -> memref<128x128xf32, #tpu.memory_space<vmem_shared>>
    %dma_wait3A_53 = arith.constant 0 : i32
    %dma_wait3A_54 = tpu.memref_slice %arg31[%add3A_51, %dma_wait3A_53] : memref<10240x128xf32, #tpu.memory_space<vmem_shared>> -> memref<128x128xf32, #tpu.memory_space<vmem_shared>>
    tpu.wait_dma2 semaphore(%arg57 : memref<!tpu.dma_semaphore, #tpu.memory_space<semaphore_mem>>) src(%arg30 : memref<128x128xf32, #tpu.memory_space<vmem>>) dst(%dma_wait3A_54 : memref<128x128xf32, #tpu.memory_space<vmem_shared>>)
    %mul3A_55 = arith.constant 640 : i32
    %mul3A_56 = arith.muli %arg1, %mul3A_55 : i32
    %add3A_57 = arith.constant 128 : i32
    %add3A_58 = arith.addi %mul3A_56, %add3A_57 : i32
    %dma_wait3A_59 = arith.constant 0 : i32
    %dma_wait3A_60 = tpu.memref_slice %arg31[%add3A_58, %dma_wait3A_59] : memref<10240x128xf32, #tpu.memory_space<vmem_shared>> -> memref<128x128xf32, #tpu.memory_space<vmem_shared>>
    %dma_wait3A_61 = arith.constant 0 : i32
    %dma_wait3A_62 = tpu.memref_slice %arg31[%add3A_58, %dma_wait3A_61] : memref<10240x128xf32, #tpu.memory_space<vmem_shared>> -> memref<128x128xf32, #tpu.memory_space<vmem_shared>>
    tpu.wait_dma2 semaphore(%arg58 : memref<!tpu.dma_semaphore, #tpu.memory_space<semaphore_mem>>) src(%arg30 : memref<128x128xf32, #tpu.memory_space<vmem>>) dst(%dma_wait3A_62 : memref<128x128xf32, #tpu.memory_space<vmem_shared>>)
    %mul3A_63 = arith.constant 640 : i32
    %mul3A_64 = arith.muli %arg1, %mul3A_63 : i32
    %add3A_65 = arith.constant 256 : i32
    %add3A_66 = arith.addi %mul3A_64, %add3A_65 : i32
    %dma_wait3A_67 = arith.constant 0 : i32
    %dma_wait3A_68 = tpu.memref_slice %arg31[%add3A_66, %dma_wait3A_67] : memref<10240x128xf32, #tpu.memory_space<vmem_shared>> -> memref<128x128xf32, #tpu.memory_space<vmem_shared>>
    %dma_wait3A_69 = arith.constant 0 : i32
    %dma_wait3A_70 = tpu.memref_slice %arg31[%add3A_66, %dma_wait3A_69] : memref<10240x128xf32, #tpu.memory_space<vmem_shared>> -> memref<128x128xf32, #tpu.memory_space<vmem_shared>>
    tpu.wait_dma2 semaphore(%arg59 : memref<!tpu.dma_semaphore, #tpu.memory_space<semaphore_mem>>) src(%arg30 : memref<128x128xf32, #tpu.memory_space<vmem>>) dst(%dma_wait3A_70 : memref<128x128xf32, #tpu.memory_space<vmem_shared>>)
    %mul3A_71 = arith.constant 640 : i32
    %mul3A_72 = arith.muli %arg1, %mul3A_71 : i32
    %add3A_73 = arith.constant 384 : i32
    %add3A_74 = arith.addi %mul3A_72, %add3A_73 : i32
    %dma_wait3A_75 = arith.constant 0 : i32
    %dma_wait3A_76 = tpu.memref_slice %arg31[%add3A_74, %dma_wait3A_75] : memref<10240x128xf32, #tpu.memory_space<vmem_shared>> -> memref<128x128xf32, #tpu.memory_space<vmem_shared>>
    %dma_wait3A_77 = arith.constant 0 : i32
    %dma_wait3A_78 = tpu.memref_slice %arg31[%add3A_74, %dma_wait3A_77] : memref<10240x128xf32, #tpu.memory_space<vmem_shared>> -> memref<128x128xf32, #tpu.memory_space<vmem_shared>>
    tpu.wait_dma2 semaphore(%arg60 : memref<!tpu.dma_semaphore, #tpu.memory_space<semaphore_mem>>) src(%arg30 : memref<128x128xf32, #tpu.memory_space<vmem>>) dst(%dma_wait3A_78 : memref<128x128xf32, #tpu.memory_space<vmem_shared>>)
    %mul3A_79 = arith.constant 640 : i32
    %mul3A_80 = arith.muli %arg1, %mul3A_79 : i32
    %add3A_81 = arith.constant 512 : i32
    %add3A_82 = arith.addi %mul3A_80, %add3A_81 : i32
    %dma_wait3A_83 = arith.constant 0 : i32
    %dma_wait3A_84 = tpu.memref_slice %arg31[%add3A_82, %dma_wait3A_83] : memref<10240x128xf32, #tpu.memory_space<vmem_shared>> -> memref<128x128xf32, #tpu.memory_space<vmem_shared>>
    %dma_wait3A_85 = arith.constant 0 : i32
    %dma_wait3A_86 = tpu.memref_slice %arg31[%add3A_82, %dma_wait3A_85] : memref<10240x128xf32, #tpu.memory_space<vmem_shared>> -> memref<128x128xf32, #tpu.memory_space<vmem_shared>>
    tpu.wait_dma2 semaphore(%arg61 : memref<!tpu.dma_semaphore, #tpu.memory_space<semaphore_mem>>) src(%arg30 : memref<128x128xf32, #tpu.memory_space<vmem>>) dst(%dma_wait3A_86 : memref<128x128xf32, #tpu.memory_space<vmem_shared>>)
    %barrier3A = arith.constant 0 : index
    tpu.barrier barrier_id(%barrier3A)
    %add3A_87 = arith.constant 0 : i32
    %add3A_88 = arith.addi %mul3A_2, %add3A_87 : i32
    %dma_start3A_89 = tpu.memref_slice %arg3[%add3A_88] : memref<640000xi32, #tpu.memory_space<hbm>> -> memref<40xi32, #tpu.memory_space<hbm>>
    %dma_start3A_90 = tpu.memref_slice %arg3[%add3A_88] : memref<640000xi32, #tpu.memory_space<hbm>> -> memref<40xi32, #tpu.memory_space<hbm>>
    tpu.enqueue_dma source(%dma_start3A_90 : memref<40xi32, #tpu.memory_space<hbm>>) target(%arg5 : memref<40xi32, #tpu.memory_space<vmem>>) target_semaphore(%arg32 : memref<!tpu.dma_semaphore, #tpu.memory_space<semaphore_mem>>)
    %add3A_91 = arith.constant 320000 : i32
    %add3A_92 = arith.addi %add3A_91, %mul3A_2 : i32
    %add3A_93 = arith.constant 0 : i32
    %add3A_94 = arith.addi %add3A_92, %add3A_93 : i32
    %dma_start3A_95 = tpu.memref_slice %arg3[%add3A_94] : memref<640000xi32, #tpu.memory_space<hbm>> -> memref<40xi32, #tpu.memory_space<hbm>>
    %dma_start3A_96 = tpu.memref_slice %arg3[%add3A_94] : memref<640000xi32, #tpu.memory_space<hbm>> -> memref<40xi32, #tpu.memory_space<hbm>>
    tpu.enqueue_dma source(%dma_start3A_96 : memref<40xi32, #tpu.memory_space<hbm>>) target(%arg15 : memref<40xi32, #tpu.memory_space<vmem>>) target_semaphore(%arg42 : memref<!tpu.dma_semaphore, #tpu.memory_space<semaphore_mem>>)
    %add3A_97 = arith.constant 40 : i32
    %add3A_98 = arith.addi %mul3A_2, %add3A_97 : i32
    %dma_start3A_99 = tpu.memref_slice %arg3[%add3A_98] : memref<640000xi32, #tpu.memory_space<hbm>> -> memref<40xi32, #tpu.memory_space<hbm>>
    %dma_start3A_100 = tpu.memref_slice %arg3[%add3A_98] : memref<640000xi32, #tpu.memory_space<hbm>> -> memref<40xi32, #tpu.memory_space<hbm>>
    tpu.enqueue_dma source(%dma_start3A_100 : memref<40xi32, #tpu.memory_space<hbm>>) target(%arg6 : memref<40xi32, #tpu.memory_space<vmem>>) target_semaphore(%arg33 : memref<!tpu.dma_semaphore, #tpu.memory_space<semaphore_mem>>)
    %add3A_101 = arith.constant 320000 : i32
    %add3A_102 = arith.addi %add3A_101, %mul3A_2 : i32
    %add3A_103 = arith.constant 40 : i32
    %add3A_104 = arith.addi %add3A_102, %add3A_103 : i32
    %dma_start3A_105 = tpu.memref_slice %arg3[%add3A_104] : memref<640000xi32, #tpu.memory_space<hbm>> -> memref<40xi32, #tpu.memory_space<hbm>>
    %dma_start3A_106 = tpu.memref_slice %arg3[%add3A_104] : memref<640000xi32, #tpu.memory_space<hbm>> -> memref<40xi32, #tpu.memory_space<hbm>>
    tpu.enqueue_dma source(%dma_start3A_106 : memref<40xi32, #tpu.memory_space<hbm>>) target(%arg16 : memref<40xi32, #tpu.memory_space<vmem>>) target_semaphore(%arg43 : memref<!tpu.dma_semaphore, #tpu.memory_space<semaphore_mem>>)
    %add3A_107 = arith.constant 80 : i32
    %add3A_108 = arith.addi %mul3A_2, %add3A_107 : i32
    %dma_start3A_109 = tpu.memref_slice %arg3[%add3A_108] : memref<640000xi32, #tpu.memory_space<hbm>> -> memref<40xi32, #tpu.memory_space<hbm>>
    %dma_start3A_110 = tpu.memref_slice %arg3[%add3A_108] : memref<640000xi32, #tpu.memory_space<hbm>> -> memref<40xi32, #tpu.memory_space<hbm>>
    tpu.enqueue_dma source(%dma_start3A_110 : memref<40xi32, #tpu.memory_space<hbm>>) target(%arg7 : memref<40xi32, #tpu.memory_space<vmem>>) target_semaphore(%arg34 : memref<!tpu.dma_semaphore, #tpu.memory_space<semaphore_mem>>)
    %add3A_111 = arith.constant 320000 : i32
    %add3A_112 = arith.addi %add3A_111, %mul3A_2 : i32
    %add3A_113 = arith.constant 80 : i32
    %add3A_114 = arith.addi %add3A_112, %add3A_113 : i32
    %dma_start3A_115 = tpu.memref_slice %arg3[%add3A_114] : memref<640000xi32, #tpu.memory_space<hbm>> -> memref<40xi32, #tpu.memory_space<hbm>>
    %dma_start3A_116 = tpu.memref_slice %arg3[%add3A_114] : memref<640000xi32, #tpu.memory_space<hbm>> -> memref<40xi32, #tpu.memory_space<hbm>>
    tpu.enqueue_dma source(%dma_start3A_116 : memref<40xi32, #tpu.memory_space<hbm>>) target(%arg17 : memref<40xi32, #tpu.memory_space<vmem>>) target_semaphore(%arg44 : memref<!tpu.dma_semaphore, #tpu.memory_space<semaphore_mem>>)
    %add3A_117 = arith.constant 120 : i32
    %add3A_118 = arith.addi %mul3A_2, %add3A_117 : i32
    %dma_start3A_119 = tpu.memref_slice %arg3[%add3A_118] : memref<640000xi32, #tpu.memory_space<hbm>> -> memref<40xi32, #tpu.memory_space<hbm>>
    %dma_start3A_120 = tpu.memref_slice %arg3[%add3A_118] : memref<640000xi32, #tpu.memory_space<hbm>> -> memref<40xi32, #tpu.memory_space<hbm>>
    tpu.enqueue_dma source(%dma_start3A_120 : memref<40xi32, #tpu.memory_space<hbm>>) target(%arg8 : memref<40xi32, #tpu.memory_space<vmem>>) target_semaphore(%arg35 : memref<!tpu.dma_semaphore, #tpu.memory_space<semaphore_mem>>)
    %add3A_121 = arith.constant 320000 : i32
    %add3A_122 = arith.addi %add3A_121, %mul3A_2 : i32
    %add3A_123 = arith.constant 120 : i32
    %add3A_124 = arith.addi %add3A_122, %add3A_123 : i32
    %dma_start3A_125 = tpu.memref_slice %arg3[%add3A_124] : memref<640000xi32, #tpu.memory_space<hbm>> -> memref<40xi32, #tpu.memory_space<hbm>>
    %dma_start3A_126 = tpu.memref_slice %arg3[%add3A_124] : memref<640000xi32, #tpu.memory_space<hbm>> -> memref<40xi32, #tpu.memory_space<hbm>>
    tpu.enqueue_dma source(%dma_start3A_126 : memref<40xi32, #tpu.memory_space<hbm>>) target(%arg18 : memref<40xi32, #tpu.memory_space<vmem>>) target_semaphore(%arg45 : memref<!tpu.dma_semaphore, #tpu.memory_space<semaphore_mem>>)
    %add3A_127 = arith.constant 160 : i32
    %add3A_128 = arith.addi %mul3A_2, %add3A_127 : i32
    %dma_start3A_129 = tpu.memref_slice %arg3[%add3A_128] : memref<640000xi32, #tpu.memory_space<hbm>> -> memref<40xi32, #tpu.memory_space<hbm>>
    %dma_start3A_130 = tpu.memref_slice %arg3[%add3A_128] : memref<640000xi32, #tpu.memory_space<hbm>> -> memref<40xi32, #tpu.memory_space<hbm>>
    tpu.enqueue_dma source(%dma_start3A_130 : memref<40xi32, #tpu.memory_space<hbm>>) target(%arg9 : memref<40xi32, #tpu.memory_space<vmem>>) target_semaphore(%arg36 : memref<!tpu.dma_semaphore, #tpu.memory_space<semaphore_mem>>)
    %add3A_131 = arith.constant 320000 : i32
    %add3A_132 = arith.addi %add3A_131, %mul3A_2 : i32
    %add3A_133 = arith.constant 160 : i32
    %add3A_134 = arith.addi %add3A_132, %add3A_133 : i32
    %dma_start3A_135 = tpu.memref_slice %arg3[%add3A_134] : memref<640000xi32, #tpu.memory_space<hbm>> -> memref<40xi32, #tpu.memory_space<hbm>>
    %dma_start3A_136 = tpu.memref_slice %arg3[%add3A_134] : memref<640000xi32, #tpu.memory_space<hbm>> -> memref<40xi32, #tpu.memory_space<hbm>>
    tpu.enqueue_dma source(%dma_start3A_136 : memref<40xi32, #tpu.memory_space<hbm>>) target(%arg19 : memref<40xi32, #tpu.memory_space<vmem>>) target_semaphore(%arg46 : memref<!tpu.dma_semaphore, #tpu.memory_space<semaphore_mem>>)
    %add3A_137 = arith.constant 200 : i32
    %add3A_138 = arith.addi %mul3A_2, %add3A_137 : i32
    %dma_start3A_139 = tpu.memref_slice %arg3[%add3A_138] : memref<640000xi32, #tpu.memory_space<hbm>> -> memref<40xi32, #tpu.memory_space<hbm>>
    %dma_start3A_140 = tpu.memref_slice %arg3[%add3A_138] : memref<640000xi32, #tpu.memory_space<hbm>> -> memref<40xi32, #tpu.memory_space<hbm>>
    tpu.enqueue_dma source(%dma_start3A_140 : memref<40xi32, #tpu.memory_space<hbm>>) target(%arg10 : memref<40xi32, #tpu.memory_space<vmem>>) target_semaphore(%arg37 : memref<!tpu.dma_semaphore, #tpu.memory_space<semaphore_mem>>)
    %add3A_141 = arith.constant 320000 : i32
    %add3A_142 = arith.addi %add3A_141, %mul3A_2 : i32
    %add3A_143 = arith.constant 200 : i32
    %add3A_144 = arith.addi %add3A_142, %add3A_143 : i32
    %dma_start3A_145 = tpu.memref_slice %arg3[%add3A_144] : memref<640000xi32, #tpu.memory_space<hbm>> -> memref<40xi32, #tpu.memory_space<hbm>>
    %dma_start3A_146 = tpu.memref_slice %arg3[%add3A_144] : memref<640000xi32, #tpu.memory_space<hbm>> -> memref<40xi32, #tpu.memory_space<hbm>>
    tpu.enqueue_dma source(%dma_start3A_146 : memref<40xi32, #tpu.memory_space<hbm>>) target(%arg20 : memref<40xi32, #tpu.memory_space<vmem>>) target_semaphore(%arg47 : memref<!tpu.dma_semaphore, #tpu.memory_space<semaphore_mem>>)
    %add3A_147 = arith.constant 240 : i32
    %add3A_148 = arith.addi %mul3A_2, %add3A_147 : i32
    %dma_start3A_149 = tpu.memref_slice %arg3[%add3A_148] : memref<640000xi32, #tpu.memory_space<hbm>> -> memref<40xi32, #tpu.memory_space<hbm>>
    %dma_start3A_150 = tpu.memref_slice %arg3[%add3A_148] : memref<640000xi32, #tpu.memory_space<hbm>> -> memref<40xi32, #tpu.memory_space<hbm>>
    tpu.enqueue_dma source(%dma_start3A_150 : memref<40xi32, #tpu.memory_space<hbm>>) target(%arg11 : memref<40xi32, #tpu.memory_space<vmem>>) target_semaphore(%arg38 : memref<!tpu.dma_semaphore, #tpu.memory_space<semaphore_mem>>)
    %add3A_151 = arith.constant 320000 : i32
    %add3A_152 = arith.addi %add3A_151, %mul3A_2 : i32
    %add3A_153 = arith.constant 240 : i32
    %add3A_154 = arith.addi %add3A_152, %add3A_153 : i32
    %dma_start3A_155 = tpu.memref_slice %arg3[%add3A_154] : memref<640000xi32, #tpu.memory_space<hbm>> -> memref<40xi32, #tpu.memory_space<hbm>>
    %dma_start3A_156 = tpu.memref_slice %arg3[%add3A_154] : memref<640000xi32, #tpu.memory_space<hbm>> -> memref<40xi32, #tpu.memory_space<hbm>>
    tpu.enqueue_dma source(%dma_start3A_156 : memref<40xi32, #tpu.memory_space<hbm>>) target(%arg21 : memref<40xi32, #tpu.memory_space<vmem>>) target_semaphore(%arg48 : memref<!tpu.dma_semaphore, #tpu.memory_space<semaphore_mem>>)
    %add3A_157 = arith.constant 280 : i32
    %add3A_158 = arith.addi %mul3A_2, %add3A_157 : i32
    %dma_start3A_159 = tpu.memref_slice %arg3[%add3A_158] : memref<640000xi32, #tpu.memory_space<hbm>> -> memref<40xi32, #tpu.memory_space<hbm>>
    %dma_start3A_160 = tpu.memref_slice %arg3[%add3A_158] : memref<640000xi32, #tpu.memory_space<hbm>> -> memref<40xi32, #tpu.memory_space<hbm>>
    tpu.enqueue_dma source(%dma_start3A_160 : memref<40xi32, #tpu.memory_space<hbm>>) target(%arg12 : memref<40xi32, #tpu.memory_space<vmem>>) target_semaphore(%arg39 : memref<!tpu.dma_semaphore, #tpu.memory_space<semaphore_mem>>)
    %add3A_161 = arith.constant 320000 : i32
    %add3A_162 = arith.addi %add3A_161, %mul3A_2 : i32
    %add3A_163 = arith.constant 280 : i32
    %add3A_164 = arith.addi %add3A_162, %add3A_163 : i32
    %dma_start3A_165 = tpu.memref_slice %arg3[%add3A_164] : memref<640000xi32, #tpu.memory_space<hbm>> -> memref<40xi32, #tpu.memory_space<hbm>>
    %dma_start3A_166 = tpu.memref_slice %arg3[%add3A_164] : memref<640000xi32, #tpu.memory_space<hbm>> -> memref<40xi32, #tpu.memory_space<hbm>>
    tpu.enqueue_dma source(%dma_start3A_166 : memref<40xi32, #tpu.memory_space<hbm>>) target(%arg22 : memref<40xi32, #tpu.memory_space<vmem>>) target_semaphore(%arg49 : memref<!tpu.dma_semaphore, #tpu.memory_space<semaphore_mem>>)
    %add3A_167 = arith.constant 320 : i32
    %add3A_168 = arith.addi %mul3A_2, %add3A_167 : i32
    %dma_start3A_169 = tpu.memref_slice %arg3[%add3A_168] : memref<640000xi32, #tpu.memory_space<hbm>> -> memref<40xi32, #tpu.memory_space<hbm>>
    %dma_start3A_170 = tpu.memref_slice %arg3[%add3A_168] : memref<640000xi32, #tpu.memory_space<hbm>> -> memref<40xi32, #tpu.memory_space<hbm>>
    tpu.enqueue_dma source(%dma_start3A_170 : memref<40xi32, #tpu.memory_space<hbm>>) target(%arg13 : memref<40xi32, #tpu.memory_space<vmem>>) target_semaphore(%arg40 : memref<!tpu.dma_semaphore, #tpu.memory_space<semaphore_mem>>)
    %add3A_171 = arith.constant 320000 : i32
    %add3A_172 = arith.addi %add3A_171, %mul3A_2 : i32
    %add3A_173 = arith.constant 320 : i32
    %add3A_174 = arith.addi %add3A_172, %add3A_173 : i32
    %dma_start3A_175 = tpu.memref_slice %arg3[%add3A_174] : memref<640000xi32, #tpu.memory_space<hbm>> -> memref<40xi32, #tpu.memory_space<hbm>>
    %dma_start3A_176 = tpu.memref_slice %arg3[%add3A_174] : memref<640000xi32, #tpu.memory_space<hbm>> -> memref<40xi32, #tpu.memory_space<hbm>>
    tpu.enqueue_dma source(%dma_start3A_176 : memref<40xi32, #tpu.memory_space<hbm>>) target(%arg23 : memref<40xi32, #tpu.memory_space<vmem>>) target_semaphore(%arg50 : memref<!tpu.dma_semaphore, #tpu.memory_space<semaphore_mem>>)
    %add3A_177 = arith.constant 360 : i32
    %add3A_178 = arith.addi %mul3A_2, %add3A_177 : i32
    %dma_start3A_179 = tpu.memref_slice %arg3[%add3A_178] : memref<640000xi32, #tpu.memory_space<hbm>> -> memref<40xi32, #tpu.memory_space<hbm>>
    %dma_start3A_180 = tpu.memref_slice %arg3[%add3A_178] : memref<640000xi32, #tpu.memory_space<hbm>> -> memref<40xi32, #tpu.memory_space<hbm>>
    tpu.enqueue_dma source(%dma_start3A_180 : memref<40xi32, #tpu.memory_space<hbm>>) target(%arg14 : memref<40xi32, #tpu.memory_space<vmem>>) target_semaphore(%arg41 : memref<!tpu.dma_semaphore, #tpu.memory_space<semaphore_mem>>)
    %add3A_181 = arith.constant 320000 : i32
    %add3A_182 = arith.addi %add3A_181, %mul3A_2 : i32
    %add3A_183 = arith.constant 360 : i32
    %add3A_184 = arith.addi %add3A_182, %add3A_183 : i32
    %dma_start3A_185 = tpu.memref_slice %arg3[%add3A_184] : memref<640000xi32, #tpu.memory_space<hbm>> -> memref<40xi32, #tpu.memory_space<hbm>>
    %dma_start3A_186 = tpu.memref_slice %arg3[%add3A_184] : memref<640000xi32, #tpu.memory_space<hbm>> -> memref<40xi32, #tpu.memory_space<hbm>>
    tpu.enqueue_dma source(%dma_start3A_186 : memref<40xi32, #tpu.memory_space<hbm>>) target(%arg24 : memref<40xi32, #tpu.memory_space<vmem>>) target_semaphore(%arg51 : memref<!tpu.dma_semaphore, #tpu.memory_space<semaphore_mem>>)
    %add3A_187 = arith.constant 0 : i32
    %add3A_188 = arith.addi %mul3A_2, %add3A_187 : i32
    %dma_wait3A_189 = tpu.memref_slice %arg3[%add3A_188] : memref<640000xi32, #tpu.memory_space<hbm>> -> memref<40xi32, #tpu.memory_space<hbm>>
    %dma_wait3A_190 = tpu.memref_slice %arg3[%add3A_188] : memref<640000xi32, #tpu.memory_space<hbm>> -> memref<40xi32, #tpu.memory_space<hbm>>
    tpu.wait_dma2 semaphore(%arg32 : memref<!tpu.dma_semaphore, #tpu.memory_space<semaphore_mem>>) src(%dma_wait3A_190 : memref<40xi32, #tpu.memory_space<hbm>>) dst(%arg5 : memref<40xi32, #tpu.memory_space<vmem>>)
    %dma_start3A_191 = arith.constant 0 : i32
    %dma_start3A_192 = arith.constant 0 : i32
    %dma_start3A_193 = tpu.memref_slice %arg2[%dma_start3A_191, %dma_start3A_192] : memref<10000x128xf32, #tpu.memory_space<hbm>> -> memref<10000x128xf32, #tpu.memory_space<hbm>>
    tpu.enqueue_indirect_dma source(%dma_start3A_193 : memref<10000x128xf32, #tpu.memory_space<hbm>>) target(%arg25 : memref<40x128xf32, #tpu.memory_space<vmem>>) offsets(%arg5 : memref<40xi32, #tpu.memory_space<vmem>>) semaphore(%arg52 : memref<!tpu.dma_semaphore, #tpu.memory_space<semaphore_mem>>)
    %add3A_194 = arith.constant 40 : i32
    %add3A_195 = arith.addi %mul3A_2, %add3A_194 : i32
    %dma_wait3A_196 = tpu.memref_slice %arg3[%add3A_195] : memref<640000xi32, #tpu.memory_space<hbm>> -> memref<40xi32, #tpu.memory_space<hbm>>
    %dma_wait3A_197 = tpu.memref_slice %arg3[%add3A_195] : memref<640000xi32, #tpu.memory_space<hbm>> -> memref<40xi32, #tpu.memory_space<hbm>>
    tpu.wait_dma2 semaphore(%arg33 : memref<!tpu.dma_semaphore, #tpu.memory_space<semaphore_mem>>) src(%dma_wait3A_197 : memref<40xi32, #tpu.memory_space<hbm>>) dst(%arg6 : memref<40xi32, #tpu.memory_space<vmem>>)
    %dma_start3A_198 = arith.constant 0 : i32
    %dma_start3A_199 = arith.constant 0 : i32
    %dma_start3A_200 = tpu.memref_slice %arg2[%dma_start3A_198, %dma_start3A_199] : memref<10000x128xf32, #tpu.memory_space<hbm>> -> memref<10000x128xf32, #tpu.memory_space<hbm>>
    tpu.enqueue_indirect_dma source(%dma_start3A_200 : memref<10000x128xf32, #tpu.memory_space<hbm>>) target(%arg26 : memref<40x128xf32, #tpu.memory_space<vmem>>) offsets(%arg6 : memref<40xi32, #tpu.memory_space<vmem>>) semaphore(%arg53 : memref<!tpu.dma_semaphore, #tpu.memory_space<semaphore_mem>>)
    %add3A_201 = arith.constant 80 : i32
    %add3A_202 = arith.addi %mul3A_2, %add3A_201 : i32
    %dma_wait3A_203 = tpu.memref_slice %arg3[%add3A_202] : memref<640000xi32, #tpu.memory_space<hbm>> -> memref<40xi32, #tpu.memory_space<hbm>>
    %dma_wait3A_204 = tpu.memref_slice %arg3[%add3A_202] : memref<640000xi32, #tpu.memory_space<hbm>> -> memref<40xi32, #tpu.memory_space<hbm>>
    tpu.wait_dma2 semaphore(%arg34 : memref<!tpu.dma_semaphore, #tpu.memory_space<semaphore_mem>>) src(%dma_wait3A_204 : memref<40xi32, #tpu.memory_space<hbm>>) dst(%arg7 : memref<40xi32, #tpu.memory_space<vmem>>)
    %dma_start3A_205 = arith.constant 0 : i32
    %dma_start3A_206 = arith.constant 0 : i32
    %dma_start3A_207 = tpu.memref_slice %arg2[%dma_start3A_205, %dma_start3A_206] : memref<10000x128xf32, #tpu.memory_space<hbm>> -> memref<10000x128xf32, #tpu.memory_space<hbm>>
    tpu.enqueue_indirect_dma source(%dma_start3A_207 : memref<10000x128xf32, #tpu.memory_space<hbm>>) target(%arg27 : memref<40x128xf32, #tpu.memory_space<vmem>>) offsets(%arg7 : memref<40xi32, #tpu.memory_space<vmem>>) semaphore(%arg54 : memref<!tpu.dma_semaphore, #tpu.memory_space<semaphore_mem>>)
    %add3A_208 = arith.constant 120 : i32
    %add3A_209 = arith.addi %mul3A_2, %add3A_208 : i32
    %dma_wait3A_210 = tpu.memref_slice %arg3[%add3A_209] : memref<640000xi32, #tpu.memory_space<hbm>> -> memref<40xi32, #tpu.memory_space<hbm>>
    %dma_wait3A_211 = tpu.memref_slice %arg3[%add3A_209] : memref<640000xi32, #tpu.memory_space<hbm>> -> memref<40xi32, #tpu.memory_space<hbm>>
    tpu.wait_dma2 semaphore(%arg35 : memref<!tpu.dma_semaphore, #tpu.memory_space<semaphore_mem>>) src(%dma_wait3A_211 : memref<40xi32, #tpu.memory_space<hbm>>) dst(%arg8 : memref<40xi32, #tpu.memory_space<vmem>>)
    %dma_start3A_212 = arith.constant 0 : i32
    %dma_start3A_213 = arith.constant 0 : i32
    %dma_start3A_214 = tpu.memref_slice %arg2[%dma_start3A_212, %dma_start3A_213] : memref<10000x128xf32, #tpu.memory_space<hbm>> -> memref<10000x128xf32, #tpu.memory_space<hbm>>
    tpu.enqueue_indirect_dma source(%dma_start3A_214 : memref<10000x128xf32, #tpu.memory_space<hbm>>) target(%arg28 : memref<40x128xf32, #tpu.memory_space<vmem>>) offsets(%arg8 : memref<40xi32, #tpu.memory_space<vmem>>) semaphore(%arg55 : memref<!tpu.dma_semaphore, #tpu.memory_space<semaphore_mem>>)
    %scan3A_215 = arith.constant 0 : i32
    %scan3A_216 = arith.constant 0 : i32
    %scan3A_217 = arith.constant 25 : i32
    %scan3A_218 = arith.addi %scan3A_216, %scan3A_217 : i32
    %scan3A_219 = arith.constant 1 : i32
    %scan3A_220 = scf.for %scan3A_328 = %scan3A_216 to %scan3A_218 step %scan3A_219 iter_args(%scan3A_329 = %scan3A_215) -> (i32)  : i32 {
      %mul3A_330 = arith.constant 10 : i32
      %mul3A_331 = arith.muli %scan3A_328, %mul3A_330 : i32
      %add3A_332 = arith.constant 0 : i32
      %add3A_333 = arith.addi %mul3A_331, %add3A_332 : i32
      %add3A_334 = arith.constant 0 : i32
      %add3A_335 = arith.addi %add3A_333, %add3A_334 : i32
      %add3A_336 = arith.constant 5 : i32
      %add3A_337 = arith.addi %add3A_335, %add3A_336 : i32
      %sub3A = arith.constant 1 : i32
      %sub3A_338 = arith.subi %add3A_337, %sub3A : i32
      %lt3A = arith.constant 250 : i32
      %lt3A_339 = arith.cmpi slt, %sub3A_338, %lt3A : i32
      %ge3A = arith.constant 1 : i32
      %ge3A_340 = arith.cmpi sge, %add3A_335, %ge3A : i32
      %and3A = arith.andi %lt3A_339, %ge3A_340 : i1
      %convert_element_type3A = arith.extui %and3A : i1 to i32
      %cond3A = arith.constant 0 : i32
      %cond3A_341 = arith.cmpi ne, %convert_element_type3A, %cond3A : i32
      scf.if %cond3A_341 {
        %dma_wait3A_845 = arith.constant 0 : i32
        %dma_wait3A_846 = arith.constant 0 : i32
        %dma_wait3A_847 = tpu.memref_slice %arg31[%dma_wait3A_845, %dma_wait3A_846] : memref<10240x128xf32, #tpu.memory_space<vmem_shared>> -> memref<10240x128xf32, #tpu.memory_space<vmem_shared>>
        tpu.wait_indirect_dma semaphore(%arg61 : memref<!tpu.dma_semaphore, #tpu.memory_space<semaphore_mem>>) src(%arg29 : memref<40x128xf32, #tpu.memory_space<vmem>>) dst(%dma_wait3A_847 : memref<10240x128xf32, #tpu.memory_space<vmem_shared>>)
      } else {
      }
      %add3A_342 = arith.constant 5 : i32
      %add3A_343 = arith.addi %add3A_335, %add3A_342 : i32
      %sub3A_344 = arith.constant 1 : i32
      %sub3A_345 = arith.subi %add3A_343, %sub3A_344 : i32
      %lt3A_346 = arith.constant 250 : i32
      %lt3A_347 = arith.cmpi slt, %sub3A_345, %lt3A_346 : i32
      %convert_element_type3A_348 = arith.extui %lt3A_347 : i1 to i32
      %cond3A_349 = arith.constant 0 : i32
      %cond3A_350 = arith.cmpi ne, %convert_element_type3A_348, %cond3A_349 : i32
      scf.if %cond3A_350 {
        %add3A_845 = arith.constant 5 : i32
        %add3A_846 = arith.addi %add3A_335, %add3A_845 : i32
        %sub3A_847 = arith.constant 1 : i32
        %sub3A_848 = arith.subi %add3A_846, %sub3A_847 : i32
        %mul3A_849 = arith.constant 40 : i32
        %mul3A_850 = arith.muli %sub3A_848, %mul3A_849 : i32
        %add3A_851 = arith.addi %mul3A_2, %mul3A_850 : i32
        %dma_wait3A_852 = tpu.memref_slice %arg3[%add3A_851] : memref<640000xi32, #tpu.memory_space<hbm>> -> memref<40xi32, #tpu.memory_space<hbm>>
        %dma_wait3A_853 = tpu.memref_slice %arg3[%add3A_851] : memref<640000xi32, #tpu.memory_space<hbm>> -> memref<40xi32, #tpu.memory_space<hbm>>
        tpu.wait_dma2 semaphore(%arg36 : memref<!tpu.dma_semaphore, #tpu.memory_space<semaphore_mem>>) src(%dma_wait3A_853 : memref<40xi32, #tpu.memory_space<hbm>>) dst(%arg9 : memref<40xi32, #tpu.memory_space<vmem>>)
        %dma_start3A_854 = arith.constant 0 : i32
        %dma_start3A_855 = arith.constant 0 : i32
        %dma_start3A_856 = tpu.memref_slice %arg2[%dma_start3A_854, %dma_start3A_855] : memref<10000x128xf32, #tpu.memory_space<hbm>> -> memref<10000x128xf32, #tpu.memory_space<hbm>>
        tpu.enqueue_indirect_dma source(%dma_start3A_856 : memref<10000x128xf32, #tpu.memory_space<hbm>>) target(%arg29 : memref<40x128xf32, #tpu.memory_space<vmem>>) offsets(%arg9 : memref<40xi32, #tpu.memory_space<vmem>>) semaphore(%arg56 : memref<!tpu.dma_semaphore, #tpu.memory_space<semaphore_mem>>)
      } else {
      }
      %dma_wait3A_351 = arith.constant 0 : i32
      %dma_wait3A_352 = arith.constant 0 : i32
      %dma_wait3A_353 = tpu.memref_slice %arg2[%dma_wait3A_351, %dma_wait3A_352] : memref<10000x128xf32, #tpu.memory_space<hbm>> -> memref<10000x128xf32, #tpu.memory_space<hbm>>
      tpu.wait_indirect_dma semaphore(%arg52 : memref<!tpu.dma_semaphore, #tpu.memory_space<semaphore_mem>>) src(%dma_wait3A_353 : memref<10000x128xf32, #tpu.memory_space<hbm>>) dst(%arg25 : memref<40x128xf32, #tpu.memory_space<vmem>>)
      %add3A_354 = arith.constant 320000 : i32
      %add3A_355 = arith.addi %add3A_354, %mul3A_2 : i32
      %mul3A_356 = arith.constant 40 : i32
      %mul3A_357 = arith.muli %add3A_335, %mul3A_356 : i32
      %add3A_358 = arith.addi %add3A_355, %mul3A_357 : i32
      %dma_wait3A_359 = tpu.memref_slice %arg3[%add3A_358] : memref<640000xi32, #tpu.memory_space<hbm>> -> memref<40xi32, #tpu.memory_space<hbm>>
      %dma_wait3A_360 = tpu.memref_slice %arg3[%add3A_358] : memref<640000xi32, #tpu.memory_space<hbm>> -> memref<40xi32, #tpu.memory_space<hbm>>
      tpu.wait_dma2 semaphore(%arg42 : memref<!tpu.dma_semaphore, #tpu.memory_space<semaphore_mem>>) src(%dma_wait3A_360 : memref<40xi32, #tpu.memory_space<hbm>>) dst(%arg15 : memref<40xi32, #tpu.memory_space<vmem>>)
      %dma_start3A_361 = arith.constant 0 : i32
      %dma_start3A_362 = arith.constant 0 : i32
      %dma_start3A_363 = tpu.memref_slice %arg31[%dma_start3A_361, %dma_start3A_362] : memref<10240x128xf32, #tpu.memory_space<vmem_shared>> -> memref<10240x128xf32, #tpu.memory_space<vmem_shared>>
      tpu.enqueue_indirect_dma source(%arg25 : memref<40x128xf32, #tpu.memory_space<vmem>>) target(%dma_start3A_363 : memref<10240x128xf32, #tpu.memory_space<vmem_shared>>) offsets(%arg15 : memref<40xi32, #tpu.memory_space<vmem>>) semaphore(%arg57 : memref<!tpu.dma_semaphore, #tpu.memory_space<semaphore_mem>>) {add = true}
      %ge3A_364 = arith.constant 1 : i32
      %ge3A_365 = arith.cmpi sge, %add3A_335, %ge3A_364 : i32
      %add3A_366 = arith.constant 10 : i32
      %add3A_367 = arith.addi %add3A_335, %add3A_366 : i32
      %sub3A_368 = arith.constant 1 : i32
      %sub3A_369 = arith.subi %add3A_367, %sub3A_368 : i32
      %lt3A_370 = arith.constant 250 : i32
      %lt3A_371 = arith.cmpi slt, %sub3A_369, %lt3A_370 : i32
      %and3A_372 = arith.andi %ge3A_365, %lt3A_371 : i1
      %convert_element_type3A_373 = arith.extui %and3A_372 : i1 to i32
      %cond3A_374 = arith.constant 0 : i32
      %cond3A_375 = arith.cmpi ne, %convert_element_type3A_373, %cond3A_374 : i32
      scf.if %cond3A_375 {
        %add3A_845 = arith.constant 10 : i32
        %add3A_846 = arith.addi %add3A_335, %add3A_845 : i32
        %sub3A_847 = arith.constant 1 : i32
        %sub3A_848 = arith.subi %add3A_846, %sub3A_847 : i32
        %mul3A_849 = arith.constant 40 : i32
        %mul3A_850 = arith.muli %sub3A_848, %mul3A_849 : i32
        %add3A_851 = arith.addi %mul3A_2, %mul3A_850 : i32
        %dma_start3A_852 = tpu.memref_slice %arg3[%add3A_851] : memref<640000xi32, #tpu.memory_space<hbm>> -> memref<40xi32, #tpu.memory_space<hbm>>
        %dma_start3A_853 = tpu.memref_slice %arg3[%add3A_851] : memref<640000xi32, #tpu.memory_space<hbm>> -> memref<40xi32, #tpu.memory_space<hbm>>
        tpu.enqueue_dma source(%dma_start3A_853 : memref<40xi32, #tpu.memory_space<hbm>>) target(%arg14 : memref<40xi32, #tpu.memory_space<vmem>>) target_semaphore(%arg41 : memref<!tpu.dma_semaphore, #tpu.memory_space<semaphore_mem>>)
        %add3A_854 = arith.constant 10 : i32
        %add3A_855 = arith.addi %add3A_335, %add3A_854 : i32
        %sub3A_856 = arith.constant 1 : i32
        %sub3A_857 = arith.subi %add3A_855, %sub3A_856 : i32
        %add3A_858 = arith.constant 320000 : i32
        %add3A_859 = arith.addi %add3A_858, %mul3A_2 : i32
        %mul3A_860 = arith.constant 40 : i32
        %mul3A_861 = arith.muli %sub3A_857, %mul3A_860 : i32
        %add3A_862 = arith.addi %add3A_859, %mul3A_861 : i32
        %dma_start3A_863 = tpu.memref_slice %arg3[%add3A_862] : memref<640000xi32, #tpu.memory_space<hbm>> -> memref<40xi32, #tpu.memory_space<hbm>>
        %dma_start3A_864 = tpu.memref_slice %arg3[%add3A_862] : memref<640000xi32, #tpu.memory_space<hbm>> -> memref<40xi32, #tpu.memory_space<hbm>>
        tpu.enqueue_dma source(%dma_start3A_864 : memref<40xi32, #tpu.memory_space<hbm>>) target(%arg24 : memref<40xi32, #tpu.memory_space<vmem>>) target_semaphore(%arg51 : memref<!tpu.dma_semaphore, #tpu.memory_space<semaphore_mem>>)
      } else {
      }
      %mul3A_376 = arith.constant 10 : i32
      %mul3A_377 = arith.muli %scan3A_328, %mul3A_376 : i32
      %add3A_378 = arith.constant 0 : i32
      %add3A_379 = arith.addi %mul3A_377, %add3A_378 : i32
      %add3A_380 = arith.constant 1 : i32
      %add3A_381 = arith.addi %add3A_379, %add3A_380 : i32
      %add3A_382 = arith.constant 5 : i32
      %add3A_383 = arith.addi %add3A_381, %add3A_382 : i32
      %sub3A_384 = arith.constant 1 : i32
      %sub3A_385 = arith.subi %add3A_383, %sub3A_384 : i32
      %lt3A_386 = arith.constant 250 : i32
      %lt3A_387 = arith.cmpi slt, %sub3A_385, %lt3A_386 : i32
      %ge3A_388 = arith.constant 1 : i32
      %ge3A_389 = arith.cmpi sge, %add3A_381, %ge3A_388 : i32
      %and3A_390 = arith.andi %lt3A_387, %ge3A_389 : i1
      %convert_element_type3A_391 = arith.extui %and3A_390 : i1 to i32
      %cond3A_392 = arith.constant 0 : i32
      %cond3A_393 = arith.cmpi ne, %convert_element_type3A_391, %cond3A_392 : i32
      scf.if %cond3A_393 {
        %dma_wait3A_845 = arith.constant 0 : i32
        %dma_wait3A_846 = arith.constant 0 : i32
        %dma_wait3A_847 = tpu.memref_slice %arg31[%dma_wait3A_845, %dma_wait3A_846] : memref<10240x128xf32, #tpu.memory_space<vmem_shared>> -> memref<10240x128xf32, #tpu.memory_space<vmem_shared>>
        tpu.wait_indirect_dma semaphore(%arg57 : memref<!tpu.dma_semaphore, #tpu.memory_space<semaphore_mem>>) src(%arg25 : memref<40x128xf32, #tpu.memory_space<vmem>>) dst(%dma_wait3A_847 : memref<10240x128xf32, #tpu.memory_space<vmem_shared>>)
      } else {
      }
      %add3A_394 = arith.constant 5 : i32
      %add3A_395 = arith.addi %add3A_381, %add3A_394 : i32
      %sub3A_396 = arith.constant 1 : i32
      %sub3A_397 = arith.subi %add3A_395, %sub3A_396 : i32
      %lt3A_398 = arith.constant 250 : i32
      %lt3A_399 = arith.cmpi slt, %sub3A_397, %lt3A_398 : i32
      %convert_element_type3A_400 = arith.extui %lt3A_399 : i1 to i32
      %cond3A_401 = arith.constant 0 : i32
      %cond3A_402 = arith.cmpi ne, %convert_element_type3A_400, %cond3A_401 : i32
      scf.if %cond3A_402 {
        %add3A_845 = arith.constant 5 : i32
        %add3A_846 = arith.addi %add3A_381, %add3A_845 : i32
        %sub3A_847 = arith.constant 1 : i32
        %sub3A_848 = arith.subi %add3A_846, %sub3A_847 : i32
        %mul3A_849 = arith.constant 40 : i32
        %mul3A_850 = arith.muli %sub3A_848, %mul3A_849 : i32
        %add3A_851 = arith.addi %mul3A_2, %mul3A_850 : i32
        %dma_wait3A_852 = tpu.memref_slice %arg3[%add3A_851] : memref<640000xi32, #tpu.memory_space<hbm>> -> memref<40xi32, #tpu.memory_space<hbm>>
        %dma_wait3A_853 = tpu.memref_slice %arg3[%add3A_851] : memref<640000xi32, #tpu.memory_space<hbm>> -> memref<40xi32, #tpu.memory_space<hbm>>
        tpu.wait_dma2 semaphore(%arg37 : memref<!tpu.dma_semaphore, #tpu.memory_space<semaphore_mem>>) src(%dma_wait3A_853 : memref<40xi32, #tpu.memory_space<hbm>>) dst(%arg10 : memref<40xi32, #tpu.memory_space<vmem>>)
        %dma_start3A_854 = arith.constant 0 : i32
        %dma_start3A_855 = arith.constant 0 : i32
        %dma_start3A_856 = tpu.memref_slice %arg2[%dma_start3A_854, %dma_start3A_855] : memref<10000x128xf32, #tpu.memory_space<hbm>> -> memref<10000x128xf32, #tpu.memory_space<hbm>>
        tpu.enqueue_indirect_dma source(%dma_start3A_856 : memref<10000x128xf32, #tpu.memory_space<hbm>>) target(%arg25 : memref<40x128xf32, #tpu.memory_space<vmem>>) offsets(%arg10 : memref<40xi32, #tpu.memory_space<vmem>>) semaphore(%arg52 : memref<!tpu.dma_semaphore, #tpu.memory_space<semaphore_mem>>)
      } else {
      }
      %dma_wait3A_403 = arith.constant 0 : i32
      %dma_wait3A_404 = arith.constant 0 : i32
      %dma_wait3A_405 = tpu.memref_slice %arg2[%dma_wait3A_403, %dma_wait3A_404] : memref<10000x128xf32, #tpu.memory_space<hbm>> -> memref<10000x128xf32, #tpu.memory_space<hbm>>
      tpu.wait_indirect_dma semaphore(%arg53 : memref<!tpu.dma_semaphore, #tpu.memory_space<semaphore_mem>>) src(%dma_wait3A_405 : memref<10000x128xf32, #tpu.memory_space<hbm>>) dst(%arg26 : memref<40x128xf32, #tpu.memory_space<vmem>>)
      %add3A_406 = arith.constant 320000 : i32
      %add3A_407 = arith.addi %add3A_406, %mul3A_2 : i32
      %mul3A_408 = arith.constant 40 : i32
      %mul3A_409 = arith.muli %add3A_381, %mul3A_408 : i32
      %add3A_410 = arith.addi %add3A_407, %mul3A_409 : i32
      %dma_wait3A_411 = tpu.memref_slice %arg3[%add3A_410] : memref<640000xi32, #tpu.memory_space<hbm>> -> memref<40xi32, #tpu.memory_space<hbm>>
      %dma_wait3A_412 = tpu.memref_slice %arg3[%add3A_410] : memref<640000xi32, #tpu.memory_space<hbm>> -> memref<40xi32, #tpu.memory_space<hbm>>
      tpu.wait_dma2 semaphore(%arg43 : memref<!tpu.dma_semaphore, #tpu.memory_space<semaphore_mem>>) src(%dma_wait3A_412 : memref<40xi32, #tpu.memory_space<hbm>>) dst(%arg16 : memref<40xi32, #tpu.memory_space<vmem>>)
      %dma_start3A_413 = arith.constant 0 : i32
      %dma_start3A_414 = arith.constant 0 : i32
      %dma_start3A_415 = tpu.memref_slice %arg31[%dma_start3A_413, %dma_start3A_414] : memref<10240x128xf32, #tpu.memory_space<vmem_shared>> -> memref<10240x128xf32, #tpu.memory_space<vmem_shared>>
      tpu.enqueue_indirect_dma source(%arg26 : memref<40x128xf32, #tpu.memory_space<vmem>>) target(%dma_start3A_415 : memref<10240x128xf32, #tpu.memory_space<vmem_shared>>) offsets(%arg16 : memref<40xi32, #tpu.memory_space<vmem>>) semaphore(%arg58 : memref<!tpu.dma_semaphore, #tpu.memory_space<semaphore_mem>>) {add = true}
      %ge3A_416 = arith.constant 1 : i32
      %ge3A_417 = arith.cmpi sge, %add3A_381, %ge3A_416 : i32
      %add3A_418 = arith.constant 10 : i32
      %add3A_419 = arith.addi %add3A_381, %add3A_418 : i32
      %sub3A_420 = arith.constant 1 : i32
      %sub3A_421 = arith.subi %add3A_419, %sub3A_420 : i32
      %lt3A_422 = arith.constant 250 : i32
      %lt3A_423 = arith.cmpi slt, %sub3A_421, %lt3A_422 : i32
      %and3A_424 = arith.andi %ge3A_417, %lt3A_423 : i1
      %convert_element_type3A_425 = arith.extui %and3A_424 : i1 to i32
      %cond3A_426 = arith.constant 0 : i32
      %cond3A_427 = arith.cmpi ne, %convert_element_type3A_425, %cond3A_426 : i32
      scf.if %cond3A_427 {
        %add3A_845 = arith.constant 10 : i32
        %add3A_846 = arith.addi %add3A_381, %add3A_845 : i32
        %sub3A_847 = arith.constant 1 : i32
        %sub3A_848 = arith.subi %add3A_846, %sub3A_847 : i32
        %mul3A_849 = arith.constant 40 : i32
        %mul3A_850 = arith.muli %sub3A_848, %mul3A_849 : i32
        %add3A_851 = arith.addi %mul3A_2, %mul3A_850 : i32
        %dma_start3A_852 = tpu.memref_slice %arg3[%add3A_851] : memref<640000xi32, #tpu.memory_space<hbm>> -> memref<40xi32, #tpu.memory_space<hbm>>
        %dma_start3A_853 = tpu.memref_slice %arg3[%add3A_851] : memref<640000xi32, #tpu.memory_space<hbm>> -> memref<40xi32, #tpu.memory_space<hbm>>
        tpu.enqueue_dma source(%dma_start3A_853 : memref<40xi32, #tpu.memory_space<hbm>>) target(%arg5 : memref<40xi32, #tpu.memory_space<vmem>>) target_semaphore(%arg32 : memref<!tpu.dma_semaphore, #tpu.memory_space<semaphore_mem>>)
        %add3A_854 = arith.constant 10 : i32
        %add3A_855 = arith.addi %add3A_381, %add3A_854 : i32
        %sub3A_856 = arith.constant 1 : i32
        %sub3A_857 = arith.subi %add3A_855, %sub3A_856 : i32
        %add3A_858 = arith.constant 320000 : i32
        %add3A_859 = arith.addi %add3A_858, %mul3A_2 : i32
        %mul3A_860 = arith.constant 40 : i32
        %mul3A_861 = arith.muli %sub3A_857, %mul3A_860 : i32
        %add3A_862 = arith.addi %add3A_859, %mul3A_861 : i32
        %dma_start3A_863 = tpu.memref_slice %arg3[%add3A_862] : memref<640000xi32, #tpu.memory_space<hbm>> -> memref<40xi32, #tpu.memory_space<hbm>>
        %dma_start3A_864 = tpu.memref_slice %arg3[%add3A_862] : memref<640000xi32, #tpu.memory_space<hbm>> -> memref<40xi32, #tpu.memory_space<hbm>>
        tpu.enqueue_dma source(%dma_start3A_864 : memref<40xi32, #tpu.memory_space<hbm>>) target(%arg15 : memref<40xi32, #tpu.memory_space<vmem>>) target_semaphore(%arg42 : memref<!tpu.dma_semaphore, #tpu.memory_space<semaphore_mem>>)
      } else {
      }
      %mul3A_428 = arith.constant 10 : i32
      %mul3A_429 = arith.muli %scan3A_328, %mul3A_428 : i32
      %add3A_430 = arith.constant 0 : i32
      %add3A_431 = arith.addi %mul3A_429, %add3A_430 : i32
      %add3A_432 = arith.constant 2 : i32
      %add3A_433 = arith.addi %add3A_431, %add3A_432 : i32
      %add3A_434 = arith.constant 5 : i32
      %add3A_435 = arith.addi %add3A_433, %add3A_434 : i32
      %sub3A_436 = arith.constant 1 : i32
      %sub3A_437 = arith.subi %add3A_435, %sub3A_436 : i32
      %lt3A_438 = arith.constant 250 : i32
      %lt3A_439 = arith.cmpi slt, %sub3A_437, %lt3A_438 : i32
      %ge3A_440 = arith.constant 1 : i32
      %ge3A_441 = arith.cmpi sge, %add3A_433, %ge3A_440 : i32
      %and3A_442 = arith.andi %lt3A_439, %ge3A_441 : i1
      %convert_element_type3A_443 = arith.extui %and3A_442 : i1 to i32
      %cond3A_444 = arith.constant 0 : i32
      %cond3A_445 = arith.cmpi ne, %convert_element_type3A_443, %cond3A_444 : i32
      scf.if %cond3A_445 {
        %dma_wait3A_845 = arith.constant 0 : i32
        %dma_wait3A_846 = arith.constant 0 : i32
        %dma_wait3A_847 = tpu.memref_slice %arg31[%dma_wait3A_845, %dma_wait3A_846] : memref<10240x128xf32, #tpu.memory_space<vmem_shared>> -> memref<10240x128xf32, #tpu.memory_space<vmem_shared>>
        tpu.wait_indirect_dma semaphore(%arg58 : memref<!tpu.dma_semaphore, #tpu.memory_space<semaphore_mem>>) src(%arg26 : memref<40x128xf32, #tpu.memory_space<vmem>>) dst(%dma_wait3A_847 : memref<10240x128xf32, #tpu.memory_space<vmem_shared>>)
      } else {
      }
      %add3A_446 = arith.constant 5 : i32
      %add3A_447 = arith.addi %add3A_433, %add3A_446 : i32
      %sub3A_448 = arith.constant 1 : i32
      %sub3A_449 = arith.subi %add3A_447, %sub3A_448 : i32
      %lt3A_450 = arith.constant 250 : i32
      %lt3A_451 = arith.cmpi slt, %sub3A_449, %lt3A_450 : i32
      %convert_element_type3A_452 = arith.extui %lt3A_451 : i1 to i32
      %cond3A_453 = arith.constant 0 : i32
      %cond3A_454 = arith.cmpi ne, %convert_element_type3A_452, %cond3A_453 : i32
      scf.if %cond3A_454 {
        %add3A_845 = arith.constant 5 : i32
        %add3A_846 = arith.addi %add3A_433, %add3A_845 : i32
        %sub3A_847 = arith.constant 1 : i32
        %sub3A_848 = arith.subi %add3A_846, %sub3A_847 : i32
        %mul3A_849 = arith.constant 40 : i32
        %mul3A_850 = arith.muli %sub3A_848, %mul3A_849 : i32
        %add3A_851 = arith.addi %mul3A_2, %mul3A_850 : i32
        %dma_wait3A_852 = tpu.memref_slice %arg3[%add3A_851] : memref<640000xi32, #tpu.memory_space<hbm>> -> memref<40xi32, #tpu.memory_space<hbm>>
        %dma_wait3A_853 = tpu.memref_slice %arg3[%add3A_851] : memref<640000xi32, #tpu.memory_space<hbm>> -> memref<40xi32, #tpu.memory_space<hbm>>
        tpu.wait_dma2 semaphore(%arg38 : memref<!tpu.dma_semaphore, #tpu.memory_space<semaphore_mem>>) src(%dma_wait3A_853 : memref<40xi32, #tpu.memory_space<hbm>>) dst(%arg11 : memref<40xi32, #tpu.memory_space<vmem>>)
        %dma_start3A_854 = arith.constant 0 : i32
        %dma_start3A_855 = arith.constant 0 : i32
        %dma_start3A_856 = tpu.memref_slice %arg2[%dma_start3A_854, %dma_start3A_855] : memref<10000x128xf32, #tpu.memory_space<hbm>> -> memref<10000x128xf32, #tpu.memory_space<hbm>>
        tpu.enqueue_indirect_dma source(%dma_start3A_856 : memref<10000x128xf32, #tpu.memory_space<hbm>>) target(%arg26 : memref<40x128xf32, #tpu.memory_space<vmem>>) offsets(%arg11 : memref<40xi32, #tpu.memory_space<vmem>>) semaphore(%arg53 : memref<!tpu.dma_semaphore, #tpu.memory_space<semaphore_mem>>)
      } else {
      }
      %dma_wait3A_455 = arith.constant 0 : i32
      %dma_wait3A_456 = arith.constant 0 : i32
      %dma_wait3A_457 = tpu.memref_slice %arg2[%dma_wait3A_455, %dma_wait3A_456] : memref<10000x128xf32, #tpu.memory_space<hbm>> -> memref<10000x128xf32, #tpu.memory_space<hbm>>
      tpu.wait_indirect_dma semaphore(%arg54 : memref<!tpu.dma_semaphore, #tpu.memory_space<semaphore_mem>>) src(%dma_wait3A_457 : memref<10000x128xf32, #tpu.memory_space<hbm>>) dst(%arg27 : memref<40x128xf32, #tpu.memory_space<vmem>>)
      %add3A_458 = arith.constant 320000 : i32
      %add3A_459 = arith.addi %add3A_458, %mul3A_2 : i32
      %mul3A_460 = arith.constant 40 : i32
      %mul3A_461 = arith.muli %add3A_433, %mul3A_460 : i32
      %add3A_462 = arith.addi %add3A_459, %mul3A_461 : i32
      %dma_wait3A_463 = tpu.memref_slice %arg3[%add3A_462] : memref<640000xi32, #tpu.memory_space<hbm>> -> memref<40xi32, #tpu.memory_space<hbm>>
      %dma_wait3A_464 = tpu.memref_slice %arg3[%add3A_462] : memref<640000xi32, #tpu.memory_space<hbm>> -> memref<40xi32, #tpu.memory_space<hbm>>
      tpu.wait_dma2 semaphore(%arg44 : memref<!tpu.dma_semaphore, #tpu.memory_space<semaphore_mem>>) src(%dma_wait3A_464 : memref<40xi32, #tpu.memory_space<hbm>>) dst(%arg17 : memref<40xi32, #tpu.memory_space<vmem>>)
      %dma_start3A_465 = arith.constant 0 : i32
      %dma_start3A_466 = arith.constant 0 : i32
      %dma_start3A_467 = tpu.memref_slice %arg31[%dma_start3A_465, %dma_start3A_466] : memref<10240x128xf32, #tpu.memory_space<vmem_shared>> -> memref<10240x128xf32, #tpu.memory_space<vmem_shared>>
      tpu.enqueue_indirect_dma source(%arg27 : memref<40x128xf32, #tpu.memory_space<vmem>>) target(%dma_start3A_467 : memref<10240x128xf32, #tpu.memory_space<vmem_shared>>) offsets(%arg17 : memref<40xi32, #tpu.memory_space<vmem>>) semaphore(%arg59 : memref<!tpu.dma_semaphore, #tpu.memory_space<semaphore_mem>>) {add = true}
      %ge3A_468 = arith.constant 1 : i32
      %ge3A_469 = arith.cmpi sge, %add3A_433, %ge3A_468 : i32
      %add3A_470 = arith.constant 10 : i32
      %add3A_471 = arith.addi %add3A_433, %add3A_470 : i32
      %sub3A_472 = arith.constant 1 : i32
      %sub3A_473 = arith.subi %add3A_471, %sub3A_472 : i32
      %lt3A_474 = arith.constant 250 : i32
      %lt3A_475 = arith.cmpi slt, %sub3A_473, %lt3A_474 : i32
      %and3A_476 = arith.andi %ge3A_469, %lt3A_475 : i1
      %convert_element_type3A_477 = arith.extui %and3A_476 : i1 to i32
      %cond3A_478 = arith.constant 0 : i32
      %cond3A_479 = arith.cmpi ne, %convert_element_type3A_477, %cond3A_478 : i32
      scf.if %cond3A_479 {
        %add3A_845 = arith.constant 10 : i32
        %add3A_846 = arith.addi %add3A_433, %add3A_845 : i32
        %sub3A_847 = arith.constant 1 : i32
        %sub3A_848 = arith.subi %add3A_846, %sub3A_847 : i32
        %mul3A_849 = arith.constant 40 : i32
        %mul3A_850 = arith.muli %sub3A_848, %mul3A_849 : i32
        %add3A_851 = arith.addi %mul3A_2, %mul3A_850 : i32
        %dma_start3A_852 = tpu.memref_slice %arg3[%add3A_851] : memref<640000xi32, #tpu.memory_space<hbm>> -> memref<40xi32, #tpu.memory_space<hbm>>
        %dma_start3A_853 = tpu.memref_slice %arg3[%add3A_851] : memref<640000xi32, #tpu.memory_space<hbm>> -> memref<40xi32, #tpu.memory_space<hbm>>
        tpu.enqueue_dma source(%dma_start3A_853 : memref<40xi32, #tpu.memory_space<hbm>>) target(%arg6 : memref<40xi32, #tpu.memory_space<vmem>>) target_semaphore(%arg33 : memref<!tpu.dma_semaphore, #tpu.memory_space<semaphore_mem>>)
        %add3A_854 = arith.constant 10 : i32
        %add3A_855 = arith.addi %add3A_433, %add3A_854 : i32
        %sub3A_856 = arith.constant 1 : i32
        %sub3A_857 = arith.subi %add3A_855, %sub3A_856 : i32
        %add3A_858 = arith.constant 320000 : i32
        %add3A_859 = arith.addi %add3A_858, %mul3A_2 : i32
        %mul3A_860 = arith.constant 40 : i32
        %mul3A_861 = arith.muli %sub3A_857, %mul3A_860 : i32
        %add3A_862 = arith.addi %add3A_859, %mul3A_861 : i32
        %dma_start3A_863 = tpu.memref_slice %arg3[%add3A_862] : memref<640000xi32, #tpu.memory_space<hbm>> -> memref<40xi32, #tpu.memory_space<hbm>>
        %dma_start3A_864 = tpu.memref_slice %arg3[%add3A_862] : memref<640000xi32, #tpu.memory_space<hbm>> -> memref<40xi32, #tpu.memory_space<hbm>>
        tpu.enqueue_dma source(%dma_start3A_864 : memref<40xi32, #tpu.memory_space<hbm>>) target(%arg16 : memref<40xi32, #tpu.memory_space<vmem>>) target_semaphore(%arg43 : memref<!tpu.dma_semaphore, #tpu.memory_space<semaphore_mem>>)
      } else {
      }
      %mul3A_480 = arith.constant 10 : i32
      %mul3A_481 = arith.muli %scan3A_328, %mul3A_480 : i32
      %add3A_482 = arith.constant 0 : i32
      %add3A_483 = arith.addi %mul3A_481, %add3A_482 : i32
      %add3A_484 = arith.constant 3 : i32
      %add3A_485 = arith.addi %add3A_483, %add3A_484 : i32
      %add3A_486 = arith.constant 5 : i32
      %add3A_487 = arith.addi %add3A_485, %add3A_486 : i32
      %sub3A_488 = arith.constant 1 : i32
      %sub3A_489 = arith.subi %add3A_487, %sub3A_488 : i32
      %lt3A_490 = arith.constant 250 : i32
      %lt3A_491 = arith.cmpi slt, %sub3A_489, %lt3A_490 : i32
      %ge3A_492 = arith.constant 1 : i32
      %ge3A_493 = arith.cmpi sge, %add3A_485, %ge3A_492 : i32
      %and3A_494 = arith.andi %lt3A_491, %ge3A_493 : i1
      %convert_element_type3A_495 = arith.extui %and3A_494 : i1 to i32
      %cond3A_496 = arith.constant 0 : i32
      %cond3A_497 = arith.cmpi ne, %convert_element_type3A_495, %cond3A_496 : i32
      scf.if %cond3A_497 {
        %dma_wait3A_845 = arith.constant 0 : i32
        %dma_wait3A_846 = arith.constant 0 : i32
        %dma_wait3A_847 = tpu.memref_slice %arg31[%dma_wait3A_845, %dma_wait3A_846] : memref<10240x128xf32, #tpu.memory_space<vmem_shared>> -> memref<10240x128xf32, #tpu.memory_space<vmem_shared>>
        tpu.wait_indirect_dma semaphore(%arg59 : memref<!tpu.dma_semaphore, #tpu.memory_space<semaphore_mem>>) src(%arg27 : memref<40x128xf32, #tpu.memory_space<vmem>>) dst(%dma_wait3A_847 : memref<10240x128xf32, #tpu.memory_space<vmem_shared>>)
      } else {
      }
      %add3A_498 = arith.constant 5 : i32
      %add3A_499 = arith.addi %add3A_485, %add3A_498 : i32
      %sub3A_500 = arith.constant 1 : i32
      %sub3A_501 = arith.subi %add3A_499, %sub3A_500 : i32
      %lt3A_502 = arith.constant 250 : i32
      %lt3A_503 = arith.cmpi slt, %sub3A_501, %lt3A_502 : i32
      %convert_element_type3A_504 = arith.extui %lt3A_503 : i1 to i32
      %cond3A_505 = arith.constant 0 : i32
      %cond3A_506 = arith.cmpi ne, %convert_element_type3A_504, %cond3A_505 : i32
      scf.if %cond3A_506 {
        %add3A_845 = arith.constant 5 : i32
        %add3A_846 = arith.addi %add3A_485, %add3A_845 : i32
        %sub3A_847 = arith.constant 1 : i32
        %sub3A_848 = arith.subi %add3A_846, %sub3A_847 : i32
        %mul3A_849 = arith.constant 40 : i32
        %mul3A_850 = arith.muli %sub3A_848, %mul3A_849 : i32
        %add3A_851 = arith.addi %mul3A_2, %mul3A_850 : i32
        %dma_wait3A_852 = tpu.memref_slice %arg3[%add3A_851] : memref<640000xi32, #tpu.memory_space<hbm>> -> memref<40xi32, #tpu.memory_space<hbm>>
        %dma_wait3A_853 = tpu.memref_slice %arg3[%add3A_851] : memref<640000xi32, #tpu.memory_space<hbm>> -> memref<40xi32, #tpu.memory_space<hbm>>
        tpu.wait_dma2 semaphore(%arg39 : memref<!tpu.dma_semaphore, #tpu.memory_space<semaphore_mem>>) src(%dma_wait3A_853 : memref<40xi32, #tpu.memory_space<hbm>>) dst(%arg12 : memref<40xi32, #tpu.memory_space<vmem>>)
        %dma_start3A_854 = arith.constant 0 : i32
        %dma_start3A_855 = arith.constant 0 : i32
        %dma_start3A_856 = tpu.memref_slice %arg2[%dma_start3A_854, %dma_start3A_855] : memref<10000x128xf32, #tpu.memory_space<hbm>> -> memref<10000x128xf32, #tpu.memory_space<hbm>>
        tpu.enqueue_indirect_dma source(%dma_start3A_856 : memref<10000x128xf32, #tpu.memory_space<hbm>>) target(%arg27 : memref<40x128xf32, #tpu.memory_space<vmem>>) offsets(%arg12 : memref<40xi32, #tpu.memory_space<vmem>>) semaphore(%arg54 : memref<!tpu.dma_semaphore, #tpu.memory_space<semaphore_mem>>)
      } else {
      }
      %dma_wait3A_507 = arith.constant 0 : i32
      %dma_wait3A_508 = arith.constant 0 : i32
      %dma_wait3A_509 = tpu.memref_slice %arg2[%dma_wait3A_507, %dma_wait3A_508] : memref<10000x128xf32, #tpu.memory_space<hbm>> -> memref<10000x128xf32, #tpu.memory_space<hbm>>
      tpu.wait_indirect_dma semaphore(%arg55 : memref<!tpu.dma_semaphore, #tpu.memory_space<semaphore_mem>>) src(%dma_wait3A_509 : memref<10000x128xf32, #tpu.memory_space<hbm>>) dst(%arg28 : memref<40x128xf32, #tpu.memory_space<vmem>>)
      %add3A_510 = arith.constant 320000 : i32
      %add3A_511 = arith.addi %add3A_510, %mul3A_2 : i32
      %mul3A_512 = arith.constant 40 : i32
      %mul3A_513 = arith.muli %add3A_485, %mul3A_512 : i32
      %add3A_514 = arith.addi %add3A_511, %mul3A_513 : i32
      %dma_wait3A_515 = tpu.memref_slice %arg3[%add3A_514] : memref<640000xi32, #tpu.memory_space<hbm>> -> memref<40xi32, #tpu.memory_space<hbm>>
      %dma_wait3A_516 = tpu.memref_slice %arg3[%add3A_514] : memref<640000xi32, #tpu.memory_space<hbm>> -> memref<40xi32, #tpu.memory_space<hbm>>
      tpu.wait_dma2 semaphore(%arg45 : memref<!tpu.dma_semaphore, #tpu.memory_space<semaphore_mem>>) src(%dma_wait3A_516 : memref<40xi32, #tpu.memory_space<hbm>>) dst(%arg18 : memref<40xi32, #tpu.memory_space<vmem>>)
      %dma_start3A_517 = arith.constant 0 : i32
      %dma_start3A_518 = arith.constant 0 : i32
      %dma_start3A_519 = tpu.memref_slice %arg31[%dma_start3A_517, %dma_start3A_518] : memref<10240x128xf32, #tpu.memory_space<vmem_shared>> -> memref<10240x128xf32, #tpu.memory_space<vmem_shared>>
      tpu.enqueue_indirect_dma source(%arg28 : memref<40x128xf32, #tpu.memory_space<vmem>>) target(%dma_start3A_519 : memref<10240x128xf32, #tpu.memory_space<vmem_shared>>) offsets(%arg18 : memref<40xi32, #tpu.memory_space<vmem>>) semaphore(%arg60 : memref<!tpu.dma_semaphore, #tpu.memory_space<semaphore_mem>>) {add = true}
      %ge3A_520 = arith.constant 1 : i32
      %ge3A_521 = arith.cmpi sge, %add3A_485, %ge3A_520 : i32
      %add3A_522 = arith.constant 10 : i32
      %add3A_523 = arith.addi %add3A_485, %add3A_522 : i32
      %sub3A_524 = arith.constant 1 : i32
      %sub3A_525 = arith.subi %add3A_523, %sub3A_524 : i32
      %lt3A_526 = arith.constant 250 : i32
      %lt3A_527 = arith.cmpi slt, %sub3A_525, %lt3A_526 : i32
      %and3A_528 = arith.andi %ge3A_521, %lt3A_527 : i1
      %convert_element_type3A_529 = arith.extui %and3A_528 : i1 to i32
      %cond3A_530 = arith.constant 0 : i32
      %cond3A_531 = arith.cmpi ne, %convert_element_type3A_529, %cond3A_530 : i32
      scf.if %cond3A_531 {
        %add3A_845 = arith.constant 10 : i32
        %add3A_846 = arith.addi %add3A_485, %add3A_845 : i32
        %sub3A_847 = arith.constant 1 : i32
        %sub3A_848 = arith.subi %add3A_846, %sub3A_847 : i32
        %mul3A_849 = arith.constant 40 : i32
        %mul3A_850 = arith.muli %sub3A_848, %mul3A_849 : i32
        %add3A_851 = arith.addi %mul3A_2, %mul3A_850 : i32
        %dma_start3A_852 = tpu.memref_slice %arg3[%add3A_851] : memref<640000xi32, #tpu.memory_space<hbm>> -> memref<40xi32, #tpu.memory_space<hbm>>
        %dma_start3A_853 = tpu.memref_slice %arg3[%add3A_851] : memref<640000xi32, #tpu.memory_space<hbm>> -> memref<40xi32, #tpu.memory_space<hbm>>
        tpu.enqueue_dma source(%dma_start3A_853 : memref<40xi32, #tpu.memory_space<hbm>>) target(%arg7 : memref<40xi32, #tpu.memory_space<vmem>>) target_semaphore(%arg34 : memref<!tpu.dma_semaphore, #tpu.memory_space<semaphore_mem>>)
        %add3A_854 = arith.constant 10 : i32
        %add3A_855 = arith.addi %add3A_485, %add3A_854 : i32
        %sub3A_856 = arith.constant 1 : i32
        %sub3A_857 = arith.subi %add3A_855, %sub3A_856 : i32
        %add3A_858 = arith.constant 320000 : i32
        %add3A_859 = arith.addi %add3A_858, %mul3A_2 : i32
        %mul3A_860 = arith.constant 40 : i32
        %mul3A_861 = arith.muli %sub3A_857, %mul3A_860 : i32
        %add3A_862 = arith.addi %add3A_859, %mul3A_861 : i32
        %dma_start3A_863 = tpu.memref_slice %arg3[%add3A_862] : memref<640000xi32, #tpu.memory_space<hbm>> -> memref<40xi32, #tpu.memory_space<hbm>>
        %dma_start3A_864 = tpu.memref_slice %arg3[%add3A_862] : memref<640000xi32, #tpu.memory_space<hbm>> -> memref<40xi32, #tpu.memory_space<hbm>>
        tpu.enqueue_dma source(%dma_start3A_864 : memref<40xi32, #tpu.memory_space<hbm>>) target(%arg17 : memref<40xi32, #tpu.memory_space<vmem>>) target_semaphore(%arg44 : memref<!tpu.dma_semaphore, #tpu.memory_space<semaphore_mem>>)
      } else {
      }
      %mul3A_532 = arith.constant 10 : i32
      %mul3A_533 = arith.muli %scan3A_328, %mul3A_532 : i32
      %add3A_534 = arith.constant 0 : i32
      %add3A_535 = arith.addi %mul3A_533, %add3A_534 : i32
      %add3A_536 = arith.constant 4 : i32
      %add3A_537 = arith.addi %add3A_535, %add3A_536 : i32
      %add3A_538 = arith.constant 5 : i32
      %add3A_539 = arith.addi %add3A_537, %add3A_538 : i32
      %sub3A_540 = arith.constant 1 : i32
      %sub3A_541 = arith.subi %add3A_539, %sub3A_540 : i32
      %lt3A_542 = arith.constant 250 : i32
      %lt3A_543 = arith.cmpi slt, %sub3A_541, %lt3A_542 : i32
      %ge3A_544 = arith.constant 1 : i32
      %ge3A_545 = arith.cmpi sge, %add3A_537, %ge3A_544 : i32
      %and3A_546 = arith.andi %lt3A_543, %ge3A_545 : i1
      %convert_element_type3A_547 = arith.extui %and3A_546 : i1 to i32
      %cond3A_548 = arith.constant 0 : i32
      %cond3A_549 = arith.cmpi ne, %convert_element_type3A_547, %cond3A_548 : i32
      scf.if %cond3A_549 {
        %dma_wait3A_845 = arith.constant 0 : i32
        %dma_wait3A_846 = arith.constant 0 : i32
        %dma_wait3A_847 = tpu.memref_slice %arg31[%dma_wait3A_845, %dma_wait3A_846] : memref<10240x128xf32, #tpu.memory_space<vmem_shared>> -> memref<10240x128xf32, #tpu.memory_space<vmem_shared>>
        tpu.wait_indirect_dma semaphore(%arg60 : memref<!tpu.dma_semaphore, #tpu.memory_space<semaphore_mem>>) src(%arg28 : memref<40x128xf32, #tpu.memory_space<vmem>>) dst(%dma_wait3A_847 : memref<10240x128xf32, #tpu.memory_space<vmem_shared>>)
      } else {
      }
      %add3A_550 = arith.constant 5 : i32
      %add3A_551 = arith.addi %add3A_537, %add3A_550 : i32
      %sub3A_552 = arith.constant 1 : i32
      %sub3A_553 = arith.subi %add3A_551, %sub3A_552 : i32
      %lt3A_554 = arith.constant 250 : i32
      %lt3A_555 = arith.cmpi slt, %sub3A_553, %lt3A_554 : i32
      %convert_element_type3A_556 = arith.extui %lt3A_555 : i1 to i32
      %cond3A_557 = arith.constant 0 : i32
      %cond3A_558 = arith.cmpi ne, %convert_element_type3A_556, %cond3A_557 : i32
      scf.if %cond3A_558 {
        %add3A_845 = arith.constant 5 : i32
        %add3A_846 = arith.addi %add3A_537, %add3A_845 : i32
        %sub3A_847 = arith.constant 1 : i32
        %sub3A_848 = arith.subi %add3A_846, %sub3A_847 : i32
        %mul3A_849 = arith.constant 40 : i32
        %mul3A_850 = arith.muli %sub3A_848, %mul3A_849 : i32
        %add3A_851 = arith.addi %mul3A_2, %mul3A_850 : i32
        %dma_wait3A_852 = tpu.memref_slice %arg3[%add3A_851] : memref<640000xi32, #tpu.memory_space<hbm>> -> memref<40xi32, #tpu.memory_space<hbm>>
        %dma_wait3A_853 = tpu.memref_slice %arg3[%add3A_851] : memref<640000xi32, #tpu.memory_space<hbm>> -> memref<40xi32, #tpu.memory_space<hbm>>
        tpu.wait_dma2 semaphore(%arg40 : memref<!tpu.dma_semaphore, #tpu.memory_space<semaphore_mem>>) src(%dma_wait3A_853 : memref<40xi32, #tpu.memory_space<hbm>>) dst(%arg13 : memref<40xi32, #tpu.memory_space<vmem>>)
        %dma_start3A_854 = arith.constant 0 : i32
        %dma_start3A_855 = arith.constant 0 : i32
        %dma_start3A_856 = tpu.memref_slice %arg2[%dma_start3A_854, %dma_start3A_855] : memref<10000x128xf32, #tpu.memory_space<hbm>> -> memref<10000x128xf32, #tpu.memory_space<hbm>>
        tpu.enqueue_indirect_dma source(%dma_start3A_856 : memref<10000x128xf32, #tpu.memory_space<hbm>>) target(%arg28 : memref<40x128xf32, #tpu.memory_space<vmem>>) offsets(%arg13 : memref<40xi32, #tpu.memory_space<vmem>>) semaphore(%arg55 : memref<!tpu.dma_semaphore, #tpu.memory_space<semaphore_mem>>)
      } else {
      }
      %dma_wait3A_559 = arith.constant 0 : i32
      %dma_wait3A_560 = arith.constant 0 : i32
      %dma_wait3A_561 = tpu.memref_slice %arg2[%dma_wait3A_559, %dma_wait3A_560] : memref<10000x128xf32, #tpu.memory_space<hbm>> -> memref<10000x128xf32, #tpu.memory_space<hbm>>
      tpu.wait_indirect_dma semaphore(%arg56 : memref<!tpu.dma_semaphore, #tpu.memory_space<semaphore_mem>>) src(%dma_wait3A_561 : memref<10000x128xf32, #tpu.memory_space<hbm>>) dst(%arg29 : memref<40x128xf32, #tpu.memory_space<vmem>>)
      %add3A_562 = arith.constant 320000 : i32
      %add3A_563 = arith.addi %add3A_562, %mul3A_2 : i32
      %mul3A_564 = arith.constant 40 : i32
      %mul3A_565 = arith.muli %add3A_537, %mul3A_564 : i32
      %add3A_566 = arith.addi %add3A_563, %mul3A_565 : i32
      %dma_wait3A_567 = tpu.memref_slice %arg3[%add3A_566] : memref<640000xi32, #tpu.memory_space<hbm>> -> memref<40xi32, #tpu.memory_space<hbm>>
      %dma_wait3A_568 = tpu.memref_slice %arg3[%add3A_566] : memref<640000xi32, #tpu.memory_space<hbm>> -> memref<40xi32, #tpu.memory_space<hbm>>
      tpu.wait_dma2 semaphore(%arg46 : memref<!tpu.dma_semaphore, #tpu.memory_space<semaphore_mem>>) src(%dma_wait3A_568 : memref<40xi32, #tpu.memory_space<hbm>>) dst(%arg19 : memref<40xi32, #tpu.memory_space<vmem>>)
      %dma_start3A_569 = arith.constant 0 : i32
      %dma_start3A_570 = arith.constant 0 : i32
      %dma_start3A_571 = tpu.memref_slice %arg31[%dma_start3A_569, %dma_start3A_570] : memref<10240x128xf32, #tpu.memory_space<vmem_shared>> -> memref<10240x128xf32, #tpu.memory_space<vmem_shared>>
      tpu.enqueue_indirect_dma source(%arg29 : memref<40x128xf32, #tpu.memory_space<vmem>>) target(%dma_start3A_571 : memref<10240x128xf32, #tpu.memory_space<vmem_shared>>) offsets(%arg19 : memref<40xi32, #tpu.memory_space<vmem>>) semaphore(%arg61 : memref<!tpu.dma_semaphore, #tpu.memory_space<semaphore_mem>>) {add = true}
      %ge3A_572 = arith.constant 1 : i32
      %ge3A_573 = arith.cmpi sge, %add3A_537, %ge3A_572 : i32
      %add3A_574 = arith.constant 10 : i32
      %add3A_575 = arith.addi %add3A_537, %add3A_574 : i32
      %sub3A_576 = arith.constant 1 : i32
      %sub3A_577 = arith.subi %add3A_575, %sub3A_576 : i32
      %lt3A_578 = arith.constant 250 : i32
      %lt3A_579 = arith.cmpi slt, %sub3A_577, %lt3A_578 : i32
      %and3A_580 = arith.andi %ge3A_573, %lt3A_579 : i1
      %convert_element_type3A_581 = arith.extui %and3A_580 : i1 to i32
      %cond3A_582 = arith.constant 0 : i32
      %cond3A_583 = arith.cmpi ne, %convert_element_type3A_581, %cond3A_582 : i32
      scf.if %cond3A_583 {
        %add3A_845 = arith.constant 10 : i32
        %add3A_846 = arith.addi %add3A_537, %add3A_845 : i32
        %sub3A_847 = arith.constant 1 : i32
        %sub3A_848 = arith.subi %add3A_846, %sub3A_847 : i32
        %mul3A_849 = arith.constant 40 : i32
        %mul3A_850 = arith.muli %sub3A_848, %mul3A_849 : i32
        %add3A_851 = arith.addi %mul3A_2, %mul3A_850 : i32
        %dma_start3A_852 = tpu.memref_slice %arg3[%add3A_851] : memref<640000xi32, #tpu.memory_space<hbm>> -> memref<40xi32, #tpu.memory_space<hbm>>
        %dma_start3A_853 = tpu.memref_slice %arg3[%add3A_851] : memref<640000xi32, #tpu.memory_space<hbm>> -> memref<40xi32, #tpu.memory_space<hbm>>
        tpu.enqueue_dma source(%dma_start3A_853 : memref<40xi32, #tpu.memory_space<hbm>>) target(%arg8 : memref<40xi32, #tpu.memory_space<vmem>>) target_semaphore(%arg35 : memref<!tpu.dma_semaphore, #tpu.memory_space<semaphore_mem>>)
        %add3A_854 = arith.constant 10 : i32
        %add3A_855 = arith.addi %add3A_537, %add3A_854 : i32
        %sub3A_856 = arith.constant 1 : i32
        %sub3A_857 = arith.subi %add3A_855, %sub3A_856 : i32
        %add3A_858 = arith.constant 320000 : i32
        %add3A_859 = arith.addi %add3A_858, %mul3A_2 : i32
        %mul3A_860 = arith.constant 40 : i32
        %mul3A_861 = arith.muli %sub3A_857, %mul3A_860 : i32
        %add3A_862 = arith.addi %add3A_859, %mul3A_861 : i32
        %dma_start3A_863 = tpu.memref_slice %arg3[%add3A_862] : memref<640000xi32, #tpu.memory_space<hbm>> -> memref<40xi32, #tpu.memory_space<hbm>>
        %dma_start3A_864 = tpu.memref_slice %arg3[%add3A_862] : memref<640000xi32, #tpu.memory_space<hbm>> -> memref<40xi32, #tpu.memory_space<hbm>>
        tpu.enqueue_dma source(%dma_start3A_864 : memref<40xi32, #tpu.memory_space<hbm>>) target(%arg18 : memref<40xi32, #tpu.memory_space<vmem>>) target_semaphore(%arg45 : memref<!tpu.dma_semaphore, #tpu.memory_space<semaphore_mem>>)
      } else {
      }
      %mul3A_584 = arith.constant 10 : i32
      %mul3A_585 = arith.muli %scan3A_328, %mul3A_584 : i32
      %add3A_586 = arith.constant 5 : i32
      %add3A_587 = arith.addi %mul3A_585, %add3A_586 : i32
      %add3A_588 = arith.constant 0 : i32
      %add3A_589 = arith.addi %add3A_587, %add3A_588 : i32
      %add3A_590 = arith.constant 5 : i32
      %add3A_591 = arith.addi %add3A_589, %add3A_590 : i32
      %sub3A_592 = arith.constant 1 : i32
      %sub3A_593 = arith.subi %add3A_591, %sub3A_592 : i32
      %lt3A_594 = arith.constant 250 : i32
      %lt3A_595 = arith.cmpi slt, %sub3A_593, %lt3A_594 : i32
      %ge3A_596 = arith.constant 1 : i32
      %ge3A_597 = arith.cmpi sge, %add3A_589, %ge3A_596 : i32
      %and3A_598 = arith.andi %lt3A_595, %ge3A_597 : i1
      %convert_element_type3A_599 = arith.extui %and3A_598 : i1 to i32
      %cond3A_600 = arith.constant 0 : i32
      %cond3A_601 = arith.cmpi ne, %convert_element_type3A_599, %cond3A_600 : i32
      scf.if %cond3A_601 {
        %dma_wait3A_845 = arith.constant 0 : i32
        %dma_wait3A_846 = arith.constant 0 : i32
        %dma_wait3A_847 = tpu.memref_slice %arg31[%dma_wait3A_845, %dma_wait3A_846] : memref<10240x128xf32, #tpu.memory_space<vmem_shared>> -> memref<10240x128xf32, #tpu.memory_space<vmem_shared>>
        tpu.wait_indirect_dma semaphore(%arg61 : memref<!tpu.dma_semaphore, #tpu.memory_space<semaphore_mem>>) src(%arg29 : memref<40x128xf32, #tpu.memory_space<vmem>>) dst(%dma_wait3A_847 : memref<10240x128xf32, #tpu.memory_space<vmem_shared>>)
      } else {
      }
      %add3A_602 = arith.constant 5 : i32
      %add3A_603 = arith.addi %add3A_589, %add3A_602 : i32
      %sub3A_604 = arith.constant 1 : i32
      %sub3A_605 = arith.subi %add3A_603, %sub3A_604 : i32
      %lt3A_606 = arith.constant 250 : i32
      %lt3A_607 = arith.cmpi slt, %sub3A_605, %lt3A_606 : i32
      %convert_element_type3A_608 = arith.extui %lt3A_607 : i1 to i32
      %cond3A_609 = arith.constant 0 : i32
      %cond3A_610 = arith.cmpi ne, %convert_element_type3A_608, %cond3A_609 : i32
      scf.if %cond3A_610 {
        %add3A_845 = arith.constant 5 : i32
        %add3A_846 = arith.addi %add3A_589, %add3A_845 : i32
        %sub3A_847 = arith.constant 1 : i32
        %sub3A_848 = arith.subi %add3A_846, %sub3A_847 : i32
        %mul3A_849 = arith.constant 40 : i32
        %mul3A_850 = arith.muli %sub3A_848, %mul3A_849 : i32
        %add3A_851 = arith.addi %mul3A_2, %mul3A_850 : i32
        %dma_wait3A_852 = tpu.memref_slice %arg3[%add3A_851] : memref<640000xi32, #tpu.memory_space<hbm>> -> memref<40xi32, #tpu.memory_space<hbm>>
        %dma_wait3A_853 = tpu.memref_slice %arg3[%add3A_851] : memref<640000xi32, #tpu.memory_space<hbm>> -> memref<40xi32, #tpu.memory_space<hbm>>
        tpu.wait_dma2 semaphore(%arg41 : memref<!tpu.dma_semaphore, #tpu.memory_space<semaphore_mem>>) src(%dma_wait3A_853 : memref<40xi32, #tpu.memory_space<hbm>>) dst(%arg14 : memref<40xi32, #tpu.memory_space<vmem>>)
        %dma_start3A_854 = arith.constant 0 : i32
        %dma_start3A_855 = arith.constant 0 : i32
        %dma_start3A_856 = tpu.memref_slice %arg2[%dma_start3A_854, %dma_start3A_855] : memref<10000x128xf32, #tpu.memory_space<hbm>> -> memref<10000x128xf32, #tpu.memory_space<hbm>>
        tpu.enqueue_indirect_dma source(%dma_start3A_856 : memref<10000x128xf32, #tpu.memory_space<hbm>>) target(%arg29 : memref<40x128xf32, #tpu.memory_space<vmem>>) offsets(%arg14 : memref<40xi32, #tpu.memory_space<vmem>>) semaphore(%arg56 : memref<!tpu.dma_semaphore, #tpu.memory_space<semaphore_mem>>)
      } else {
      }
      %dma_wait3A_611 = arith.constant 0 : i32
      %dma_wait3A_612 = arith.constant 0 : i32
      %dma_wait3A_613 = tpu.memref_slice %arg2[%dma_wait3A_611, %dma_wait3A_612] : memref<10000x128xf32, #tpu.memory_space<hbm>> -> memref<10000x128xf32, #tpu.memory_space<hbm>>
      tpu.wait_indirect_dma semaphore(%arg52 : memref<!tpu.dma_semaphore, #tpu.memory_space<semaphore_mem>>) src(%dma_wait3A_613 : memref<10000x128xf32, #tpu.memory_space<hbm>>) dst(%arg25 : memref<40x128xf32, #tpu.memory_space<vmem>>)
      %add3A_614 = arith.constant 320000 : i32
      %add3A_615 = arith.addi %add3A_614, %mul3A_2 : i32
      %mul3A_616 = arith.constant 40 : i32
      %mul3A_617 = arith.muli %add3A_589, %mul3A_616 : i32
      %add3A_618 = arith.addi %add3A_615, %mul3A_617 : i32
      %dma_wait3A_619 = tpu.memref_slice %arg3[%add3A_618] : memref<640000xi32, #tpu.memory_space<hbm>> -> memref<40xi32, #tpu.memory_space<hbm>>
      %dma_wait3A_620 = tpu.memref_slice %arg3[%add3A_618] : memref<640000xi32, #tpu.memory_space<hbm>> -> memref<40xi32, #tpu.memory_space<hbm>>
      tpu.wait_dma2 semaphore(%arg47 : memref<!tpu.dma_semaphore, #tpu.memory_space<semaphore_mem>>) src(%dma_wait3A_620 : memref<40xi32, #tpu.memory_space<hbm>>) dst(%arg20 : memref<40xi32, #tpu.memory_space<vmem>>)
      %dma_start3A_621 = arith.constant 0 : i32
      %dma_start3A_622 = arith.constant 0 : i32
      %dma_start3A_623 = tpu.memref_slice %arg31[%dma_start3A_621, %dma_start3A_622] : memref<10240x128xf32, #tpu.memory_space<vmem_shared>> -> memref<10240x128xf32, #tpu.memory_space<vmem_shared>>
      tpu.enqueue_indirect_dma source(%arg25 : memref<40x128xf32, #tpu.memory_space<vmem>>) target(%dma_start3A_623 : memref<10240x128xf32, #tpu.memory_space<vmem_shared>>) offsets(%arg20 : memref<40xi32, #tpu.memory_space<vmem>>) semaphore(%arg57 : memref<!tpu.dma_semaphore, #tpu.memory_space<semaphore_mem>>) {add = true}
      %ge3A_624 = arith.constant 1 : i32
      %ge3A_625 = arith.cmpi sge, %add3A_589, %ge3A_624 : i32
      %add3A_626 = arith.constant 10 : i32
      %add3A_627 = arith.addi %add3A_589, %add3A_626 : i32
      %sub3A_628 = arith.constant 1 : i32
      %sub3A_629 = arith.subi %add3A_627, %sub3A_628 : i32
      %lt3A_630 = arith.constant 250 : i32
      %lt3A_631 = arith.cmpi slt, %sub3A_629, %lt3A_630 : i32
      %and3A_632 = arith.andi %ge3A_625, %lt3A_631 : i1
      %convert_element_type3A_633 = arith.extui %and3A_632 : i1 to i32
      %cond3A_634 = arith.constant 0 : i32
      %cond3A_635 = arith.cmpi ne, %convert_element_type3A_633, %cond3A_634 : i32
      scf.if %cond3A_635 {
        %add3A_845 = arith.constant 10 : i32
        %add3A_846 = arith.addi %add3A_589, %add3A_845 : i32
        %sub3A_847 = arith.constant 1 : i32
        %sub3A_848 = arith.subi %add3A_846, %sub3A_847 : i32
        %mul3A_849 = arith.constant 40 : i32
        %mul3A_850 = arith.muli %sub3A_848, %mul3A_849 : i32
        %add3A_851 = arith.addi %mul3A_2, %mul3A_850 : i32
        %dma_start3A_852 = tpu.memref_slice %arg3[%add3A_851] : memref<640000xi32, #tpu.memory_space<hbm>> -> memref<40xi32, #tpu.memory_space<hbm>>
        %dma_start3A_853 = tpu.memref_slice %arg3[%add3A_851] : memref<640000xi32, #tpu.memory_space<hbm>> -> memref<40xi32, #tpu.memory_space<hbm>>
        tpu.enqueue_dma source(%dma_start3A_853 : memref<40xi32, #tpu.memory_space<hbm>>) target(%arg9 : memref<40xi32, #tpu.memory_space<vmem>>) target_semaphore(%arg36 : memref<!tpu.dma_semaphore, #tpu.memory_space<semaphore_mem>>)
        %add3A_854 = arith.constant 10 : i32
        %add3A_855 = arith.addi %add3A_589, %add3A_854 : i32
        %sub3A_856 = arith.constant 1 : i32
        %sub3A_857 = arith.subi %add3A_855, %sub3A_856 : i32
        %add3A_858 = arith.constant 320000 : i32
        %add3A_859 = arith.addi %add3A_858, %mul3A_2 : i32
        %mul3A_860 = arith.constant 40 : i32
        %mul3A_861 = arith.muli %sub3A_857, %mul3A_860 : i32
        %add3A_862 = arith.addi %add3A_859, %mul3A_861 : i32
        %dma_start3A_863 = tpu.memref_slice %arg3[%add3A_862] : memref<640000xi32, #tpu.memory_space<hbm>> -> memref<40xi32, #tpu.memory_space<hbm>>
        %dma_start3A_864 = tpu.memref_slice %arg3[%add3A_862] : memref<640000xi32, #tpu.memory_space<hbm>> -> memref<40xi32, #tpu.memory_space<hbm>>
        tpu.enqueue_dma source(%dma_start3A_864 : memref<40xi32, #tpu.memory_space<hbm>>) target(%arg19 : memref<40xi32, #tpu.memory_space<vmem>>) target_semaphore(%arg46 : memref<!tpu.dma_semaphore, #tpu.memory_space<semaphore_mem>>)
      } else {
      }
      %mul3A_636 = arith.constant 10 : i32
      %mul3A_637 = arith.muli %scan3A_328, %mul3A_636 : i32
      %add3A_638 = arith.constant 5 : i32
      %add3A_639 = arith.addi %mul3A_637, %add3A_638 : i32
      %add3A_640 = arith.constant 1 : i32
      %add3A_641 = arith.addi %add3A_639, %add3A_640 : i32
      %add3A_642 = arith.constant 5 : i32
      %add3A_643 = arith.addi %add3A_641, %add3A_642 : i32
      %sub3A_644 = arith.constant 1 : i32
      %sub3A_645 = arith.subi %add3A_643, %sub3A_644 : i32
      %lt3A_646 = arith.constant 250 : i32
      %lt3A_647 = arith.cmpi slt, %sub3A_645, %lt3A_646 : i32
      %ge3A_648 = arith.constant 1 : i32
      %ge3A_649 = arith.cmpi sge, %add3A_641, %ge3A_648 : i32
      %and3A_650 = arith.andi %lt3A_647, %ge3A_649 : i1
      %convert_element_type3A_651 = arith.extui %and3A_650 : i1 to i32
      %cond3A_652 = arith.constant 0 : i32
      %cond3A_653 = arith.cmpi ne, %convert_element_type3A_651, %cond3A_652 : i32
      scf.if %cond3A_653 {
        %dma_wait3A_845 = arith.constant 0 : i32
        %dma_wait3A_846 = arith.constant 0 : i32
        %dma_wait3A_847 = tpu.memref_slice %arg31[%dma_wait3A_845, %dma_wait3A_846] : memref<10240x128xf32, #tpu.memory_space<vmem_shared>> -> memref<10240x128xf32, #tpu.memory_space<vmem_shared>>
        tpu.wait_indirect_dma semaphore(%arg57 : memref<!tpu.dma_semaphore, #tpu.memory_space<semaphore_mem>>) src(%arg25 : memref<40x128xf32, #tpu.memory_space<vmem>>) dst(%dma_wait3A_847 : memref<10240x128xf32, #tpu.memory_space<vmem_shared>>)
      } else {
      }
      %add3A_654 = arith.constant 5 : i32
      %add3A_655 = arith.addi %add3A_641, %add3A_654 : i32
      %sub3A_656 = arith.constant 1 : i32
      %sub3A_657 = arith.subi %add3A_655, %sub3A_656 : i32
      %lt3A_658 = arith.constant 250 : i32
      %lt3A_659 = arith.cmpi slt, %sub3A_657, %lt3A_658 : i32
      %convert_element_type3A_660 = arith.extui %lt3A_659 : i1 to i32
      %cond3A_661 = arith.constant 0 : i32
      %cond3A_662 = arith.cmpi ne, %convert_element_type3A_660, %cond3A_661 : i32
      scf.if %cond3A_662 {
        %add3A_845 = arith.constant 5 : i32
        %add3A_846 = arith.addi %add3A_641, %add3A_845 : i32
        %sub3A_847 = arith.constant 1 : i32
        %sub3A_848 = arith.subi %add3A_846, %sub3A_847 : i32
        %mul3A_849 = arith.constant 40 : i32
        %mul3A_850 = arith.muli %sub3A_848, %mul3A_849 : i32
        %add3A_851 = arith.addi %mul3A_2, %mul3A_850 : i32
        %dma_wait3A_852 = tpu.memref_slice %arg3[%add3A_851] : memref<640000xi32, #tpu.memory_space<hbm>> -> memref<40xi32, #tpu.memory_space<hbm>>
        %dma_wait3A_853 = tpu.memref_slice %arg3[%add3A_851] : memref<640000xi32, #tpu.memory_space<hbm>> -> memref<40xi32, #tpu.memory_space<hbm>>
        tpu.wait_dma2 semaphore(%arg32 : memref<!tpu.dma_semaphore, #tpu.memory_space<semaphore_mem>>) src(%dma_wait3A_853 : memref<40xi32, #tpu.memory_space<hbm>>) dst(%arg5 : memref<40xi32, #tpu.memory_space<vmem>>)
        %dma_start3A_854 = arith.constant 0 : i32
        %dma_start3A_855 = arith.constant 0 : i32
        %dma_start3A_856 = tpu.memref_slice %arg2[%dma_start3A_854, %dma_start3A_855] : memref<10000x128xf32, #tpu.memory_space<hbm>> -> memref<10000x128xf32, #tpu.memory_space<hbm>>
        tpu.enqueue_indirect_dma source(%dma_start3A_856 : memref<10000x128xf32, #tpu.memory_space<hbm>>) target(%arg25 : memref<40x128xf32, #tpu.memory_space<vmem>>) offsets(%arg5 : memref<40xi32, #tpu.memory_space<vmem>>) semaphore(%arg52 : memref<!tpu.dma_semaphore, #tpu.memory_space<semaphore_mem>>)
      } else {
      }
      %dma_wait3A_663 = arith.constant 0 : i32
      %dma_wait3A_664 = arith.constant 0 : i32
      %dma_wait3A_665 = tpu.memref_slice %arg2[%dma_wait3A_663, %dma_wait3A_664] : memref<10000x128xf32, #tpu.memory_space<hbm>> -> memref<10000x128xf32, #tpu.memory_space<hbm>>
      tpu.wait_indirect_dma semaphore(%arg53 : memref<!tpu.dma_semaphore, #tpu.memory_space<semaphore_mem>>) src(%dma_wait3A_665 : memref<10000x128xf32, #tpu.memory_space<hbm>>) dst(%arg26 : memref<40x128xf32, #tpu.memory_space<vmem>>)
      %add3A_666 = arith.constant 320000 : i32
      %add3A_667 = arith.addi %add3A_666, %mul3A_2 : i32
      %mul3A_668 = arith.constant 40 : i32
      %mul3A_669 = arith.muli %add3A_641, %mul3A_668 : i32
      %add3A_670 = arith.addi %add3A_667, %mul3A_669 : i32
      %dma_wait3A_671 = tpu.memref_slice %arg3[%add3A_670] : memref<640000xi32, #tpu.memory_space<hbm>> -> memref<40xi32, #tpu.memory_space<hbm>>
      %dma_wait3A_672 = tpu.memref_slice %arg3[%add3A_670] : memref<640000xi32, #tpu.memory_space<hbm>> -> memref<40xi32, #tpu.memory_space<hbm>>
      tpu.wait_dma2 semaphore(%arg48 : memref<!tpu.dma_semaphore, #tpu.memory_space<semaphore_mem>>) src(%dma_wait3A_672 : memref<40xi32, #tpu.memory_space<hbm>>) dst(%arg21 : memref<40xi32, #tpu.memory_space<vmem>>)
      %dma_start3A_673 = arith.constant 0 : i32
      %dma_start3A_674 = arith.constant 0 : i32
      %dma_start3A_675 = tpu.memref_slice %arg31[%dma_start3A_673, %dma_start3A_674] : memref<10240x128xf32, #tpu.memory_space<vmem_shared>> -> memref<10240x128xf32, #tpu.memory_space<vmem_shared>>
      tpu.enqueue_indirect_dma source(%arg26 : memref<40x128xf32, #tpu.memory_space<vmem>>) target(%dma_start3A_675 : memref<10240x128xf32, #tpu.memory_space<vmem_shared>>) offsets(%arg21 : memref<40xi32, #tpu.memory_space<vmem>>) semaphore(%arg58 : memref<!tpu.dma_semaphore, #tpu.memory_space<semaphore_mem>>) {add = true}
      %ge3A_676 = arith.constant 1 : i32
      %ge3A_677 = arith.cmpi sge, %add3A_641, %ge3A_676 : i32
      %add3A_678 = arith.constant 10 : i32
      %add3A_679 = arith.addi %add3A_641, %add3A_678 : i32
      %sub3A_680 = arith.constant 1 : i32
      %sub3A_681 = arith.subi %add3A_679, %sub3A_680 : i32
      %lt3A_682 = arith.constant 250 : i32
      %lt3A_683 = arith.cmpi slt, %sub3A_681, %lt3A_682 : i32
      %and3A_684 = arith.andi %ge3A_677, %lt3A_683 : i1
      %convert_element_type3A_685 = arith.extui %and3A_684 : i1 to i32
      %cond3A_686 = arith.constant 0 : i32
      %cond3A_687 = arith.cmpi ne, %convert_element_type3A_685, %cond3A_686 : i32
      scf.if %cond3A_687 {
        %add3A_845 = arith.constant 10 : i32
        %add3A_846 = arith.addi %add3A_641, %add3A_845 : i32
        %sub3A_847 = arith.constant 1 : i32
        %sub3A_848 = arith.subi %add3A_846, %sub3A_847 : i32
        %mul3A_849 = arith.constant 40 : i32
        %mul3A_850 = arith.muli %sub3A_848, %mul3A_849 : i32
        %add3A_851 = arith.addi %mul3A_2, %mul3A_850 : i32
        %dma_start3A_852 = tpu.memref_slice %arg3[%add3A_851] : memref<640000xi32, #tpu.memory_space<hbm>> -> memref<40xi32, #tpu.memory_space<hbm>>
        %dma_start3A_853 = tpu.memref_slice %arg3[%add3A_851] : memref<640000xi32, #tpu.memory_space<hbm>> -> memref<40xi32, #tpu.memory_space<hbm>>
        tpu.enqueue_dma source(%dma_start3A_853 : memref<40xi32, #tpu.memory_space<hbm>>) target(%arg10 : memref<40xi32, #tpu.memory_space<vmem>>) target_semaphore(%arg37 : memref<!tpu.dma_semaphore, #tpu.memory_space<semaphore_mem>>)
        %add3A_854 = arith.constant 10 : i32
        %add3A_855 = arith.addi %add3A_641, %add3A_854 : i32
        %sub3A_856 = arith.constant 1 : i32
        %sub3A_857 = arith.subi %add3A_855, %sub3A_856 : i32
        %add3A_858 = arith.constant 320000 : i32
        %add3A_859 = arith.addi %add3A_858, %mul3A_2 : i32
        %mul3A_860 = arith.constant 40 : i32
        %mul3A_861 = arith.muli %sub3A_857, %mul3A_860 : i32
        %add3A_862 = arith.addi %add3A_859, %mul3A_861 : i32
        %dma_start3A_863 = tpu.memref_slice %arg3[%add3A_862] : memref<640000xi32, #tpu.memory_space<hbm>> -> memref<40xi32, #tpu.memory_space<hbm>>
        %dma_start3A_864 = tpu.memref_slice %arg3[%add3A_862] : memref<640000xi32, #tpu.memory_space<hbm>> -> memref<40xi32, #tpu.memory_space<hbm>>
        tpu.enqueue_dma source(%dma_start3A_864 : memref<40xi32, #tpu.memory_space<hbm>>) target(%arg20 : memref<40xi32, #tpu.memory_space<vmem>>) target_semaphore(%arg47 : memref<!tpu.dma_semaphore, #tpu.memory_space<semaphore_mem>>)
      } else {
      }
      %mul3A_688 = arith.constant 10 : i32
      %mul3A_689 = arith.muli %scan3A_328, %mul3A_688 : i32
      %add3A_690 = arith.constant 5 : i32
      %add3A_691 = arith.addi %mul3A_689, %add3A_690 : i32
      %add3A_692 = arith.constant 2 : i32
      %add3A_693 = arith.addi %add3A_691, %add3A_692 : i32
      %add3A_694 = arith.constant 5 : i32
      %add3A_695 = arith.addi %add3A_693, %add3A_694 : i32
      %sub3A_696 = arith.constant 1 : i32
      %sub3A_697 = arith.subi %add3A_695, %sub3A_696 : i32
      %lt3A_698 = arith.constant 250 : i32
      %lt3A_699 = arith.cmpi slt, %sub3A_697, %lt3A_698 : i32
      %ge3A_700 = arith.constant 1 : i32
      %ge3A_701 = arith.cmpi sge, %add3A_693, %ge3A_700 : i32
      %and3A_702 = arith.andi %lt3A_699, %ge3A_701 : i1
      %convert_element_type3A_703 = arith.extui %and3A_702 : i1 to i32
      %cond3A_704 = arith.constant 0 : i32
      %cond3A_705 = arith.cmpi ne, %convert_element_type3A_703, %cond3A_704 : i32
      scf.if %cond3A_705 {
        %dma_wait3A_845 = arith.constant 0 : i32
        %dma_wait3A_846 = arith.constant 0 : i32
        %dma_wait3A_847 = tpu.memref_slice %arg31[%dma_wait3A_845, %dma_wait3A_846] : memref<10240x128xf32, #tpu.memory_space<vmem_shared>> -> memref<10240x128xf32, #tpu.memory_space<vmem_shared>>
        tpu.wait_indirect_dma semaphore(%arg58 : memref<!tpu.dma_semaphore, #tpu.memory_space<semaphore_mem>>) src(%arg26 : memref<40x128xf32, #tpu.memory_space<vmem>>) dst(%dma_wait3A_847 : memref<10240x128xf32, #tpu.memory_space<vmem_shared>>)
      } else {
      }
      %add3A_706 = arith.constant 5 : i32
      %add3A_707 = arith.addi %add3A_693, %add3A_706 : i32
      %sub3A_708 = arith.constant 1 : i32
      %sub3A_709 = arith.subi %add3A_707, %sub3A_708 : i32
      %lt3A_710 = arith.constant 250 : i32
      %lt3A_711 = arith.cmpi slt, %sub3A_709, %lt3A_710 : i32
      %convert_element_type3A_712 = arith.extui %lt3A_711 : i1 to i32
      %cond3A_713 = arith.constant 0 : i32
      %cond3A_714 = arith.cmpi ne, %convert_element_type3A_712, %cond3A_713 : i32
      scf.if %cond3A_714 {
        %add3A_845 = arith.constant 5 : i32
        %add3A_846 = arith.addi %add3A_693, %add3A_845 : i32
        %sub3A_847 = arith.constant 1 : i32
        %sub3A_848 = arith.subi %add3A_846, %sub3A_847 : i32
        %mul3A_849 = arith.constant 40 : i32
        %mul3A_850 = arith.muli %sub3A_848, %mul3A_849 : i32
        %add3A_851 = arith.addi %mul3A_2, %mul3A_850 : i32
        %dma_wait3A_852 = tpu.memref_slice %arg3[%add3A_851] : memref<640000xi32, #tpu.memory_space<hbm>> -> memref<40xi32, #tpu.memory_space<hbm>>
        %dma_wait3A_853 = tpu.memref_slice %arg3[%add3A_851] : memref<640000xi32, #tpu.memory_space<hbm>> -> memref<40xi32, #tpu.memory_space<hbm>>
        tpu.wait_dma2 semaphore(%arg33 : memref<!tpu.dma_semaphore, #tpu.memory_space<semaphore_mem>>) src(%dma_wait3A_853 : memref<40xi32, #tpu.memory_space<hbm>>) dst(%arg6 : memref<40xi32, #tpu.memory_space<vmem>>)
        %dma_start3A_854 = arith.constant 0 : i32
        %dma_start3A_855 = arith.constant 0 : i32
        %dma_start3A_856 = tpu.memref_slice %arg2[%dma_start3A_854, %dma_start3A_855] : memref<10000x128xf32, #tpu.memory_space<hbm>> -> memref<10000x128xf32, #tpu.memory_space<hbm>>
        tpu.enqueue_indirect_dma source(%dma_start3A_856 : memref<10000x128xf32, #tpu.memory_space<hbm>>) target(%arg26 : memref<40x128xf32, #tpu.memory_space<vmem>>) offsets(%arg6 : memref<40xi32, #tpu.memory_space<vmem>>) semaphore(%arg53 : memref<!tpu.dma_semaphore, #tpu.memory_space<semaphore_mem>>)
      } else {
      }
      %dma_wait3A_715 = arith.constant 0 : i32
      %dma_wait3A_716 = arith.constant 0 : i32
      %dma_wait3A_717 = tpu.memref_slice %arg2[%dma_wait3A_715, %dma_wait3A_716] : memref<10000x128xf32, #tpu.memory_space<hbm>> -> memref<10000x128xf32, #tpu.memory_space<hbm>>
      tpu.wait_indirect_dma semaphore(%arg54 : memref<!tpu.dma_semaphore, #tpu.memory_space<semaphore_mem>>) src(%dma_wait3A_717 : memref<10000x128xf32, #tpu.memory_space<hbm>>) dst(%arg27 : memref<40x128xf32, #tpu.memory_space<vmem>>)
      %add3A_718 = arith.constant 320000 : i32
      %add3A_719 = arith.addi %add3A_718, %mul3A_2 : i32
      %mul3A_720 = arith.constant 40 : i32
      %mul3A_721 = arith.muli %add3A_693, %mul3A_720 : i32
      %add3A_722 = arith.addi %add3A_719, %mul3A_721 : i32
      %dma_wait3A_723 = tpu.memref_slice %arg3[%add3A_722] : memref<640000xi32, #tpu.memory_space<hbm>> -> memref<40xi32, #tpu.memory_space<hbm>>
      %dma_wait3A_724 = tpu.memref_slice %arg3[%add3A_722] : memref<640000xi32, #tpu.memory_space<hbm>> -> memref<40xi32, #tpu.memory_space<hbm>>
      tpu.wait_dma2 semaphore(%arg49 : memref<!tpu.dma_semaphore, #tpu.memory_space<semaphore_mem>>) src(%dma_wait3A_724 : memref<40xi32, #tpu.memory_space<hbm>>) dst(%arg22 : memref<40xi32, #tpu.memory_space<vmem>>)
      %dma_start3A_725 = arith.constant 0 : i32
      %dma_start3A_726 = arith.constant 0 : i32
      %dma_start3A_727 = tpu.memref_slice %arg31[%dma_start3A_725, %dma_start3A_726] : memref<10240x128xf32, #tpu.memory_space<vmem_shared>> -> memref<10240x128xf32, #tpu.memory_space<vmem_shared>>
      tpu.enqueue_indirect_dma source(%arg27 : memref<40x128xf32, #tpu.memory_space<vmem>>) target(%dma_start3A_727 : memref<10240x128xf32, #tpu.memory_space<vmem_shared>>) offsets(%arg22 : memref<40xi32, #tpu.memory_space<vmem>>) semaphore(%arg59 : memref<!tpu.dma_semaphore, #tpu.memory_space<semaphore_mem>>) {add = true}
      %ge3A_728 = arith.constant 1 : i32
      %ge3A_729 = arith.cmpi sge, %add3A_693, %ge3A_728 : i32
      %add3A_730 = arith.constant 10 : i32
      %add3A_731 = arith.addi %add3A_693, %add3A_730 : i32
      %sub3A_732 = arith.constant 1 : i32
      %sub3A_733 = arith.subi %add3A_731, %sub3A_732 : i32
      %lt3A_734 = arith.constant 250 : i32
      %lt3A_735 = arith.cmpi slt, %sub3A_733, %lt3A_734 : i32
      %and3A_736 = arith.andi %ge3A_729, %lt3A_735 : i1
      %convert_element_type3A_737 = arith.extui %and3A_736 : i1 to i32
      %cond3A_738 = arith.constant 0 : i32
      %cond3A_739 = arith.cmpi ne, %convert_element_type3A_737, %cond3A_738 : i32
      scf.if %cond3A_739 {
        %add3A_845 = arith.constant 10 : i32
        %add3A_846 = arith.addi %add3A_693, %add3A_845 : i32
        %sub3A_847 = arith.constant 1 : i32
        %sub3A_848 = arith.subi %add3A_846, %sub3A_847 : i32
        %mul3A_849 = arith.constant 40 : i32
        %mul3A_850 = arith.muli %sub3A_848, %mul3A_849 : i32
        %add3A_851 = arith.addi %mul3A_2, %mul3A_850 : i32
        %dma_start3A_852 = tpu.memref_slice %arg3[%add3A_851] : memref<640000xi32, #tpu.memory_space<hbm>> -> memref<40xi32, #tpu.memory_space<hbm>>
        %dma_start3A_853 = tpu.memref_slice %arg3[%add3A_851] : memref<640000xi32, #tpu.memory_space<hbm>> -> memref<40xi32, #tpu.memory_space<hbm>>
        tpu.enqueue_dma source(%dma_start3A_853 : memref<40xi32, #tpu.memory_space<hbm>>) target(%arg11 : memref<40xi32, #tpu.memory_space<vmem>>) target_semaphore(%arg38 : memref<!tpu.dma_semaphore, #tpu.memory_space<semaphore_mem>>)
        %add3A_854 = arith.constant 10 : i32
        %add3A_855 = arith.addi %add3A_693, %add3A_854 : i32
        %sub3A_856 = arith.constant 1 : i32
        %sub3A_857 = arith.subi %add3A_855, %sub3A_856 : i32
        %add3A_858 = arith.constant 320000 : i32
        %add3A_859 = arith.addi %add3A_858, %mul3A_2 : i32
        %mul3A_860 = arith.constant 40 : i32
        %mul3A_861 = arith.muli %sub3A_857, %mul3A_860 : i32
        %add3A_862 = arith.addi %add3A_859, %mul3A_861 : i32
        %dma_start3A_863 = tpu.memref_slice %arg3[%add3A_862] : memref<640000xi32, #tpu.memory_space<hbm>> -> memref<40xi32, #tpu.memory_space<hbm>>
        %dma_start3A_864 = tpu.memref_slice %arg3[%add3A_862] : memref<640000xi32, #tpu.memory_space<hbm>> -> memref<40xi32, #tpu.memory_space<hbm>>
        tpu.enqueue_dma source(%dma_start3A_864 : memref<40xi32, #tpu.memory_space<hbm>>) target(%arg21 : memref<40xi32, #tpu.memory_space<vmem>>) target_semaphore(%arg48 : memref<!tpu.dma_semaphore, #tpu.memory_space<semaphore_mem>>)
      } else {
      }
      %mul3A_740 = arith.constant 10 : i32
      %mul3A_741 = arith.muli %scan3A_328, %mul3A_740 : i32
      %add3A_742 = arith.constant 5 : i32
      %add3A_743 = arith.addi %mul3A_741, %add3A_742 : i32
      %add3A_744 = arith.constant 3 : i32
      %add3A_745 = arith.addi %add3A_743, %add3A_744 : i32
      %add3A_746 = arith.constant 5 : i32
      %add3A_747 = arith.addi %add3A_745, %add3A_746 : i32
      %sub3A_748 = arith.constant 1 : i32
      %sub3A_749 = arith.subi %add3A_747, %sub3A_748 : i32
      %lt3A_750 = arith.constant 250 : i32
      %lt3A_751 = arith.cmpi slt, %sub3A_749, %lt3A_750 : i32
      %ge3A_752 = arith.constant 1 : i32
      %ge3A_753 = arith.cmpi sge, %add3A_745, %ge3A_752 : i32
      %and3A_754 = arith.andi %lt3A_751, %ge3A_753 : i1
      %convert_element_type3A_755 = arith.extui %and3A_754 : i1 to i32
      %cond3A_756 = arith.constant 0 : i32
      %cond3A_757 = arith.cmpi ne, %convert_element_type3A_755, %cond3A_756 : i32
      scf.if %cond3A_757 {
        %dma_wait3A_845 = arith.constant 0 : i32
        %dma_wait3A_846 = arith.constant 0 : i32
        %dma_wait3A_847 = tpu.memref_slice %arg31[%dma_wait3A_845, %dma_wait3A_846] : memref<10240x128xf32, #tpu.memory_space<vmem_shared>> -> memref<10240x128xf32, #tpu.memory_space<vmem_shared>>
        tpu.wait_indirect_dma semaphore(%arg59 : memref<!tpu.dma_semaphore, #tpu.memory_space<semaphore_mem>>) src(%arg27 : memref<40x128xf32, #tpu.memory_space<vmem>>) dst(%dma_wait3A_847 : memref<10240x128xf32, #tpu.memory_space<vmem_shared>>)
      } else {
      }
      %add3A_758 = arith.constant 5 : i32
      %add3A_759 = arith.addi %add3A_745, %add3A_758 : i32
      %sub3A_760 = arith.constant 1 : i32
      %sub3A_761 = arith.subi %add3A_759, %sub3A_760 : i32
      %lt3A_762 = arith.constant 250 : i32
      %lt3A_763 = arith.cmpi slt, %sub3A_761, %lt3A_762 : i32
      %convert_element_type3A_764 = arith.extui %lt3A_763 : i1 to i32
      %cond3A_765 = arith.constant 0 : i32
      %cond3A_766 = arith.cmpi ne, %convert_element_type3A_764, %cond3A_765 : i32
      scf.if %cond3A_766 {
        %add3A_845 = arith.constant 5 : i32
        %add3A_846 = arith.addi %add3A_745, %add3A_845 : i32
        %sub3A_847 = arith.constant 1 : i32
        %sub3A_848 = arith.subi %add3A_846, %sub3A_847 : i32
        %mul3A_849 = arith.constant 40 : i32
        %mul3A_850 = arith.muli %sub3A_848, %mul3A_849 : i32
        %add3A_851 = arith.addi %mul3A_2, %mul3A_850 : i32
        %dma_wait3A_852 = tpu.memref_slice %arg3[%add3A_851] : memref<640000xi32, #tpu.memory_space<hbm>> -> memref<40xi32, #tpu.memory_space<hbm>>
        %dma_wait3A_853 = tpu.memref_slice %arg3[%add3A_851] : memref<640000xi32, #tpu.memory_space<hbm>> -> memref<40xi32, #tpu.memory_space<hbm>>
        tpu.wait_dma2 semaphore(%arg34 : memref<!tpu.dma_semaphore, #tpu.memory_space<semaphore_mem>>) src(%dma_wait3A_853 : memref<40xi32, #tpu.memory_space<hbm>>) dst(%arg7 : memref<40xi32, #tpu.memory_space<vmem>>)
        %dma_start3A_854 = arith.constant 0 : i32
        %dma_start3A_855 = arith.constant 0 : i32
        %dma_start3A_856 = tpu.memref_slice %arg2[%dma_start3A_854, %dma_start3A_855] : memref<10000x128xf32, #tpu.memory_space<hbm>> -> memref<10000x128xf32, #tpu.memory_space<hbm>>
        tpu.enqueue_indirect_dma source(%dma_start3A_856 : memref<10000x128xf32, #tpu.memory_space<hbm>>) target(%arg27 : memref<40x128xf32, #tpu.memory_space<vmem>>) offsets(%arg7 : memref<40xi32, #tpu.memory_space<vmem>>) semaphore(%arg54 : memref<!tpu.dma_semaphore, #tpu.memory_space<semaphore_mem>>)
      } else {
      }
      %dma_wait3A_767 = arith.constant 0 : i32
      %dma_wait3A_768 = arith.constant 0 : i32
      %dma_wait3A_769 = tpu.memref_slice %arg2[%dma_wait3A_767, %dma_wait3A_768] : memref<10000x128xf32, #tpu.memory_space<hbm>> -> memref<10000x128xf32, #tpu.memory_space<hbm>>
      tpu.wait_indirect_dma semaphore(%arg55 : memref<!tpu.dma_semaphore, #tpu.memory_space<semaphore_mem>>) src(%dma_wait3A_769 : memref<10000x128xf32, #tpu.memory_space<hbm>>) dst(%arg28 : memref<40x128xf32, #tpu.memory_space<vmem>>)
      %add3A_770 = arith.constant 320000 : i32
      %add3A_771 = arith.addi %add3A_770, %mul3A_2 : i32
      %mul3A_772 = arith.constant 40 : i32
      %mul3A_773 = arith.muli %add3A_745, %mul3A_772 : i32
      %add3A_774 = arith.addi %add3A_771, %mul3A_773 : i32
      %dma_wait3A_775 = tpu.memref_slice %arg3[%add3A_774] : memref<640000xi32, #tpu.memory_space<hbm>> -> memref<40xi32, #tpu.memory_space<hbm>>
      %dma_wait3A_776 = tpu.memref_slice %arg3[%add3A_774] : memref<640000xi32, #tpu.memory_space<hbm>> -> memref<40xi32, #tpu.memory_space<hbm>>
      tpu.wait_dma2 semaphore(%arg50 : memref<!tpu.dma_semaphore, #tpu.memory_space<semaphore_mem>>) src(%dma_wait3A_776 : memref<40xi32, #tpu.memory_space<hbm>>) dst(%arg23 : memref<40xi32, #tpu.memory_space<vmem>>)
      %dma_start3A_777 = arith.constant 0 : i32
      %dma_start3A_778 = arith.constant 0 : i32
      %dma_start3A_779 = tpu.memref_slice %arg31[%dma_start3A_777, %dma_start3A_778] : memref<10240x128xf32, #tpu.memory_space<vmem_shared>> -> memref<10240x128xf32, #tpu.memory_space<vmem_shared>>
      tpu.enqueue_indirect_dma source(%arg28 : memref<40x128xf32, #tpu.memory_space<vmem>>) target(%dma_start3A_779 : memref<10240x128xf32, #tpu.memory_space<vmem_shared>>) offsets(%arg23 : memref<40xi32, #tpu.memory_space<vmem>>) semaphore(%arg60 : memref<!tpu.dma_semaphore, #tpu.memory_space<semaphore_mem>>) {add = true}
      %ge3A_780 = arith.constant 1 : i32
      %ge3A_781 = arith.cmpi sge, %add3A_745, %ge3A_780 : i32
      %add3A_782 = arith.constant 10 : i32
      %add3A_783 = arith.addi %add3A_745, %add3A_782 : i32
      %sub3A_784 = arith.constant 1 : i32
      %sub3A_785 = arith.subi %add3A_783, %sub3A_784 : i32
      %lt3A_786 = arith.constant 250 : i32
      %lt3A_787 = arith.cmpi slt, %sub3A_785, %lt3A_786 : i32
      %and3A_788 = arith.andi %ge3A_781, %lt3A_787 : i1
      %convert_element_type3A_789 = arith.extui %and3A_788 : i1 to i32
      %cond3A_790 = arith.constant 0 : i32
      %cond3A_791 = arith.cmpi ne, %convert_element_type3A_789, %cond3A_790 : i32
      scf.if %cond3A_791 {
        %add3A_845 = arith.constant 10 : i32
        %add3A_846 = arith.addi %add3A_745, %add3A_845 : i32
        %sub3A_847 = arith.constant 1 : i32
        %sub3A_848 = arith.subi %add3A_846, %sub3A_847 : i32
        %mul3A_849 = arith.constant 40 : i32
        %mul3A_850 = arith.muli %sub3A_848, %mul3A_849 : i32
        %add3A_851 = arith.addi %mul3A_2, %mul3A_850 : i32
        %dma_start3A_852 = tpu.memref_slice %arg3[%add3A_851] : memref<640000xi32, #tpu.memory_space<hbm>> -> memref<40xi32, #tpu.memory_space<hbm>>
        %dma_start3A_853 = tpu.memref_slice %arg3[%add3A_851] : memref<640000xi32, #tpu.memory_space<hbm>> -> memref<40xi32, #tpu.memory_space<hbm>>
        tpu.enqueue_dma source(%dma_start3A_853 : memref<40xi32, #tpu.memory_space<hbm>>) target(%arg12 : memref<40xi32, #tpu.memory_space<vmem>>) target_semaphore(%arg39 : memref<!tpu.dma_semaphore, #tpu.memory_space<semaphore_mem>>)
        %add3A_854 = arith.constant 10 : i32
        %add3A_855 = arith.addi %add3A_745, %add3A_854 : i32
        %sub3A_856 = arith.constant 1 : i32
        %sub3A_857 = arith.subi %add3A_855, %sub3A_856 : i32
        %add3A_858 = arith.constant 320000 : i32
        %add3A_859 = arith.addi %add3A_858, %mul3A_2 : i32
        %mul3A_860 = arith.constant 40 : i32
        %mul3A_861 = arith.muli %sub3A_857, %mul3A_860 : i32
        %add3A_862 = arith.addi %add3A_859, %mul3A_861 : i32
        %dma_start3A_863 = tpu.memref_slice %arg3[%add3A_862] : memref<640000xi32, #tpu.memory_space<hbm>> -> memref<40xi32, #tpu.memory_space<hbm>>
        %dma_start3A_864 = tpu.memref_slice %arg3[%add3A_862] : memref<640000xi32, #tpu.memory_space<hbm>> -> memref<40xi32, #tpu.memory_space<hbm>>
        tpu.enqueue_dma source(%dma_start3A_864 : memref<40xi32, #tpu.memory_space<hbm>>) target(%arg22 : memref<40xi32, #tpu.memory_space<vmem>>) target_semaphore(%arg49 : memref<!tpu.dma_semaphore, #tpu.memory_space<semaphore_mem>>)
      } else {
      }
      %mul3A_792 = arith.constant 10 : i32
      %mul3A_793 = arith.muli %scan3A_328, %mul3A_792 : i32
      %add3A_794 = arith.constant 5 : i32
      %add3A_795 = arith.addi %mul3A_793, %add3A_794 : i32
      %add3A_796 = arith.constant 4 : i32
      %add3A_797 = arith.addi %add3A_795, %add3A_796 : i32
      %add3A_798 = arith.constant 5 : i32
      %add3A_799 = arith.addi %add3A_797, %add3A_798 : i32
      %sub3A_800 = arith.constant 1 : i32
      %sub3A_801 = arith.subi %add3A_799, %sub3A_800 : i32
      %lt3A_802 = arith.constant 250 : i32
      %lt3A_803 = arith.cmpi slt, %sub3A_801, %lt3A_802 : i32
      %ge3A_804 = arith.constant 1 : i32
      %ge3A_805 = arith.cmpi sge, %add3A_797, %ge3A_804 : i32
      %and3A_806 = arith.andi %lt3A_803, %ge3A_805 : i1
      %convert_element_type3A_807 = arith.extui %and3A_806 : i1 to i32
      %cond3A_808 = arith.constant 0 : i32
      %cond3A_809 = arith.cmpi ne, %convert_element_type3A_807, %cond3A_808 : i32
      scf.if %cond3A_809 {
        %dma_wait3A_845 = arith.constant 0 : i32
        %dma_wait3A_846 = arith.constant 0 : i32
        %dma_wait3A_847 = tpu.memref_slice %arg31[%dma_wait3A_845, %dma_wait3A_846] : memref<10240x128xf32, #tpu.memory_space<vmem_shared>> -> memref<10240x128xf32, #tpu.memory_space<vmem_shared>>
        tpu.wait_indirect_dma semaphore(%arg60 : memref<!tpu.dma_semaphore, #tpu.memory_space<semaphore_mem>>) src(%arg28 : memref<40x128xf32, #tpu.memory_space<vmem>>) dst(%dma_wait3A_847 : memref<10240x128xf32, #tpu.memory_space<vmem_shared>>)
      } else {
      }
      %add3A_810 = arith.constant 5 : i32
      %add3A_811 = arith.addi %add3A_797, %add3A_810 : i32
      %sub3A_812 = arith.constant 1 : i32
      %sub3A_813 = arith.subi %add3A_811, %sub3A_812 : i32
      %lt3A_814 = arith.constant 250 : i32
      %lt3A_815 = arith.cmpi slt, %sub3A_813, %lt3A_814 : i32
      %convert_element_type3A_816 = arith.extui %lt3A_815 : i1 to i32
      %cond3A_817 = arith.constant 0 : i32
      %cond3A_818 = arith.cmpi ne, %convert_element_type3A_816, %cond3A_817 : i32
      scf.if %cond3A_818 {
        %add3A_845 = arith.constant 5 : i32
        %add3A_846 = arith.addi %add3A_797, %add3A_845 : i32
        %sub3A_847 = arith.constant 1 : i32
        %sub3A_848 = arith.subi %add3A_846, %sub3A_847 : i32
        %mul3A_849 = arith.constant 40 : i32
        %mul3A_850 = arith.muli %sub3A_848, %mul3A_849 : i32
        %add3A_851 = arith.addi %mul3A_2, %mul3A_850 : i32
        %dma_wait3A_852 = tpu.memref_slice %arg3[%add3A_851] : memref<640000xi32, #tpu.memory_space<hbm>> -> memref<40xi32, #tpu.memory_space<hbm>>
        %dma_wait3A_853 = tpu.memref_slice %arg3[%add3A_851] : memref<640000xi32, #tpu.memory_space<hbm>> -> memref<40xi32, #tpu.memory_space<hbm>>
        tpu.wait_dma2 semaphore(%arg35 : memref<!tpu.dma_semaphore, #tpu.memory_space<semaphore_mem>>) src(%dma_wait3A_853 : memref<40xi32, #tpu.memory_space<hbm>>) dst(%arg8 : memref<40xi32, #tpu.memory_space<vmem>>)
        %dma_start3A_854 = arith.constant 0 : i32
        %dma_start3A_855 = arith.constant 0 : i32
        %dma_start3A_856 = tpu.memref_slice %arg2[%dma_start3A_854, %dma_start3A_855] : memref<10000x128xf32, #tpu.memory_space<hbm>> -> memref<10000x128xf32, #tpu.memory_space<hbm>>
        tpu.enqueue_indirect_dma source(%dma_start3A_856 : memref<10000x128xf32, #tpu.memory_space<hbm>>) target(%arg28 : memref<40x128xf32, #tpu.memory_space<vmem>>) offsets(%arg8 : memref<40xi32, #tpu.memory_space<vmem>>) semaphore(%arg55 : memref<!tpu.dma_semaphore, #tpu.memory_space<semaphore_mem>>)
      } else {
      }
      %dma_wait3A_819 = arith.constant 0 : i32
      %dma_wait3A_820 = arith.constant 0 : i32
      %dma_wait3A_821 = tpu.memref_slice %arg2[%dma_wait3A_819, %dma_wait3A_820] : memref<10000x128xf32, #tpu.memory_space<hbm>> -> memref<10000x128xf32, #tpu.memory_space<hbm>>
      tpu.wait_indirect_dma semaphore(%arg56 : memref<!tpu.dma_semaphore, #tpu.memory_space<semaphore_mem>>) src(%dma_wait3A_821 : memref<10000x128xf32, #tpu.memory_space<hbm>>) dst(%arg29 : memref<40x128xf32, #tpu.memory_space<vmem>>)
      %add3A_822 = arith.constant 320000 : i32
      %add3A_823 = arith.addi %add3A_822, %mul3A_2 : i32
      %mul3A_824 = arith.constant 40 : i32
      %mul3A_825 = arith.muli %add3A_797, %mul3A_824 : i32
      %add3A_826 = arith.addi %add3A_823, %mul3A_825 : i32
      %dma_wait3A_827 = tpu.memref_slice %arg3[%add3A_826] : memref<640000xi32, #tpu.memory_space<hbm>> -> memref<40xi32, #tpu.memory_space<hbm>>
      %dma_wait3A_828 = tpu.memref_slice %arg3[%add3A_826] : memref<640000xi32, #tpu.memory_space<hbm>> -> memref<40xi32, #tpu.memory_space<hbm>>
      tpu.wait_dma2 semaphore(%arg51 : memref<!tpu.dma_semaphore, #tpu.memory_space<semaphore_mem>>) src(%dma_wait3A_828 : memref<40xi32, #tpu.memory_space<hbm>>) dst(%arg24 : memref<40xi32, #tpu.memory_space<vmem>>)
      %dma_start3A_829 = arith.constant 0 : i32
      %dma_start3A_830 = arith.constant 0 : i32
      %dma_start3A_831 = tpu.memref_slice %arg31[%dma_start3A_829, %dma_start3A_830] : memref<10240x128xf32, #tpu.memory_space<vmem_shared>> -> memref<10240x128xf32, #tpu.memory_space<vmem_shared>>
      tpu.enqueue_indirect_dma source(%arg29 : memref<40x128xf32, #tpu.memory_space<vmem>>) target(%dma_start3A_831 : memref<10240x128xf32, #tpu.memory_space<vmem_shared>>) offsets(%arg24 : memref<40xi32, #tpu.memory_space<vmem>>) semaphore(%arg61 : memref<!tpu.dma_semaphore, #tpu.memory_space<semaphore_mem>>) {add = true}
      %ge3A_832 = arith.constant 1 : i32
      %ge3A_833 = arith.cmpi sge, %add3A_797, %ge3A_832 : i32
      %add3A_834 = arith.constant 10 : i32
      %add3A_835 = arith.addi %add3A_797, %add3A_834 : i32
      %sub3A_836 = arith.constant 1 : i32
      %sub3A_837 = arith.subi %add3A_835, %sub3A_836 : i32
      %lt3A_838 = arith.constant 250 : i32
      %lt3A_839 = arith.cmpi slt, %sub3A_837, %lt3A_838 : i32
      %and3A_840 = arith.andi %ge3A_833, %lt3A_839 : i1
      %convert_element_type3A_841 = arith.extui %and3A_840 : i1 to i32
      %cond3A_842 = arith.constant 0 : i32
      %cond3A_843 = arith.cmpi ne, %convert_element_type3A_841, %cond3A_842 : i32
      scf.if %cond3A_843 {
        %add3A_845 = arith.constant 10 : i32
        %add3A_846 = arith.addi %add3A_797, %add3A_845 : i32
        %sub3A_847 = arith.constant 1 : i32
        %sub3A_848 = arith.subi %add3A_846, %sub3A_847 : i32
        %mul3A_849 = arith.constant 40 : i32
        %mul3A_850 = arith.muli %sub3A_848, %mul3A_849 : i32
        %add3A_851 = arith.addi %mul3A_2, %mul3A_850 : i32
        %dma_start3A_852 = tpu.memref_slice %arg3[%add3A_851] : memref<640000xi32, #tpu.memory_space<hbm>> -> memref<40xi32, #tpu.memory_space<hbm>>
        %dma_start3A_853 = tpu.memref_slice %arg3[%add3A_851] : memref<640000xi32, #tpu.memory_space<hbm>> -> memref<40xi32, #tpu.memory_space<hbm>>
        tpu.enqueue_dma source(%dma_start3A_853 : memref<40xi32, #tpu.memory_space<hbm>>) target(%arg13 : memref<40xi32, #tpu.memory_space<vmem>>) target_semaphore(%arg40 : memref<!tpu.dma_semaphore, #tpu.memory_space<semaphore_mem>>)
        %add3A_854 = arith.constant 10 : i32
        %add3A_855 = arith.addi %add3A_797, %add3A_854 : i32
        %sub3A_856 = arith.constant 1 : i32
        %sub3A_857 = arith.subi %add3A_855, %sub3A_856 : i32
        %add3A_858 = arith.constant 320000 : i32
        %add3A_859 = arith.addi %add3A_858, %mul3A_2 : i32
        %mul3A_860 = arith.constant 40 : i32
        %mul3A_861 = arith.muli %sub3A_857, %mul3A_860 : i32
        %add3A_862 = arith.addi %add3A_859, %mul3A_861 : i32
        %dma_start3A_863 = tpu.memref_slice %arg3[%add3A_862] : memref<640000xi32, #tpu.memory_space<hbm>> -> memref<40xi32, #tpu.memory_space<hbm>>
        %dma_start3A_864 = tpu.memref_slice %arg3[%add3A_862] : memref<640000xi32, #tpu.memory_space<hbm>> -> memref<40xi32, #tpu.memory_space<hbm>>
        tpu.enqueue_dma source(%dma_start3A_864 : memref<40xi32, #tpu.memory_space<hbm>>) target(%arg23 : memref<40xi32, #tpu.memory_space<vmem>>) target_semaphore(%arg50 : memref<!tpu.dma_semaphore, #tpu.memory_space<semaphore_mem>>)
      } else {
      }
      %scan3A_844 = arith.constant 0 : i32
      scf.yield %scan3A_844 : i32
    }
    %scan3A_221 = arith.constant 25 : i32
    %dma_wait3A_222 = arith.constant 0 : i32
    %dma_wait3A_223 = arith.constant 0 : i32
    %dma_wait3A_224 = tpu.memref_slice %arg31[%dma_wait3A_222, %dma_wait3A_223] : memref<10240x128xf32, #tpu.memory_space<vmem_shared>> -> memref<10240x128xf32, #tpu.memory_space<vmem_shared>>
    tpu.wait_indirect_dma semaphore(%arg57 : memref<!tpu.dma_semaphore, #tpu.memory_space<semaphore_mem>>) src(%arg25 : memref<40x128xf32, #tpu.memory_space<vmem>>) dst(%dma_wait3A_224 : memref<10240x128xf32, #tpu.memory_space<vmem_shared>>)
    %dma_wait3A_225 = arith.constant 0 : i32
    %dma_wait3A_226 = arith.constant 0 : i32
    %dma_wait3A_227 = tpu.memref_slice %arg31[%dma_wait3A_225, %dma_wait3A_226] : memref<10240x128xf32, #tpu.memory_space<vmem_shared>> -> memref<10240x128xf32, #tpu.memory_space<vmem_shared>>
    tpu.wait_indirect_dma semaphore(%arg58 : memref<!tpu.dma_semaphore, #tpu.memory_space<semaphore_mem>>) src(%arg26 : memref<40x128xf32, #tpu.memory_space<vmem>>) dst(%dma_wait3A_227 : memref<10240x128xf32, #tpu.memory_space<vmem_shared>>)
    %dma_wait3A_228 = arith.constant 0 : i32
    %dma_wait3A_229 = arith.constant 0 : i32
    %dma_wait3A_230 = tpu.memref_slice %arg31[%dma_wait3A_228, %dma_wait3A_229] : memref<10240x128xf32, #tpu.memory_space<vmem_shared>> -> memref<10240x128xf32, #tpu.memory_space<vmem_shared>>
    tpu.wait_indirect_dma semaphore(%arg59 : memref<!tpu.dma_semaphore, #tpu.memory_space<semaphore_mem>>) src(%arg27 : memref<40x128xf32, #tpu.memory_space<vmem>>) dst(%dma_wait3A_230 : memref<10240x128xf32, #tpu.memory_space<vmem_shared>>)
    %dma_wait3A_231 = arith.constant 0 : i32
    %dma_wait3A_232 = arith.constant 0 : i32
    %dma_wait3A_233 = tpu.memref_slice %arg31[%dma_wait3A_231, %dma_wait3A_232] : memref<10240x128xf32, #tpu.memory_space<vmem_shared>> -> memref<10240x128xf32, #tpu.memory_space<vmem_shared>>
    tpu.wait_indirect_dma semaphore(%arg60 : memref<!tpu.dma_semaphore, #tpu.memory_space<semaphore_mem>>) src(%arg28 : memref<40x128xf32, #tpu.memory_space<vmem>>) dst(%dma_wait3A_233 : memref<10240x128xf32, #tpu.memory_space<vmem_shared>>)
    %dma_wait3A_234 = arith.constant 0 : i32
    %dma_wait3A_235 = arith.constant 0 : i32
    %dma_wait3A_236 = tpu.memref_slice %arg31[%dma_wait3A_234, %dma_wait3A_235] : memref<10240x128xf32, #tpu.memory_space<vmem_shared>> -> memref<10240x128xf32, #tpu.memory_space<vmem_shared>>
    tpu.wait_indirect_dma semaphore(%arg61 : memref<!tpu.dma_semaphore, #tpu.memory_space<semaphore_mem>>) src(%arg29 : memref<40x128xf32, #tpu.memory_space<vmem>>) dst(%dma_wait3A_236 : memref<10240x128xf32, #tpu.memory_space<vmem_shared>>)
    %barrier3A_237 = arith.constant 0 : index
    tpu.barrier barrier_id(%barrier3A_237)
    %mul3A_238 = arith.constant 640 : i32
    %mul3A_239 = arith.muli %arg1, %mul3A_238 : i32
    %add3A_240 = arith.constant 0 : i32
    %add3A_241 = arith.addi %mul3A_239, %add3A_240 : i32
    %dma_start3A_242 = arith.constant 0 : i32
    %dma_start3A_243 = tpu.memref_slice %arg4[%arg0, %add3A_241, %dma_start3A_242] : memref<2x10240x128xf32, #tpu.memory_space<hbm>> -> memref<1x128x128xf32, #tpu.memory_space<hbm>>
    %dma_start3A_244 = tpu.memref_squeeze %dma_start3A_243 : memref<1x128x128xf32, #tpu.memory_space<hbm>> -> memref<128x128xf32, #tpu.memory_space<hbm>>
    %dma_start3A_245 = arith.constant 0 : i32
    %dma_start3A_246 = tpu.memref_slice %arg31[%add3A_241, %dma_start3A_245] : memref<10240x128xf32, #tpu.memory_space<vmem_shared>> -> memref<128x128xf32, #tpu.memory_space<vmem_shared>>
    tpu.enqueue_dma source(%dma_start3A_246 : memref<128x128xf32, #tpu.memory_space<vmem_shared>>) target(%dma_start3A_244 : memref<128x128xf32, #tpu.memory_space<hbm>>) target_semaphore(%arg57 : memref<!tpu.dma_semaphore, #tpu.memory_space<semaphore_mem>>)
    %mul3A_247 = arith.constant 640 : i32
    %mul3A_248 = arith.muli %arg1, %mul3A_247 : i32
    %add3A_249 = arith.constant 128 : i32
    %add3A_250 = arith.addi %mul3A_248, %add3A_249 : i32
    %dma_start3A_251 = arith.constant 0 : i32
    %dma_start3A_252 = tpu.memref_slice %arg4[%arg0, %add3A_250, %dma_start3A_251] : memref<2x10240x128xf32, #tpu.memory_space<hbm>> -> memref<1x128x128xf32, #tpu.memory_space<hbm>>
    %dma_start3A_253 = tpu.memref_squeeze %dma_start3A_252 : memref<1x128x128xf32, #tpu.memory_space<hbm>> -> memref<128x128xf32, #tpu.memory_space<hbm>>
    %dma_start3A_254 = arith.constant 0 : i32
    %dma_start3A_255 = tpu.memref_slice %arg31[%add3A_250, %dma_start3A_254] : memref<10240x128xf32, #tpu.memory_space<vmem_shared>> -> memref<128x128xf32, #tpu.memory_space<vmem_shared>>
    tpu.enqueue_dma source(%dma_start3A_255 : memref<128x128xf32, #tpu.memory_space<vmem_shared>>) target(%dma_start3A_253 : memref<128x128xf32, #tpu.memory_space<hbm>>) target_semaphore(%arg58 : memref<!tpu.dma_semaphore, #tpu.memory_space<semaphore_mem>>)
    %mul3A_256 = arith.constant 640 : i32
    %mul3A_257 = arith.muli %arg1, %mul3A_256 : i32
    %add3A_258 = arith.constant 256 : i32
    %add3A_259 = arith.addi %mul3A_257, %add3A_258 : i32
    %dma_start3A_260 = arith.constant 0 : i32
    %dma_start3A_261 = tpu.memref_slice %arg4[%arg0, %add3A_259, %dma_start3A_260] : memref<2x10240x128xf32, #tpu.memory_space<hbm>> -> memref<1x128x128xf32, #tpu.memory_space<hbm>>
    %dma_start3A_262 = tpu.memref_squeeze %dma_start3A_261 : memref<1x128x128xf32, #tpu.memory_space<hbm>> -> memref<128x128xf32, #tpu.memory_space<hbm>>
    %dma_start3A_263 = arith.constant 0 : i32
    %dma_start3A_264 = tpu.memref_slice %arg31[%add3A_259, %dma_start3A_263] : memref<10240x128xf32, #tpu.memory_space<vmem_shared>> -> memref<128x128xf32, #tpu.memory_space<vmem_shared>>
    tpu.enqueue_dma source(%dma_start3A_264 : memref<128x128xf32, #tpu.memory_space<vmem_shared>>) target(%dma_start3A_262 : memref<128x128xf32, #tpu.memory_space<hbm>>) target_semaphore(%arg59 : memref<!tpu.dma_semaphore, #tpu.memory_space<semaphore_mem>>)
    %mul3A_265 = arith.constant 640 : i32
    %mul3A_266 = arith.muli %arg1, %mul3A_265 : i32
    %add3A_267 = arith.constant 384 : i32
    %add3A_268 = arith.addi %mul3A_266, %add3A_267 : i32
    %dma_start3A_269 = arith.constant 0 : i32
    %dma_start3A_270 = tpu.memref_slice %arg4[%arg0, %add3A_268, %dma_start3A_269] : memref<2x10240x128xf32, #tpu.memory_space<hbm>> -> memref<1x128x128xf32, #tpu.memory_space<hbm>>
    %dma_start3A_271 = tpu.memref_squeeze %dma_start3A_270 : memref<1x128x128xf32, #tpu.memory_space<hbm>> -> memref<128x128xf32, #tpu.memory_space<hbm>>
    %dma_start3A_272 = arith.constant 0 : i32
    %dma_start3A_273 = tpu.memref_slice %arg31[%add3A_268, %dma_start3A_272] : memref<10240x128xf32, #tpu.memory_space<vmem_shared>> -> memref<128x128xf32, #tpu.memory_space<vmem_shared>>
    tpu.enqueue_dma source(%dma_start3A_273 : memref<128x128xf32, #tpu.memory_space<vmem_shared>>) target(%dma_start3A_271 : memref<128x128xf32, #tpu.memory_space<hbm>>) target_semaphore(%arg60 : memref<!tpu.dma_semaphore, #tpu.memory_space<semaphore_mem>>)
    %mul3A_274 = arith.constant 640 : i32
    %mul3A_275 = arith.muli %arg1, %mul3A_274 : i32
    %add3A_276 = arith.constant 512 : i32
    %add3A_277 = arith.addi %mul3A_275, %add3A_276 : i32
    %dma_start3A_278 = arith.constant 0 : i32
    %dma_start3A_279 = tpu.memref_slice %arg4[%arg0, %add3A_277, %dma_start3A_278] : memref<2x10240x128xf32, #tpu.memory_space<hbm>> -> memref<1x128x128xf32, #tpu.memory_space<hbm>>
    %dma_start3A_280 = tpu.memref_squeeze %dma_start3A_279 : memref<1x128x128xf32, #tpu.memory_space<hbm>> -> memref<128x128xf32, #tpu.memory_space<hbm>>
    %dma_start3A_281 = arith.constant 0 : i32
    %dma_start3A_282 = tpu.memref_slice %arg31[%add3A_277, %dma_start3A_281] : memref<10240x128xf32, #tpu.memory_space<vmem_shared>> -> memref<128x128xf32, #tpu.memory_space<vmem_shared>>
    tpu.enqueue_dma source(%dma_start3A_282 : memref<128x128xf32, #tpu.memory_space<vmem_shared>>) target(%dma_start3A_280 : memref<128x128xf32, #tpu.memory_space<hbm>>) target_semaphore(%arg61 : memref<!tpu.dma_semaphore, #tpu.memory_space<semaphore_mem>>)
    %mul3A_283 = arith.constant 640 : i32
    %mul3A_284 = arith.muli %arg1, %mul3A_283 : i32
    %add3A_285 = arith.constant 0 : i32
    %add3A_286 = arith.addi %mul3A_284, %add3A_285 : i32
    %dma_wait3A_287 = arith.constant 0 : i32
    %dma_wait3A_288 = tpu.memref_slice %arg4[%arg0, %add3A_286, %dma_wait3A_287] : memref<2x10240x128xf32, #tpu.memory_space<hbm>> -> memref<1x128x128xf32, #tpu.memory_space<hbm>>
    %dma_wait3A_289 = tpu.memref_squeeze %dma_wait3A_288 : memref<1x128x128xf32, #tpu.memory_space<hbm>> -> memref<128x128xf32, #tpu.memory_space<hbm>>
    %dma_wait3A_290 = arith.constant 0 : i32
    %dma_wait3A_291 = tpu.memref_slice %arg31[%add3A_286, %dma_wait3A_290] : memref<10240x128xf32, #tpu.memory_space<vmem_shared>> -> memref<128x128xf32, #tpu.memory_space<vmem_shared>>
    tpu.wait_dma2 semaphore(%arg57 : memref<!tpu.dma_semaphore, #tpu.memory_space<semaphore_mem>>) src(%dma_wait3A_291 : memref<128x128xf32, #tpu.memory_space<vmem_shared>>) dst(%dma_wait3A_289 : memref<128x128xf32, #tpu.memory_space<hbm>>)
    %mul3A_292 = arith.constant 640 : i32
    %mul3A_293 = arith.muli %arg1, %mul3A_292 : i32
    %add3A_294 = arith.constant 128 : i32
    %add3A_295 = arith.addi %mul3A_293, %add3A_294 : i32
    %dma_wait3A_296 = arith.constant 0 : i32
    %dma_wait3A_297 = tpu.memref_slice %arg4[%arg0, %add3A_295, %dma_wait3A_296] : memref<2x10240x128xf32, #tpu.memory_space<hbm>> -> memref<1x128x128xf32, #tpu.memory_space<hbm>>
    %dma_wait3A_298 = tpu.memref_squeeze %dma_wait3A_297 : memref<1x128x128xf32, #tpu.memory_space<hbm>> -> memref<128x128xf32, #tpu.memory_space<hbm>>
    %dma_wait3A_299 = arith.constant 0 : i32
    %dma_wait3A_300 = tpu.memref_slice %arg31[%add3A_295, %dma_wait3A_299] : memref<10240x128xf32, #tpu.memory_space<vmem_shared>> -> memref<128x128xf32, #tpu.memory_space<vmem_shared>>
    tpu.wait_dma2 semaphore(%arg58 : memref<!tpu.dma_semaphore, #tpu.memory_space<semaphore_mem>>) src(%dma_wait3A_300 : memref<128x128xf32, #tpu.memory_space<vmem_shared>>) dst(%dma_wait3A_298 : memref<128x128xf32, #tpu.memory_space<hbm>>)
    %mul3A_301 = arith.constant 640 : i32
    %mul3A_302 = arith.muli %arg1, %mul3A_301 : i32
    %add3A_303 = arith.constant 256 : i32
    %add3A_304 = arith.addi %mul3A_302, %add3A_303 : i32
    %dma_wait3A_305 = arith.constant 0 : i32
    %dma_wait3A_306 = tpu.memref_slice %arg4[%arg0, %add3A_304, %dma_wait3A_305] : memref<2x10240x128xf32, #tpu.memory_space<hbm>> -> memref<1x128x128xf32, #tpu.memory_space<hbm>>
    %dma_wait3A_307 = tpu.memref_squeeze %dma_wait3A_306 : memref<1x128x128xf32, #tpu.memory_space<hbm>> -> memref<128x128xf32, #tpu.memory_space<hbm>>
    %dma_wait3A_308 = arith.constant 0 : i32
    %dma_wait3A_309 = tpu.memref_slice %arg31[%add3A_304, %dma_wait3A_308] : memref<10240x128xf32, #tpu.memory_space<vmem_shared>> -> memref<128x128xf32, #tpu.memory_space<vmem_shared>>
    tpu.wait_dma2 semaphore(%arg59 : memref<!tpu.dma_semaphore, #tpu.memory_space<semaphore_mem>>) src(%dma_wait3A_309 : memref<128x128xf32, #tpu.memory_space<vmem_shared>>) dst(%dma_wait3A_307 : memref<128x128xf32, #tpu.memory_space<hbm>>)
    %mul3A_310 = arith.constant 640 : i32
    %mul3A_311 = arith.muli %arg1, %mul3A_310 : i32
    %add3A_312 = arith.constant 384 : i32
    %add3A_313 = arith.addi %mul3A_311, %add3A_312 : i32
    %dma_wait3A_314 = arith.constant 0 : i32
    %dma_wait3A_315 = tpu.memref_slice %arg4[%arg0, %add3A_313, %dma_wait3A_314] : memref<2x10240x128xf32, #tpu.memory_space<hbm>> -> memref<1x128x128xf32, #tpu.memory_space<hbm>>
    %dma_wait3A_316 = tpu.memref_squeeze %dma_wait3A_315 : memref<1x128x128xf32, #tpu.memory_space<hbm>> -> memref<128x128xf32, #tpu.memory_space<hbm>>
    %dma_wait3A_317 = arith.constant 0 : i32
    %dma_wait3A_318 = tpu.memref_slice %arg31[%add3A_313, %dma_wait3A_317] : memref<10240x128xf32, #tpu.memory_space<vmem_shared>> -> memref<128x128xf32, #tpu.memory_space<vmem_shared>>
    tpu.wait_dma2 semaphore(%arg60 : memref<!tpu.dma_semaphore, #tpu.memory_space<semaphore_mem>>) src(%dma_wait3A_318 : memref<128x128xf32, #tpu.memory_space<vmem_shared>>) dst(%dma_wait3A_316 : memref<128x128xf32, #tpu.memory_space<hbm>>)
    %mul3A_319 = arith.constant 640 : i32
    %mul3A_320 = arith.muli %arg1, %mul3A_319 : i32
    %add3A_321 = arith.constant 512 : i32
    %add3A_322 = arith.addi %mul3A_320, %add3A_321 : i32
    %dma_wait3A_323 = arith.constant 0 : i32
    %dma_wait3A_324 = tpu.memref_slice %arg4[%arg0, %add3A_322, %dma_wait3A_323] : memref<2x10240x128xf32, #tpu.memory_space<hbm>> -> memref<1x128x128xf32, #tpu.memory_space<hbm>>
    %dma_wait3A_325 = tpu.memref_squeeze %dma_wait3A_324 : memref<1x128x128xf32, #tpu.memory_space<hbm>> -> memref<128x128xf32, #tpu.memory_space<hbm>>
    %dma_wait3A_326 = arith.constant 0 : i32
    %dma_wait3A_327 = tpu.memref_slice %arg31[%add3A_322, %dma_wait3A_326] : memref<10240x128xf32, #tpu.memory_space<vmem_shared>> -> memref<128x128xf32, #tpu.memory_space<vmem_shared>>
    tpu.wait_dma2 semaphore(%arg61 : memref<!tpu.dma_semaphore, #tpu.memory_space<semaphore_mem>>) src(%dma_wait3A_327 : memref<128x128xf32, #tpu.memory_space<vmem_shared>>) dst(%dma_wait3A_325 : memref<128x128xf32, #tpu.memory_space<hbm>>)
    return
  }
}

#map = affine_map<(d0, d1) -> (0, 0)>
#map1 = affine_map<(d0, d1) -> (0)>
#map2 = affine_map<(d0, d1) -> (0, 0, 0)>
module attributes {stable_mosaic.version = 14 : i64} {
  func.func @k(%arg0: i32, %arg1: i32, %arg2: memref<10000x128xf32, #tpu.memory_space<hbm>>, %arg3: memref<640000xi32, #tpu.memory_space<hbm>>, %arg4: memref<2x10240x128xf32, #tpu.memory_space<hbm>>, %arg5: memref<40xi32, #tpu.memory_space<vmem>>, %arg6: memref<40xi32, #tpu.memory_space<vmem>>, %arg7: memref<40xi32, #tpu.memory_space<vmem>>, %arg8: memref<40xi32, #tpu.memory_space<vmem>>, %arg9: memref<40xi32, #tpu.memory_space<vmem>>, %arg10: memref<40xi32, #tpu.memory_space<vmem>>, %arg11: memref<40xi32, #tpu.memory_space<vmem>>, %arg12: memref<40xi32, #tpu.memory_space<vmem>>, %arg13: memref<40xi32, #tpu.memory_space<vmem>>, %arg14: memref<40xi32, #tpu.memory_space<vmem>>, %arg15: memref<40xi32, #tpu.memory_space<vmem>>, %arg16: memref<40xi32, #tpu.memory_space<vmem>>, %arg17: memref<40xi32, #tpu.memory_space<vmem>>, %arg18: memref<40xi32, #tpu.memory_space<vmem>>, %arg19: memref<40xi32, #tpu.memory_space<vmem>>, %arg20: memref<40xi32, #tpu.memory_space<vmem>>, %arg21: memref<40xi32, #tpu.memory_space<vmem>>, %arg22: memref<40xi32, #tpu.memory_space<vmem>>, %arg23: memref<40xi32, #tpu.memory_space<vmem>>, %arg24: memref<40xi32, #tpu.memory_space<vmem>>, %arg25: memref<40x128xf32, #tpu.memory_space<vmem>>, %arg26: memref<40x128xf32, #tpu.memory_space<vmem>>, %arg27: memref<40x128xf32, #tpu.memory_space<vmem>>, %arg28: memref<40x128xf32, #tpu.memory_space<vmem>>, %arg29: memref<40x128xf32, #tpu.memory_space<vmem>>, %arg30: memref<128x128xf32, #tpu.memory_space<vmem>>, %arg31: memref<10240x128xf32, #tpu.memory_space<vmem_shared>>, %arg32: memref<!tpu.dma_semaphore, #tpu.memory_space<semaphore_mem>>, %arg33: memref<!tpu.dma_semaphore, #tpu.memory_space<semaphore_mem>>, %arg34: memref<!tpu.dma_semaphore, #tpu.memory_space<semaphore_mem>>, %arg35: memref<!tpu.dma_semaphore, #tpu.memory_space<semaphore_mem>>, %arg36: memref<!tpu.dma_semaphore, #tpu.memory_space<semaphore_mem>>, %arg37: memref<!tpu.dma_semaphore, #tpu.memory_space<semaphore_mem>>, %arg38: memref<!tpu.dma_semaphore, #tpu.memory_space<semaphore_mem>>, %arg39: memref<!tpu.dma_semaphore, #tpu.memory_space<semaphore_mem>>, %arg40: memref<!tpu.dma_semaphore, #tpu.memory_space<semaphore_mem>>, %arg41: memref<!tpu.dma_semaphore, #tpu.memory_space<semaphore_mem>>, %arg42: memref<!tpu.dma_semaphore, #tpu.memory_space<semaphore_mem>>, %arg43: memref<!tpu.dma_semaphore, #tpu.memory_space<semaphore_mem>>, %arg44: memref<!tpu.dma_semaphore, #tpu.memory_space<semaphore_mem>>, %arg45: memref<!tpu.dma_semaphore, #tpu.memory_space<semaphore_mem>>, %arg46: memref<!tpu.dma_semaphore, #tpu.memory_space<semaphore_mem>>, %arg47: memref<!tpu.dma_semaphore, #tpu.memory_space<semaphore_mem>>, %arg48: memref<!tpu.dma_semaphore, #tpu.memory_space<semaphore_mem>>, %arg49: memref<!tpu.dma_semaphore, #tpu.memory_space<semaphore_mem>>, %arg50: memref<!tpu.dma_semaphore, #tpu.memory_space<semaphore_mem>>, %arg51: memref<!tpu.dma_semaphore, #tpu.memory_space<semaphore_mem>>, %arg52: memref<!tpu.dma_semaphore, #tpu.memory_space<semaphore_mem>>, %arg53: memref<!tpu.dma_semaphore, #tpu.memory_space<semaphore_mem>>, %arg54: memref<!tpu.dma_semaphore, #tpu.memory_space<semaphore_mem>>, %arg55: memref<!tpu.dma_semaphore, #tpu.memory_space<semaphore_mem>>, %arg56: memref<!tpu.dma_semaphore, #tpu.memory_space<semaphore_mem>>, %arg57: memref<!tpu.dma_semaphore, #tpu.memory_space<semaphore_mem>>, %arg58: memref<!tpu.dma_semaphore, #tpu.memory_space<semaphore_mem>>, %arg59: memref<!tpu.dma_semaphore, #tpu.memory_space<semaphore_mem>>, %arg60: memref<!tpu.dma_semaphore, #tpu.memory_space<semaphore_mem>>, %arg61: memref<!tpu.dma_semaphore, #tpu.memory_space<semaphore_mem>>) attributes {dimension_semantics = [#tpu.dimension_semantics<core_parallel>, #tpu.dimension_semantics<subcore_parallel>], iteration_bounds = array<i64: 2, 16>, scalar_prefetch = 0 : i64, scratch_operands = 57 : i64, tpu.core_type = #tpu.core_type<sc_vector_subcore>, window_params = [{transform_indices = #map}, {transform_indices = #map1}, {transform_indices = #map2}]} {
    %mul3A = arith.constant 16 : i32
    %mul3A_0 = arith.muli %arg0, %mul3A : i32
    %add3A = arith.addi %mul3A_0, %arg1 : i32
    %mul3A_1 = arith.constant 10000 : i32
    %mul3A_2 = arith.muli %add3A, %mul3A_1 : i32
    %scan3A = arith.constant 0 : i32
    %scan3A_3 = arith.constant 0 : i32
    %scan3A_4 = arith.constant 1024 : i32
    %scan3A_5 = arith.addi %scan3A_3, %scan3A_4 : i32
    %scan3A_6 = arith.constant 1 : i32
    %scan3A_7 = scf.for %scan3A_328 = %scan3A_3 to %scan3A_5 step %scan3A_6 iter_args(%scan3A_329 = %scan3A) -> (i32)  : i32 {
      %jit3A = arith.constant 8 : i32
      %div3A = arith.divsi %scan3A_328, %jit3A : i32
      %sign3A = arith.constant 0 : i32
      %sign3A_330 = arith.cmpi sgt, %scan3A_328, %sign3A : i32
      %sign3A_331 = arith.extui %sign3A_330 : i1 to i32
      %sign3A_332 = arith.constant 0 : i32
      %sign3A_333 = arith.cmpi slt, %scan3A_328, %sign3A_332 : i32
      %sign3A_334 = arith.extui %sign3A_333 : i1 to i32
      %sign3A_335 = arith.subi %sign3A_331, %sign3A_334 : i32
      %sign3A_336 = arith.constant 0 : i32
      %sign3A_337 = arith.cmpi sgt, %jit3A, %sign3A_336 : i32
      %sign3A_338 = arith.extui %sign3A_337 : i1 to i32
      %sign3A_339 = arith.constant 0 : i32
      %sign3A_340 = arith.cmpi slt, %jit3A, %sign3A_339 : i32
      %sign3A_341 = arith.extui %sign3A_340 : i1 to i32
      %sign3A_342 = arith.subi %sign3A_338, %sign3A_341 : i32
      %ne3A = arith.cmpi ne, %sign3A_335, %sign3A_342 : i32
      %rem3A = arith.remsi %scan3A_328, %jit3A : i32
      %ne3A_343 = arith.constant 0 : i32
      %ne3A_344 = arith.cmpi ne, %rem3A, %ne3A_343 : i32
      %and3A = arith.andi %ne3A, %ne3A_344 : i1
      %sub3A = arith.constant 1 : i32
      %sub3A_345 = arith.subi %div3A, %sub3A : i32
      %select_n3A = arith.select %and3A, %sub3A_345, %div3A : i32
      %jit3A_346 = arith.constant 8 : i32
      %eq3A = arith.constant 0 : i32
      %eq3A_347 = arith.cmpi eq, %jit3A_346, %eq3A : i32
      %jit3A_348 = arith.constant 1 : i32
      %select_n3A_349 = arith.select %eq3A_347, %jit3A_348, %jit3A_346 : i32
      %rem3A_350 = arith.remsi %scan3A_328, %select_n3A_349 : i32
      %ne3A_351 = arith.constant 0 : i32
      %ne3A_352 = arith.cmpi ne, %rem3A_350, %ne3A_351 : i32
      %lt3A = arith.constant 0 : i32
      %lt3A_353 = arith.cmpi slt, %rem3A_350, %lt3A : i32
      %lt3A_354 = arith.constant 0 : i32
      %lt3A_355 = arith.cmpi slt, %select_n3A_349, %lt3A_354 : i32
      %ne3A_356 = arith.xori %lt3A_353, %lt3A_355 : i1
      %and3A_357 = arith.andi %ne3A_356, %ne3A_352 : i1
      %add3A_358 = arith.addi %rem3A_350, %select_n3A_349 : i32
      %select_n3A_359 = arith.select %and3A_357, %add3A_358, %rem3A_350 : i32
      %mul3A_360 = arith.constant 16 : i32
      %mul3A_361 = arith.muli %select_n3A_359, %mul3A_360 : i32
      %broadcast_in_dim3A = arith.constant 0.000000e+00 : f32
      %broadcast_in_dim3A_362 = vector.broadcast %broadcast_in_dim3A : f32 to vector<16xf32>
      %swap3A = arith.index_cast %select_n3A : i32 to index
      %swap3A_363 = arith.index_cast %mul3A_361 : i32 to index
      %swap3A_364 = tpu.vector_load %arg30[%swap3A, %swap3A_363] {strides = array<i32>} : memref<128x128xf32, #tpu.memory_space<vmem>>, vector<1x16xf32>,
      %swap3A_365 = vector.shape_cast %swap3A_364 : vector<1x16xf32> to vector<16xf32>
      %swap3A_366 = vector.shape_cast %broadcast_in_dim3A_362 : vector<16xf32> to vector<1x16xf32>
      tpu.vector_store %arg30[%swap3A, %swap3A_363], %swap3A_366 {strides = array<i32>} : memref<128x128xf32, #tpu.memory_space<vmem>>, vector<1x16xf32>,
      %scan3A_367 = arith.constant 0 : i32
      scf.yield %scan3A_367 : i32
    }
    %scan3A_8 = arith.constant 1024 : i32
    %mul3A_9 = arith.constant 640 : i32
    %mul3A_10 = arith.muli %arg1, %mul3A_9 : i32
    %add3A_11 = arith.constant 0 : i32
    %add3A_12 = arith.addi %mul3A_10, %add3A_11 : i32
    %dma_start3A = arith.constant 0 : i32
    %dma_start3A_13 = tpu.memref_slice %arg31[%add3A_12, %dma_start3A] : memref<10240x128xf32, #tpu.memory_space<vmem_shared>> -> memref<128x128xf32, #tpu.memory_space<vmem_shared>>
    %dma_start3A_14 = arith.constant 0 : i32
    %dma_start3A_15 = tpu.memref_slice %arg31[%add3A_12, %dma_start3A_14] : memref<10240x128xf32, #tpu.memory_space<vmem_shared>> -> memref<128x128xf32, #tpu.memory_space<vmem_shared>>
    tpu.enqueue_dma source(%arg30 : memref<128x128xf32, #tpu.memory_space<vmem>>) target(%dma_start3A_15 : memref<128x128xf32, #tpu.memory_space<vmem_shared>>) target_semaphore(%arg57 : memref<!tpu.dma_semaphore, #tpu.memory_space<semaphore_mem>>)
    %mul3A_16 = arith.constant 640 : i32
    %mul3A_17 = arith.muli %arg1, %mul3A_16 : i32
    %add3A_18 = arith.constant 128 : i32
    %add3A_19 = arith.addi %mul3A_17, %add3A_18 : i32
    %dma_start3A_20 = arith.constant 0 : i32
    %dma_start3A_21 = tpu.memref_slice %arg31[%add3A_19, %dma_start3A_20] : memref<10240x128xf32, #tpu.memory_space<vmem_shared>> -> memref<128x128xf32, #tpu.memory_space<vmem_shared>>
    %dma_start3A_22 = arith.constant 0 : i32
    %dma_start3A_23 = tpu.memref_slice %arg31[%add3A_19, %dma_start3A_22] : memref<10240x128xf32, #tpu.memory_space<vmem_shared>> -> memref<128x128xf32, #tpu.memory_space<vmem_shared>>
    tpu.enqueue_dma source(%arg30 : memref<128x128xf32, #tpu.memory_space<vmem>>) target(%dma_start3A_23 : memref<128x128xf32, #tpu.memory_space<vmem_shared>>) target_semaphore(%arg58 : memref<!tpu.dma_semaphore, #tpu.memory_space<semaphore_mem>>)
    %mul3A_24 = arith.constant 640 : i32
    %mul3A_25 = arith.muli %arg1, %mul3A_24 : i32
    %add3A_26 = arith.constant 256 : i32
    %add3A_27 = arith.addi %mul3A_25, %add3A_26 : i32
    %dma_start3A_28 = arith.constant 0 : i32
    %dma_start3A_29 = tpu.memref_slice %arg31[%add3A_27, %dma_start3A_28] : memref<10240x128xf32, #tpu.memory_space<vmem_shared>> -> memref<128x128xf32, #tpu.memory_space<vmem_shared>>
    %dma_start3A_30 = arith.constant 0 : i32
    %dma_start3A_31 = tpu.memref_slice %arg31[%add3A_27, %dma_start3A_30] : memref<10240x128xf32, #tpu.memory_space<vmem_shared>> -> memref<128x128xf32, #tpu.memory_space<vmem_shared>>
    tpu.enqueue_dma source(%arg30 : memref<128x128xf32, #tpu.memory_space<vmem>>) target(%dma_start3A_31 : memref<128x128xf32, #tpu.memory_space<vmem_shared>>) target_semaphore(%arg59 : memref<!tpu.dma_semaphore, #tpu.memory_space<semaphore_mem>>)
    %mul3A_32 = arith.constant 640 : i32
    %mul3A_33 = arith.muli %arg1, %mul3A_32 : i32
    %add3A_34 = arith.constant 384 : i32
    %add3A_35 = arith.addi %mul3A_33, %add3A_34 : i32
    %dma_start3A_36 = arith.constant 0 : i32
    %dma_start3A_37 = tpu.memref_slice %arg31[%add3A_35, %dma_start3A_36] : memref<10240x128xf32, #tpu.memory_space<vmem_shared>> -> memref<128x128xf32, #tpu.memory_space<vmem_shared>>
    %dma_start3A_38 = arith.constant 0 : i32
    %dma_start3A_39 = tpu.memref_slice %arg31[%add3A_35, %dma_start3A_38] : memref<10240x128xf32, #tpu.memory_space<vmem_shared>> -> memref<128x128xf32, #tpu.memory_space<vmem_shared>>
    tpu.enqueue_dma source(%arg30 : memref<128x128xf32, #tpu.memory_space<vmem>>) target(%dma_start3A_39 : memref<128x128xf32, #tpu.memory_space<vmem_shared>>) target_semaphore(%arg60 : memref<!tpu.dma_semaphore, #tpu.memory_space<semaphore_mem>>)
    %mul3A_40 = arith.constant 640 : i32
    %mul3A_41 = arith.muli %arg1, %mul3A_40 : i32
    %add3A_42 = arith.constant 512 : i32
    %add3A_43 = arith.addi %mul3A_41, %add3A_42 : i32
    %dma_start3A_44 = arith.constant 0 : i32
    %dma_start3A_45 = tpu.memref_slice %arg31[%add3A_43, %dma_start3A_44] : memref<10240x128xf32, #tpu.memory_space<vmem_shared>> -> memref<128x128xf32, #tpu.memory_space<vmem_shared>>
    %dma_start3A_46 = arith.constant 0 : i32
    %dma_start3A_47 = tpu.memref_slice %arg31[%add3A_43, %dma_start3A_46] : memref<10240x128xf32, #tpu.memory_space<vmem_shared>> -> memref<128x128xf32, #tpu.memory_space<vmem_shared>>
    tpu.enqueue_dma source(%arg30 : memref<128x128xf32, #tpu.memory_space<vmem>>) target(%dma_start3A_47 : memref<128x128xf32, #tpu.memory_space<vmem_shared>>) target_semaphore(%arg61 : memref<!tpu.dma_semaphore, #tpu.memory_space<semaphore_mem>>)
    %mul3A_48 = arith.constant 640 : i32
    %mul3A_49 = arith.muli %arg1, %mul3A_48 : i32
    %add3A_50 = arith.constant 0 : i32
    %add3A_51 = arith.addi %mul3A_49, %add3A_50 : i32
    %dma_wait3A = arith.constant 0 : i32
    %dma_wait3A_52 = tpu.memref_slice %arg31[%add3A_51, %dma_wait3A] : memref<10240x128xf32, #tpu.memory_space<vmem_shared>> -> memref<128x128xf32, #tpu.memory_space<vmem_shared>>
    %dma_wait3A_53 = arith.constant 0 : i32
    %dma_wait3A_54 = tpu.memref_slice %arg31[%add3A_51, %dma_wait3A_53] : memref<10240x128xf32, #tpu.memory_space<vmem_shared>> -> memref<128x128xf32, #tpu.memory_space<vmem_shared>>
    tpu.wait_dma2 semaphore(%arg57 : memref<!tpu.dma_semaphore, #tpu.memory_space<semaphore_mem>>) src(%arg30 : memref<128x128xf32, #tpu.memory_space<vmem>>) dst(%dma_wait3A_54 : memref<128x128xf32, #tpu.memory_space<vmem_shared>>)
    %mul3A_55 = arith.constant 640 : i32
    %mul3A_56 = arith.muli %arg1, %mul3A_55 : i32
    %add3A_57 = arith.constant 128 : i32
    %add3A_58 = arith.addi %mul3A_56, %add3A_57 : i32
    %dma_wait3A_59 = arith.constant 0 : i32
    %dma_wait3A_60 = tpu.memref_slice %arg31[%add3A_58, %dma_wait3A_59] : memref<10240x128xf32, #tpu.memory_space<vmem_shared>> -> memref<128x128xf32, #tpu.memory_space<vmem_shared>>
    %dma_wait3A_61 = arith.constant 0 : i32
    %dma_wait3A_62 = tpu.memref_slice %arg31[%add3A_58, %dma_wait3A_61] : memref<10240x128xf32, #tpu.memory_space<vmem_shared>> -> memref<128x128xf32, #tpu.memory_space<vmem_shared>>
    tpu.wait_dma2 semaphore(%arg58 : memref<!tpu.dma_semaphore, #tpu.memory_space<semaphore_mem>>) src(%arg30 : memref<128x128xf32, #tpu.memory_space<vmem>>) dst(%dma_wait3A_62 : memref<128x128xf32, #tpu.memory_space<vmem_shared>>)
    %mul3A_63 = arith.constant 640 : i32
    %mul3A_64 = arith.muli %arg1, %mul3A_63 : i32
    %add3A_65 = arith.constant 256 : i32
    %add3A_66 = arith.addi %mul3A_64, %add3A_65 : i32
    %dma_wait3A_67 = arith.constant 0 : i32
    %dma_wait3A_68 = tpu.memref_slice %arg31[%add3A_66, %dma_wait3A_67] : memref<10240x128xf32, #tpu.memory_space<vmem_shared>> -> memref<128x128xf32, #tpu.memory_space<vmem_shared>>
    %dma_wait3A_69 = arith.constant 0 : i32
    %dma_wait3A_70 = tpu.memref_slice %arg31[%add3A_66, %dma_wait3A_69] : memref<10240x128xf32, #tpu.memory_space<vmem_shared>> -> memref<128x128xf32, #tpu.memory_space<vmem_shared>>
    tpu.wait_dma2 semaphore(%arg59 : memref<!tpu.dma_semaphore, #tpu.memory_space<semaphore_mem>>) src(%arg30 : memref<128x128xf32, #tpu.memory_space<vmem>>) dst(%dma_wait3A_70 : memref<128x128xf32, #tpu.memory_space<vmem_shared>>)
    %mul3A_71 = arith.constant 640 : i32
    %mul3A_72 = arith.muli %arg1, %mul3A_71 : i32
    %add3A_73 = arith.constant 384 : i32
    %add3A_74 = arith.addi %mul3A_72, %add3A_73 : i32
    %dma_wait3A_75 = arith.constant 0 : i32
    %dma_wait3A_76 = tpu.memref_slice %arg31[%add3A_74, %dma_wait3A_75] : memref<10240x128xf32, #tpu.memory_space<vmem_shared>> -> memref<128x128xf32, #tpu.memory_space<vmem_shared>>
    %dma_wait3A_77 = arith.constant 0 : i32
    %dma_wait3A_78 = tpu.memref_slice %arg31[%add3A_74, %dma_wait3A_77] : memref<10240x128xf32, #tpu.memory_space<vmem_shared>> -> memref<128x128xf32, #tpu.memory_space<vmem_shared>>
    tpu.wait_dma2 semaphore(%arg60 : memref<!tpu.dma_semaphore, #tpu.memory_space<semaphore_mem>>) src(%arg30 : memref<128x128xf32, #tpu.memory_space<vmem>>) dst(%dma_wait3A_78 : memref<128x128xf32, #tpu.memory_space<vmem_shared>>)
    %mul3A_79 = arith.constant 640 : i32
    %mul3A_80 = arith.muli %arg1, %mul3A_79 : i32
    %add3A_81 = arith.constant 512 : i32
    %add3A_82 = arith.addi %mul3A_80, %add3A_81 : i32
    %dma_wait3A_83 = arith.constant 0 : i32
    %dma_wait3A_84 = tpu.memref_slice %arg31[%add3A_82, %dma_wait3A_83] : memref<10240x128xf32, #tpu.memory_space<vmem_shared>> -> memref<128x128xf32, #tpu.memory_space<vmem_shared>>
    %dma_wait3A_85 = arith.constant 0 : i32
    %dma_wait3A_86 = tpu.memref_slice %arg31[%add3A_82, %dma_wait3A_85] : memref<10240x128xf32, #tpu.memory_space<vmem_shared>> -> memref<128x128xf32, #tpu.memory_space<vmem_shared>>
    tpu.wait_dma2 semaphore(%arg61 : memref<!tpu.dma_semaphore, #tpu.memory_space<semaphore_mem>>) src(%arg30 : memref<128x128xf32, #tpu.memory_space<vmem>>) dst(%dma_wait3A_86 : memref<128x128xf32, #tpu.memory_space<vmem_shared>>)
    %barrier3A = arith.constant 0 : index
    tpu.barrier barrier_id(%barrier3A)
    %add3A_87 = arith.constant 0 : i32
    %add3A_88 = arith.addi %mul3A_2, %add3A_87 : i32
    %dma_start3A_89 = tpu.memref_slice %arg3[%add3A_88] : memref<640000xi32, #tpu.memory_space<hbm>> -> memref<40xi32, #tpu.memory_space<hbm>>
    %dma_start3A_90 = tpu.memref_slice %arg3[%add3A_88] : memref<640000xi32, #tpu.memory_space<hbm>> -> memref<40xi32, #tpu.memory_space<hbm>>
    tpu.enqueue_dma source(%dma_start3A_90 : memref<40xi32, #tpu.memory_space<hbm>>) target(%arg5 : memref<40xi32, #tpu.memory_space<vmem>>) target_semaphore(%arg32 : memref<!tpu.dma_semaphore, #tpu.memory_space<semaphore_mem>>)
    %add3A_91 = arith.constant 320000 : i32
    %add3A_92 = arith.addi %add3A_91, %mul3A_2 : i32
    %add3A_93 = arith.constant 0 : i32
    %add3A_94 = arith.addi %add3A_92, %add3A_93 : i32
    %dma_start3A_95 = tpu.memref_slice %arg3[%add3A_94] : memref<640000xi32, #tpu.memory_space<hbm>> -> memref<40xi32, #tpu.memory_space<hbm>>
    %dma_start3A_96 = tpu.memref_slice %arg3[%add3A_94] : memref<640000xi32, #tpu.memory_space<hbm>> -> memref<40xi32, #tpu.memory_space<hbm>>
    tpu.enqueue_dma source(%dma_start3A_96 : memref<40xi32, #tpu.memory_space<hbm>>) target(%arg15 : memref<40xi32, #tpu.memory_space<vmem>>) target_semaphore(%arg42 : memref<!tpu.dma_semaphore, #tpu.memory_space<semaphore_mem>>)
    %add3A_97 = arith.constant 40 : i32
    %add3A_98 = arith.addi %mul3A_2, %add3A_97 : i32
    %dma_start3A_99 = tpu.memref_slice %arg3[%add3A_98] : memref<640000xi32, #tpu.memory_space<hbm>> -> memref<40xi32, #tpu.memory_space<hbm>>
    %dma_start3A_100 = tpu.memref_slice %arg3[%add3A_98] : memref<640000xi32, #tpu.memory_space<hbm>> -> memref<40xi32, #tpu.memory_space<hbm>>
    tpu.enqueue_dma source(%dma_start3A_100 : memref<40xi32, #tpu.memory_space<hbm>>) target(%arg6 : memref<40xi32, #tpu.memory_space<vmem>>) target_semaphore(%arg33 : memref<!tpu.dma_semaphore, #tpu.memory_space<semaphore_mem>>)
    %add3A_101 = arith.constant 320000 : i32
    %add3A_102 = arith.addi %add3A_101, %mul3A_2 : i32
    %add3A_103 = arith.constant 40 : i32
    %add3A_104 = arith.addi %add3A_102, %add3A_103 : i32
    %dma_start3A_105 = tpu.memref_slice %arg3[%add3A_104] : memref<640000xi32, #tpu.memory_space<hbm>> -> memref<40xi32, #tpu.memory_space<hbm>>
    %dma_start3A_106 = tpu.memref_slice %arg3[%add3A_104] : memref<640000xi32, #tpu.memory_space<hbm>> -> memref<40xi32, #tpu.memory_space<hbm>>
    tpu.enqueue_dma source(%dma_start3A_106 : memref<40xi32, #tpu.memory_space<hbm>>) target(%arg16 : memref<40xi32, #tpu.memory_space<vmem>>) target_semaphore(%arg43 : memref<!tpu.dma_semaphore, #tpu.memory_space<semaphore_mem>>)
    %add3A_107 = arith.constant 80 : i32
    %add3A_108 = arith.addi %mul3A_2, %add3A_107 : i32
    %dma_start3A_109 = tpu.memref_slice %arg3[%add3A_108] : memref<640000xi32, #tpu.memory_space<hbm>> -> memref<40xi32, #tpu.memory_space<hbm>>
    %dma_start3A_110 = tpu.memref_slice %arg3[%add3A_108] : memref<640000xi32, #tpu.memory_space<hbm>> -> memref<40xi32, #tpu.memory_space<hbm>>
    tpu.enqueue_dma source(%dma_start3A_110 : memref<40xi32, #tpu.memory_space<hbm>>) target(%arg7 : memref<40xi32, #tpu.memory_space<vmem>>) target_semaphore(%arg34 : memref<!tpu.dma_semaphore, #tpu.memory_space<semaphore_mem>>)
    %add3A_111 = arith.constant 320000 : i32
    %add3A_112 = arith.addi %add3A_111, %mul3A_2 : i32
    %add3A_113 = arith.constant 80 : i32
    %add3A_114 = arith.addi %add3A_112, %add3A_113 : i32
    %dma_start3A_115 = tpu.memref_slice %arg3[%add3A_114] : memref<640000xi32, #tpu.memory_space<hbm>> -> memref<40xi32, #tpu.memory_space<hbm>>
    %dma_start3A_116 = tpu.memref_slice %arg3[%add3A_114] : memref<640000xi32, #tpu.memory_space<hbm>> -> memref<40xi32, #tpu.memory_space<hbm>>
    tpu.enqueue_dma source(%dma_start3A_116 : memref<40xi32, #tpu.memory_space<hbm>>) target(%arg17 : memref<40xi32, #tpu.memory_space<vmem>>) target_semaphore(%arg44 : memref<!tpu.dma_semaphore, #tpu.memory_space<semaphore_mem>>)
    %add3A_117 = arith.constant 120 : i32
    %add3A_118 = arith.addi %mul3A_2, %add3A_117 : i32
    %dma_start3A_119 = tpu.memref_slice %arg3[%add3A_118] : memref<640000xi32, #tpu.memory_space<hbm>> -> memref<40xi32, #tpu.memory_space<hbm>>
    %dma_start3A_120 = tpu.memref_slice %arg3[%add3A_118] : memref<640000xi32, #tpu.memory_space<hbm>> -> memref<40xi32, #tpu.memory_space<hbm>>
    tpu.enqueue_dma source(%dma_start3A_120 : memref<40xi32, #tpu.memory_space<hbm>>) target(%arg8 : memref<40xi32, #tpu.memory_space<vmem>>) target_semaphore(%arg35 : memref<!tpu.dma_semaphore, #tpu.memory_space<semaphore_mem>>)
    %add3A_121 = arith.constant 320000 : i32
    %add3A_122 = arith.addi %add3A_121, %mul3A_2 : i32
    %add3A_123 = arith.constant 120 : i32
    %add3A_124 = arith.addi %add3A_122, %add3A_123 : i32
    %dma_start3A_125 = tpu.memref_slice %arg3[%add3A_124] : memref<640000xi32, #tpu.memory_space<hbm>> -> memref<40xi32, #tpu.memory_space<hbm>>
    %dma_start3A_126 = tpu.memref_slice %arg3[%add3A_124] : memref<640000xi32, #tpu.memory_space<hbm>> -> memref<40xi32, #tpu.memory_space<hbm>>
    tpu.enqueue_dma source(%dma_start3A_126 : memref<40xi32, #tpu.memory_space<hbm>>) target(%arg18 : memref<40xi32, #tpu.memory_space<vmem>>) target_semaphore(%arg45 : memref<!tpu.dma_semaphore, #tpu.memory_space<semaphore_mem>>)
    %add3A_127 = arith.constant 160 : i32
    %add3A_128 = arith.addi %mul3A_2, %add3A_127 : i32
    %dma_start3A_129 = tpu.memref_slice %arg3[%add3A_128] : memref<640000xi32, #tpu.memory_space<hbm>> -> memref<40xi32, #tpu.memory_space<hbm>>
    %dma_start3A_130 = tpu.memref_slice %arg3[%add3A_128] : memref<640000xi32, #tpu.memory_space<hbm>> -> memref<40xi32, #tpu.memory_space<hbm>>
    tpu.enqueue_dma source(%dma_start3A_130 : memref<40xi32, #tpu.memory_space<hbm>>) target(%arg9 : memref<40xi32, #tpu.memory_space<vmem>>) target_semaphore(%arg36 : memref<!tpu.dma_semaphore, #tpu.memory_space<semaphore_mem>>)
    %add3A_131 = arith.constant 320000 : i32
    %add3A_132 = arith.addi %add3A_131, %mul3A_2 : i32
    %add3A_133 = arith.constant 160 : i32
    %add3A_134 = arith.addi %add3A_132, %add3A_133 : i32
    %dma_start3A_135 = tpu.memref_slice %arg3[%add3A_134] : memref<640000xi32, #tpu.memory_space<hbm>> -> memref<40xi32, #tpu.memory_space<hbm>>
    %dma_start3A_136 = tpu.memref_slice %arg3[%add3A_134] : memref<640000xi32, #tpu.memory_space<hbm>> -> memref<40xi32, #tpu.memory_space<hbm>>
    tpu.enqueue_dma source(%dma_start3A_136 : memref<40xi32, #tpu.memory_space<hbm>>) target(%arg19 : memref<40xi32, #tpu.memory_space<vmem>>) target_semaphore(%arg46 : memref<!tpu.dma_semaphore, #tpu.memory_space<semaphore_mem>>)
    %add3A_137 = arith.constant 200 : i32
    %add3A_138 = arith.addi %mul3A_2, %add3A_137 : i32
    %dma_start3A_139 = tpu.memref_slice %arg3[%add3A_138] : memref<640000xi32, #tpu.memory_space<hbm>> -> memref<40xi32, #tpu.memory_space<hbm>>
    %dma_start3A_140 = tpu.memref_slice %arg3[%add3A_138] : memref<640000xi32, #tpu.memory_space<hbm>> -> memref<40xi32, #tpu.memory_space<hbm>>
    tpu.enqueue_dma source(%dma_start3A_140 : memref<40xi32, #tpu.memory_space<hbm>>) target(%arg10 : memref<40xi32, #tpu.memory_space<vmem>>) target_semaphore(%arg37 : memref<!tpu.dma_semaphore, #tpu.memory_space<semaphore_mem>>)
    %add3A_141 = arith.constant 320000 : i32
    %add3A_142 = arith.addi %add3A_141, %mul3A_2 : i32
    %add3A_143 = arith.constant 200 : i32
    %add3A_144 = arith.addi %add3A_142, %add3A_143 : i32
    %dma_start3A_145 = tpu.memref_slice %arg3[%add3A_144] : memref<640000xi32, #tpu.memory_space<hbm>> -> memref<40xi32, #tpu.memory_space<hbm>>
    %dma_start3A_146 = tpu.memref_slice %arg3[%add3A_144] : memref<640000xi32, #tpu.memory_space<hbm>> -> memref<40xi32, #tpu.memory_space<hbm>>
    tpu.enqueue_dma source(%dma_start3A_146 : memref<40xi32, #tpu.memory_space<hbm>>) target(%arg20 : memref<40xi32, #tpu.memory_space<vmem>>) target_semaphore(%arg47 : memref<!tpu.dma_semaphore, #tpu.memory_space<semaphore_mem>>)
    %add3A_147 = arith.constant 240 : i32
    %add3A_148 = arith.addi %mul3A_2, %add3A_147 : i32
    %dma_start3A_149 = tpu.memref_slice %arg3[%add3A_148] : memref<640000xi32, #tpu.memory_space<hbm>> -> memref<40xi32, #tpu.memory_space<hbm>>
    %dma_start3A_150 = tpu.memref_slice %arg3[%add3A_148] : memref<640000xi32, #tpu.memory_space<hbm>> -> memref<40xi32, #tpu.memory_space<hbm>>
    tpu.enqueue_dma source(%dma_start3A_150 : memref<40xi32, #tpu.memory_space<hbm>>) target(%arg11 : memref<40xi32, #tpu.memory_space<vmem>>) target_semaphore(%arg38 : memref<!tpu.dma_semaphore, #tpu.memory_space<semaphore_mem>>)
    %add3A_151 = arith.constant 320000 : i32
    %add3A_152 = arith.addi %add3A_151, %mul3A_2 : i32
    %add3A_153 = arith.constant 240 : i32
    %add3A_154 = arith.addi %add3A_152, %add3A_153 : i32
    %dma_start3A_155 = tpu.memref_slice %arg3[%add3A_154] : memref<640000xi32, #tpu.memory_space<hbm>> -> memref<40xi32, #tpu.memory_space<hbm>>
    %dma_start3A_156 = tpu.memref_slice %arg3[%add3A_154] : memref<640000xi32, #tpu.memory_space<hbm>> -> memref<40xi32, #tpu.memory_space<hbm>>
    tpu.enqueue_dma source(%dma_start3A_156 : memref<40xi32, #tpu.memory_space<hbm>>) target(%arg21 : memref<40xi32, #tpu.memory_space<vmem>>) target_semaphore(%arg48 : memref<!tpu.dma_semaphore, #tpu.memory_space<semaphore_mem>>)
    %add3A_157 = arith.constant 280 : i32
    %add3A_158 = arith.addi %mul3A_2, %add3A_157 : i32
    %dma_start3A_159 = tpu.memref_slice %arg3[%add3A_158] : memref<640000xi32, #tpu.memory_space<hbm>> -> memref<40xi32, #tpu.memory_space<hbm>>
    %dma_start3A_160 = tpu.memref_slice %arg3[%add3A_158] : memref<640000xi32, #tpu.memory_space<hbm>> -> memref<40xi32, #tpu.memory_space<hbm>>
    tpu.enqueue_dma source(%dma_start3A_160 : memref<40xi32, #tpu.memory_space<hbm>>) target(%arg12 : memref<40xi32, #tpu.memory_space<vmem>>) target_semaphore(%arg39 : memref<!tpu.dma_semaphore, #tpu.memory_space<semaphore_mem>>)
    %add3A_161 = arith.constant 320000 : i32
    %add3A_162 = arith.addi %add3A_161, %mul3A_2 : i32
    %add3A_163 = arith.constant 280 : i32
    %add3A_164 = arith.addi %add3A_162, %add3A_163 : i32
    %dma_start3A_165 = tpu.memref_slice %arg3[%add3A_164] : memref<640000xi32, #tpu.memory_space<hbm>> -> memref<40xi32, #tpu.memory_space<hbm>>
    %dma_start3A_166 = tpu.memref_slice %arg3[%add3A_164] : memref<640000xi32, #tpu.memory_space<hbm>> -> memref<40xi32, #tpu.memory_space<hbm>>
    tpu.enqueue_dma source(%dma_start3A_166 : memref<40xi32, #tpu.memory_space<hbm>>) target(%arg22 : memref<40xi32, #tpu.memory_space<vmem>>) target_semaphore(%arg49 : memref<!tpu.dma_semaphore, #tpu.memory_space<semaphore_mem>>)
    %add3A_167 = arith.constant 320 : i32
    %add3A_168 = arith.addi %mul3A_2, %add3A_167 : i32
    %dma_start3A_169 = tpu.memref_slice %arg3[%add3A_168] : memref<640000xi32, #tpu.memory_space<hbm>> -> memref<40xi32, #tpu.memory_space<hbm>>
    %dma_start3A_170 = tpu.memref_slice %arg3[%add3A_168] : memref<640000xi32, #tpu.memory_space<hbm>> -> memref<40xi32, #tpu.memory_space<hbm>>
    tpu.enqueue_dma source(%dma_start3A_170 : memref<40xi32, #tpu.memory_space<hbm>>) target(%arg13 : memref<40xi32, #tpu.memory_space<vmem>>) target_semaphore(%arg40 : memref<!tpu.dma_semaphore, #tpu.memory_space<semaphore_mem>>)
    %add3A_171 = arith.constant 320000 : i32
    %add3A_172 = arith.addi %add3A_171, %mul3A_2 : i32
    %add3A_173 = arith.constant 320 : i32
    %add3A_174 = arith.addi %add3A_172, %add3A_173 : i32
    %dma_start3A_175 = tpu.memref_slice %arg3[%add3A_174] : memref<640000xi32, #tpu.memory_space<hbm>> -> memref<40xi32, #tpu.memory_space<hbm>>
    %dma_start3A_176 = tpu.memref_slice %arg3[%add3A_174] : memref<640000xi32, #tpu.memory_space<hbm>> -> memref<40xi32, #tpu.memory_space<hbm>>
    tpu.enqueue_dma source(%dma_start3A_176 : memref<40xi32, #tpu.memory_space<hbm>>) target(%arg23 : memref<40xi32, #tpu.memory_space<vmem>>) target_semaphore(%arg50 : memref<!tpu.dma_semaphore, #tpu.memory_space<semaphore_mem>>)
    %add3A_177 = arith.constant 360 : i32
    %add3A_178 = arith.addi %mul3A_2, %add3A_177 : i32
    %dma_start3A_179 = tpu.memref_slice %arg3[%add3A_178] : memref<640000xi32, #tpu.memory_space<hbm>> -> memref<40xi32, #tpu.memory_space<hbm>>
    %dma_start3A_180 = tpu.memref_slice %arg3[%add3A_178] : memref<640000xi32, #tpu.memory_space<hbm>> -> memref<40xi32, #tpu.memory_space<hbm>>
    tpu.enqueue_dma source(%dma_start3A_180 : memref<40xi32, #tpu.memory_space<hbm>>) target(%arg14 : memref<40xi32, #tpu.memory_space<vmem>>) target_semaphore(%arg41 : memref<!tpu.dma_semaphore, #tpu.memory_space<semaphore_mem>>)
    %add3A_181 = arith.constant 320000 : i32
    %add3A_182 = arith.addi %add3A_181, %mul3A_2 : i32
    %add3A_183 = arith.constant 360 : i32
    %add3A_184 = arith.addi %add3A_182, %add3A_183 : i32
    %dma_start3A_185 = tpu.memref_slice %arg3[%add3A_184] : memref<640000xi32, #tpu.memory_space<hbm>> -> memref<40xi32, #tpu.memory_space<hbm>>
    %dma_start3A_186 = tpu.memref_slice %arg3[%add3A_184] : memref<640000xi32, #tpu.memory_space<hbm>> -> memref<40xi32, #tpu.memory_space<hbm>>
    tpu.enqueue_dma source(%dma_start3A_186 : memref<40xi32, #tpu.memory_space<hbm>>) target(%arg24 : memref<40xi32, #tpu.memory_space<vmem>>) target_semaphore(%arg51 : memref<!tpu.dma_semaphore, #tpu.memory_space<semaphore_mem>>)
    %add3A_187 = arith.constant 0 : i32
    %add3A_188 = arith.addi %mul3A_2, %add3A_187 : i32
    %dma_wait3A_189 = tpu.memref_slice %arg3[%add3A_188] : memref<640000xi32, #tpu.memory_space<hbm>> -> memref<40xi32, #tpu.memory_space<hbm>>
    %dma_wait3A_190 = tpu.memref_slice %arg3[%add3A_188] : memref<640000xi32, #tpu.memory_space<hbm>> -> memref<40xi32, #tpu.memory_space<hbm>>
    tpu.wait_dma2 semaphore(%arg32 : memref<!tpu.dma_semaphore, #tpu.memory_space<semaphore_mem>>) src(%dma_wait3A_190 : memref<40xi32, #tpu.memory_space<hbm>>) dst(%arg5 : memref<40xi32, #tpu.memory_space<vmem>>)
    %dma_start3A_191 = arith.constant 0 : i32
    %dma_start3A_192 = arith.constant 0 : i32
    %dma_start3A_193 = tpu.memref_slice %arg2[%dma_start3A_191, %dma_start3A_192] : memref<10000x128xf32, #tpu.memory_space<hbm>> -> memref<10000x128xf32, #tpu.memory_space<hbm>>
    tpu.enqueue_indirect_dma source(%dma_start3A_193 : memref<10000x128xf32, #tpu.memory_space<hbm>>) target(%arg25 : memref<40x128xf32, #tpu.memory_space<vmem>>) offsets(%arg5 : memref<40xi32, #tpu.memory_space<vmem>>) semaphore(%arg52 : memref<!tpu.dma_semaphore, #tpu.memory_space<semaphore_mem>>)
    %add3A_194 = arith.constant 40 : i32
    %add3A_195 = arith.addi %mul3A_2, %add3A_194 : i32
    %dma_wait3A_196 = tpu.memref_slice %arg3[%add3A_195] : memref<640000xi32, #tpu.memory_space<hbm>> -> memref<40xi32, #tpu.memory_space<hbm>>
    %dma_wait3A_197 = tpu.memref_slice %arg3[%add3A_195] : memref<640000xi32, #tpu.memory_space<hbm>> -> memref<40xi32, #tpu.memory_space<hbm>>
    tpu.wait_dma2 semaphore(%arg33 : memref<!tpu.dma_semaphore, #tpu.memory_space<semaphore_mem>>) src(%dma_wait3A_197 : memref<40xi32, #tpu.memory_space<hbm>>) dst(%arg6 : memref<40xi32, #tpu.memory_space<vmem>>)
    %dma_start3A_198 = arith.constant 0 : i32
    %dma_start3A_199 = arith.constant 0 : i32
    %dma_start3A_200 = tpu.memref_slice %arg2[%dma_start3A_198, %dma_start3A_199] : memref<10000x128xf32, #tpu.memory_space<hbm>> -> memref<10000x128xf32, #tpu.memory_space<hbm>>
    tpu.enqueue_indirect_dma source(%dma_start3A_200 : memref<10000x128xf32, #tpu.memory_space<hbm>>) target(%arg26 : memref<40x128xf32, #tpu.memory_space<vmem>>) offsets(%arg6 : memref<40xi32, #tpu.memory_space<vmem>>) semaphore(%arg53 : memref<!tpu.dma_semaphore, #tpu.memory_space<semaphore_mem>>)
    %add3A_201 = arith.constant 80 : i32
    %add3A_202 = arith.addi %mul3A_2, %add3A_201 : i32
    %dma_wait3A_203 = tpu.memref_slice %arg3[%add3A_202] : memref<640000xi32, #tpu.memory_space<hbm>> -> memref<40xi32, #tpu.memory_space<hbm>>
    %dma_wait3A_204 = tpu.memref_slice %arg3[%add3A_202] : memref<640000xi32, #tpu.memory_space<hbm>> -> memref<40xi32, #tpu.memory_space<hbm>>
    tpu.wait_dma2 semaphore(%arg34 : memref<!tpu.dma_semaphore, #tpu.memory_space<semaphore_mem>>) src(%dma_wait3A_204 : memref<40xi32, #tpu.memory_space<hbm>>) dst(%arg7 : memref<40xi32, #tpu.memory_space<vmem>>)
    %dma_start3A_205 = arith.constant 0 : i32
    %dma_start3A_206 = arith.constant 0 : i32
    %dma_start3A_207 = tpu.memref_slice %arg2[%dma_start3A_205, %dma_start3A_206] : memref<10000x128xf32, #tpu.memory_space<hbm>> -> memref<10000x128xf32, #tpu.memory_space<hbm>>
    tpu.enqueue_indirect_dma source(%dma_start3A_207 : memref<10000x128xf32, #tpu.memory_space<hbm>>) target(%arg27 : memref<40x128xf32, #tpu.memory_space<vmem>>) offsets(%arg7 : memref<40xi32, #tpu.memory_space<vmem>>) semaphore(%arg54 : memref<!tpu.dma_semaphore, #tpu.memory_space<semaphore_mem>>)
    %add3A_208 = arith.constant 120 : i32
    %add3A_209 = arith.addi %mul3A_2, %add3A_208 : i32
    %dma_wait3A_210 = tpu.memref_slice %arg3[%add3A_209] : memref<640000xi32, #tpu.memory_space<hbm>> -> memref<40xi32, #tpu.memory_space<hbm>>
    %dma_wait3A_211 = tpu.memref_slice %arg3[%add3A_209] : memref<640000xi32, #tpu.memory_space<hbm>> -> memref<40xi32, #tpu.memory_space<hbm>>
    tpu.wait_dma2 semaphore(%arg35 : memref<!tpu.dma_semaphore, #tpu.memory_space<semaphore_mem>>) src(%dma_wait3A_211 : memref<40xi32, #tpu.memory_space<hbm>>) dst(%arg8 : memref<40xi32, #tpu.memory_space<vmem>>)
    %dma_start3A_212 = arith.constant 0 : i32
    %dma_start3A_213 = arith.constant 0 : i32
    %dma_start3A_214 = tpu.memref_slice %arg2[%dma_start3A_212, %dma_start3A_213] : memref<10000x128xf32, #tpu.memory_space<hbm>> -> memref<10000x128xf32, #tpu.memory_space<hbm>>
    tpu.enqueue_indirect_dma source(%dma_start3A_214 : memref<10000x128xf32, #tpu.memory_space<hbm>>) target(%arg28 : memref<40x128xf32, #tpu.memory_space<vmem>>) offsets(%arg8 : memref<40xi32, #tpu.memory_space<vmem>>) semaphore(%arg55 : memref<!tpu.dma_semaphore, #tpu.memory_space<semaphore_mem>>)
    %scan3A_215 = arith.constant 0 : i32
    %scan3A_216 = arith.constant 0 : i32
    %scan3A_217 = arith.constant 25 : i32
    %scan3A_218 = arith.addi %scan3A_216, %scan3A_217 : i32
    %scan3A_219 = arith.constant 1 : i32
    %scan3A_220 = scf.for %scan3A_328 = %scan3A_216 to %scan3A_218 step %scan3A_219 iter_args(%scan3A_329 = %scan3A_215) -> (i32)  : i32 {
      %mul3A_330 = arith.constant 10 : i32
      %mul3A_331 = arith.muli %scan3A_328, %mul3A_330 : i32
      %add3A_332 = arith.constant 0 : i32
      %add3A_333 = arith.addi %mul3A_331, %add3A_332 : i32
      %add3A_334 = arith.constant 0 : i32
      %add3A_335 = arith.addi %add3A_333, %add3A_334 : i32
      %add3A_336 = arith.constant 5 : i32
      %add3A_337 = arith.addi %add3A_335, %add3A_336 : i32
      %sub3A = arith.constant 1 : i32
      %sub3A_338 = arith.subi %add3A_337, %sub3A : i32
      %lt3A = arith.constant 250 : i32
      %lt3A_339 = arith.cmpi slt, %sub3A_338, %lt3A : i32
      %ge3A = arith.constant 1 : i32
      %ge3A_340 = arith.cmpi sge, %add3A_335, %ge3A : i32
      %and3A = arith.andi %lt3A_339, %ge3A_340 : i1
      %convert_element_type3A = arith.extui %and3A : i1 to i32
      %cond3A = arith.constant 0 : i32
      %cond3A_341 = arith.cmpi ne, %convert_element_type3A, %cond3A : i32
      scf.if %cond3A_341 {
        %dma_wait3A_845 = arith.constant 0 : i32
        %dma_wait3A_846 = arith.constant 0 : i32
        %dma_wait3A_847 = tpu.memref_slice %arg31[%dma_wait3A_845, %dma_wait3A_846] : memref<10240x128xf32, #tpu.memory_space<vmem_shared>> -> memref<10240x128xf32, #tpu.memory_space<vmem_shared>>
        tpu.wait_indirect_dma semaphore(%arg61 : memref<!tpu.dma_semaphore, #tpu.memory_space<semaphore_mem>>) src(%arg29 : memref<40x128xf32, #tpu.memory_space<vmem>>) dst(%dma_wait3A_847 : memref<10240x128xf32, #tpu.memory_space<vmem_shared>>)
      } else {
      }
      %add3A_342 = arith.constant 5 : i32
      %add3A_343 = arith.addi %add3A_335, %add3A_342 : i32
      %sub3A_344 = arith.constant 1 : i32
      %sub3A_345 = arith.subi %add3A_343, %sub3A_344 : i32
      %lt3A_346 = arith.constant 250 : i32
      %lt3A_347 = arith.cmpi slt, %sub3A_345, %lt3A_346 : i32
      %convert_element_type3A_348 = arith.extui %lt3A_347 : i1 to i32
      %cond3A_349 = arith.constant 0 : i32
      %cond3A_350 = arith.cmpi ne, %convert_element_type3A_348, %cond3A_349 : i32
      scf.if %cond3A_350 {
        %add3A_845 = arith.constant 5 : i32
        %add3A_846 = arith.addi %add3A_335, %add3A_845 : i32
        %sub3A_847 = arith.constant 1 : i32
        %sub3A_848 = arith.subi %add3A_846, %sub3A_847 : i32
        %mul3A_849 = arith.constant 40 : i32
        %mul3A_850 = arith.muli %sub3A_848, %mul3A_849 : i32
        %add3A_851 = arith.addi %mul3A_2, %mul3A_850 : i32
        %dma_wait3A_852 = tpu.memref_slice %arg3[%add3A_851] : memref<640000xi32, #tpu.memory_space<hbm>> -> memref<40xi32, #tpu.memory_space<hbm>>
        %dma_wait3A_853 = tpu.memref_slice %arg3[%add3A_851] : memref<640000xi32, #tpu.memory_space<hbm>> -> memref<40xi32, #tpu.memory_space<hbm>>
        tpu.wait_dma2 semaphore(%arg36 : memref<!tpu.dma_semaphore, #tpu.memory_space<semaphore_mem>>) src(%dma_wait3A_853 : memref<40xi32, #tpu.memory_space<hbm>>) dst(%arg9 : memref<40xi32, #tpu.memory_space<vmem>>)
        %dma_start3A_854 = arith.constant 0 : i32
        %dma_start3A_855 = arith.constant 0 : i32
        %dma_start3A_856 = tpu.memref_slice %arg2[%dma_start3A_854, %dma_start3A_855] : memref<10000x128xf32, #tpu.memory_space<hbm>> -> memref<10000x128xf32, #tpu.memory_space<hbm>>
        tpu.enqueue_indirect_dma source(%dma_start3A_856 : memref<10000x128xf32, #tpu.memory_space<hbm>>) target(%arg29 : memref<40x128xf32, #tpu.memory_space<vmem>>) offsets(%arg9 : memref<40xi32, #tpu.memory_space<vmem>>) semaphore(%arg56 : memref<!tpu.dma_semaphore, #tpu.memory_space<semaphore_mem>>)
      } else {
      }
      %dma_wait3A_351 = arith.constant 0 : i32
      %dma_wait3A_352 = arith.constant 0 : i32
      %dma_wait3A_353 = tpu.memref_slice %arg2[%dma_wait3A_351, %dma_wait3A_352] : memref<10000x128xf32, #tpu.memory_space<hbm>> -> memref<10000x128xf32, #tpu.memory_space<hbm>>
      tpu.wait_indirect_dma semaphore(%arg52 : memref<!tpu.dma_semaphore, #tpu.memory_space<semaphore_mem>>) src(%dma_wait3A_353 : memref<10000x128xf32, #tpu.memory_space<hbm>>) dst(%arg25 : memref<40x128xf32, #tpu.memory_space<vmem>>)
      %add3A_354 = arith.constant 320000 : i32
      %add3A_355 = arith.addi %add3A_354, %mul3A_2 : i32
      %mul3A_356 = arith.constant 40 : i32
      %mul3A_357 = arith.muli %add3A_335, %mul3A_356 : i32
      %add3A_358 = arith.addi %add3A_355, %mul3A_357 : i32
      %dma_wait3A_359 = tpu.memref_slice %arg3[%add3A_358] : memref<640000xi32, #tpu.memory_space<hbm>> -> memref<40xi32, #tpu.memory_space<hbm>>
      %dma_wait3A_360 = tpu.memref_slice %arg3[%add3A_358] : memref<640000xi32, #tpu.memory_space<hbm>> -> memref<40xi32, #tpu.memory_space<hbm>>
      tpu.wait_dma2 semaphore(%arg42 : memref<!tpu.dma_semaphore, #tpu.memory_space<semaphore_mem>>) src(%dma_wait3A_360 : memref<40xi32, #tpu.memory_space<hbm>>) dst(%arg15 : memref<40xi32, #tpu.memory_space<vmem>>)
      %dma_start3A_361 = arith.constant 0 : i32
      %dma_start3A_362 = arith.constant 0 : i32
      %dma_start3A_363 = tpu.memref_slice %arg31[%dma_start3A_361, %dma_start3A_362] : memref<10240x128xf32, #tpu.memory_space<vmem_shared>> -> memref<10240x128xf32, #tpu.memory_space<vmem_shared>>
      tpu.enqueue_indirect_dma source(%arg25 : memref<40x128xf32, #tpu.memory_space<vmem>>) target(%dma_start3A_363 : memref<10240x128xf32, #tpu.memory_space<vmem_shared>>) offsets(%arg15 : memref<40xi32, #tpu.memory_space<vmem>>) semaphore(%arg57 : memref<!tpu.dma_semaphore, #tpu.memory_space<semaphore_mem>>) {add = true}
      %ge3A_364 = arith.constant 1 : i32
      %ge3A_365 = arith.cmpi sge, %add3A_335, %ge3A_364 : i32
      %add3A_366 = arith.constant 10 : i32
      %add3A_367 = arith.addi %add3A_335, %add3A_366 : i32
      %sub3A_368 = arith.constant 1 : i32
      %sub3A_369 = arith.subi %add3A_367, %sub3A_368 : i32
      %lt3A_370 = arith.constant 250 : i32
      %lt3A_371 = arith.cmpi slt, %sub3A_369, %lt3A_370 : i32
      %and3A_372 = arith.andi %ge3A_365, %lt3A_371 : i1
      %convert_element_type3A_373 = arith.extui %and3A_372 : i1 to i32
      %cond3A_374 = arith.constant 0 : i32
      %cond3A_375 = arith.cmpi ne, %convert_element_type3A_373, %cond3A_374 : i32
      scf.if %cond3A_375 {
        %add3A_845 = arith.constant 10 : i32
        %add3A_846 = arith.addi %add3A_335, %add3A_845 : i32
        %sub3A_847 = arith.constant 1 : i32
        %sub3A_848 = arith.subi %add3A_846, %sub3A_847 : i32
        %mul3A_849 = arith.constant 40 : i32
        %mul3A_850 = arith.muli %sub3A_848, %mul3A_849 : i32
        %add3A_851 = arith.addi %mul3A_2, %mul3A_850 : i32
        %dma_start3A_852 = tpu.memref_slice %arg3[%add3A_851] : memref<640000xi32, #tpu.memory_space<hbm>> -> memref<40xi32, #tpu.memory_space<hbm>>
        %dma_start3A_853 = tpu.memref_slice %arg3[%add3A_851] : memref<640000xi32, #tpu.memory_space<hbm>> -> memref<40xi32, #tpu.memory_space<hbm>>
        tpu.enqueue_dma source(%dma_start3A_853 : memref<40xi32, #tpu.memory_space<hbm>>) target(%arg14 : memref<40xi32, #tpu.memory_space<vmem>>) target_semaphore(%arg41 : memref<!tpu.dma_semaphore, #tpu.memory_space<semaphore_mem>>)
        %add3A_854 = arith.constant 10 : i32
        %add3A_855 = arith.addi %add3A_335, %add3A_854 : i32
        %sub3A_856 = arith.constant 1 : i32
        %sub3A_857 = arith.subi %add3A_855, %sub3A_856 : i32
        %add3A_858 = arith.constant 320000 : i32
        %add3A_859 = arith.addi %add3A_858, %mul3A_2 : i32
        %mul3A_860 = arith.constant 40 : i32
        %mul3A_861 = arith.muli %sub3A_857, %mul3A_860 : i32
        %add3A_862 = arith.addi %add3A_859, %mul3A_861 : i32
        %dma_start3A_863 = tpu.memref_slice %arg3[%add3A_862] : memref<640000xi32, #tpu.memory_space<hbm>> -> memref<40xi32, #tpu.memory_space<hbm>>
        %dma_start3A_864 = tpu.memref_slice %arg3[%add3A_862] : memref<640000xi32, #tpu.memory_space<hbm>> -> memref<40xi32, #tpu.memory_space<hbm>>
        tpu.enqueue_dma source(%dma_start3A_864 : memref<40xi32, #tpu.memory_space<hbm>>) target(%arg24 : memref<40xi32, #tpu.memory_space<vmem>>) target_semaphore(%arg51 : memref<!tpu.dma_semaphore, #tpu.memory_space<semaphore_mem>>)
      } else {
      }
      %mul3A_376 = arith.constant 10 : i32
      %mul3A_377 = arith.muli %scan3A_328, %mul3A_376 : i32
      %add3A_378 = arith.constant 0 : i32
      %add3A_379 = arith.addi %mul3A_377, %add3A_378 : i32
      %add3A_380 = arith.constant 1 : i32
      %add3A_381 = arith.addi %add3A_379, %add3A_380 : i32
      %add3A_382 = arith.constant 5 : i32
      %add3A_383 = arith.addi %add3A_381, %add3A_382 : i32
      %sub3A_384 = arith.constant 1 : i32
      %sub3A_385 = arith.subi %add3A_383, %sub3A_384 : i32
      %lt3A_386 = arith.constant 250 : i32
      %lt3A_387 = arith.cmpi slt, %sub3A_385, %lt3A_386 : i32
      %ge3A_388 = arith.constant 1 : i32
      %ge3A_389 = arith.cmpi sge, %add3A_381, %ge3A_388 : i32
      %and3A_390 = arith.andi %lt3A_387, %ge3A_389 : i1
      %convert_element_type3A_391 = arith.extui %and3A_390 : i1 to i32
      %cond3A_392 = arith.constant 0 : i32
      %cond3A_393 = arith.cmpi ne, %convert_element_type3A_391, %cond3A_392 : i32
      scf.if %cond3A_393 {
        %dma_wait3A_845 = arith.constant 0 : i32
        %dma_wait3A_846 = arith.constant 0 : i32
        %dma_wait3A_847 = tpu.memref_slice %arg31[%dma_wait3A_845, %dma_wait3A_846] : memref<10240x128xf32, #tpu.memory_space<vmem_shared>> -> memref<10240x128xf32, #tpu.memory_space<vmem_shared>>
        tpu.wait_indirect_dma semaphore(%arg57 : memref<!tpu.dma_semaphore, #tpu.memory_space<semaphore_mem>>) src(%arg25 : memref<40x128xf32, #tpu.memory_space<vmem>>) dst(%dma_wait3A_847 : memref<10240x128xf32, #tpu.memory_space<vmem_shared>>)
      } else {
      }
      %add3A_394 = arith.constant 5 : i32
      %add3A_395 = arith.addi %add3A_381, %add3A_394 : i32
      %sub3A_396 = arith.constant 1 : i32
      %sub3A_397 = arith.subi %add3A_395, %sub3A_396 : i32
      %lt3A_398 = arith.constant 250 : i32
      %lt3A_399 = arith.cmpi slt, %sub3A_397, %lt3A_398 : i32
      %convert_element_type3A_400 = arith.extui %lt3A_399 : i1 to i32
      %cond3A_401 = arith.constant 0 : i32
      %cond3A_402 = arith.cmpi ne, %convert_element_type3A_400, %cond3A_401 : i32
      scf.if %cond3A_402 {
        %add3A_845 = arith.constant 5 : i32
        %add3A_846 = arith.addi %add3A_381, %add3A_845 : i32
        %sub3A_847 = arith.constant 1 : i32
        %sub3A_848 = arith.subi %add3A_846, %sub3A_847 : i32
        %mul3A_849 = arith.constant 40 : i32
        %mul3A_850 = arith.muli %sub3A_848, %mul3A_849 : i32
        %add3A_851 = arith.addi %mul3A_2, %mul3A_850 : i32
        %dma_wait3A_852 = tpu.memref_slice %arg3[%add3A_851] : memref<640000xi32, #tpu.memory_space<hbm>> -> memref<40xi32, #tpu.memory_space<hbm>>
        %dma_wait3A_853 = tpu.memref_slice %arg3[%add3A_851] : memref<640000xi32, #tpu.memory_space<hbm>> -> memref<40xi32, #tpu.memory_space<hbm>>
        tpu.wait_dma2 semaphore(%arg37 : memref<!tpu.dma_semaphore, #tpu.memory_space<semaphore_mem>>) src(%dma_wait3A_853 : memref<40xi32, #tpu.memory_space<hbm>>) dst(%arg10 : memref<40xi32, #tpu.memory_space<vmem>>)
        %dma_start3A_854 = arith.constant 0 : i32
        %dma_start3A_855 = arith.constant 0 : i32
        %dma_start3A_856 = tpu.memref_slice %arg2[%dma_start3A_854, %dma_start3A_855] : memref<10000x128xf32, #tpu.memory_space<hbm>> -> memref<10000x128xf32, #tpu.memory_space<hbm>>
        tpu.enqueue_indirect_dma source(%dma_start3A_856 : memref<10000x128xf32, #tpu.memory_space<hbm>>) target(%arg25 : memref<40x128xf32, #tpu.memory_space<vmem>>) offsets(%arg10 : memref<40xi32, #tpu.memory_space<vmem>>) semaphore(%arg52 : memref<!tpu.dma_semaphore, #tpu.memory_space<semaphore_mem>>)
      } else {
      }
      %dma_wait3A_403 = arith.constant 0 : i32
      %dma_wait3A_404 = arith.constant 0 : i32
      %dma_wait3A_405 = tpu.memref_slice %arg2[%dma_wait3A_403, %dma_wait3A_404] : memref<10000x128xf32, #tpu.memory_space<hbm>> -> memref<10000x128xf32, #tpu.memory_space<hbm>>
      tpu.wait_indirect_dma semaphore(%arg53 : memref<!tpu.dma_semaphore, #tpu.memory_space<semaphore_mem>>) src(%dma_wait3A_405 : memref<10000x128xf32, #tpu.memory_space<hbm>>) dst(%arg26 : memref<40x128xf32, #tpu.memory_space<vmem>>)
      %add3A_406 = arith.constant 320000 : i32
      %add3A_407 = arith.addi %add3A_406, %mul3A_2 : i32
      %mul3A_408 = arith.constant 40 : i32
      %mul3A_409 = arith.muli %add3A_381, %mul3A_408 : i32
      %add3A_410 = arith.addi %add3A_407, %mul3A_409 : i32
      %dma_wait3A_411 = tpu.memref_slice %arg3[%add3A_410] : memref<640000xi32, #tpu.memory_space<hbm>> -> memref<40xi32, #tpu.memory_space<hbm>>
      %dma_wait3A_412 = tpu.memref_slice %arg3[%add3A_410] : memref<640000xi32, #tpu.memory_space<hbm>> -> memref<40xi32, #tpu.memory_space<hbm>>
      tpu.wait_dma2 semaphore(%arg43 : memref<!tpu.dma_semaphore, #tpu.memory_space<semaphore_mem>>) src(%dma_wait3A_412 : memref<40xi32, #tpu.memory_space<hbm>>) dst(%arg16 : memref<40xi32, #tpu.memory_space<vmem>>)
      %dma_start3A_413 = arith.constant 0 : i32
      %dma_start3A_414 = arith.constant 0 : i32
      %dma_start3A_415 = tpu.memref_slice %arg31[%dma_start3A_413, %dma_start3A_414] : memref<10240x128xf32, #tpu.memory_space<vmem_shared>> -> memref<10240x128xf32, #tpu.memory_space<vmem_shared>>
      tpu.enqueue_indirect_dma source(%arg26 : memref<40x128xf32, #tpu.memory_space<vmem>>) target(%dma_start3A_415 : memref<10240x128xf32, #tpu.memory_space<vmem_shared>>) offsets(%arg16 : memref<40xi32, #tpu.memory_space<vmem>>) semaphore(%arg58 : memref<!tpu.dma_semaphore, #tpu.memory_space<semaphore_mem>>) {add = true}
      %ge3A_416 = arith.constant 1 : i32
      %ge3A_417 = arith.cmpi sge, %add3A_381, %ge3A_416 : i32
      %add3A_418 = arith.constant 10 : i32
      %add3A_419 = arith.addi %add3A_381, %add3A_418 : i32
      %sub3A_420 = arith.constant 1 : i32
      %sub3A_421 = arith.subi %add3A_419, %sub3A_420 : i32
      %lt3A_422 = arith.constant 250 : i32
      %lt3A_423 = arith.cmpi slt, %sub3A_421, %lt3A_422 : i32
      %and3A_424 = arith.andi %ge3A_417, %lt3A_423 : i1
      %convert_element_type3A_425 = arith.extui %and3A_424 : i1 to i32
      %cond3A_426 = arith.constant 0 : i32
      %cond3A_427 = arith.cmpi ne, %convert_element_type3A_425, %cond3A_426 : i32
      scf.if %cond3A_427 {
        %add3A_845 = arith.constant 10 : i32
        %add3A_846 = arith.addi %add3A_381, %add3A_845 : i32
        %sub3A_847 = arith.constant 1 : i32
        %sub3A_848 = arith.subi %add3A_846, %sub3A_847 : i32
        %mul3A_849 = arith.constant 40 : i32
        %mul3A_850 = arith.muli %sub3A_848, %mul3A_849 : i32
        %add3A_851 = arith.addi %mul3A_2, %mul3A_850 : i32
        %dma_start3A_852 = tpu.memref_slice %arg3[%add3A_851] : memref<640000xi32, #tpu.memory_space<hbm>> -> memref<40xi32, #tpu.memory_space<hbm>>
        %dma_start3A_853 = tpu.memref_slice %arg3[%add3A_851] : memref<640000xi32, #tpu.memory_space<hbm>> -> memref<40xi32, #tpu.memory_space<hbm>>
        tpu.enqueue_dma source(%dma_start3A_853 : memref<40xi32, #tpu.memory_space<hbm>>) target(%arg5 : memref<40xi32, #tpu.memory_space<vmem>>) target_semaphore(%arg32 : memref<!tpu.dma_semaphore, #tpu.memory_space<semaphore_mem>>)
        %add3A_854 = arith.constant 10 : i32
        %add3A_855 = arith.addi %add3A_381, %add3A_854 : i32
        %sub3A_856 = arith.constant 1 : i32
        %sub3A_857 = arith.subi %add3A_855, %sub3A_856 : i32
        %add3A_858 = arith.constant 320000 : i32
        %add3A_859 = arith.addi %add3A_858, %mul3A_2 : i32
        %mul3A_860 = arith.constant 40 : i32
        %mul3A_861 = arith.muli %sub3A_857, %mul3A_860 : i32
        %add3A_862 = arith.addi %add3A_859, %mul3A_861 : i32
        %dma_start3A_863 = tpu.memref_slice %arg3[%add3A_862] : memref<640000xi32, #tpu.memory_space<hbm>> -> memref<40xi32, #tpu.memory_space<hbm>>
        %dma_start3A_864 = tpu.memref_slice %arg3[%add3A_862] : memref<640000xi32, #tpu.memory_space<hbm>> -> memref<40xi32, #tpu.memory_space<hbm>>
        tpu.enqueue_dma source(%dma_start3A_864 : memref<40xi32, #tpu.memory_space<hbm>>) target(%arg15 : memref<40xi32, #tpu.memory_space<vmem>>) target_semaphore(%arg42 : memref<!tpu.dma_semaphore, #tpu.memory_space<semaphore_mem>>)
      } else {
      }
      %mul3A_428 = arith.constant 10 : i32
      %mul3A_429 = arith.muli %scan3A_328, %mul3A_428 : i32
      %add3A_430 = arith.constant 0 : i32
      %add3A_431 = arith.addi %mul3A_429, %add3A_430 : i32
      %add3A_432 = arith.constant 2 : i32
      %add3A_433 = arith.addi %add3A_431, %add3A_432 : i32
      %add3A_434 = arith.constant 5 : i32
      %add3A_435 = arith.addi %add3A_433, %add3A_434 : i32
      %sub3A_436 = arith.constant 1 : i32
      %sub3A_437 = arith.subi %add3A_435, %sub3A_436 : i32
      %lt3A_438 = arith.constant 250 : i32
      %lt3A_439 = arith.cmpi slt, %sub3A_437, %lt3A_438 : i32
      %ge3A_440 = arith.constant 1 : i32
      %ge3A_441 = arith.cmpi sge, %add3A_433, %ge3A_440 : i32
      %and3A_442 = arith.andi %lt3A_439, %ge3A_441 : i1
      %convert_element_type3A_443 = arith.extui %and3A_442 : i1 to i32
      %cond3A_444 = arith.constant 0 : i32
      %cond3A_445 = arith.cmpi ne, %convert_element_type3A_443, %cond3A_444 : i32
      scf.if %cond3A_445 {
        %dma_wait3A_845 = arith.constant 0 : i32
        %dma_wait3A_846 = arith.constant 0 : i32
        %dma_wait3A_847 = tpu.memref_slice %arg31[%dma_wait3A_845, %dma_wait3A_846] : memref<10240x128xf32, #tpu.memory_space<vmem_shared>> -> memref<10240x128xf32, #tpu.memory_space<vmem_shared>>
        tpu.wait_indirect_dma semaphore(%arg58 : memref<!tpu.dma_semaphore, #tpu.memory_space<semaphore_mem>>) src(%arg26 : memref<40x128xf32, #tpu.memory_space<vmem>>) dst(%dma_wait3A_847 : memref<10240x128xf32, #tpu.memory_space<vmem_shared>>)
      } else {
      }
      %add3A_446 = arith.constant 5 : i32
      %add3A_447 = arith.addi %add3A_433, %add3A_446 : i32
      %sub3A_448 = arith.constant 1 : i32
      %sub3A_449 = arith.subi %add3A_447, %sub3A_448 : i32
      %lt3A_450 = arith.constant 250 : i32
      %lt3A_451 = arith.cmpi slt, %sub3A_449, %lt3A_450 : i32
      %convert_element_type3A_452 = arith.extui %lt3A_451 : i1 to i32
      %cond3A_453 = arith.constant 0 : i32
      %cond3A_454 = arith.cmpi ne, %convert_element_type3A_452, %cond3A_453 : i32
      scf.if %cond3A_454 {
        %add3A_845 = arith.constant 5 : i32
        %add3A_846 = arith.addi %add3A_433, %add3A_845 : i32
        %sub3A_847 = arith.constant 1 : i32
        %sub3A_848 = arith.subi %add3A_846, %sub3A_847 : i32
        %mul3A_849 = arith.constant 40 : i32
        %mul3A_850 = arith.muli %sub3A_848, %mul3A_849 : i32
        %add3A_851 = arith.addi %mul3A_2, %mul3A_850 : i32
        %dma_wait3A_852 = tpu.memref_slice %arg3[%add3A_851] : memref<640000xi32, #tpu.memory_space<hbm>> -> memref<40xi32, #tpu.memory_space<hbm>>
        %dma_wait3A_853 = tpu.memref_slice %arg3[%add3A_851] : memref<640000xi32, #tpu.memory_space<hbm>> -> memref<40xi32, #tpu.memory_space<hbm>>
        tpu.wait_dma2 semaphore(%arg38 : memref<!tpu.dma_semaphore, #tpu.memory_space<semaphore_mem>>) src(%dma_wait3A_853 : memref<40xi32, #tpu.memory_space<hbm>>) dst(%arg11 : memref<40xi32, #tpu.memory_space<vmem>>)
        %dma_start3A_854 = arith.constant 0 : i32
        %dma_start3A_855 = arith.constant 0 : i32
        %dma_start3A_856 = tpu.memref_slice %arg2[%dma_start3A_854, %dma_start3A_855] : memref<10000x128xf32, #tpu.memory_space<hbm>> -> memref<10000x128xf32, #tpu.memory_space<hbm>>
        tpu.enqueue_indirect_dma source(%dma_start3A_856 : memref<10000x128xf32, #tpu.memory_space<hbm>>) target(%arg26 : memref<40x128xf32, #tpu.memory_space<vmem>>) offsets(%arg11 : memref<40xi32, #tpu.memory_space<vmem>>) semaphore(%arg53 : memref<!tpu.dma_semaphore, #tpu.memory_space<semaphore_mem>>)
      } else {
      }
      %dma_wait3A_455 = arith.constant 0 : i32
      %dma_wait3A_456 = arith.constant 0 : i32
      %dma_wait3A_457 = tpu.memref_slice %arg2[%dma_wait3A_455, %dma_wait3A_456] : memref<10000x128xf32, #tpu.memory_space<hbm>> -> memref<10000x128xf32, #tpu.memory_space<hbm>>
      tpu.wait_indirect_dma semaphore(%arg54 : memref<!tpu.dma_semaphore, #tpu.memory_space<semaphore_mem>>) src(%dma_wait3A_457 : memref<10000x128xf32, #tpu.memory_space<hbm>>) dst(%arg27 : memref<40x128xf32, #tpu.memory_space<vmem>>)
      %add3A_458 = arith.constant 320000 : i32
      %add3A_459 = arith.addi %add3A_458, %mul3A_2 : i32
      %mul3A_460 = arith.constant 40 : i32
      %mul3A_461 = arith.muli %add3A_433, %mul3A_460 : i32
      %add3A_462 = arith.addi %add3A_459, %mul3A_461 : i32
      %dma_wait3A_463 = tpu.memref_slice %arg3[%add3A_462] : memref<640000xi32, #tpu.memory_space<hbm>> -> memref<40xi32, #tpu.memory_space<hbm>>
      %dma_wait3A_464 = tpu.memref_slice %arg3[%add3A_462] : memref<640000xi32, #tpu.memory_space<hbm>> -> memref<40xi32, #tpu.memory_space<hbm>>
      tpu.wait_dma2 semaphore(%arg44 : memref<!tpu.dma_semaphore, #tpu.memory_space<semaphore_mem>>) src(%dma_wait3A_464 : memref<40xi32, #tpu.memory_space<hbm>>) dst(%arg17 : memref<40xi32, #tpu.memory_space<vmem>>)
      %dma_start3A_465 = arith.constant 0 : i32
      %dma_start3A_466 = arith.constant 0 : i32
      %dma_start3A_467 = tpu.memref_slice %arg31[%dma_start3A_465, %dma_start3A_466] : memref<10240x128xf32, #tpu.memory_space<vmem_shared>> -> memref<10240x128xf32, #tpu.memory_space<vmem_shared>>
      tpu.enqueue_indirect_dma source(%arg27 : memref<40x128xf32, #tpu.memory_space<vmem>>) target(%dma_start3A_467 : memref<10240x128xf32, #tpu.memory_space<vmem_shared>>) offsets(%arg17 : memref<40xi32, #tpu.memory_space<vmem>>) semaphore(%arg59 : memref<!tpu.dma_semaphore, #tpu.memory_space<semaphore_mem>>) {add = true}
      %ge3A_468 = arith.constant 1 : i32
      %ge3A_469 = arith.cmpi sge, %add3A_433, %ge3A_468 : i32
      %add3A_470 = arith.constant 10 : i32
      %add3A_471 = arith.addi %add3A_433, %add3A_470 : i32
      %sub3A_472 = arith.constant 1 : i32
      %sub3A_473 = arith.subi %add3A_471, %sub3A_472 : i32
      %lt3A_474 = arith.constant 250 : i32
      %lt3A_475 = arith.cmpi slt, %sub3A_473, %lt3A_474 : i32
      %and3A_476 = arith.andi %ge3A_469, %lt3A_475 : i1
      %convert_element_type3A_477 = arith.extui %and3A_476 : i1 to i32
      %cond3A_478 = arith.constant 0 : i32
      %cond3A_479 = arith.cmpi ne, %convert_element_type3A_477, %cond3A_478 : i32
      scf.if %cond3A_479 {
        %add3A_845 = arith.constant 10 : i32
        %add3A_846 = arith.addi %add3A_433, %add3A_845 : i32
        %sub3A_847 = arith.constant 1 : i32
        %sub3A_848 = arith.subi %add3A_846, %sub3A_847 : i32
        %mul3A_849 = arith.constant 40 : i32
        %mul3A_850 = arith.muli %sub3A_848, %mul3A_849 : i32
        %add3A_851 = arith.addi %mul3A_2, %mul3A_850 : i32
        %dma_start3A_852 = tpu.memref_slice %arg3[%add3A_851] : memref<640000xi32, #tpu.memory_space<hbm>> -> memref<40xi32, #tpu.memory_space<hbm>>
        %dma_start3A_853 = tpu.memref_slice %arg3[%add3A_851] : memref<640000xi32, #tpu.memory_space<hbm>> -> memref<40xi32, #tpu.memory_space<hbm>>
        tpu.enqueue_dma source(%dma_start3A_853 : memref<40xi32, #tpu.memory_space<hbm>>) target(%arg6 : memref<40xi32, #tpu.memory_space<vmem>>) target_semaphore(%arg33 : memref<!tpu.dma_semaphore, #tpu.memory_space<semaphore_mem>>)
        %add3A_854 = arith.constant 10 : i32
        %add3A_855 = arith.addi %add3A_433, %add3A_854 : i32
        %sub3A_856 = arith.constant 1 : i32
        %sub3A_857 = arith.subi %add3A_855, %sub3A_856 : i32
        %add3A_858 = arith.constant 320000 : i32
        %add3A_859 = arith.addi %add3A_858, %mul3A_2 : i32
        %mul3A_860 = arith.constant 40 : i32
        %mul3A_861 = arith.muli %sub3A_857, %mul3A_860 : i32
        %add3A_862 = arith.addi %add3A_859, %mul3A_861 : i32
        %dma_start3A_863 = tpu.memref_slice %arg3[%add3A_862] : memref<640000xi32, #tpu.memory_space<hbm>> -> memref<40xi32, #tpu.memory_space<hbm>>
        %dma_start3A_864 = tpu.memref_slice %arg3[%add3A_862] : memref<640000xi32, #tpu.memory_space<hbm>> -> memref<40xi32, #tpu.memory_space<hbm>>
        tpu.enqueue_dma source(%dma_start3A_864 : memref<40xi32, #tpu.memory_space<hbm>>) target(%arg16 : memref<40xi32, #tpu.memory_space<vmem>>) target_semaphore(%arg43 : memref<!tpu.dma_semaphore, #tpu.memory_space<semaphore_mem>>)
      } else {
      }
      %mul3A_480 = arith.constant 10 : i32
      %mul3A_481 = arith.muli %scan3A_328, %mul3A_480 : i32
      %add3A_482 = arith.constant 0 : i32
      %add3A_483 = arith.addi %mul3A_481, %add3A_482 : i32
      %add3A_484 = arith.constant 3 : i32
      %add3A_485 = arith.addi %add3A_483, %add3A_484 : i32
      %add3A_486 = arith.constant 5 : i32
      %add3A_487 = arith.addi %add3A_485, %add3A_486 : i32
      %sub3A_488 = arith.constant 1 : i32
      %sub3A_489 = arith.subi %add3A_487, %sub3A_488 : i32
      %lt3A_490 = arith.constant 250 : i32
      %lt3A_491 = arith.cmpi slt, %sub3A_489, %lt3A_490 : i32
      %ge3A_492 = arith.constant 1 : i32
      %ge3A_493 = arith.cmpi sge, %add3A_485, %ge3A_492 : i32
      %and3A_494 = arith.andi %lt3A_491, %ge3A_493 : i1
      %convert_element_type3A_495 = arith.extui %and3A_494 : i1 to i32
      %cond3A_496 = arith.constant 0 : i32
      %cond3A_497 = arith.cmpi ne, %convert_element_type3A_495, %cond3A_496 : i32
      scf.if %cond3A_497 {
        %dma_wait3A_845 = arith.constant 0 : i32
        %dma_wait3A_846 = arith.constant 0 : i32
        %dma_wait3A_847 = tpu.memref_slice %arg31[%dma_wait3A_845, %dma_wait3A_846] : memref<10240x128xf32, #tpu.memory_space<vmem_shared>> -> memref<10240x128xf32, #tpu.memory_space<vmem_shared>>
        tpu.wait_indirect_dma semaphore(%arg59 : memref<!tpu.dma_semaphore, #tpu.memory_space<semaphore_mem>>) src(%arg27 : memref<40x128xf32, #tpu.memory_space<vmem>>) dst(%dma_wait3A_847 : memref<10240x128xf32, #tpu.memory_space<vmem_shared>>)
      } else {
      }
      %add3A_498 = arith.constant 5 : i32
      %add3A_499 = arith.addi %add3A_485, %add3A_498 : i32
      %sub3A_500 = arith.constant 1 : i32
      %sub3A_501 = arith.subi %add3A_499, %sub3A_500 : i32
      %lt3A_502 = arith.constant 250 : i32
      %lt3A_503 = arith.cmpi slt, %sub3A_501, %lt3A_502 : i32
      %convert_element_type3A_504 = arith.extui %lt3A_503 : i1 to i32
      %cond3A_505 = arith.constant 0 : i32
      %cond3A_506 = arith.cmpi ne, %convert_element_type3A_504, %cond3A_505 : i32
      scf.if %cond3A_506 {
        %add3A_845 = arith.constant 5 : i32
        %add3A_846 = arith.addi %add3A_485, %add3A_845 : i32
        %sub3A_847 = arith.constant 1 : i32
        %sub3A_848 = arith.subi %add3A_846, %sub3A_847 : i32
        %mul3A_849 = arith.constant 40 : i32
        %mul3A_850 = arith.muli %sub3A_848, %mul3A_849 : i32
        %add3A_851 = arith.addi %mul3A_2, %mul3A_850 : i32
        %dma_wait3A_852 = tpu.memref_slice %arg3[%add3A_851] : memref<640000xi32, #tpu.memory_space<hbm>> -> memref<40xi32, #tpu.memory_space<hbm>>
        %dma_wait3A_853 = tpu.memref_slice %arg3[%add3A_851] : memref<640000xi32, #tpu.memory_space<hbm>> -> memref<40xi32, #tpu.memory_space<hbm>>
        tpu.wait_dma2 semaphore(%arg39 : memref<!tpu.dma_semaphore, #tpu.memory_space<semaphore_mem>>) src(%dma_wait3A_853 : memref<40xi32, #tpu.memory_space<hbm>>) dst(%arg12 : memref<40xi32, #tpu.memory_space<vmem>>)
        %dma_start3A_854 = arith.constant 0 : i32
        %dma_start3A_855 = arith.constant 0 : i32
        %dma_start3A_856 = tpu.memref_slice %arg2[%dma_start3A_854, %dma_start3A_855] : memref<10000x128xf32, #tpu.memory_space<hbm>> -> memref<10000x128xf32, #tpu.memory_space<hbm>>
        tpu.enqueue_indirect_dma source(%dma_start3A_856 : memref<10000x128xf32, #tpu.memory_space<hbm>>) target(%arg27 : memref<40x128xf32, #tpu.memory_space<vmem>>) offsets(%arg12 : memref<40xi32, #tpu.memory_space<vmem>>) semaphore(%arg54 : memref<!tpu.dma_semaphore, #tpu.memory_space<semaphore_mem>>)
      } else {
      }
      %dma_wait3A_507 = arith.constant 0 : i32
      %dma_wait3A_508 = arith.constant 0 : i32
      %dma_wait3A_509 = tpu.memref_slice %arg2[%dma_wait3A_507, %dma_wait3A_508] : memref<10000x128xf32, #tpu.memory_space<hbm>> -> memref<10000x128xf32, #tpu.memory_space<hbm>>
      tpu.wait_indirect_dma semaphore(%arg55 : memref<!tpu.dma_semaphore, #tpu.memory_space<semaphore_mem>>) src(%dma_wait3A_509 : memref<10000x128xf32, #tpu.memory_space<hbm>>) dst(%arg28 : memref<40x128xf32, #tpu.memory_space<vmem>>)
      %add3A_510 = arith.constant 320000 : i32
      %add3A_511 = arith.addi %add3A_510, %mul3A_2 : i32
      %mul3A_512 = arith.constant 40 : i32
      %mul3A_513 = arith.muli %add3A_485, %mul3A_512 : i32
      %add3A_514 = arith.addi %add3A_511, %mul3A_513 : i32
      %dma_wait3A_515 = tpu.memref_slice %arg3[%add3A_514] : memref<640000xi32, #tpu.memory_space<hbm>> -> memref<40xi32, #tpu.memory_space<hbm>>
      %dma_wait3A_516 = tpu.memref_slice %arg3[%add3A_514] : memref<640000xi32, #tpu.memory_space<hbm>> -> memref<40xi32, #tpu.memory_space<hbm>>
      tpu.wait_dma2 semaphore(%arg45 : memref<!tpu.dma_semaphore, #tpu.memory_space<semaphore_mem>>) src(%dma_wait3A_516 : memref<40xi32, #tpu.memory_space<hbm>>) dst(%arg18 : memref<40xi32, #tpu.memory_space<vmem>>)
      %dma_start3A_517 = arith.constant 0 : i32
      %dma_start3A_518 = arith.constant 0 : i32
      %dma_start3A_519 = tpu.memref_slice %arg31[%dma_start3A_517, %dma_start3A_518] : memref<10240x128xf32, #tpu.memory_space<vmem_shared>> -> memref<10240x128xf32, #tpu.memory_space<vmem_shared>>
      tpu.enqueue_indirect_dma source(%arg28 : memref<40x128xf32, #tpu.memory_space<vmem>>) target(%dma_start3A_519 : memref<10240x128xf32, #tpu.memory_space<vmem_shared>>) offsets(%arg18 : memref<40xi32, #tpu.memory_space<vmem>>) semaphore(%arg60 : memref<!tpu.dma_semaphore, #tpu.memory_space<semaphore_mem>>) {add = true}
      %ge3A_520 = arith.constant 1 : i32
      %ge3A_521 = arith.cmpi sge, %add3A_485, %ge3A_520 : i32
      %add3A_522 = arith.constant 10 : i32
      %add3A_523 = arith.addi %add3A_485, %add3A_522 : i32
      %sub3A_524 = arith.constant 1 : i32
      %sub3A_525 = arith.subi %add3A_523, %sub3A_524 : i32
      %lt3A_526 = arith.constant 250 : i32
      %lt3A_527 = arith.cmpi slt, %sub3A_525, %lt3A_526 : i32
      %and3A_528 = arith.andi %ge3A_521, %lt3A_527 : i1
      %convert_element_type3A_529 = arith.extui %and3A_528 : i1 to i32
      %cond3A_530 = arith.constant 0 : i32
      %cond3A_531 = arith.cmpi ne, %convert_element_type3A_529, %cond3A_530 : i32
      scf.if %cond3A_531 {
        %add3A_845 = arith.constant 10 : i32
        %add3A_846 = arith.addi %add3A_485, %add3A_845 : i32
        %sub3A_847 = arith.constant 1 : i32
        %sub3A_848 = arith.subi %add3A_846, %sub3A_847 : i32
        %mul3A_849 = arith.constant 40 : i32
        %mul3A_850 = arith.muli %sub3A_848, %mul3A_849 : i32
        %add3A_851 = arith.addi %mul3A_2, %mul3A_850 : i32
        %dma_start3A_852 = tpu.memref_slice %arg3[%add3A_851] : memref<640000xi32, #tpu.memory_space<hbm>> -> memref<40xi32, #tpu.memory_space<hbm>>
        %dma_start3A_853 = tpu.memref_slice %arg3[%add3A_851] : memref<640000xi32, #tpu.memory_space<hbm>> -> memref<40xi32, #tpu.memory_space<hbm>>
        tpu.enqueue_dma source(%dma_start3A_853 : memref<40xi32, #tpu.memory_space<hbm>>) target(%arg7 : memref<40xi32, #tpu.memory_space<vmem>>) target_semaphore(%arg34 : memref<!tpu.dma_semaphore, #tpu.memory_space<semaphore_mem>>)
        %add3A_854 = arith.constant 10 : i32
        %add3A_855 = arith.addi %add3A_485, %add3A_854 : i32
        %sub3A_856 = arith.constant 1 : i32
        %sub3A_857 = arith.subi %add3A_855, %sub3A_856 : i32
        %add3A_858 = arith.constant 320000 : i32
        %add3A_859 = arith.addi %add3A_858, %mul3A_2 : i32
        %mul3A_860 = arith.constant 40 : i32
        %mul3A_861 = arith.muli %sub3A_857, %mul3A_860 : i32
        %add3A_862 = arith.addi %add3A_859, %mul3A_861 : i32
        %dma_start3A_863 = tpu.memref_slice %arg3[%add3A_862] : memref<640000xi32, #tpu.memory_space<hbm>> -> memref<40xi32, #tpu.memory_space<hbm>>
        %dma_start3A_864 = tpu.memref_slice %arg3[%add3A_862] : memref<640000xi32, #tpu.memory_space<hbm>> -> memref<40xi32, #tpu.memory_space<hbm>>
        tpu.enqueue_dma source(%dma_start3A_864 : memref<40xi32, #tpu.memory_space<hbm>>) target(%arg17 : memref<40xi32, #tpu.memory_space<vmem>>) target_semaphore(%arg44 : memref<!tpu.dma_semaphore, #tpu.memory_space<semaphore_mem>>)
      } else {
      }
      %mul3A_532 = arith.constant 10 : i32
      %mul3A_533 = arith.muli %scan3A_328, %mul3A_532 : i32
      %add3A_534 = arith.constant 0 : i32
      %add3A_535 = arith.addi %mul3A_533, %add3A_534 : i32
      %add3A_536 = arith.constant 4 : i32
      %add3A_537 = arith.addi %add3A_535, %add3A_536 : i32
      %add3A_538 = arith.constant 5 : i32
      %add3A_539 = arith.addi %add3A_537, %add3A_538 : i32
      %sub3A_540 = arith.constant 1 : i32
      %sub3A_541 = arith.subi %add3A_539, %sub3A_540 : i32
      %lt3A_542 = arith.constant 250 : i32
      %lt3A_543 = arith.cmpi slt, %sub3A_541, %lt3A_542 : i32
      %ge3A_544 = arith.constant 1 : i32
      %ge3A_545 = arith.cmpi sge, %add3A_537, %ge3A_544 : i32
      %and3A_546 = arith.andi %lt3A_543, %ge3A_545 : i1
      %convert_element_type3A_547 = arith.extui %and3A_546 : i1 to i32
      %cond3A_548 = arith.constant 0 : i32
      %cond3A_549 = arith.cmpi ne, %convert_element_type3A_547, %cond3A_548 : i32
      scf.if %cond3A_549 {
        %dma_wait3A_845 = arith.constant 0 : i32
        %dma_wait3A_846 = arith.constant 0 : i32
        %dma_wait3A_847 = tpu.memref_slice %arg31[%dma_wait3A_845, %dma_wait3A_846] : memref<10240x128xf32, #tpu.memory_space<vmem_shared>> -> memref<10240x128xf32, #tpu.memory_space<vmem_shared>>
        tpu.wait_indirect_dma semaphore(%arg60 : memref<!tpu.dma_semaphore, #tpu.memory_space<semaphore_mem>>) src(%arg28 : memref<40x128xf32, #tpu.memory_space<vmem>>) dst(%dma_wait3A_847 : memref<10240x128xf32, #tpu.memory_space<vmem_shared>>)
      } else {
      }
      %add3A_550 = arith.constant 5 : i32
      %add3A_551 = arith.addi %add3A_537, %add3A_550 : i32
      %sub3A_552 = arith.constant 1 : i32
      %sub3A_553 = arith.subi %add3A_551, %sub3A_552 : i32
      %lt3A_554 = arith.constant 250 : i32
      %lt3A_555 = arith.cmpi slt, %sub3A_553, %lt3A_554 : i32
      %convert_element_type3A_556 = arith.extui %lt3A_555 : i1 to i32
      %cond3A_557 = arith.constant 0 : i32
      %cond3A_558 = arith.cmpi ne, %convert_element_type3A_556, %cond3A_557 : i32
      scf.if %cond3A_558 {
        %add3A_845 = arith.constant 5 : i32
        %add3A_846 = arith.addi %add3A_537, %add3A_845 : i32
        %sub3A_847 = arith.constant 1 : i32
        %sub3A_848 = arith.subi %add3A_846, %sub3A_847 : i32
        %mul3A_849 = arith.constant 40 : i32
        %mul3A_850 = arith.muli %sub3A_848, %mul3A_849 : i32
        %add3A_851 = arith.addi %mul3A_2, %mul3A_850 : i32
        %dma_wait3A_852 = tpu.memref_slice %arg3[%add3A_851] : memref<640000xi32, #tpu.memory_space<hbm>> -> memref<40xi32, #tpu.memory_space<hbm>>
        %dma_wait3A_853 = tpu.memref_slice %arg3[%add3A_851] : memref<640000xi32, #tpu.memory_space<hbm>> -> memref<40xi32, #tpu.memory_space<hbm>>
        tpu.wait_dma2 semaphore(%arg40 : memref<!tpu.dma_semaphore, #tpu.memory_space<semaphore_mem>>) src(%dma_wait3A_853 : memref<40xi32, #tpu.memory_space<hbm>>) dst(%arg13 : memref<40xi32, #tpu.memory_space<vmem>>)
        %dma_start3A_854 = arith.constant 0 : i32
        %dma_start3A_855 = arith.constant 0 : i32
        %dma_start3A_856 = tpu.memref_slice %arg2[%dma_start3A_854, %dma_start3A_855] : memref<10000x128xf32, #tpu.memory_space<hbm>> -> memref<10000x128xf32, #tpu.memory_space<hbm>>
        tpu.enqueue_indirect_dma source(%dma_start3A_856 : memref<10000x128xf32, #tpu.memory_space<hbm>>) target(%arg28 : memref<40x128xf32, #tpu.memory_space<vmem>>) offsets(%arg13 : memref<40xi32, #tpu.memory_space<vmem>>) semaphore(%arg55 : memref<!tpu.dma_semaphore, #tpu.memory_space<semaphore_mem>>)
      } else {
      }
      %dma_wait3A_559 = arith.constant 0 : i32
      %dma_wait3A_560 = arith.constant 0 : i32
      %dma_wait3A_561 = tpu.memref_slice %arg2[%dma_wait3A_559, %dma_wait3A_560] : memref<10000x128xf32, #tpu.memory_space<hbm>> -> memref<10000x128xf32, #tpu.memory_space<hbm>>
      tpu.wait_indirect_dma semaphore(%arg56 : memref<!tpu.dma_semaphore, #tpu.memory_space<semaphore_mem>>) src(%dma_wait3A_561 : memref<10000x128xf32, #tpu.memory_space<hbm>>) dst(%arg29 : memref<40x128xf32, #tpu.memory_space<vmem>>)
      %add3A_562 = arith.constant 320000 : i32
      %add3A_563 = arith.addi %add3A_562, %mul3A_2 : i32
      %mul3A_564 = arith.constant 40 : i32
      %mul3A_565 = arith.muli %add3A_537, %mul3A_564 : i32
      %add3A_566 = arith.addi %add3A_563, %mul3A_565 : i32
      %dma_wait3A_567 = tpu.memref_slice %arg3[%add3A_566] : memref<640000xi32, #tpu.memory_space<hbm>> -> memref<40xi32, #tpu.memory_space<hbm>>
      %dma_wait3A_568 = tpu.memref_slice %arg3[%add3A_566] : memref<640000xi32, #tpu.memory_space<hbm>> -> memref<40xi32, #tpu.memory_space<hbm>>
      tpu.wait_dma2 semaphore(%arg46 : memref<!tpu.dma_semaphore, #tpu.memory_space<semaphore_mem>>) src(%dma_wait3A_568 : memref<40xi32, #tpu.memory_space<hbm>>) dst(%arg19 : memref<40xi32, #tpu.memory_space<vmem>>)
      %dma_start3A_569 = arith.constant 0 : i32
      %dma_start3A_570 = arith.constant 0 : i32
      %dma_start3A_571 = tpu.memref_slice %arg31[%dma_start3A_569, %dma_start3A_570] : memref<10240x128xf32, #tpu.memory_space<vmem_shared>> -> memref<10240x128xf32, #tpu.memory_space<vmem_shared>>
      tpu.enqueue_indirect_dma source(%arg29 : memref<40x128xf32, #tpu.memory_space<vmem>>) target(%dma_start3A_571 : memref<10240x128xf32, #tpu.memory_space<vmem_shared>>) offsets(%arg19 : memref<40xi32, #tpu.memory_space<vmem>>) semaphore(%arg61 : memref<!tpu.dma_semaphore, #tpu.memory_space<semaphore_mem>>) {add = true}
      %ge3A_572 = arith.constant 1 : i32
      %ge3A_573 = arith.cmpi sge, %add3A_537, %ge3A_572 : i32
      %add3A_574 = arith.constant 10 : i32
      %add3A_575 = arith.addi %add3A_537, %add3A_574 : i32
      %sub3A_576 = arith.constant 1 : i32
      %sub3A_577 = arith.subi %add3A_575, %sub3A_576 : i32
      %lt3A_578 = arith.constant 250 : i32
      %lt3A_579 = arith.cmpi slt, %sub3A_577, %lt3A_578 : i32
      %and3A_580 = arith.andi %ge3A_573, %lt3A_579 : i1
      %convert_element_type3A_581 = arith.extui %and3A_580 : i1 to i32
      %cond3A_582 = arith.constant 0 : i32
      %cond3A_583 = arith.cmpi ne, %convert_element_type3A_581, %cond3A_582 : i32
      scf.if %cond3A_583 {
        %add3A_845 = arith.constant 10 : i32
        %add3A_846 = arith.addi %add3A_537, %add3A_845 : i32
        %sub3A_847 = arith.constant 1 : i32
        %sub3A_848 = arith.subi %add3A_846, %sub3A_847 : i32
        %mul3A_849 = arith.constant 40 : i32
        %mul3A_850 = arith.muli %sub3A_848, %mul3A_849 : i32
        %add3A_851 = arith.addi %mul3A_2, %mul3A_850 : i32
        %dma_start3A_852 = tpu.memref_slice %arg3[%add3A_851] : memref<640000xi32, #tpu.memory_space<hbm>> -> memref<40xi32, #tpu.memory_space<hbm>>
        %dma_start3A_853 = tpu.memref_slice %arg3[%add3A_851] : memref<640000xi32, #tpu.memory_space<hbm>> -> memref<40xi32, #tpu.memory_space<hbm>>
        tpu.enqueue_dma source(%dma_start3A_853 : memref<40xi32, #tpu.memory_space<hbm>>) target(%arg8 : memref<40xi32, #tpu.memory_space<vmem>>) target_semaphore(%arg35 : memref<!tpu.dma_semaphore, #tpu.memory_space<semaphore_mem>>)
        %add3A_854 = arith.constant 10 : i32
        %add3A_855 = arith.addi %add3A_537, %add3A_854 : i32
        %sub3A_856 = arith.constant 1 : i32
        %sub3A_857 = arith.subi %add3A_855, %sub3A_856 : i32
        %add3A_858 = arith.constant 320000 : i32
        %add3A_859 = arith.addi %add3A_858, %mul3A_2 : i32
        %mul3A_860 = arith.constant 40 : i32
        %mul3A_861 = arith.muli %sub3A_857, %mul3A_860 : i32
        %add3A_862 = arith.addi %add3A_859, %mul3A_861 : i32
        %dma_start3A_863 = tpu.memref_slice %arg3[%add3A_862] : memref<640000xi32, #tpu.memory_space<hbm>> -> memref<40xi32, #tpu.memory_space<hbm>>
        %dma_start3A_864 = tpu.memref_slice %arg3[%add3A_862] : memref<640000xi32, #tpu.memory_space<hbm>> -> memref<40xi32, #tpu.memory_space<hbm>>
        tpu.enqueue_dma source(%dma_start3A_864 : memref<40xi32, #tpu.memory_space<hbm>>) target(%arg18 : memref<40xi32, #tpu.memory_space<vmem>>) target_semaphore(%arg45 : memref<!tpu.dma_semaphore, #tpu.memory_space<semaphore_mem>>)
      } else {
      }
      %mul3A_584 = arith.constant 10 : i32
      %mul3A_585 = arith.muli %scan3A_328, %mul3A_584 : i32
      %add3A_586 = arith.constant 5 : i32
      %add3A_587 = arith.addi %mul3A_585, %add3A_586 : i32
      %add3A_588 = arith.constant 0 : i32
      %add3A_589 = arith.addi %add3A_587, %add3A_588 : i32
      %add3A_590 = arith.constant 5 : i32
      %add3A_591 = arith.addi %add3A_589, %add3A_590 : i32
      %sub3A_592 = arith.constant 1 : i32
      %sub3A_593 = arith.subi %add3A_591, %sub3A_592 : i32
      %lt3A_594 = arith.constant 250 : i32
      %lt3A_595 = arith.cmpi slt, %sub3A_593, %lt3A_594 : i32
      %ge3A_596 = arith.constant 1 : i32
      %ge3A_597 = arith.cmpi sge, %add3A_589, %ge3A_596 : i32
      %and3A_598 = arith.andi %lt3A_595, %ge3A_597 : i1
      %convert_element_type3A_599 = arith.extui %and3A_598 : i1 to i32
      %cond3A_600 = arith.constant 0 : i32
      %cond3A_601 = arith.cmpi ne, %convert_element_type3A_599, %cond3A_600 : i32
      scf.if %cond3A_601 {
        %dma_wait3A_845 = arith.constant 0 : i32
        %dma_wait3A_846 = arith.constant 0 : i32
        %dma_wait3A_847 = tpu.memref_slice %arg31[%dma_wait3A_845, %dma_wait3A_846] : memref<10240x128xf32, #tpu.memory_space<vmem_shared>> -> memref<10240x128xf32, #tpu.memory_space<vmem_shared>>
        tpu.wait_indirect_dma semaphore(%arg61 : memref<!tpu.dma_semaphore, #tpu.memory_space<semaphore_mem>>) src(%arg29 : memref<40x128xf32, #tpu.memory_space<vmem>>) dst(%dma_wait3A_847 : memref<10240x128xf32, #tpu.memory_space<vmem_shared>>)
      } else {
      }
      %add3A_602 = arith.constant 5 : i32
      %add3A_603 = arith.addi %add3A_589, %add3A_602 : i32
      %sub3A_604 = arith.constant 1 : i32
      %sub3A_605 = arith.subi %add3A_603, %sub3A_604 : i32
      %lt3A_606 = arith.constant 250 : i32
      %lt3A_607 = arith.cmpi slt, %sub3A_605, %lt3A_606 : i32
      %convert_element_type3A_608 = arith.extui %lt3A_607 : i1 to i32
      %cond3A_609 = arith.constant 0 : i32
      %cond3A_610 = arith.cmpi ne, %convert_element_type3A_608, %cond3A_609 : i32
      scf.if %cond3A_610 {
        %add3A_845 = arith.constant 5 : i32
        %add3A_846 = arith.addi %add3A_589, %add3A_845 : i32
        %sub3A_847 = arith.constant 1 : i32
        %sub3A_848 = arith.subi %add3A_846, %sub3A_847 : i32
        %mul3A_849 = arith.constant 40 : i32
        %mul3A_850 = arith.muli %sub3A_848, %mul3A_849 : i32
        %add3A_851 = arith.addi %mul3A_2, %mul3A_850 : i32
        %dma_wait3A_852 = tpu.memref_slice %arg3[%add3A_851] : memref<640000xi32, #tpu.memory_space<hbm>> -> memref<40xi32, #tpu.memory_space<hbm>>
        %dma_wait3A_853 = tpu.memref_slice %arg3[%add3A_851] : memref<640000xi32, #tpu.memory_space<hbm>> -> memref<40xi32, #tpu.memory_space<hbm>>
        tpu.wait_dma2 semaphore(%arg41 : memref<!tpu.dma_semaphore, #tpu.memory_space<semaphore_mem>>) src(%dma_wait3A_853 : memref<40xi32, #tpu.memory_space<hbm>>) dst(%arg14 : memref<40xi32, #tpu.memory_space<vmem>>)
        %dma_start3A_854 = arith.constant 0 : i32
        %dma_start3A_855 = arith.constant 0 : i32
        %dma_start3A_856 = tpu.memref_slice %arg2[%dma_start3A_854, %dma_start3A_855] : memref<10000x128xf32, #tpu.memory_space<hbm>> -> memref<10000x128xf32, #tpu.memory_space<hbm>>
        tpu.enqueue_indirect_dma source(%dma_start3A_856 : memref<10000x128xf32, #tpu.memory_space<hbm>>) target(%arg29 : memref<40x128xf32, #tpu.memory_space<vmem>>) offsets(%arg14 : memref<40xi32, #tpu.memory_space<vmem>>) semaphore(%arg56 : memref<!tpu.dma_semaphore, #tpu.memory_space<semaphore_mem>>)
      } else {
      }
      %dma_wait3A_611 = arith.constant 0 : i32
      %dma_wait3A_612 = arith.constant 0 : i32
      %dma_wait3A_613 = tpu.memref_slice %arg2[%dma_wait3A_611, %dma_wait3A_612] : memref<10000x128xf32, #tpu.memory_space<hbm>> -> memref<10000x128xf32, #tpu.memory_space<hbm>>
      tpu.wait_indirect_dma semaphore(%arg52 : memref<!tpu.dma_semaphore, #tpu.memory_space<semaphore_mem>>) src(%dma_wait3A_613 : memref<10000x128xf32, #tpu.memory_space<hbm>>) dst(%arg25 : memref<40x128xf32, #tpu.memory_space<vmem>>)
      %add3A_614 = arith.constant 320000 : i32
      %add3A_615 = arith.addi %add3A_614, %mul3A_2 : i32
      %mul3A_616 = arith.constant 40 : i32
      %mul3A_617 = arith.muli %add3A_589, %mul3A_616 : i32
      %add3A_618 = arith.addi %add3A_615, %mul3A_617 : i32
      %dma_wait3A_619 = tpu.memref_slice %arg3[%add3A_618] : memref<640000xi32, #tpu.memory_space<hbm>> -> memref<40xi32, #tpu.memory_space<hbm>>
      %dma_wait3A_620 = tpu.memref_slice %arg3[%add3A_618] : memref<640000xi32, #tpu.memory_space<hbm>> -> memref<40xi32, #tpu.memory_space<hbm>>
      tpu.wait_dma2 semaphore(%arg47 : memref<!tpu.dma_semaphore, #tpu.memory_space<semaphore_mem>>) src(%dma_wait3A_620 : memref<40xi32, #tpu.memory_space<hbm>>) dst(%arg20 : memref<40xi32, #tpu.memory_space<vmem>>)
      %dma_start3A_621 = arith.constant 0 : i32
      %dma_start3A_622 = arith.constant 0 : i32
      %dma_start3A_623 = tpu.memref_slice %arg31[%dma_start3A_621, %dma_start3A_622] : memref<10240x128xf32, #tpu.memory_space<vmem_shared>> -> memref<10240x128xf32, #tpu.memory_space<vmem_shared>>
      tpu.enqueue_indirect_dma source(%arg25 : memref<40x128xf32, #tpu.memory_space<vmem>>) target(%dma_start3A_623 : memref<10240x128xf32, #tpu.memory_space<vmem_shared>>) offsets(%arg20 : memref<40xi32, #tpu.memory_space<vmem>>) semaphore(%arg57 : memref<!tpu.dma_semaphore, #tpu.memory_space<semaphore_mem>>) {add = true}
      %ge3A_624 = arith.constant 1 : i32
      %ge3A_625 = arith.cmpi sge, %add3A_589, %ge3A_624 : i32
      %add3A_626 = arith.constant 10 : i32
      %add3A_627 = arith.addi %add3A_589, %add3A_626 : i32
      %sub3A_628 = arith.constant 1 : i32
      %sub3A_629 = arith.subi %add3A_627, %sub3A_628 : i32
      %lt3A_630 = arith.constant 250 : i32
      %lt3A_631 = arith.cmpi slt, %sub3A_629, %lt3A_630 : i32
      %and3A_632 = arith.andi %ge3A_625, %lt3A_631 : i1
      %convert_element_type3A_633 = arith.extui %and3A_632 : i1 to i32
      %cond3A_634 = arith.constant 0 : i32
      %cond3A_635 = arith.cmpi ne, %convert_element_type3A_633, %cond3A_634 : i32
      scf.if %cond3A_635 {
        %add3A_845 = arith.constant 10 : i32
        %add3A_846 = arith.addi %add3A_589, %add3A_845 : i32
        %sub3A_847 = arith.constant 1 : i32
        %sub3A_848 = arith.subi %add3A_846, %sub3A_847 : i32
        %mul3A_849 = arith.constant 40 : i32
        %mul3A_850 = arith.muli %sub3A_848, %mul3A_849 : i32
        %add3A_851 = arith.addi %mul3A_2, %mul3A_850 : i32
        %dma_start3A_852 = tpu.memref_slice %arg3[%add3A_851] : memref<640000xi32, #tpu.memory_space<hbm>> -> memref<40xi32, #tpu.memory_space<hbm>>
        %dma_start3A_853 = tpu.memref_slice %arg3[%add3A_851] : memref<640000xi32, #tpu.memory_space<hbm>> -> memref<40xi32, #tpu.memory_space<hbm>>
        tpu.enqueue_dma source(%dma_start3A_853 : memref<40xi32, #tpu.memory_space<hbm>>) target(%arg9 : memref<40xi32, #tpu.memory_space<vmem>>) target_semaphore(%arg36 : memref<!tpu.dma_semaphore, #tpu.memory_space<semaphore_mem>>)
        %add3A_854 = arith.constant 10 : i32
        %add3A_855 = arith.addi %add3A_589, %add3A_854 : i32
        %sub3A_856 = arith.constant 1 : i32
        %sub3A_857 = arith.subi %add3A_855, %sub3A_856 : i32
        %add3A_858 = arith.constant 320000 : i32
        %add3A_859 = arith.addi %add3A_858, %mul3A_2 : i32
        %mul3A_860 = arith.constant 40 : i32
        %mul3A_861 = arith.muli %sub3A_857, %mul3A_860 : i32
        %add3A_862 = arith.addi %add3A_859, %mul3A_861 : i32
        %dma_start3A_863 = tpu.memref_slice %arg3[%add3A_862] : memref<640000xi32, #tpu.memory_space<hbm>> -> memref<40xi32, #tpu.memory_space<hbm>>
        %dma_start3A_864 = tpu.memref_slice %arg3[%add3A_862] : memref<640000xi32, #tpu.memory_space<hbm>> -> memref<40xi32, #tpu.memory_space<hbm>>
        tpu.enqueue_dma source(%dma_start3A_864 : memref<40xi32, #tpu.memory_space<hbm>>) target(%arg19 : memref<40xi32, #tpu.memory_space<vmem>>) target_semaphore(%arg46 : memref<!tpu.dma_semaphore, #tpu.memory_space<semaphore_mem>>)
      } else {
      }
      %mul3A_636 = arith.constant 10 : i32
      %mul3A_637 = arith.muli %scan3A_328, %mul3A_636 : i32
      %add3A_638 = arith.constant 5 : i32
      %add3A_639 = arith.addi %mul3A_637, %add3A_638 : i32
      %add3A_640 = arith.constant 1 : i32
      %add3A_641 = arith.addi %add3A_639, %add3A_640 : i32
      %add3A_642 = arith.constant 5 : i32
      %add3A_643 = arith.addi %add3A_641, %add3A_642 : i32
      %sub3A_644 = arith.constant 1 : i32
      %sub3A_645 = arith.subi %add3A_643, %sub3A_644 : i32
      %lt3A_646 = arith.constant 250 : i32
      %lt3A_647 = arith.cmpi slt, %sub3A_645, %lt3A_646 : i32
      %ge3A_648 = arith.constant 1 : i32
      %ge3A_649 = arith.cmpi sge, %add3A_641, %ge3A_648 : i32
      %and3A_650 = arith.andi %lt3A_647, %ge3A_649 : i1
      %convert_element_type3A_651 = arith.extui %and3A_650 : i1 to i32
      %cond3A_652 = arith.constant 0 : i32
      %cond3A_653 = arith.cmpi ne, %convert_element_type3A_651, %cond3A_652 : i32
      scf.if %cond3A_653 {
        %dma_wait3A_845 = arith.constant 0 : i32
        %dma_wait3A_846 = arith.constant 0 : i32
        %dma_wait3A_847 = tpu.memref_slice %arg31[%dma_wait3A_845, %dma_wait3A_846] : memref<10240x128xf32, #tpu.memory_space<vmem_shared>> -> memref<10240x128xf32, #tpu.memory_space<vmem_shared>>
        tpu.wait_indirect_dma semaphore(%arg57 : memref<!tpu.dma_semaphore, #tpu.memory_space<semaphore_mem>>) src(%arg25 : memref<40x128xf32, #tpu.memory_space<vmem>>) dst(%dma_wait3A_847 : memref<10240x128xf32, #tpu.memory_space<vmem_shared>>)
      } else {
      }
      %add3A_654 = arith.constant 5 : i32
      %add3A_655 = arith.addi %add3A_641, %add3A_654 : i32
      %sub3A_656 = arith.constant 1 : i32
      %sub3A_657 = arith.subi %add3A_655, %sub3A_656 : i32
      %lt3A_658 = arith.constant 250 : i32
      %lt3A_659 = arith.cmpi slt, %sub3A_657, %lt3A_658 : i32
      %convert_element_type3A_660 = arith.extui %lt3A_659 : i1 to i32
      %cond3A_661 = arith.constant 0 : i32
      %cond3A_662 = arith.cmpi ne, %convert_element_type3A_660, %cond3A_661 : i32
      scf.if %cond3A_662 {
        %add3A_845 = arith.constant 5 : i32
        %add3A_846 = arith.addi %add3A_641, %add3A_845 : i32
        %sub3A_847 = arith.constant 1 : i32
        %sub3A_848 = arith.subi %add3A_846, %sub3A_847 : i32
        %mul3A_849 = arith.constant 40 : i32
        %mul3A_850 = arith.muli %sub3A_848, %mul3A_849 : i32
        %add3A_851 = arith.addi %mul3A_2, %mul3A_850 : i32
        %dma_wait3A_852 = tpu.memref_slice %arg3[%add3A_851] : memref<640000xi32, #tpu.memory_space<hbm>> -> memref<40xi32, #tpu.memory_space<hbm>>
        %dma_wait3A_853 = tpu.memref_slice %arg3[%add3A_851] : memref<640000xi32, #tpu.memory_space<hbm>> -> memref<40xi32, #tpu.memory_space<hbm>>
        tpu.wait_dma2 semaphore(%arg32 : memref<!tpu.dma_semaphore, #tpu.memory_space<semaphore_mem>>) src(%dma_wait3A_853 : memref<40xi32, #tpu.memory_space<hbm>>) dst(%arg5 : memref<40xi32, #tpu.memory_space<vmem>>)
        %dma_start3A_854 = arith.constant 0 : i32
        %dma_start3A_855 = arith.constant 0 : i32
        %dma_start3A_856 = tpu.memref_slice %arg2[%dma_start3A_854, %dma_start3A_855] : memref<10000x128xf32, #tpu.memory_space<hbm>> -> memref<10000x128xf32, #tpu.memory_space<hbm>>
        tpu.enqueue_indirect_dma source(%dma_start3A_856 : memref<10000x128xf32, #tpu.memory_space<hbm>>) target(%arg25 : memref<40x128xf32, #tpu.memory_space<vmem>>) offsets(%arg5 : memref<40xi32, #tpu.memory_space<vmem>>) semaphore(%arg52 : memref<!tpu.dma_semaphore, #tpu.memory_space<semaphore_mem>>)
      } else {
      }
      %dma_wait3A_663 = arith.constant 0 : i32
      %dma_wait3A_664 = arith.constant 0 : i32
      %dma_wait3A_665 = tpu.memref_slice %arg2[%dma_wait3A_663, %dma_wait3A_664] : memref<10000x128xf32, #tpu.memory_space<hbm>> -> memref<10000x128xf32, #tpu.memory_space<hbm>>
      tpu.wait_indirect_dma semaphore(%arg53 : memref<!tpu.dma_semaphore, #tpu.memory_space<semaphore_mem>>) src(%dma_wait3A_665 : memref<10000x128xf32, #tpu.memory_space<hbm>>) dst(%arg26 : memref<40x128xf32, #tpu.memory_space<vmem>>)
      %add3A_666 = arith.constant 320000 : i32
      %add3A_667 = arith.addi %add3A_666, %mul3A_2 : i32
      %mul3A_668 = arith.constant 40 : i32
      %mul3A_669 = arith.muli %add3A_641, %mul3A_668 : i32
      %add3A_670 = arith.addi %add3A_667, %mul3A_669 : i32
      %dma_wait3A_671 = tpu.memref_slice %arg3[%add3A_670] : memref<640000xi32, #tpu.memory_space<hbm>> -> memref<40xi32, #tpu.memory_space<hbm>>
      %dma_wait3A_672 = tpu.memref_slice %arg3[%add3A_670] : memref<640000xi32, #tpu.memory_space<hbm>> -> memref<40xi32, #tpu.memory_space<hbm>>
      tpu.wait_dma2 semaphore(%arg48 : memref<!tpu.dma_semaphore, #tpu.memory_space<semaphore_mem>>) src(%dma_wait3A_672 : memref<40xi32, #tpu.memory_space<hbm>>) dst(%arg21 : memref<40xi32, #tpu.memory_space<vmem>>)
      %dma_start3A_673 = arith.constant 0 : i32
      %dma_start3A_674 = arith.constant 0 : i32
      %dma_start3A_675 = tpu.memref_slice %arg31[%dma_start3A_673, %dma_start3A_674] : memref<10240x128xf32, #tpu.memory_space<vmem_shared>> -> memref<10240x128xf32, #tpu.memory_space<vmem_shared>>
      tpu.enqueue_indirect_dma source(%arg26 : memref<40x128xf32, #tpu.memory_space<vmem>>) target(%dma_start3A_675 : memref<10240x128xf32, #tpu.memory_space<vmem_shared>>) offsets(%arg21 : memref<40xi32, #tpu.memory_space<vmem>>) semaphore(%arg58 : memref<!tpu.dma_semaphore, #tpu.memory_space<semaphore_mem>>) {add = true}
      %ge3A_676 = arith.constant 1 : i32
      %ge3A_677 = arith.cmpi sge, %add3A_641, %ge3A_676 : i32
      %add3A_678 = arith.constant 10 : i32
      %add3A_679 = arith.addi %add3A_641, %add3A_678 : i32
      %sub3A_680 = arith.constant 1 : i32
      %sub3A_681 = arith.subi %add3A_679, %sub3A_680 : i32
      %lt3A_682 = arith.constant 250 : i32
      %lt3A_683 = arith.cmpi slt, %sub3A_681, %lt3A_682 : i32
      %and3A_684 = arith.andi %ge3A_677, %lt3A_683 : i1
      %convert_element_type3A_685 = arith.extui %and3A_684 : i1 to i32
      %cond3A_686 = arith.constant 0 : i32
      %cond3A_687 = arith.cmpi ne, %convert_element_type3A_685, %cond3A_686 : i32
      scf.if %cond3A_687 {
        %add3A_845 = arith.constant 10 : i32
        %add3A_846 = arith.addi %add3A_641, %add3A_845 : i32
        %sub3A_847 = arith.constant 1 : i32
        %sub3A_848 = arith.subi %add3A_846, %sub3A_847 : i32
        %mul3A_849 = arith.constant 40 : i32
        %mul3A_850 = arith.muli %sub3A_848, %mul3A_849 : i32
        %add3A_851 = arith.addi %mul3A_2, %mul3A_850 : i32
        %dma_start3A_852 = tpu.memref_slice %arg3[%add3A_851] : memref<640000xi32, #tpu.memory_space<hbm>> -> memref<40xi32, #tpu.memory_space<hbm>>
        %dma_start3A_853 = tpu.memref_slice %arg3[%add3A_851] : memref<640000xi32, #tpu.memory_space<hbm>> -> memref<40xi32, #tpu.memory_space<hbm>>
        tpu.enqueue_dma source(%dma_start3A_853 : memref<40xi32, #tpu.memory_space<hbm>>) target(%arg10 : memref<40xi32, #tpu.memory_space<vmem>>) target_semaphore(%arg37 : memref<!tpu.dma_semaphore, #tpu.memory_space<semaphore_mem>>)
        %add3A_854 = arith.constant 10 : i32
        %add3A_855 = arith.addi %add3A_641, %add3A_854 : i32
        %sub3A_856 = arith.constant 1 : i32
        %sub3A_857 = arith.subi %add3A_855, %sub3A_856 : i32
        %add3A_858 = arith.constant 320000 : i32
        %add3A_859 = arith.addi %add3A_858, %mul3A_2 : i32
        %mul3A_860 = arith.constant 40 : i32
        %mul3A_861 = arith.muli %sub3A_857, %mul3A_860 : i32
        %add3A_862 = arith.addi %add3A_859, %mul3A_861 : i32
        %dma_start3A_863 = tpu.memref_slice %arg3[%add3A_862] : memref<640000xi32, #tpu.memory_space<hbm>> -> memref<40xi32, #tpu.memory_space<hbm>>
        %dma_start3A_864 = tpu.memref_slice %arg3[%add3A_862] : memref<640000xi32, #tpu.memory_space<hbm>> -> memref<40xi32, #tpu.memory_space<hbm>>
        tpu.enqueue_dma source(%dma_start3A_864 : memref<40xi32, #tpu.memory_space<hbm>>) target(%arg20 : memref<40xi32, #tpu.memory_space<vmem>>) target_semaphore(%arg47 : memref<!tpu.dma_semaphore, #tpu.memory_space<semaphore_mem>>)
      } else {
      }
      %mul3A_688 = arith.constant 10 : i32
      %mul3A_689 = arith.muli %scan3A_328, %mul3A_688 : i32
      %add3A_690 = arith.constant 5 : i32
      %add3A_691 = arith.addi %mul3A_689, %add3A_690 : i32
      %add3A_692 = arith.constant 2 : i32
      %add3A_693 = arith.addi %add3A_691, %add3A_692 : i32
      %add3A_694 = arith.constant 5 : i32
      %add3A_695 = arith.addi %add3A_693, %add3A_694 : i32
      %sub3A_696 = arith.constant 1 : i32
      %sub3A_697 = arith.subi %add3A_695, %sub3A_696 : i32
      %lt3A_698 = arith.constant 250 : i32
      %lt3A_699 = arith.cmpi slt, %sub3A_697, %lt3A_698 : i32
      %ge3A_700 = arith.constant 1 : i32
      %ge3A_701 = arith.cmpi sge, %add3A_693, %ge3A_700 : i32
      %and3A_702 = arith.andi %lt3A_699, %ge3A_701 : i1
      %convert_element_type3A_703 = arith.extui %and3A_702 : i1 to i32
      %cond3A_704 = arith.constant 0 : i32
      %cond3A_705 = arith.cmpi ne, %convert_element_type3A_703, %cond3A_704 : i32
      scf.if %cond3A_705 {
        %dma_wait3A_845 = arith.constant 0 : i32
        %dma_wait3A_846 = arith.constant 0 : i32
        %dma_wait3A_847 = tpu.memref_slice %arg31[%dma_wait3A_845, %dma_wait3A_846] : memref<10240x128xf32, #tpu.memory_space<vmem_shared>> -> memref<10240x128xf32, #tpu.memory_space<vmem_shared>>
        tpu.wait_indirect_dma semaphore(%arg58 : memref<!tpu.dma_semaphore, #tpu.memory_space<semaphore_mem>>) src(%arg26 : memref<40x128xf32, #tpu.memory_space<vmem>>) dst(%dma_wait3A_847 : memref<10240x128xf32, #tpu.memory_space<vmem_shared>>)
      } else {
      }
      %add3A_706 = arith.constant 5 : i32
      %add3A_707 = arith.addi %add3A_693, %add3A_706 : i32
      %sub3A_708 = arith.constant 1 : i32
      %sub3A_709 = arith.subi %add3A_707, %sub3A_708 : i32
      %lt3A_710 = arith.constant 250 : i32
      %lt3A_711 = arith.cmpi slt, %sub3A_709, %lt3A_710 : i32
      %convert_element_type3A_712 = arith.extui %lt3A_711 : i1 to i32
      %cond3A_713 = arith.constant 0 : i32
      %cond3A_714 = arith.cmpi ne, %convert_element_type3A_712, %cond3A_713 : i32
      scf.if %cond3A_714 {
        %add3A_845 = arith.constant 5 : i32
        %add3A_846 = arith.addi %add3A_693, %add3A_845 : i32
        %sub3A_847 = arith.constant 1 : i32
        %sub3A_848 = arith.subi %add3A_846, %sub3A_847 : i32
        %mul3A_849 = arith.constant 40 : i32
        %mul3A_850 = arith.muli %sub3A_848, %mul3A_849 : i32
        %add3A_851 = arith.addi %mul3A_2, %mul3A_850 : i32
        %dma_wait3A_852 = tpu.memref_slice %arg3[%add3A_851] : memref<640000xi32, #tpu.memory_space<hbm>> -> memref<40xi32, #tpu.memory_space<hbm>>
        %dma_wait3A_853 = tpu.memref_slice %arg3[%add3A_851] : memref<640000xi32, #tpu.memory_space<hbm>> -> memref<40xi32, #tpu.memory_space<hbm>>
        tpu.wait_dma2 semaphore(%arg33 : memref<!tpu.dma_semaphore, #tpu.memory_space<semaphore_mem>>) src(%dma_wait3A_853 : memref<40xi32, #tpu.memory_space<hbm>>) dst(%arg6 : memref<40xi32, #tpu.memory_space<vmem>>)
        %dma_start3A_854 = arith.constant 0 : i32
        %dma_start3A_855 = arith.constant 0 : i32
        %dma_start3A_856 = tpu.memref_slice %arg2[%dma_start3A_854, %dma_start3A_855] : memref<10000x128xf32, #tpu.memory_space<hbm>> -> memref<10000x128xf32, #tpu.memory_space<hbm>>
        tpu.enqueue_indirect_dma source(%dma_start3A_856 : memref<10000x128xf32, #tpu.memory_space<hbm>>) target(%arg26 : memref<40x128xf32, #tpu.memory_space<vmem>>) offsets(%arg6 : memref<40xi32, #tpu.memory_space<vmem>>) semaphore(%arg53 : memref<!tpu.dma_semaphore, #tpu.memory_space<semaphore_mem>>)
      } else {
      }
      %dma_wait3A_715 = arith.constant 0 : i32
      %dma_wait3A_716 = arith.constant 0 : i32
      %dma_wait3A_717 = tpu.memref_slice %arg2[%dma_wait3A_715, %dma_wait3A_716] : memref<10000x128xf32, #tpu.memory_space<hbm>> -> memref<10000x128xf32, #tpu.memory_space<hbm>>
      tpu.wait_indirect_dma semaphore(%arg54 : memref<!tpu.dma_semaphore, #tpu.memory_space<semaphore_mem>>) src(%dma_wait3A_717 : memref<10000x128xf32, #tpu.memory_space<hbm>>) dst(%arg27 : memref<40x128xf32, #tpu.memory_space<vmem>>)
      %add3A_718 = arith.constant 320000 : i32
      %add3A_719 = arith.addi %add3A_718, %mul3A_2 : i32
      %mul3A_720 = arith.constant 40 : i32
      %mul3A_721 = arith.muli %add3A_693, %mul3A_720 : i32
      %add3A_722 = arith.addi %add3A_719, %mul3A_721 : i32
      %dma_wait3A_723 = tpu.memref_slice %arg3[%add3A_722] : memref<640000xi32, #tpu.memory_space<hbm>> -> memref<40xi32, #tpu.memory_space<hbm>>
      %dma_wait3A_724 = tpu.memref_slice %arg3[%add3A_722] : memref<640000xi32, #tpu.memory_space<hbm>> -> memref<40xi32, #tpu.memory_space<hbm>>
      tpu.wait_dma2 semaphore(%arg49 : memref<!tpu.dma_semaphore, #tpu.memory_space<semaphore_mem>>) src(%dma_wait3A_724 : memref<40xi32, #tpu.memory_space<hbm>>) dst(%arg22 : memref<40xi32, #tpu.memory_space<vmem>>)
      %dma_start3A_725 = arith.constant 0 : i32
      %dma_start3A_726 = arith.constant 0 : i32
      %dma_start3A_727 = tpu.memref_slice %arg31[%dma_start3A_725, %dma_start3A_726] : memref<10240x128xf32, #tpu.memory_space<vmem_shared>> -> memref<10240x128xf32, #tpu.memory_space<vmem_shared>>
      tpu.enqueue_indirect_dma source(%arg27 : memref<40x128xf32, #tpu.memory_space<vmem>>) target(%dma_start3A_727 : memref<10240x128xf32, #tpu.memory_space<vmem_shared>>) offsets(%arg22 : memref<40xi32, #tpu.memory_space<vmem>>) semaphore(%arg59 : memref<!tpu.dma_semaphore, #tpu.memory_space<semaphore_mem>>) {add = true}
      %ge3A_728 = arith.constant 1 : i32
      %ge3A_729 = arith.cmpi sge, %add3A_693, %ge3A_728 : i32
      %add3A_730 = arith.constant 10 : i32
      %add3A_731 = arith.addi %add3A_693, %add3A_730 : i32
      %sub3A_732 = arith.constant 1 : i32
      %sub3A_733 = arith.subi %add3A_731, %sub3A_732 : i32
      %lt3A_734 = arith.constant 250 : i32
      %lt3A_735 = arith.cmpi slt, %sub3A_733, %lt3A_734 : i32
      %and3A_736 = arith.andi %ge3A_729, %lt3A_735 : i1
      %convert_element_type3A_737 = arith.extui %and3A_736 : i1 to i32
      %cond3A_738 = arith.constant 0 : i32
      %cond3A_739 = arith.cmpi ne, %convert_element_type3A_737, %cond3A_738 : i32
      scf.if %cond3A_739 {
        %add3A_845 = arith.constant 10 : i32
        %add3A_846 = arith.addi %add3A_693, %add3A_845 : i32
        %sub3A_847 = arith.constant 1 : i32
        %sub3A_848 = arith.subi %add3A_846, %sub3A_847 : i32
        %mul3A_849 = arith.constant 40 : i32
        %mul3A_850 = arith.muli %sub3A_848, %mul3A_849 : i32
        %add3A_851 = arith.addi %mul3A_2, %mul3A_850 : i32
        %dma_start3A_852 = tpu.memref_slice %arg3[%add3A_851] : memref<640000xi32, #tpu.memory_space<hbm>> -> memref<40xi32, #tpu.memory_space<hbm>>
        %dma_start3A_853 = tpu.memref_slice %arg3[%add3A_851] : memref<640000xi32, #tpu.memory_space<hbm>> -> memref<40xi32, #tpu.memory_space<hbm>>
        tpu.enqueue_dma source(%dma_start3A_853 : memref<40xi32, #tpu.memory_space<hbm>>) target(%arg11 : memref<40xi32, #tpu.memory_space<vmem>>) target_semaphore(%arg38 : memref<!tpu.dma_semaphore, #tpu.memory_space<semaphore_mem>>)
        %add3A_854 = arith.constant 10 : i32
        %add3A_855 = arith.addi %add3A_693, %add3A_854 : i32
        %sub3A_856 = arith.constant 1 : i32
        %sub3A_857 = arith.subi %add3A_855, %sub3A_856 : i32
        %add3A_858 = arith.constant 320000 : i32
        %add3A_859 = arith.addi %add3A_858, %mul3A_2 : i32
        %mul3A_860 = arith.constant 40 : i32
        %mul3A_861 = arith.muli %sub3A_857, %mul3A_860 : i32
        %add3A_862 = arith.addi %add3A_859, %mul3A_861 : i32
        %dma_start3A_863 = tpu.memref_slice %arg3[%add3A_862] : memref<640000xi32, #tpu.memory_space<hbm>> -> memref<40xi32, #tpu.memory_space<hbm>>
        %dma_start3A_864 = tpu.memref_slice %arg3[%add3A_862] : memref<640000xi32, #tpu.memory_space<hbm>> -> memref<40xi32, #tpu.memory_space<hbm>>
        tpu.enqueue_dma source(%dma_start3A_864 : memref<40xi32, #tpu.memory_space<hbm>>) target(%arg21 : memref<40xi32, #tpu.memory_space<vmem>>) target_semaphore(%arg48 : memref<!tpu.dma_semaphore, #tpu.memory_space<semaphore_mem>>)
      } else {
      }
      %mul3A_740 = arith.constant 10 : i32
      %mul3A_741 = arith.muli %scan3A_328, %mul3A_740 : i32
      %add3A_742 = arith.constant 5 : i32
      %add3A_743 = arith.addi %mul3A_741, %add3A_742 : i32
      %add3A_744 = arith.constant 3 : i32
      %add3A_745 = arith.addi %add3A_743, %add3A_744 : i32
      %add3A_746 = arith.constant 5 : i32
      %add3A_747 = arith.addi %add3A_745, %add3A_746 : i32
      %sub3A_748 = arith.constant 1 : i32
      %sub3A_749 = arith.subi %add3A_747, %sub3A_748 : i32
      %lt3A_750 = arith.constant 250 : i32
      %lt3A_751 = arith.cmpi slt, %sub3A_749, %lt3A_750 : i32
      %ge3A_752 = arith.constant 1 : i32
      %ge3A_753 = arith.cmpi sge, %add3A_745, %ge3A_752 : i32
      %and3A_754 = arith.andi %lt3A_751, %ge3A_753 : i1
      %convert_element_type3A_755 = arith.extui %and3A_754 : i1 to i32
      %cond3A_756 = arith.constant 0 : i32
      %cond3A_757 = arith.cmpi ne, %convert_element_type3A_755, %cond3A_756 : i32
      scf.if %cond3A_757 {
        %dma_wait3A_845 = arith.constant 0 : i32
        %dma_wait3A_846 = arith.constant 0 : i32
        %dma_wait3A_847 = tpu.memref_slice %arg31[%dma_wait3A_845, %dma_wait3A_846] : memref<10240x128xf32, #tpu.memory_space<vmem_shared>> -> memref<10240x128xf32, #tpu.memory_space<vmem_shared>>
        tpu.wait_indirect_dma semaphore(%arg59 : memref<!tpu.dma_semaphore, #tpu.memory_space<semaphore_mem>>) src(%arg27 : memref<40x128xf32, #tpu.memory_space<vmem>>) dst(%dma_wait3A_847 : memref<10240x128xf32, #tpu.memory_space<vmem_shared>>)
      } else {
      }
      %add3A_758 = arith.constant 5 : i32
      %add3A_759 = arith.addi %add3A_745, %add3A_758 : i32
      %sub3A_760 = arith.constant 1 : i32
      %sub3A_761 = arith.subi %add3A_759, %sub3A_760 : i32
      %lt3A_762 = arith.constant 250 : i32
      %lt3A_763 = arith.cmpi slt, %sub3A_761, %lt3A_762 : i32
      %convert_element_type3A_764 = arith.extui %lt3A_763 : i1 to i32
      %cond3A_765 = arith.constant 0 : i32
      %cond3A_766 = arith.cmpi ne, %convert_element_type3A_764, %cond3A_765 : i32
      scf.if %cond3A_766 {
        %add3A_845 = arith.constant 5 : i32
        %add3A_846 = arith.addi %add3A_745, %add3A_845 : i32
        %sub3A_847 = arith.constant 1 : i32
        %sub3A_848 = arith.subi %add3A_846, %sub3A_847 : i32
        %mul3A_849 = arith.constant 40 : i32
        %mul3A_850 = arith.muli %sub3A_848, %mul3A_849 : i32
        %add3A_851 = arith.addi %mul3A_2, %mul3A_850 : i32
        %dma_wait3A_852 = tpu.memref_slice %arg3[%add3A_851] : memref<640000xi32, #tpu.memory_space<hbm>> -> memref<40xi32, #tpu.memory_space<hbm>>
        %dma_wait3A_853 = tpu.memref_slice %arg3[%add3A_851] : memref<640000xi32, #tpu.memory_space<hbm>> -> memref<40xi32, #tpu.memory_space<hbm>>
        tpu.wait_dma2 semaphore(%arg34 : memref<!tpu.dma_semaphore, #tpu.memory_space<semaphore_mem>>) src(%dma_wait3A_853 : memref<40xi32, #tpu.memory_space<hbm>>) dst(%arg7 : memref<40xi32, #tpu.memory_space<vmem>>)
        %dma_start3A_854 = arith.constant 0 : i32
        %dma_start3A_855 = arith.constant 0 : i32
        %dma_start3A_856 = tpu.memref_slice %arg2[%dma_start3A_854, %dma_start3A_855] : memref<10000x128xf32, #tpu.memory_space<hbm>> -> memref<10000x128xf32, #tpu.memory_space<hbm>>
        tpu.enqueue_indirect_dma source(%dma_start3A_856 : memref<10000x128xf32, #tpu.memory_space<hbm>>) target(%arg27 : memref<40x128xf32, #tpu.memory_space<vmem>>) offsets(%arg7 : memref<40xi32, #tpu.memory_space<vmem>>) semaphore(%arg54 : memref<!tpu.dma_semaphore, #tpu.memory_space<semaphore_mem>>)
      } else {
      }
      %dma_wait3A_767 = arith.constant 0 : i32
      %dma_wait3A_768 = arith.constant 0 : i32
      %dma_wait3A_769 = tpu.memref_slice %arg2[%dma_wait3A_767, %dma_wait3A_768] : memref<10000x128xf32, #tpu.memory_space<hbm>> -> memref<10000x128xf32, #tpu.memory_space<hbm>>
      tpu.wait_indirect_dma semaphore(%arg55 : memref<!tpu.dma_semaphore, #tpu.memory_space<semaphore_mem>>) src(%dma_wait3A_769 : memref<10000x128xf32, #tpu.memory_space<hbm>>) dst(%arg28 : memref<40x128xf32, #tpu.memory_space<vmem>>)
      %add3A_770 = arith.constant 320000 : i32
      %add3A_771 = arith.addi %add3A_770, %mul3A_2 : i32
      %mul3A_772 = arith.constant 40 : i32
      %mul3A_773 = arith.muli %add3A_745, %mul3A_772 : i32
      %add3A_774 = arith.addi %add3A_771, %mul3A_773 : i32
      %dma_wait3A_775 = tpu.memref_slice %arg3[%add3A_774] : memref<640000xi32, #tpu.memory_space<hbm>> -> memref<40xi32, #tpu.memory_space<hbm>>
      %dma_wait3A_776 = tpu.memref_slice %arg3[%add3A_774] : memref<640000xi32, #tpu.memory_space<hbm>> -> memref<40xi32, #tpu.memory_space<hbm>>
      tpu.wait_dma2 semaphore(%arg50 : memref<!tpu.dma_semaphore, #tpu.memory_space<semaphore_mem>>) src(%dma_wait3A_776 : memref<40xi32, #tpu.memory_space<hbm>>) dst(%arg23 : memref<40xi32, #tpu.memory_space<vmem>>)
      %dma_start3A_777 = arith.constant 0 : i32
      %dma_start3A_778 = arith.constant 0 : i32
      %dma_start3A_779 = tpu.memref_slice %arg31[%dma_start3A_777, %dma_start3A_778] : memref<10240x128xf32, #tpu.memory_space<vmem_shared>> -> memref<10240x128xf32, #tpu.memory_space<vmem_shared>>
      tpu.enqueue_indirect_dma source(%arg28 : memref<40x128xf32, #tpu.memory_space<vmem>>) target(%dma_start3A_779 : memref<10240x128xf32, #tpu.memory_space<vmem_shared>>) offsets(%arg23 : memref<40xi32, #tpu.memory_space<vmem>>) semaphore(%arg60 : memref<!tpu.dma_semaphore, #tpu.memory_space<semaphore_mem>>) {add = true}
      %ge3A_780 = arith.constant 1 : i32
      %ge3A_781 = arith.cmpi sge, %add3A_745, %ge3A_780 : i32
      %add3A_782 = arith.constant 10 : i32
      %add3A_783 = arith.addi %add3A_745, %add3A_782 : i32
      %sub3A_784 = arith.constant 1 : i32
      %sub3A_785 = arith.subi %add3A_783, %sub3A_784 : i32
      %lt3A_786 = arith.constant 250 : i32
      %lt3A_787 = arith.cmpi slt, %sub3A_785, %lt3A_786 : i32
      %and3A_788 = arith.andi %ge3A_781, %lt3A_787 : i1
      %convert_element_type3A_789 = arith.extui %and3A_788 : i1 to i32
      %cond3A_790 = arith.constant 0 : i32
      %cond3A_791 = arith.cmpi ne, %convert_element_type3A_789, %cond3A_790 : i32
      scf.if %cond3A_791 {
        %add3A_845 = arith.constant 10 : i32
        %add3A_846 = arith.addi %add3A_745, %add3A_845 : i32
        %sub3A_847 = arith.constant 1 : i32
        %sub3A_848 = arith.subi %add3A_846, %sub3A_847 : i32
        %mul3A_849 = arith.constant 40 : i32
        %mul3A_850 = arith.muli %sub3A_848, %mul3A_849 : i32
        %add3A_851 = arith.addi %mul3A_2, %mul3A_850 : i32
        %dma_start3A_852 = tpu.memref_slice %arg3[%add3A_851] : memref<640000xi32, #tpu.memory_space<hbm>> -> memref<40xi32, #tpu.memory_space<hbm>>
        %dma_start3A_853 = tpu.memref_slice %arg3[%add3A_851] : memref<640000xi32, #tpu.memory_space<hbm>> -> memref<40xi32, #tpu.memory_space<hbm>>
        tpu.enqueue_dma source(%dma_start3A_853 : memref<40xi32, #tpu.memory_space<hbm>>) target(%arg12 : memref<40xi32, #tpu.memory_space<vmem>>) target_semaphore(%arg39 : memref<!tpu.dma_semaphore, #tpu.memory_space<semaphore_mem>>)
        %add3A_854 = arith.constant 10 : i32
        %add3A_855 = arith.addi %add3A_745, %add3A_854 : i32
        %sub3A_856 = arith.constant 1 : i32
        %sub3A_857 = arith.subi %add3A_855, %sub3A_856 : i32
        %add3A_858 = arith.constant 320000 : i32
        %add3A_859 = arith.addi %add3A_858, %mul3A_2 : i32
        %mul3A_860 = arith.constant 40 : i32
        %mul3A_861 = arith.muli %sub3A_857, %mul3A_860 : i32
        %add3A_862 = arith.addi %add3A_859, %mul3A_861 : i32
        %dma_start3A_863 = tpu.memref_slice %arg3[%add3A_862] : memref<640000xi32, #tpu.memory_space<hbm>> -> memref<40xi32, #tpu.memory_space<hbm>>
        %dma_start3A_864 = tpu.memref_slice %arg3[%add3A_862] : memref<640000xi32, #tpu.memory_space<hbm>> -> memref<40xi32, #tpu.memory_space<hbm>>
        tpu.enqueue_dma source(%dma_start3A_864 : memref<40xi32, #tpu.memory_space<hbm>>) target(%arg22 : memref<40xi32, #tpu.memory_space<vmem>>) target_semaphore(%arg49 : memref<!tpu.dma_semaphore, #tpu.memory_space<semaphore_mem>>)
      } else {
      }
      %mul3A_792 = arith.constant 10 : i32
      %mul3A_793 = arith.muli %scan3A_328, %mul3A_792 : i32
      %add3A_794 = arith.constant 5 : i32
      %add3A_795 = arith.addi %mul3A_793, %add3A_794 : i32
      %add3A_796 = arith.constant 4 : i32
      %add3A_797 = arith.addi %add3A_795, %add3A_796 : i32
      %add3A_798 = arith.constant 5 : i32
      %add3A_799 = arith.addi %add3A_797, %add3A_798 : i32
      %sub3A_800 = arith.constant 1 : i32
      %sub3A_801 = arith.subi %add3A_799, %sub3A_800 : i32
      %lt3A_802 = arith.constant 250 : i32
      %lt3A_803 = arith.cmpi slt, %sub3A_801, %lt3A_802 : i32
      %ge3A_804 = arith.constant 1 : i32
      %ge3A_805 = arith.cmpi sge, %add3A_797, %ge3A_804 : i32
      %and3A_806 = arith.andi %lt3A_803, %ge3A_805 : i1
      %convert_element_type3A_807 = arith.extui %and3A_806 : i1 to i32
      %cond3A_808 = arith.constant 0 : i32
      %cond3A_809 = arith.cmpi ne, %convert_element_type3A_807, %cond3A_808 : i32
      scf.if %cond3A_809 {
        %dma_wait3A_845 = arith.constant 0 : i32
        %dma_wait3A_846 = arith.constant 0 : i32
        %dma_wait3A_847 = tpu.memref_slice %arg31[%dma_wait3A_845, %dma_wait3A_846] : memref<10240x128xf32, #tpu.memory_space<vmem_shared>> -> memref<10240x128xf32, #tpu.memory_space<vmem_shared>>
        tpu.wait_indirect_dma semaphore(%arg60 : memref<!tpu.dma_semaphore, #tpu.memory_space<semaphore_mem>>) src(%arg28 : memref<40x128xf32, #tpu.memory_space<vmem>>) dst(%dma_wait3A_847 : memref<10240x128xf32, #tpu.memory_space<vmem_shared>>)
      } else {
      }
      %add3A_810 = arith.constant 5 : i32
      %add3A_811 = arith.addi %add3A_797, %add3A_810 : i32
      %sub3A_812 = arith.constant 1 : i32
      %sub3A_813 = arith.subi %add3A_811, %sub3A_812 : i32
      %lt3A_814 = arith.constant 250 : i32
      %lt3A_815 = arith.cmpi slt, %sub3A_813, %lt3A_814 : i32
      %convert_element_type3A_816 = arith.extui %lt3A_815 : i1 to i32
      %cond3A_817 = arith.constant 0 : i32
      %cond3A_818 = arith.cmpi ne, %convert_element_type3A_816, %cond3A_817 : i32
      scf.if %cond3A_818 {
        %add3A_845 = arith.constant 5 : i32
        %add3A_846 = arith.addi %add3A_797, %add3A_845 : i32
        %sub3A_847 = arith.constant 1 : i32
        %sub3A_848 = arith.subi %add3A_846, %sub3A_847 : i32
        %mul3A_849 = arith.constant 40 : i32
        %mul3A_850 = arith.muli %sub3A_848, %mul3A_849 : i32
        %add3A_851 = arith.addi %mul3A_2, %mul3A_850 : i32
        %dma_wait3A_852 = tpu.memref_slice %arg3[%add3A_851] : memref<640000xi32, #tpu.memory_space<hbm>> -> memref<40xi32, #tpu.memory_space<hbm>>
        %dma_wait3A_853 = tpu.memref_slice %arg3[%add3A_851] : memref<640000xi32, #tpu.memory_space<hbm>> -> memref<40xi32, #tpu.memory_space<hbm>>
        tpu.wait_dma2 semaphore(%arg35 : memref<!tpu.dma_semaphore, #tpu.memory_space<semaphore_mem>>) src(%dma_wait3A_853 : memref<40xi32, #tpu.memory_space<hbm>>) dst(%arg8 : memref<40xi32, #tpu.memory_space<vmem>>)
        %dma_start3A_854 = arith.constant 0 : i32
        %dma_start3A_855 = arith.constant 0 : i32
        %dma_start3A_856 = tpu.memref_slice %arg2[%dma_start3A_854, %dma_start3A_855] : memref<10000x128xf32, #tpu.memory_space<hbm>> -> memref<10000x128xf32, #tpu.memory_space<hbm>>
        tpu.enqueue_indirect_dma source(%dma_start3A_856 : memref<10000x128xf32, #tpu.memory_space<hbm>>) target(%arg28 : memref<40x128xf32, #tpu.memory_space<vmem>>) offsets(%arg8 : memref<40xi32, #tpu.memory_space<vmem>>) semaphore(%arg55 : memref<!tpu.dma_semaphore, #tpu.memory_space<semaphore_mem>>)
      } else {
      }
      %dma_wait3A_819 = arith.constant 0 : i32
      %dma_wait3A_820 = arith.constant 0 : i32
      %dma_wait3A_821 = tpu.memref_slice %arg2[%dma_wait3A_819, %dma_wait3A_820] : memref<10000x128xf32, #tpu.memory_space<hbm>> -> memref<10000x128xf32, #tpu.memory_space<hbm>>
      tpu.wait_indirect_dma semaphore(%arg56 : memref<!tpu.dma_semaphore, #tpu.memory_space<semaphore_mem>>) src(%dma_wait3A_821 : memref<10000x128xf32, #tpu.memory_space<hbm>>) dst(%arg29 : memref<40x128xf32, #tpu.memory_space<vmem>>)
      %add3A_822 = arith.constant 320000 : i32
      %add3A_823 = arith.addi %add3A_822, %mul3A_2 : i32
      %mul3A_824 = arith.constant 40 : i32
      %mul3A_825 = arith.muli %add3A_797, %mul3A_824 : i32
      %add3A_826 = arith.addi %add3A_823, %mul3A_825 : i32
      %dma_wait3A_827 = tpu.memref_slice %arg3[%add3A_826] : memref<640000xi32, #tpu.memory_space<hbm>> -> memref<40xi32, #tpu.memory_space<hbm>>
      %dma_wait3A_828 = tpu.memref_slice %arg3[%add3A_826] : memref<640000xi32, #tpu.memory_space<hbm>> -> memref<40xi32, #tpu.memory_space<hbm>>
      tpu.wait_dma2 semaphore(%arg51 : memref<!tpu.dma_semaphore, #tpu.memory_space<semaphore_mem>>) src(%dma_wait3A_828 : memref<40xi32, #tpu.memory_space<hbm>>) dst(%arg24 : memref<40xi32, #tpu.memory_space<vmem>>)
      %dma_start3A_829 = arith.constant 0 : i32
      %dma_start3A_830 = arith.constant 0 : i32
      %dma_start3A_831 = tpu.memref_slice %arg31[%dma_start3A_829, %dma_start3A_830] : memref<10240x128xf32, #tpu.memory_space<vmem_shared>> -> memref<10240x128xf32, #tpu.memory_space<vmem_shared>>
      tpu.enqueue_indirect_dma source(%arg29 : memref<40x128xf32, #tpu.memory_space<vmem>>) target(%dma_start3A_831 : memref<10240x128xf32, #tpu.memory_space<vmem_shared>>) offsets(%arg24 : memref<40xi32, #tpu.memory_space<vmem>>) semaphore(%arg61 : memref<!tpu.dma_semaphore, #tpu.memory_space<semaphore_mem>>) {add = true}
      %ge3A_832 = arith.constant 1 : i32
      %ge3A_833 = arith.cmpi sge, %add3A_797, %ge3A_832 : i32
      %add3A_834 = arith.constant 10 : i32
      %add3A_835 = arith.addi %add3A_797, %add3A_834 : i32
      %sub3A_836 = arith.constant 1 : i32
      %sub3A_837 = arith.subi %add3A_835, %sub3A_836 : i32
      %lt3A_838 = arith.constant 250 : i32
      %lt3A_839 = arith.cmpi slt, %sub3A_837, %lt3A_838 : i32
      %and3A_840 = arith.andi %ge3A_833, %lt3A_839 : i1
      %convert_element_type3A_841 = arith.extui %and3A_840 : i1 to i32
      %cond3A_842 = arith.constant 0 : i32
      %cond3A_843 = arith.cmpi ne, %convert_element_type3A_841, %cond3A_842 : i32
      scf.if %cond3A_843 {
        %add3A_845 = arith.constant 10 : i32
        %add3A_846 = arith.addi %add3A_797, %add3A_845 : i32
        %sub3A_847 = arith.constant 1 : i32
        %sub3A_848 = arith.subi %add3A_846, %sub3A_847 : i32
        %mul3A_849 = arith.constant 40 : i32
        %mul3A_850 = arith.muli %sub3A_848, %mul3A_849 : i32
        %add3A_851 = arith.addi %mul3A_2, %mul3A_850 : i32
        %dma_start3A_852 = tpu.memref_slice %arg3[%add3A_851] : memref<640000xi32, #tpu.memory_space<hbm>> -> memref<40xi32, #tpu.memory_space<hbm>>
        %dma_start3A_853 = tpu.memref_slice %arg3[%add3A_851] : memref<640000xi32, #tpu.memory_space<hbm>> -> memref<40xi32, #tpu.memory_space<hbm>>
        tpu.enqueue_dma source(%dma_start3A_853 : memref<40xi32, #tpu.memory_space<hbm>>) target(%arg13 : memref<40xi32, #tpu.memory_space<vmem>>) target_semaphore(%arg40 : memref<!tpu.dma_semaphore, #tpu.memory_space<semaphore_mem>>)
        %add3A_854 = arith.constant 10 : i32
        %add3A_855 = arith.addi %add3A_797, %add3A_854 : i32
        %sub3A_856 = arith.constant 1 : i32
        %sub3A_857 = arith.subi %add3A_855, %sub3A_856 : i32
        %add3A_858 = arith.constant 320000 : i32
        %add3A_859 = arith.addi %add3A_858, %mul3A_2 : i32
        %mul3A_860 = arith.constant 40 : i32
        %mul3A_861 = arith.muli %sub3A_857, %mul3A_860 : i32
        %add3A_862 = arith.addi %add3A_859, %mul3A_861 : i32
        %dma_start3A_863 = tpu.memref_slice %arg3[%add3A_862] : memref<640000xi32, #tpu.memory_space<hbm>> -> memref<40xi32, #tpu.memory_space<hbm>>
        %dma_start3A_864 = tpu.memref_slice %arg3[%add3A_862] : memref<640000xi32, #tpu.memory_space<hbm>> -> memref<40xi32, #tpu.memory_space<hbm>>
        tpu.enqueue_dma source(%dma_start3A_864 : memref<40xi32, #tpu.memory_space<hbm>>) target(%arg23 : memref<40xi32, #tpu.memory_space<vmem>>) target_semaphore(%arg50 : memref<!tpu.dma_semaphore, #tpu.memory_space<semaphore_mem>>)
      } else {
      }
      %scan3A_844 = arith.constant 0 : i32
      scf.yield %scan3A_844 : i32
    }
    %scan3A_221 = arith.constant 25 : i32
    %dma_wait3A_222 = arith.constant 0 : i32
    %dma_wait3A_223 = arith.constant 0 : i32
    %dma_wait3A_224 = tpu.memref_slice %arg31[%dma_wait3A_222, %dma_wait3A_223] : memref<10240x128xf32, #tpu.memory_space<vmem_shared>> -> memref<10240x128xf32, #tpu.memory_space<vmem_shared>>
    tpu.wait_indirect_dma semaphore(%arg57 : memref<!tpu.dma_semaphore, #tpu.memory_space<semaphore_mem>>) src(%arg25 : memref<40x128xf32, #tpu.memory_space<vmem>>) dst(%dma_wait3A_224 : memref<10240x128xf32, #tpu.memory_space<vmem_shared>>)
    %dma_wait3A_225 = arith.constant 0 : i32
    %dma_wait3A_226 = arith.constant 0 : i32
    %dma_wait3A_227 = tpu.memref_slice %arg31[%dma_wait3A_225, %dma_wait3A_226] : memref<10240x128xf32, #tpu.memory_space<vmem_shared>> -> memref<10240x128xf32, #tpu.memory_space<vmem_shared>>
    tpu.wait_indirect_dma semaphore(%arg58 : memref<!tpu.dma_semaphore, #tpu.memory_space<semaphore_mem>>) src(%arg26 : memref<40x128xf32, #tpu.memory_space<vmem>>) dst(%dma_wait3A_227 : memref<10240x128xf32, #tpu.memory_space<vmem_shared>>)
    %dma_wait3A_228 = arith.constant 0 : i32
    %dma_wait3A_229 = arith.constant 0 : i32
    %dma_wait3A_230 = tpu.memref_slice %arg31[%dma_wait3A_228, %dma_wait3A_229] : memref<10240x128xf32, #tpu.memory_space<vmem_shared>> -> memref<10240x128xf32, #tpu.memory_space<vmem_shared>>
    tpu.wait_indirect_dma semaphore(%arg59 : memref<!tpu.dma_semaphore, #tpu.memory_space<semaphore_mem>>) src(%arg27 : memref<40x128xf32, #tpu.memory_space<vmem>>) dst(%dma_wait3A_230 : memref<10240x128xf32, #tpu.memory_space<vmem_shared>>)
    %dma_wait3A_231 = arith.constant 0 : i32
    %dma_wait3A_232 = arith.constant 0 : i32
    %dma_wait3A_233 = tpu.memref_slice %arg31[%dma_wait3A_231, %dma_wait3A_232] : memref<10240x128xf32, #tpu.memory_space<vmem_shared>> -> memref<10240x128xf32, #tpu.memory_space<vmem_shared>>
    tpu.wait_indirect_dma semaphore(%arg60 : memref<!tpu.dma_semaphore, #tpu.memory_space<semaphore_mem>>) src(%arg28 : memref<40x128xf32, #tpu.memory_space<vmem>>) dst(%dma_wait3A_233 : memref<10240x128xf32, #tpu.memory_space<vmem_shared>>)
    %dma_wait3A_234 = arith.constant 0 : i32
    %dma_wait3A_235 = arith.constant 0 : i32
    %dma_wait3A_236 = tpu.memref_slice %arg31[%dma_wait3A_234, %dma_wait3A_235] : memref<10240x128xf32, #tpu.memory_space<vmem_shared>> -> memref<10240x128xf32, #tpu.memory_space<vmem_shared>>
    tpu.wait_indirect_dma semaphore(%arg61 : memref<!tpu.dma_semaphore, #tpu.memory_space<semaphore_mem>>) src(%arg29 : memref<40x128xf32, #tpu.memory_space<vmem>>) dst(%dma_wait3A_236 : memref<10240x128xf32, #tpu.memory_space<vmem_shared>>)
    %barrier3A_237 = arith.constant 0 : index
    tpu.barrier barrier_id(%barrier3A_237)
    %mul3A_238 = arith.constant 640 : i32
    %mul3A_239 = arith.muli %arg1, %mul3A_238 : i32
    %add3A_240 = arith.constant 0 : i32
    %add3A_241 = arith.addi %mul3A_239, %add3A_240 : i32
    %dma_start3A_242 = arith.constant 0 : i32
    %dma_start3A_243 = tpu.memref_slice %arg4[%arg0, %add3A_241, %dma_start3A_242] : memref<2x10240x128xf32, #tpu.memory_space<hbm>> -> memref<1x128x128xf32, #tpu.memory_space<hbm>>
    %dma_start3A_244 = tpu.memref_squeeze %dma_start3A_243 : memref<1x128x128xf32, #tpu.memory_space<hbm>> -> memref<128x128xf32, #tpu.memory_space<hbm>>
    %dma_start3A_245 = arith.constant 0 : i32
    %dma_start3A_246 = tpu.memref_slice %arg31[%add3A_241, %dma_start3A_245] : memref<10240x128xf32, #tpu.memory_space<vmem_shared>> -> memref<128x128xf32, #tpu.memory_space<vmem_shared>>
    tpu.enqueue_dma source(%dma_start3A_246 : memref<128x128xf32, #tpu.memory_space<vmem_shared>>) target(%dma_start3A_244 : memref<128x128xf32, #tpu.memory_space<hbm>>) target_semaphore(%arg57 : memref<!tpu.dma_semaphore, #tpu.memory_space<semaphore_mem>>)
    %mul3A_247 = arith.constant 640 : i32
    %mul3A_248 = arith.muli %arg1, %mul3A_247 : i32
    %add3A_249 = arith.constant 128 : i32
    %add3A_250 = arith.addi %mul3A_248, %add3A_249 : i32
    %dma_start3A_251 = arith.constant 0 : i32
    %dma_start3A_252 = tpu.memref_slice %arg4[%arg0, %add3A_250, %dma_start3A_251] : memref<2x10240x128xf32, #tpu.memory_space<hbm>> -> memref<1x128x128xf32, #tpu.memory_space<hbm>>
    %dma_start3A_253 = tpu.memref_squeeze %dma_start3A_252 : memref<1x128x128xf32, #tpu.memory_space<hbm>> -> memref<128x128xf32, #tpu.memory_space<hbm>>
    %dma_start3A_254 = arith.constant 0 : i32
    %dma_start3A_255 = tpu.memref_slice %arg31[%add3A_250, %dma_start3A_254] : memref<10240x128xf32, #tpu.memory_space<vmem_shared>> -> memref<128x128xf32, #tpu.memory_space<vmem_shared>>
    tpu.enqueue_dma source(%dma_start3A_255 : memref<128x128xf32, #tpu.memory_space<vmem_shared>>) target(%dma_start3A_253 : memref<128x128xf32, #tpu.memory_space<hbm>>) target_semaphore(%arg58 : memref<!tpu.dma_semaphore, #tpu.memory_space<semaphore_mem>>)
    %mul3A_256 = arith.constant 640 : i32
    %mul3A_257 = arith.muli %arg1, %mul3A_256 : i32
    %add3A_258 = arith.constant 256 : i32
    %add3A_259 = arith.addi %mul3A_257, %add3A_258 : i32
    %dma_start3A_260 = arith.constant 0 : i32
    %dma_start3A_261 = tpu.memref_slice %arg4[%arg0, %add3A_259, %dma_start3A_260] : memref<2x10240x128xf32, #tpu.memory_space<hbm>> -> memref<1x128x128xf32, #tpu.memory_space<hbm>>
    %dma_start3A_262 = tpu.memref_squeeze %dma_start3A_261 : memref<1x128x128xf32, #tpu.memory_space<hbm>> -> memref<128x128xf32, #tpu.memory_space<hbm>>
    %dma_start3A_263 = arith.constant 0 : i32
    %dma_start3A_264 = tpu.memref_slice %arg31[%add3A_259, %dma_start3A_263] : memref<10240x128xf32, #tpu.memory_space<vmem_shared>> -> memref<128x128xf32, #tpu.memory_space<vmem_shared>>
    tpu.enqueue_dma source(%dma_start3A_264 : memref<128x128xf32, #tpu.memory_space<vmem_shared>>) target(%dma_start3A_262 : memref<128x128xf32, #tpu.memory_space<hbm>>) target_semaphore(%arg59 : memref<!tpu.dma_semaphore, #tpu.memory_space<semaphore_mem>>)
    %mul3A_265 = arith.constant 640 : i32
    %mul3A_266 = arith.muli %arg1, %mul3A_265 : i32
    %add3A_267 = arith.constant 384 : i32
    %add3A_268 = arith.addi %mul3A_266, %add3A_267 : i32
    %dma_start3A_269 = arith.constant 0 : i32
    %dma_start3A_270 = tpu.memref_slice %arg4[%arg0, %add3A_268, %dma_start3A_269] : memref<2x10240x128xf32, #tpu.memory_space<hbm>> -> memref<1x128x128xf32, #tpu.memory_space<hbm>>
    %dma_start3A_271 = tpu.memref_squeeze %dma_start3A_270 : memref<1x128x128xf32, #tpu.memory_space<hbm>> -> memref<128x128xf32, #tpu.memory_space<hbm>>
    %dma_start3A_272 = arith.constant 0 : i32
    %dma_start3A_273 = tpu.memref_slice %arg31[%add3A_268, %dma_start3A_272] : memref<10240x128xf32, #tpu.memory_space<vmem_shared>> -> memref<128x128xf32, #tpu.memory_space<vmem_shared>>
    tpu.enqueue_dma source(%dma_start3A_273 : memref<128x128xf32, #tpu.memory_space<vmem_shared>>) target(%dma_start3A_271 : memref<128x128xf32, #tpu.memory_space<hbm>>) target_semaphore(%arg60 : memref<!tpu.dma_semaphore, #tpu.memory_space<semaphore_mem>>)
    %mul3A_274 = arith.constant 640 : i32
    %mul3A_275 = arith.muli %arg1, %mul3A_274 : i32
    %add3A_276 = arith.constant 512 : i32
    %add3A_277 = arith.addi %mul3A_275, %add3A_276 : i32
    %dma_start3A_278 = arith.constant 0 : i32
    %dma_start3A_279 = tpu.memref_slice %arg4[%arg0, %add3A_277, %dma_start3A_278] : memref<2x10240x128xf32, #tpu.memory_space<hbm>> -> memref<1x128x128xf32, #tpu.memory_space<hbm>>
    %dma_start3A_280 = tpu.memref_squeeze %dma_start3A_279 : memref<1x128x128xf32, #tpu.memory_space<hbm>> -> memref<128x128xf32, #tpu.memory_space<hbm>>
    %dma_start3A_281 = arith.constant 0 : i32
    %dma_start3A_282 = tpu.memref_slice %arg31[%add3A_277, %dma_start3A_281] : memref<10240x128xf32, #tpu.memory_space<vmem_shared>> -> memref<128x128xf32, #tpu.memory_space<vmem_shared>>
    tpu.enqueue_dma source(%dma_start3A_282 : memref<128x128xf32, #tpu.memory_space<vmem_shared>>) target(%dma_start3A_280 : memref<128x128xf32, #tpu.memory_space<hbm>>) target_semaphore(%arg61 : memref<!tpu.dma_semaphore, #tpu.memory_space<semaphore_mem>>)
    %mul3A_283 = arith.constant 640 : i32
    %mul3A_284 = arith.muli %arg1, %mul3A_283 : i32
    %add3A_285 = arith.constant 0 : i32
    %add3A_286 = arith.addi %mul3A_284, %add3A_285 : i32
    %dma_wait3A_287 = arith.constant 0 : i32
    %dma_wait3A_288 = tpu.memref_slice %arg4[%arg0, %add3A_286, %dma_wait3A_287] : memref<2x10240x128xf32, #tpu.memory_space<hbm>> -> memref<1x128x128xf32, #tpu.memory_space<hbm>>
    %dma_wait3A_289 = tpu.memref_squeeze %dma_wait3A_288 : memref<1x128x128xf32, #tpu.memory_space<hbm>> -> memref<128x128xf32, #tpu.memory_space<hbm>>
    %dma_wait3A_290 = arith.constant 0 : i32
    %dma_wait3A_291 = tpu.memref_slice %arg31[%add3A_286, %dma_wait3A_290] : memref<10240x128xf32, #tpu.memory_space<vmem_shared>> -> memref<128x128xf32, #tpu.memory_space<vmem_shared>>
    tpu.wait_dma2 semaphore(%arg57 : memref<!tpu.dma_semaphore, #tpu.memory_space<semaphore_mem>>) src(%dma_wait3A_291 : memref<128x128xf32, #tpu.memory_space<vmem_shared>>) dst(%dma_wait3A_289 : memref<128x128xf32, #tpu.memory_space<hbm>>)
    %mul3A_292 = arith.constant 640 : i32
    %mul3A_293 = arith.muli %arg1, %mul3A_292 : i32
    %add3A_294 = arith.constant 128 : i32
    %add3A_295 = arith.addi %mul3A_293, %add3A_294 : i32
    %dma_wait3A_296 = arith.constant 0 : i32
    %dma_wait3A_297 = tpu.memref_slice %arg4[%arg0, %add3A_295, %dma_wait3A_296] : memref<2x10240x128xf32, #tpu.memory_space<hbm>> -> memref<1x128x128xf32, #tpu.memory_space<hbm>>
    %dma_wait3A_298 = tpu.memref_squeeze %dma_wait3A_297 : memref<1x128x128xf32, #tpu.memory_space<hbm>> -> memref<128x128xf32, #tpu.memory_space<hbm>>
    %dma_wait3A_299 = arith.constant 0 : i32
    %dma_wait3A_300 = tpu.memref_slice %arg31[%add3A_295, %dma_wait3A_299] : memref<10240x128xf32, #tpu.memory_space<vmem_shared>> -> memref<128x128xf32, #tpu.memory_space<vmem_shared>>
    tpu.wait_dma2 semaphore(%arg58 : memref<!tpu.dma_semaphore, #tpu.memory_space<semaphore_mem>>) src(%dma_wait3A_300 : memref<128x128xf32, #tpu.memory_space<vmem_shared>>) dst(%dma_wait3A_298 : memref<128x128xf32, #tpu.memory_space<hbm>>)
    %mul3A_301 = arith.constant 640 : i32
    %mul3A_302 = arith.muli %arg1, %mul3A_301 : i32
    %add3A_303 = arith.constant 256 : i32
    %add3A_304 = arith.addi %mul3A_302, %add3A_303 : i32
    %dma_wait3A_305 = arith.constant 0 : i32
    %dma_wait3A_306 = tpu.memref_slice %arg4[%arg0, %add3A_304, %dma_wait3A_305] : memref<2x10240x128xf32, #tpu.memory_space<hbm>> -> memref<1x128x128xf32, #tpu.memory_space<hbm>>
    %dma_wait3A_307 = tpu.memref_squeeze %dma_wait3A_306 : memref<1x128x128xf32, #tpu.memory_space<hbm>> -> memref<128x128xf32, #tpu.memory_space<hbm>>
    %dma_wait3A_308 = arith.constant 0 : i32
    %dma_wait3A_309 = tpu.memref_slice %arg31[%add3A_304, %dma_wait3A_308] : memref<10240x128xf32, #tpu.memory_space<vmem_shared>> -> memref<128x128xf32, #tpu.memory_space<vmem_shared>>
    tpu.wait_dma2 semaphore(%arg59 : memref<!tpu.dma_semaphore, #tpu.memory_space<semaphore_mem>>) src(%dma_wait3A_309 : memref<128x128xf32, #tpu.memory_space<vmem_shared>>) dst(%dma_wait3A_307 : memref<128x128xf32, #tpu.memory_space<hbm>>)
    %mul3A_310 = arith.constant 640 : i32
    %mul3A_311 = arith.muli %arg1, %mul3A_310 : i32
    %add3A_312 = arith.constant 384 : i32
    %add3A_313 = arith.addi %mul3A_311, %add3A_312 : i32
    %dma_wait3A_314 = arith.constant 0 : i32
    %dma_wait3A_315 = tpu.memref_slice %arg4[%arg0, %add3A_313, %dma_wait3A_314] : memref<2x10240x128xf32, #tpu.memory_space<hbm>> -> memref<1x128x128xf32, #tpu.memory_space<hbm>>
    %dma_wait3A_316 = tpu.memref_squeeze %dma_wait3A_315 : memref<1x128x128xf32, #tpu.memory_space<hbm>> -> memref<128x128xf32, #tpu.memory_space<hbm>>
    %dma_wait3A_317 = arith.constant 0 : i32
    %dma_wait3A_318 = tpu.memref_slice %arg31[%add3A_313, %dma_wait3A_317] : memref<10240x128xf32, #tpu.memory_space<vmem_shared>> -> memref<128x128xf32, #tpu.memory_space<vmem_shared>>
    tpu.wait_dma2 semaphore(%arg60 : memref<!tpu.dma_semaphore, #tpu.memory_space<semaphore_mem>>) src(%dma_wait3A_318 : memref<128x128xf32, #tpu.memory_space<vmem_shared>>) dst(%dma_wait3A_316 : memref<128x128xf32, #tpu.memory_space<hbm>>)
    %mul3A_319 = arith.constant 640 : i32
    %mul3A_320 = arith.muli %arg1, %mul3A_319 : i32
    %add3A_321 = arith.constant 512 : i32
    %add3A_322 = arith.addi %mul3A_320, %add3A_321 : i32
    %dma_wait3A_323 = arith.constant 0 : i32
    %dma_wait3A_324 = tpu.memref_slice %arg4[%arg0, %add3A_322, %dma_wait3A_323] : memref<2x10240x128xf32, #tpu.memory_space<hbm>> -> memref<1x128x128xf32, #tpu.memory_space<hbm>>
    %dma_wait3A_325 = tpu.memref_squeeze %dma_wait3A_324 : memref<1x128x128xf32, #tpu.memory_space<hbm>> -> memref<128x128xf32, #tpu.memory_space<hbm>>
    %dma_wait3A_326 = arith.constant 0 : i32
    %dma_wait3A_327 = tpu.memref_slice %arg31[%add3A_322, %dma_wait3A_326] : memref<10240x128xf32, #tpu.memory_space<vmem_shared>> -> memref<128x128xf32, #tpu.memory_space<vmem_shared>>
    tpu.wait_dma2 semaphore(%arg61 : memref<!tpu.dma_semaphore, #tpu.memory_space<semaphore_mem>>) src(%dma_wait3A_327 : memref<128x128xf32, #tpu.memory_space<vmem_shared>>) dst(%dma_wait3A_325 : memref<128x128xf32, #tpu.memory_space<hbm>>)
    return
  }
}

module attributes {stable_mosaic.version = 14 : i64} {
  func.func @_tc0_body(%arg0: i32, %arg1: memref<1000x128xf32, #tpu.memory_space<vmem>>, %arg2: memref<128x64xf32, #tpu.memory_space<vmem>>, %arg3: memref<1000x128xf32, #tpu.memory_space<vmem>>) attributes {dimension_semantics = [#tpu.dimension_semantics<arbitrary>], iteration_bounds = array<i64: 10>, scalar_prefetch = 0 : i64, scratch_operands = 0 : i64, tpu.core_type = #tpu.core_type<tc>, window_params = [{transform_indices = @transform_0, window_bounds = array<i64: 1000, 128>}, {pipeline_mode = #tpu.pipeline_mode<synchronous>, transform_indices = @transform_1, window_bounds = array<i64: 128, 64>}, {transform_indices = @transform_2, window_bounds = array<i64: 1000, 128>}]} {
    %get3A = arith.constant 0 : index
    %get3A_0 = arith.constant 0 : index
    %get3A_1 = vector.load %arg1[%get3A, %get3A_0] : memref<1000x128xf32, #tpu.memory_space<vmem>>, vector<1000x128xf32>
    %get3A_2 = arith.constant 0 : index
    %get3A_3 = arith.constant 0 : index
    %get3A_4 = vector.load %arg2[%get3A_2, %get3A_3] : memref<128x64xf32, #tpu.memory_space<vmem>>, vector<128x64xf32>
    %dot_general3A = arith.constant dense<0.000000e+00> : vector<1000x64xf32>
    %dot_general3A_5 = tpu.matmul %get3A_1, %get3A_4, %dot_general3A {dimension_numbers = #tpu.dot_dimension_numbers<[1], [0], [0], [1], [0, 0, 1, 1], [], []>, precision = #tpu.contract_precision<fp32>, transpose_lhs_hint = false} : vector<1000x128xf32>, vector<128x64xf32>, vector<1000x64xf32> -> vector<1000x64xf32>
    %swap3A = arith.constant 0 : index
    %swap3A_6 = arith.constant 0 : index
    %swap3A_7 = vector.load %arg3[%swap3A, %swap3A_6] : memref<1000x128xf32, #tpu.memory_space<vmem>>, vector<1000x64xf32>
    tpu.vector_store %arg3[%swap3A, %swap3A_6], %dot_general3A_5 {strides = array<i32>} : memref<1000x128xf32, #tpu.memory_space<vmem>>, vector<1000x64xf32>,
    %broadcast_in_dim3A = arith.constant 0.000000e+00 : f32
    %broadcast_in_dim3A_8 = vector.broadcast %broadcast_in_dim3A : f32 to vector<1000x64xf32>
    %swap3A_9 = arith.constant 0 : index
    %swap3A_10 = arith.constant 64 : index
    %swap3A_11 = vector.load %arg3[%swap3A_9, %swap3A_10] : memref<1000x128xf32, #tpu.memory_space<vmem>>, vector<1000x64xf32>
    tpu.vector_store %arg3[%swap3A_9, %swap3A_10], %broadcast_in_dim3A_8 {strides = array<i32>} : memref<1000x128xf32, #tpu.memory_space<vmem>>, vector<1000x64xf32>,
    return
  }
  func.func @transform_0(%arg0: i32) -> (i32, i32) {
    %c0_i32 = arith.constant 0 : i32
    %c0_i32_0 = arith.constant 0 : i32
    return %arg0, %c0_i32 : i32, i32
  }
  func.func @transform_1(%arg0: i32) -> (i32, i32) {
    %c0_i32 = arith.constant 0 : i32
    %c0_i32_0 = arith.constant 0 : i32
    %c0_i32_1 = arith.constant 0 : i32
    return %c0_i32, %c0_i32_0 : i32, i32
  }
  func.func @transform_2(%arg0: i32) -> (i32, i32) {
    %c0_i32 = arith.constant 0 : i32
    %c0_i32_0 = arith.constant 0 : i32
    return %arg0, %c0_i32 : i32, i32
  }
}

module attributes {stable_mosaic.version = 14 : i64} {
  func.func @_tc1_body(%arg0: i32, %arg1: memref<1000x2xf32, #tpu.memory_space<vmem>>, %arg2: memref<1000x128xf32, #tpu.memory_space<vmem>>, %arg3: memref<1000x128xf32, #tpu.memory_space<vmem>>) attributes {dimension_semantics = [#tpu.dimension_semantics<arbitrary>], iteration_bounds = array<i64: 10>, scalar_prefetch = 0 : i64, scratch_operands = 0 : i64, tpu.core_type = #tpu.core_type<tc>, window_params = [{transform_indices = @transform_0, window_bounds = array<i64: 1000, 2>}, {transform_indices = @transform_1, window_bounds = array<i64: 1000, 128>}, {transform_indices = @transform_2, window_bounds = array<i64: 1000, 128>}]} {
    %get3A = arith.constant 0 : index
    %get3A_0 = arith.constant 0 : index
    %get3A_1 = vector.load %arg1[%get3A, %get3A_0] : memref<1000x2xf32, #tpu.memory_space<vmem>>, vector<1000x1xf32>
    %get3A_2 = arith.constant 0 : index
    %get3A_3 = arith.constant 1 : index
    %get3A_4 = vector.load %arg1[%get3A_2, %get3A_3] : memref<1000x2xf32, #tpu.memory_space<vmem>>, vector<1000x1xf32>
    %add3A = arith.addf %get3A_1, %get3A_4 : vector<1000x1xf32>
    %add3A_5 = arith.constant 1.000000e+00 : f32
    %add3A_6 = vector.broadcast %add3A_5 : f32 to vector<1000x1xf32>
    %add3A_7 = arith.addf %add3A, %add3A_6 : vector<1000x1xf32>
    %max3A = arith.constant 1.000000e+00 : f32
    %max3A_8 = vector.broadcast %max3A : f32 to vector<1000x1xf32>
    %max3A_9 = arith.maximumf %add3A_7, %max3A_8 : vector<1000x1xf32>
    %rsqrt3A = math.rsqrt %max3A_9 : vector<1000x1xf32>
    %get3A_10 = arith.constant 0 : index
    %get3A_11 = arith.constant 0 : index
    %get3A_12 = vector.load %arg2[%get3A_10, %get3A_11] : memref<1000x128xf32, #tpu.memory_space<vmem>>, vector<1000x128xf32>
    %mul3A = vector.broadcast %rsqrt3A : vector<1000x1xf32> to vector<1000x128xf32>
    %mul3A_13 = arith.mulf %get3A_12, %mul3A : vector<1000x128xf32>
    %swap3A = arith.constant 0 : index
    %swap3A_14 = arith.constant 0 : index
    %swap3A_15 = vector.load %arg3[%swap3A, %swap3A_14] : memref<1000x128xf32, #tpu.memory_space<vmem>>, vector<1000x128xf32>
    tpu.vector_store %arg3[%swap3A, %swap3A_14], %mul3A_13 {strides = array<i32>} : memref<1000x128xf32, #tpu.memory_space<vmem>>, vector<1000x128xf32>,
    return
  }
  func.func @transform_0(%arg0: i32) -> (i32, i32) {
    %c0_i32 = arith.constant 0 : i32
    %c0_i32_0 = arith.constant 0 : i32
    return %arg0, %c0_i32 : i32, i32
  }
  func.func @transform_1(%arg0: i32) -> (i32, i32) {
    %c0_i32 = arith.constant 0 : i32
    %c0_i32_0 = arith.constant 0 : i32
    return %arg0, %c0_i32 : i32, i32
  }
  func.func @transform_2(%arg0: i32) -> (i32, i32) {
    %c0_i32 = arith.constant 0 : i32
    %c0_i32_0 = arith.constant 0 : i32
    return %arg0, %c0_i32 : i32, i32
  }
}

module attributes {stable_mosaic.version = 14 : i64} {
  func.func @_tc2_body(%arg0: i32, %arg1: memref<2x1000x128xf32, #tpu.memory_space<vmem>>, %arg2: memref<1000x128xf32, #tpu.memory_space<vmem>>, %arg3: memref<1000x2xf32, #tpu.memory_space<vmem>>, %arg4: memref<1x64xf32, #tpu.memory_space<vmem>>, %arg5: memref<64x128xf32, #tpu.memory_space<vmem>>, %arg6: memref<1000x128xf32, #tpu.memory_space<vmem>>) attributes {dimension_semantics = [#tpu.dimension_semantics<arbitrary>], iteration_bounds = array<i64: 10>, scalar_prefetch = 0 : i64, scratch_operands = 0 : i64, tpu.core_type = #tpu.core_type<tc>, window_params = [{transform_indices = @transform_0, window_bounds = array<i64: 2, 1000, 128>}, {transform_indices = @transform_1, window_bounds = array<i64: 1000, 128>}, {transform_indices = @transform_2, window_bounds = array<i64: 1000, 2>}, {pipeline_mode = #tpu.pipeline_mode<synchronous>, transform_indices = @transform_3, window_bounds = array<i64: 1, 64>}, {pipeline_mode = #tpu.pipeline_mode<synchronous>, transform_indices = @transform_4, window_bounds = array<i64: 64, 128>}, {transform_indices = @transform_5, window_bounds = array<i64: 1000, 128>}]} {
    %get3A = arith.constant 0 : index
    %get3A_0 = arith.constant 0 : index
    %get3A_1 = vector.load %arg3[%get3A, %get3A_0] : memref<1000x2xf32, #tpu.memory_space<vmem>>, vector<1000x1xf32>
    %get3A_2 = arith.constant 0 : index
    %get3A_3 = arith.constant 1 : index
    %get3A_4 = vector.load %arg3[%get3A_2, %get3A_3] : memref<1000x2xf32, #tpu.memory_space<vmem>>, vector<1000x1xf32>
    %add3A = arith.addf %get3A_1, %get3A_4 : vector<1000x1xf32>
    %add3A_5 = arith.constant 1.000000e+00 : f32
    %add3A_6 = vector.broadcast %add3A_5 : f32 to vector<1000x1xf32>
    %add3A_7 = arith.addf %add3A, %add3A_6 : vector<1000x1xf32>
    %max3A = arith.constant 1.000000e+00 : f32
    %max3A_8 = vector.broadcast %max3A : f32 to vector<1000x1xf32>
    %max3A_9 = arith.maximumf %add3A_7, %max3A_8 : vector<1000x1xf32>
    %rsqrt3A = math.rsqrt %max3A_9 : vector<1000x1xf32>
    %get3A_10 = arith.constant 0 : index
    %get3A_11 = arith.constant 0 : index
    %get3A_12 = arith.constant 0 : index
    %get3A_13 = vector.load %arg1[%get3A_10, %get3A_11, %get3A_12] : memref<2x1000x128xf32, #tpu.memory_space<vmem>>, vector<1x1000x64xf32>
    %get3A_14 = vector.shape_cast %get3A_13 : vector<1x1000x64xf32> to vector<1000x64xf32>
    %get3A_15 = arith.constant 1 : index
    %get3A_16 = arith.constant 0 : index
    %get3A_17 = arith.constant 0 : index
    %get3A_18 = vector.load %arg1[%get3A_15, %get3A_16, %get3A_17] : memref<2x1000x128xf32, #tpu.memory_space<vmem>>, vector<1x1000x64xf32>
    %get3A_19 = vector.shape_cast %get3A_18 : vector<1x1000x64xf32> to vector<1000x64xf32>
    %add3A_20 = arith.addf %get3A_14, %get3A_19 : vector<1000x64xf32>
    %get3A_21 = arith.constant 0 : index
    %get3A_22 = arith.constant 0 : index
    %get3A_23 = vector.load %arg2[%get3A_21, %get3A_22] : memref<1000x128xf32, #tpu.memory_space<vmem>>, vector<1000x64xf32>
    %add3A_24 = arith.addf %add3A_20, %get3A_23 : vector<1000x64xf32>
    %mul3A = vector.broadcast %rsqrt3A : vector<1000x1xf32> to vector<1000x64xf32>
    %mul3A_25 = arith.mulf %add3A_24, %mul3A : vector<1000x64xf32>
    %get3A_26 = arith.constant 0 : index
    %get3A_27 = arith.constant 0 : index
    %get3A_28 = vector.load %arg4[%get3A_26, %get3A_27] : memref<1x64xf32, #tpu.memory_space<vmem>>, vector<1x64xf32>
    %add3A_29 = vector.broadcast %get3A_28 : vector<1x64xf32> to vector<1000x64xf32>
    %add3A_30 = arith.addf %mul3A_25, %add3A_29 : vector<1000x64xf32>
    %max3A_31 = arith.constant 0.000000e+00 : f32
    %max3A_32 = vector.broadcast %max3A_31 : f32 to vector<1000x64xf32>
    %max3A_33 = arith.maximumf %add3A_30, %max3A_32 : vector<1000x64xf32>
    %get3A_34 = arith.constant 0 : index
    %get3A_35 = arith.constant 0 : index
    %get3A_36 = vector.load %arg5[%get3A_34, %get3A_35] : memref<64x128xf32, #tpu.memory_space<vmem>>, vector<64x128xf32>
    %dot_general3A = arith.constant dense<0.000000e+00> : vector<1000x128xf32>
    %dot_general3A_37 = tpu.matmul %max3A_33, %get3A_36, %dot_general3A {dimension_numbers = #tpu.dot_dimension_numbers<[1], [0], [0], [1], [0, 0, 1, 1], [], []>, precision = #tpu.contract_precision<fp32>, transpose_lhs_hint = false} : vector<1000x64xf32>, vector<64x128xf32>, vector<1000x128xf32> -> vector<1000x128xf32>
    %mul3A_38 = vector.broadcast %rsqrt3A : vector<1000x1xf32> to vector<1000x128xf32>
    %mul3A_39 = arith.mulf %dot_general3A_37, %mul3A_38 : vector<1000x128xf32>
    %swap3A = arith.constant 0 : index
    %swap3A_40 = arith.constant 0 : index
    %swap3A_41 = vector.load %arg6[%swap3A, %swap3A_40] : memref<1000x128xf32, #tpu.memory_space<vmem>>, vector<1000x128xf32>
    tpu.vector_store %arg6[%swap3A, %swap3A_40], %mul3A_39 {strides = array<i32>} : memref<1000x128xf32, #tpu.memory_space<vmem>>, vector<1000x128xf32>,
    return
  }
  func.func @transform_0(%arg0: i32) -> (i32, i32, i32) {
    %c0_i32 = arith.constant 0 : i32
    %c0_i32_0 = arith.constant 0 : i32
    %c0_i32_1 = arith.constant 0 : i32
    return %c0_i32, %arg0, %c0_i32_0 : i32, i32, i32
  }
  func.func @transform_1(%arg0: i32) -> (i32, i32) {
    %c0_i32 = arith.constant 0 : i32
    %c0_i32_0 = arith.constant 0 : i32
    return %arg0, %c0_i32 : i32, i32
  }
  func.func @transform_2(%arg0: i32) -> (i32, i32) {
    %c0_i32 = arith.constant 0 : i32
    %c0_i32_0 = arith.constant 0 : i32
    return %arg0, %c0_i32 : i32, i32
  }
  func.func @transform_3(%arg0: i32) -> (i32, i32) {
    %c0_i32 = arith.constant 0 : i32
    %c0_i32_0 = arith.constant 0 : i32
    %c0_i32_1 = arith.constant 0 : i32
    return %c0_i32, %c0_i32_0 : i32, i32
  }
  func.func @transform_4(%arg0: i32) -> (i32, i32) {
    %c0_i32 = arith.constant 0 : i32
    %c0_i32_0 = arith.constant 0 : i32
    %c0_i32_1 = arith.constant 0 : i32
    return %c0_i32, %c0_i32_0 : i32, i32
  }
  func.func @transform_5(%arg0: i32) -> (i32, i32) {
    %c0_i32 = arith.constant 0 : i32
    %c0_i32_0 = arith.constant 0 : i32
    return %arg0, %c0_i32 : i32, i32
  }
}

module attributes {stable_mosaic.version = 14 : i64} {
  func.func @_tc3_body(%arg0: i32, %arg1: memref<2x1000x128xf32, #tpu.memory_space<vmem>>, %arg2: memref<1000x128xf32, #tpu.memory_space<vmem>>, %arg3: memref<1000x2xf32, #tpu.memory_space<vmem>>, %arg4: memref<1x128xf32, #tpu.memory_space<vmem>>, %arg5: memref<1000x128xf32, #tpu.memory_space<vmem>>) attributes {dimension_semantics = [#tpu.dimension_semantics<arbitrary>], iteration_bounds = array<i64: 10>, scalar_prefetch = 0 : i64, scratch_operands = 0 : i64, tpu.core_type = #tpu.core_type<tc>, window_params = [{transform_indices = @transform_0, window_bounds = array<i64: 2, 1000, 128>}, {transform_indices = @transform_1, window_bounds = array<i64: 1000, 128>}, {transform_indices = @transform_2, window_bounds = array<i64: 1000, 2>}, {pipeline_mode = #tpu.pipeline_mode<synchronous>, transform_indices = @transform_3, window_bounds = array<i64: 1, 128>}, {transform_indices = @transform_4, window_bounds = array<i64: 1000, 128>}]} {
    %get3A = arith.constant 0 : index
    %get3A_0 = arith.constant 0 : index
    %get3A_1 = vector.load %arg3[%get3A, %get3A_0] : memref<1000x2xf32, #tpu.memory_space<vmem>>, vector<1000x1xf32>
    %get3A_2 = arith.constant 0 : index
    %get3A_3 = arith.constant 1 : index
    %get3A_4 = vector.load %arg3[%get3A_2, %get3A_3] : memref<1000x2xf32, #tpu.memory_space<vmem>>, vector<1000x1xf32>
    %add3A = arith.addf %get3A_1, %get3A_4 : vector<1000x1xf32>
    %add3A_5 = arith.constant 1.000000e+00 : f32
    %add3A_6 = vector.broadcast %add3A_5 : f32 to vector<1000x1xf32>
    %add3A_7 = arith.addf %add3A, %add3A_6 : vector<1000x1xf32>
    %max3A = arith.constant 1.000000e+00 : f32
    %max3A_8 = vector.broadcast %max3A : f32 to vector<1000x1xf32>
    %max3A_9 = arith.maximumf %add3A_7, %max3A_8 : vector<1000x1xf32>
    %rsqrt3A = math.rsqrt %max3A_9 : vector<1000x1xf32>
    %get3A_10 = arith.constant 0 : index
    %get3A_11 = arith.constant 0 : index
    %get3A_12 = arith.constant 0 : index
    %get3A_13 = vector.load %arg1[%get3A_10, %get3A_11, %get3A_12] : memref<2x1000x128xf32, #tpu.memory_space<vmem>>, vector<1x1000x128xf32>
    %get3A_14 = vector.shape_cast %get3A_13 : vector<1x1000x128xf32> to vector<1000x128xf32>
    %get3A_15 = arith.constant 1 : index
    %get3A_16 = arith.constant 0 : index
    %get3A_17 = arith.constant 0 : index
    %get3A_18 = vector.load %arg1[%get3A_15, %get3A_16, %get3A_17] : memref<2x1000x128xf32, #tpu.memory_space<vmem>>, vector<1x1000x128xf32>
    %get3A_19 = vector.shape_cast %get3A_18 : vector<1x1000x128xf32> to vector<1000x128xf32>
    %add3A_20 = arith.addf %get3A_14, %get3A_19 : vector<1000x128xf32>
    %get3A_21 = arith.constant 0 : index
    %get3A_22 = arith.constant 0 : index
    %get3A_23 = vector.load %arg2[%get3A_21, %get3A_22] : memref<1000x128xf32, #tpu.memory_space<vmem>>, vector<1000x128xf32>
    %add3A_24 = arith.addf %add3A_20, %get3A_23 : vector<1000x128xf32>
    %mul3A = vector.broadcast %rsqrt3A : vector<1000x1xf32> to vector<1000x128xf32>
    %mul3A_25 = arith.mulf %add3A_24, %mul3A : vector<1000x128xf32>
    %get3A_26 = arith.constant 0 : index
    %get3A_27 = arith.constant 0 : index
    %get3A_28 = vector.load %arg4[%get3A_26, %get3A_27] : memref<1x128xf32, #tpu.memory_space<vmem>>, vector<1x128xf32>
    %add3A_29 = vector.broadcast %get3A_28 : vector<1x128xf32> to vector<1000x128xf32>
    %add3A_30 = arith.addf %mul3A_25, %add3A_29 : vector<1000x128xf32>
    %reduce_max3A = arith.constant dense<0xFF800000> : vector<1000xf32>
    %reduce_max3A_31 = vector.multi_reduction <maximumf>, %add3A_30, %reduce_max3A [1] : vector<1000x128xf32> to vector<1000xf32>
    %broadcast_in_dim3A = vector.shape_cast %reduce_max3A_31 : vector<1000xf32> to vector<1000x1xf32>
    %sub3A = vector.broadcast %broadcast_in_dim3A : vector<1000x1xf32> to vector<1000x128xf32>
    %sub3A_32 = arith.subf %add3A_30, %sub3A : vector<1000x128xf32>
    %exp3A = math.exp %sub3A_32 : vector<1000x128xf32>
    %reduce_sum3A = arith.constant dense<0.000000e+00> : vector<1000xf32>
    %reduce_sum3A_33 = vector.multi_reduction <add>, %exp3A, %reduce_sum3A [1] : vector<1000x128xf32> to vector<1000xf32>
    %broadcast_in_dim3A_34 = vector.shape_cast %reduce_sum3A_33 : vector<1000xf32> to vector<1000x1xf32>
    %log3A = math.log %broadcast_in_dim3A_34 : vector<1000x1xf32>
    %sub3A_35 = vector.broadcast %log3A : vector<1000x1xf32> to vector<1000x128xf32>
    %sub3A_36 = arith.subf %sub3A_32, %sub3A_35 : vector<1000x128xf32>
    %swap3A = arith.constant 0 : index
    %swap3A_37 = arith.constant 0 : index
    %swap3A_38 = vector.load %arg5[%swap3A, %swap3A_37] : memref<1000x128xf32, #tpu.memory_space<vmem>>, vector<1000x128xf32>
    tpu.vector_store %arg5[%swap3A, %swap3A_37], %sub3A_36 {strides = array<i32>} : memref<1000x128xf32, #tpu.memory_space<vmem>>, vector<1000x128xf32>,
    return
  }
  func.func @transform_0(%arg0: i32) -> (i32, i32, i32) {
    %c0_i32 = arith.constant 0 : i32
    %c0_i32_0 = arith.constant 0 : i32
    %c0_i32_1 = arith.constant 0 : i32
    return %c0_i32, %arg0, %c0_i32_0 : i32, i32, i32
  }
  func.func @transform_1(%arg0: i32) -> (i32, i32) {
    %c0_i32 = arith.constant 0 : i32
    %c0_i32_0 = arith.constant 0 : i32
    return %arg0, %c0_i32 : i32, i32
  }
  func.func @transform_2(%arg0: i32) -> (i32, i32) {
    %c0_i32 = arith.constant 0 : i32
    %c0_i32_0 = arith.constant 0 : i32
    return %arg0, %c0_i32 : i32, i32
  }
  func.func @transform_3(%arg0: i32) -> (i32, i32) {
    %c0_i32 = arith.constant 0 : i32
    %c0_i32_0 = arith.constant 0 : i32
    %c0_i32_1 = arith.constant 0 : i32
    return %c0_i32, %c0_i32_0 : i32, i32
  }
  func.func @transform_4(%arg0: i32) -> (i32, i32) {
    %c0_i32 = arith.constant 0 : i32
    %c0_i32_0 = arith.constant 0 : i32
    return %arg0, %c0_i32 : i32, i32
  }
}

</mosaic_0001>

<sc_bundles>
// kernel: kernel.12.cloned.1.call-start
scs
__scs_entry_jumppad:
0x0: {  	(pc) =	sbr.rel $0x88, $3  }
0x1: {  	(tag) =	ssettag $0x0;
	lr =	simm.s32 $0x1  }
0x2: {  	[smem:$0x3F9B] =	sst lr;
	_ =	strace $0xD0000000  }
0x3: {  	_ = 	snop  }
0x4: {  	_ = 	snop  }
0x5: {  	_ = 	snop  }
0x6: {  	_ = 	snop  }
0x7: {  	_ = 	snop  }
__scs_overlays_trampoline_lowered:
0x8: {  	[smem:$0x3FAA] =	sst s0  }
0x9: {  	[smem:$0x3FAB] =	sst s1  }
0xa: {  	[smem:$0x3FAC] =	sst s2  }
0xb: {  	[smem:$0x3FAD] =	sst s3  }
0xc: {  	[smem:$0x3FAE] =	sst s4  }
0xd: {  	[smem:$0x3FAF] =	sst s5  }
0xe: {  	[smem:$0x3FB0] =	sst s6  }
0xf: {  	[smem:$0x3FB1] =	sst s7  }
0x10: {  	[smem:$0x3FB2] =	sst s8  }
0x11: {  	[smem:$0x3FB3] =	sst s9;
	s0 =	simm.s32 @!p0 $0x0  }
0x12: {  	s1 =	sld [smem:$0x3F99];
	s0 =	simm.s32 @p0 $0x1  }
0x13: {  	[smem:$0x3FB4] =	sst s0;
	s0 =	simm.s32 @!p1 $0x0  }
0x14: {  	s2 =	sld [smem:$0x3F98];
	s0 =	simm.s32 @p1 $0x1  }
0x15: {  	[smem:$0x3FB5] =	sst s0;
	s0 =	simm.s32 @!p2 $0x0  }
0x16: {  	s3 =	sld [smem:$0x3FDB];
	s0 =	simm.s32 @p2 $0x1  }
0x17: {  	s4 =	simm.s32 $0x1BF5;
	[smem:$0x3FB7] =	sst s0  }
0x18: {  	s0 =	sld [smem:$0x3F9A];
	_ =	swait.ge [sflag:s4], $0x0  }
0x19: {  	s7 =	sld [smem:$0x3F9B]  }
0x1a: {  	s8 =	sadd.s32 $0xFFFFE003, lr  }
0x1b: {  	s9 =	sadd.s32 $0xFFFFFEF7, lr;
	s5 =	simm.s32 $0xFFFFFFFF;
	p2 =	slt.u32 s8, $0xFFFFF086  }
0x1c: {  	p1 =	slt.u32 s9, $0xF7A;
	s5 =	simm.s32 @!p2 $0x0  }
0x1d: {  	s5 =	simm.s32 @p1 $0x1;
	p0 =	seq.s32 s7, s2  }
0x1e: {  	s7 =	smul.u32 @!p0 $0xF7A, s2;
	p2 =	seq.s32 @!p0 s5, $0x0  }
0x1f: {  	s9 =	smul.u32 $0xF7A, s1;
	s8 =	simm.s32 @!p0 $0x1BF5;
	p2 =	por !p2, p0  }
0x20: {  	[sflag:s8] =	ssyncset.s32 @!p0 $0xFFFFF086;
	s6 =	sadd.s32 @!p0 s3, s7;
	s7 =	simm.s32 @!p0 $0x108  }
0x21: {  	s3 =	sadd.s32 s3, s9;
	s6 =	sadd.s32 @!p0 $0x88, s6;
	s7 =	simm.s32 @p2 $0x1082  }
0x22: {  	[simem:s7], [sflag:s8] =	dma.local @!p0 [hbm:s6], $0xF7A  }
0x23: {  	s9 =	sor.u32 $0xD0000000, s2;
	s6 =	simm.s32 $0x108;
	_ =	swait.ge @!p0 [sflag:s8], $0x0  }
0x24: {  	s3 =	sadd.s32 $0x88, s3;
	s6 =	simm.s32 @!p1 $0x1082;
	[sflag:s4] =	ssyncset.s32 $0xFFFFF086  }
0x25: {  	[simem:s6], [sflag:s4] =	dma.local [hbm:s3], $0xF7A  }
0x26: {  	[smem:$0x3F9B] =	sst s1;
	(tag) =	ssettag s2;
	_ =	strace s9  }
0x27: {  	s1 =	sld [smem:$0x3FAB]  }
0x28: {  	s2 =	sld [smem:$0x3FAC]  }
0x29: {  	s4 =	sld [smem:$0x3FAE]  }
0x2a: {  	p0 =	seq.s32 s5, $0x0;
	s5 =	sld [smem:$0x3FAF]  }
0x2b: {  	s6 =	sld [smem:$0x3FB0]  }
0x2c: {  	s7 =	sld [smem:$0x3FB1]  }
0x2d: {  	s3 =	simm.s32 $0x108;
	s8 =	sld [smem:$0x3FB2]  }
0x2e: {  	s3 =	simm.s32 @!p0 $0x1082;
	s9 =	sld [smem:$0x3FB3]  }
0x2f: {  	lr =	sadd.s32 s0, s3;
	s0 =	sld [smem:$0x3FAA]  }
0x30: {  	s3 =	sld [smem:$0x3FAD]  }
0x31: {  	[smem:$0x3FB6] =	sst s10  }
0x32: {  	s10 =	sld [smem:$0x3FB4];
	_ =	sdelay $0x3  }
0x33: {  	p0 =	seq.s32 s10, $0x1;
	s10 =	sld [smem:$0x3FB6];
	_ =	sdelay $0x3  }
0x34: {  	[smem:$0x3FB6] =	sst s10  }
0x35: {  	s10 =	sld [smem:$0x3FB5];
	_ =	sdelay $0x3  }
0x36: {  	p1 =	seq.s32 s10, $0x1;
	s10 =	sld [smem:$0x3FB6];
	_ =	sdelay $0x3  }
0x37: {  	[smem:$0x3FB6] =	sst s10  }
0x38: {  	s10 =	sld [smem:$0x3FB7]  }
0x39: {  	_ = 	snop;
	(pc) =	sbr.ind lr, $3  }
0x3a: {  	_ = 	snop  }
0x3b: {  	_ = 	snop  }
0x3c: {  	p2 =	seq.s32 s10, $0x1;
	s10 =	sld [smem:$0x3FB6]  }
0x3d: {  	_ =	shalt  }
0x3e: {  	_ =	shalt  }
0x3f: {  	_ =	shalt  }
0x40: {  	_ =	shalt  }
0x41: {  	_ =	shalt  }
0x42: {  	_ =	shalt  }
0x43: {  	_ =	shalt  }
0x44: {  	_ =	shalt  }
0x45: {  	_ =	shalt  }
0x46: {  	_ =	shalt  }
0x47: {  	_ =	shalt  }
0x48: {  	_ =	shalt  }
0x49: {  	_ =	shalt  }
0x4a: {  	_ =	shalt  }
0x4b: {  	_ =	shalt  }
0x4c: {  	_ =	shalt  }
0x4d: {  	_ =	shalt  }
0x4e: {  	_ =	shalt  }
0x4f: {  	_ =	shalt  }
0x50: {  	_ =	shalt  }
0x51: {  	_ =	shalt  }
0x52: {  	_ =	shalt  }
0x53: {  	_ =	shalt  }
0x54: {  	_ =	shalt  }
0x55: {  	_ =	shalt  }
0x56: {  	_ =	shalt  }
0x57: {  	_ =	shalt  }
0x58: {  	_ =	shalt  }
0x59: {  	_ =	shalt  }
0x5a: {  	_ =	shalt  }
0x5b: {  	_ =	shalt  }
0x5c: {  	_ =	shalt  }
0x5d: {  	_ =	shalt  }
0x5e: {  	_ =	shalt  }
0x5f: {  	_ =	shalt  }
0x60: {  	_ =	shalt  }
0x61: {  	_ =	shalt  }
0x62: {  	_ =	shalt  }
0x63: {  	_ =	shalt  }
0x64: {  	_ =	shalt  }
0x65: {  	_ =	shalt  }
0x66: {  	_ =	shalt  }
0x67: {  	_ =	shalt  }
0x68: {  	_ =	shalt  }
0x69: {  	_ =	shalt  }
0x6a: {  	_ =	shalt  }
0x6b: {  	_ =	shalt  }
0x6c: {  	_ =	shalt  }
0x6d: {  	_ =	shalt  }
0x6e: {  	_ =	shalt  }
0x6f: {  	_ =	shalt  }
0x70: {  	_ =	shalt  }
0x71: {  	_ =	shalt  }
0x72: {  	_ =	shalt  }
0x73: {  	_ =	shalt  }
0x74: {  	_ =	shalt  }
0x75: {  	_ =	shalt  }
0x76: {  	_ =	shalt  }
0x77: {  	_ =	shalt  }
0x78: {  	_ =	shalt  }
0x79: {  	_ =	shalt  }
0x7a: {  	_ =	shalt  }
0x7b: {  	_ =	shalt  }
0x7c: {  	_ =	shalt  }
0x7d: {  	_ =	shalt  }
0x7e: {  	_ =	shalt  }
0x7f: {  	_ =	shalt  }
0x80: {  	_ =	shalt  }
0x81: {  	_ =	shalt  }
0x82: {  	_ =	shalt  }
0x83: {  	_ =	shalt  }
0x84: {  	_ =	shalt  }
0x85: {  	_ =	shalt  }
0x86: {  	_ =	shalt  }
0x87: {  	_ =	shalt  }
.Lfunc_end0:
.L_simem_size_0:
called_computation.1_lowered:
.L_overlay_start_0:
0x88: {  	s2 =	sld [smem:$0x3FD9]  }
0x89: {  	s3 =	sld [smem:$0x3FFE];
	_ =	sdelay $0x1  }
0x8a: {  	s1 =	srdreg.scid  }
0x8b: {  	s0 =	sand.u32 $0x1, s1  }
0x8c: {  	s17 =	sshll.u32 s0, $0xA;
	s2 =	sadd.s32 s3, s2  }
0x8d: {  	s2 =	sadd.s32 s2, s17  }
0x8e: {  	[smem:$0x3FC2] =	sst s2  }
0x8f: {  	_ = 	snop  }
0x90: {  	s2 =	sld [smem:$0x3FD0];
	(tm) =	ssettm $0x1  }
0x91: {  	s18 =	sld [smem:$0x3FFB];
	_ =	sdelay $0x3  }
0x92: {  	_ =	strace s18  }
0x93: {  	s3 =	sld [smem:$0x3FFC];
	_ =	sdelay $0x3  }
0x94: {  	_ =	strace s3  }
0x95: {  	s3 =	sld [smem:$0x3FFD];
	_ =	sdelay $0x3  }
0x96: {  	_ =	strace s3  }
0x97: {  	_ =	strace $0x8FFFFFFF  }
0x98: {  	s19 =	sld [smem:$0x3FDB];
	_ =	sdelay $0x1  }
0x99: {  	s4 =	simm.s32 $_scs_section_size  }
0x9a: {  	s5 =	simm.s32 $_size__tile_overlayer_lowered;
	s6 =	simm.s32 $_tile_overlayer_lowered  }
0x9b: {  	s22 =	simm.s32 $0x1BFF;
	s21 =	sshll.u32 s6, $0x1;
	s3 =	sadd.s32 s4, s19  }
0x9c: {  	s7 =	simm.s32 $0x0;
	s20 =	sshll.u32 s5, $0x1;
	s5 =	sadd.s32 s21, s3  }
0x9d: {  	[timem:s7], [sflag:s22] =	dma.local [hbm:s5], s20  }
0x9e: {  	_ =	swait.ge [sflag:s22], s20  }
0x9f: {  	s4 =	ssub.s32 $0x0, s20;
	[sflag:s22] =	ssyncset.done $0x0  }
0xa0: {  	[sflag:s22] =	ssyncadd.s32 s4;
	_ =	sdelay $0x1  }
0xa1: {  	s23 =	simm.s32 $0x1B8B  }
0xa2: {  	_ =	swait.ge [sflag:s23], $0x1  }
0xa3: {  	[sflag:s23] =	ssyncset.done $0x0  }
0xa4: {  	s25 =	simm.s32 $0x1B8E;
	s24 =	sld [smem:$0x3FFE];
	[sflag:s23] =	ssyncadd.s32 $0xFFFFFFFF  }
0xa5: {  	s26 =	simm.s32 $execute0_lowered;
	[smem:$0x3FD2] =	sst s25  }
0xa6: {  	s5 =	sshll.u32 s26, $0x1;
	_ =	strace $0x80000049;
	[dreg:$0x1] =	wrdreg $0xFFFFFFFF  }
0xa7: {  	s28 =	simm.s32 $_size_execute0_lowered;
	s3 =	sadd.s32 s3, s5;
	[dreg:$0x0] =	wrdreg $0x0  }
0xa8: {  	s5 =	sshll.u32 s28, $0x1;
	[dreg:$0x2] =	wrdreg s3  }
0xa9: {  	[dreg:$0x3] =	wrdreg s5  }
0xaa: {  	[dreg:$0x4] =	wrdreg $0xC0  }
0xab: {  	_ =	task [dreg:s7], $0x5FFFF  }
0xac: {  	[dreg:$0x1] =	wrdreg $0xFFFFFFFF  }
0xad: {  	[dreg:$0x0] =	wrdreg $0x60  }
0xae: {  	[dreg:$0x2] =	wrdreg s2  }
0xaf: {  	[dreg:$0x3] =	wrdreg s24  }
0xb0: {  	[dreg:$0x4] =	wrdreg $0xAE000  }
0xb1: {  	[dreg:$0x5] =	wrdreg $0x9  }
0xb2: {  	_ =	task.clear_ibuf [dreg:s7], $0x6FFFF;
	_ =	strace $0x90000049  }
0xb3: {  	s29 =	simm.s32 $0x9;
	_ =	strace $0x8000004B  }
0xb4: {  	_ =	swait.ge [sflag:s29], $0x1  }
0xb5: {  	[sflag:s29] =	ssyncadd.s32 $0xFFFFFFFF  }
0xb6: {  	_ =	strace $0x9000004B  }
0xb7: {  	_ =	sfence  }
0xb8: {  	s30 =	sld [smem:$0x0];
	_ =	sdelay $0x2  }
0xb9: {  	s31 =	sshll.u32 s1, $0xD;
	s1 =	sshrl.u32 s1, $0x2  }
0xba: {  	s3 =	sand.u32 $0x4000, s31;
	s1 =	sadd.s32 s1, s30  }
0xbb: {  	s0 =	sor.u32 s3, s0;
	s1 =	sshll.u32 s1, $0x11  }
0xbc: {  	s0 =	sor.u32 s1, s0  }
0xbd: {  	s0 =	sadd.s32 $0x8F2B, s0  }
0xbe: {  	[sflag:s0] =	ssyncadd.remote.s32 $0x1  }
0xbf: {  	_ =	sfence.sel $0xFFFF  }
0xc0: {  	[dreg:$0x0] =	wrdreg $0xFFFFFFFF;
	(pc) =	sbr.abs _section_cstart, $3  }
0xc1: {  	[dreg:$0x1] =	wrdreg $0xFFFFFFFF  }
0xc2: {  	_ =	task.clear_ibuf [dreg:s7], $0x2FFFF;
	_ =	strace $0x9FFFFFFF  }
0xc3: {  	(tm) =	ssettm $0x7FFFFFFF  }
tec
execute0_lowered:
.L_overlay_start_1:
0x0: {  	(tag) =	ssettag $0x1  }
0x1: {  	s1 =	rddreg [dreg:$0x0]  }
0x2: {  	s0 =	rddreg [dreg:$0x1]  }
0x3: {  	s2 =	rddreg [dreg:$0x2]  }
0x4: {  	s3 =	simm.s32 $0x0;
	s19 =	srdreg.scid;
	s17 =	stileid.u32  }
0x5: {  	s31 =	simm.s32 $0x5A00;
	[smem:$0x7FF] =	sst s3;
	s6 =	smul.u32 $0x50000, s17  }
0x6: {  	s16 =	sadd.s32 $0x2600, s0;
	s4 =	sand.u32 $0x1, s19;
	s8 =	smul.u32 $0x14000, s17  }
0x7: {  	s0 =	sadd.s32 $0x16000, s0;
	_ =	strace $0x8000004A;
	s14 =	smul.u32 $0x140000, s4  }
0x8: {  	s3 =	ssub.s32 $0x2, s4;
	s5 =	sshll.u32 s4, $0x4;
	s4 =	smul.u32 $0x27100, s4  }
0x9: {  	[dreg:$0x4] =	wrdreg s16;
	s7 =	sshrl.u32 s3, $0x1;
	s5 =	sor.u32 s17, s5  }
0xa: {  	s6 =	sshrl.u32 s6, $0x2;
	s20 =	sadd.s32 $0x4000, s8;
	s21 =	sadd.s32 $0x8000, s8  }
0xb: {  	s9 =	sadd.s32 $0xC000, s8;
	s10 =	sadd.s32 $0x10000, s8;
	s3 =	ssub.s32 s3, s7  }
0xc: {  	s5 =	smul.u32 $0x2710, s5;
	s15 =	sadd.s32 s6, s2;
	s12 =	sadd.s32 s10, s2  }
0xd: {  	s28 =	sadd.s32 s20, s2;
	s29 =	sadd.s32 s21, s2;
	[dreg:$0x9] =	wrdreg s12  }
0xe: {  	s30 =	sadd.s32 s9, s2;
	s8 =	sadd.s32 s8, s14;
	[dreg:$0x5] =	wrdreg s15  }
0xf: {  	s6 =	sadd.s32 s14, s20;
	s7 =	sadd.s32 s14, s21;
	[dreg:$0x6] =	wrdreg s28  }
0x10: {  	s8 =	sshrl.u32 s8, $0x3;
	s6 =	sshrl.u32 s6, $0x3;
	[dreg:$0x7] =	wrdreg s29  }
0x11: {  	s7 =	sshrl.u32 s7, $0x3;
	s3 =	smax.u32 s3, $0x1;
	[dreg:$0x8] =	wrdreg s30  }
0x12: {  	s11 =	sadd.s32 $0x28, s5;
	s22 =	sshrl.u32 s5, $0x3;
	s23 =	sadd.s32 $0x4E228, s5  }
0x13: {  	s24 =	sadd.s32 $0x78, s5;
	s13 =	sadd.s32 $0x4E278, s5;
	s8 =	sadd.s32 s0, s8  }
0x14: {  	s6 =	sadd.s32 s0, s6;
	s7 =	sadd.s32 s0, s7;
	[dreg:$0x1a] =	wrdreg s3  }
0x15: {  	s19 =	sadd.s32 $0x4E318, s5;
	s21 =	sadd.s32 $0x168, s5;
	[dreg:$0xf] =	wrdreg s8  }
0x16: {  	s11 =	sshrl.u32 s11, $0x3;
	s18 =	sadd.s32 s16, s22;
	[dreg:$0x10] =	wrdreg s6  }
0x17: {  	s12 =	sshrl.u32 s24, $0x3;
	s13 =	sshrl.u32 s13, $0x3;
	[dreg:$0x11] =	wrdreg s7  }
0x18: {  	s8 =	sadd.s32 s14, s9;
	s9 =	sadd.s32 s14, s10;
	s10 =	smul.u32 $0x2710, s17  }
0x19: {  	s14 =	sadd.s32 $0x118, s5;
	s20 =	sshrl.u32 s19, $0x3;
	s22 =	sshrl.u32 s21, $0x3  }
0x1a: {  	s11 =	sadd.s32 s16, s11;
	s25 =	sadd.s32 s16, s12;
	[dreg:$0xa] =	wrdreg s18  }
0x1b: {  	s26 =	sadd.s32 s16, s13;
	s6 =	sshrl.u32 s8, $0x3;
	[dreg:$0xb] =	wrdreg s11  }
0x1c: {  	s7 =	sshrl.u32 s9, $0x3;
	s13 =	sadd.s32 $0x4E2C8, s5;
	[dreg:$0xd] =	wrdreg s25  }
0x1d: {  	s17 =	sshrl.u32 s14, $0x3;
	[dreg:$0xe] =	wrdreg s26;
	s6 =	sadd.s32 s0, s6  }
0x1e: {  	s11 =	sshrl.u32 s23, $0x3;
	s0 =	sadd.s32 s0, s7;
	[dreg:$0x12] =	wrdreg s6  }
0x1f: {  	s11 =	sadd.s32 s16, s11;
	[dreg:$0x13] =	wrdreg s0;
	s0 =	sadd.s32 s10, s4  }
0x20: {  	s4 =	sshrl.u32 s13, $0x3;
	[dreg:$0xc] =	wrdreg s11;
	s11 =	sadd.s32 $0xC8, s5  }
0x21: {  	s4 =	sadd.s32 s16, s4;
	s5 =	sadd.s32 $0x4E368, s5;
	s24 =	sadd.s32 $0x2D0, s0  }
0x22: {  	s26 =	sadd.s32 $0x4E4D0, s0;
	s7 =	sadd.s32 $0x4E4A8, s0;
	s8 =	sadd.s32 $0x280, s0  }
0x23: {  	s13 =	sadd.s32 $0x4E458, s0;
	s19 =	sadd.s32 $0x230, s0;
	s21 =	sadd.s32 $0x208, s0  }
0x24: {  	s12 =	sshrl.u32 s11, $0x3;
	[dreg:$0x15] =	wrdreg s4;
	s4 =	sadd.s32 s16, s17  }
0x25: {  	s23 =	sshrl.u32 s5, $0x3;
	s25 =	sshrl.u32 s24, $0x3;
	s5 =	sshrl.u32 s26, $0x3  }
0x26: {  	s10 =	sshrl.u32 s8, $0x3;
	s11 =	sadd.s32 $0x4E480, s0;
	s17 =	sshrl.u32 s13, $0x3  }
0x27: {  	s24 =	sadd.s32 $0x4E408, s0;
	s26 =	sadd.s32 $0x4E3E0, s0;
	s8 =	sadd.s32 $0x4E3B8, s0  }
0x28: {  	s13 =	sadd.s32 $0x168, s0;
	s6 =	sadd.s32 s16, s12;
	[dreg:$0x16] =	wrdreg s4  }
0x29: {  	s4 =	sadd.s32 s16, s20;
	s3 =	sadd.s32 s5, s16;
	[dreg:$0x14] =	wrdreg s6  }
0x2a: {  	s12 =	sadd.s32 $0x258, s0;
	s20 =	sadd.s32 $0x4E430, s0;
	[dreg:$0x17] =	wrdreg s4  }
0x2b: {  	s5 =	simm.s32 $0x0;
	s4 =	sadd.s32 s16, s22;
	[dreg:$0x1c] =	wrdreg s3  }
0x2c: {  	s6 =	sadd.s32 $0x2A8, s0;
	[dreg:$0x18] =	wrdreg s4;
	s4 =	sadd.s32 s16, s23  }
0x2d: {  	s3 =	sshrl.u32 s6, $0x3;
	s23 =	sshrl.u32 s21, $0x3;
	s6 =	sshrl.u32 s26, $0x3  }
0x2e: {  	s21 =	sadd.s32 $0x14, s18;
	s26 =	sadd.s32 $0x9C68, s18;
	[dreg:$0x19] =	wrdreg s4  }
0x2f: {  	s4 =	sadd.s32 s25, s16;
	s3 =	sadd.s32 s3, s16;
	[smem:$0x7F8] =	sst s21  }
0x30: {  	s25 =	sadd.s32 $0x1E0, s0;
	[smem:$0x7FD] =	sst s26;
	s21 =	simm.s32 $0x9  }
0x31: {  	s26 =	simm.s32 $0x10;
	[dreg:$0x1b] =	wrdreg s4;
	s4 =	sshrl.u32 s7, $0x3  }
0x32: {  	[dreg:$0x1d] =	wrdreg s3;
	s3 =	sadd.s32 s10, s16;
	s7 =	sadd.s32 $0x1B8, s0  }
0x33: {  	s9 =	sadd.s32 s4, s16;
	[dreg:$0x1f] =	wrdreg s3;
	s3 =	sshrl.u32 s11, $0x3  }
0x34: {  	s4 =	sshrl.u32 s12, $0x3;
	s12 =	sadd.s32 $0x190, s0;
	[dreg:$0x1e] =	wrdreg s9  }
0x35: {  	s3 =	sadd.s32 s3, s16;
	s14 =	sadd.s32 s4, s16;
	[smem:$0x7F1] =	sst s12  }
0x36: {  	s4 =	sshrl.u32 s20, $0x3;
	s9 =	sadd.s32 $0x4E390, s0;
	[smem:$0x7E6] =	sst s3  }
0x37: {  	s0 =	sadd.s32 $0x4E368, s0;
	s20 =	sadd.s32 $0x9C4A, s18;
	[smem:$0x7E7] =	sst s14  }
0x38: {  	s3 =	sadd.s32 s17, s16;
	s22 =	sadd.s32 s4, s16;
	[smem:$0x7F7] =	sst s20  }
0x39: {  	s4 =	sshrl.u32 s25, $0x3;
	s11 =	sshrl.u32 s9, $0x3;
	[smem:$0x7E8] =	sst s3  }
0x3a: {  	s14 =	sshrl.u32 s13, $0x3;
	s17 =	sadd.s32 $0x9C40, s18;
	[smem:$0x7EA] =	sst s22  }
0x3b: {  	s0 =	sshrl.u32 s0, $0x3;
	s25 =	sadd.s32 $0x28, s18;
	[smem:$0x7F5] =	sst s17  }
0x3c: {  	s9 =	simm.s32 $0x28;
	s4 =	sadd.s32 s4, s16;
	[smem:$0x7FC] =	sst s25  }
0x3d: {  	s20 =	simm.s32 $0xE;
	s0 =	sadd.s32 s0, s16;
	[smem:$0x7ED] =	sst s4  }
0x3e: {  	s3 =	sshrl.u32 s19, $0x3;
	s19 =	sadd.s32 $0xA, s18;
	[smem:$0x7F4] =	sst s0  }
0x3f: {  	s22 =	sadd.s32 $0x9C54, s18;
	s17 =	simm.s32 $0x3200;
	[smem:$0x7F6] =	sst s19  }
0x40: {  	s25 =	simm.s32 $0xA;
	s3 =	sadd.s32 s3, s16;
	[smem:$0x7F9] =	sst s22  }
0x41: {  	s4 =	sshrl.u32 s8, $0x3;
	[smem:$0x7E9] =	sst s3;
	s3 =	sadd.s32 s23, s16  }
0x42: {  	s19 =	simm.s32 $0x4600;
	s10 =	sadd.s32 s4, s16;
	[smem:$0x7EB] =	sst s3  }
0x43: {  	s0 =	simm.s32 $0x15;
	s23 =	sadd.s32 $0x1E, s18;
	[smem:$0x7F0] =	sst s10  }
0x44: {  	s22 =	simm.s32 $0x19;
	s3 =	sshrl.u32 s24, $0x3;
	[smem:$0x7FA] =	sst s23  }
0x45: {  	s24 =	sadd.s32 $0x9C5E, s18;
	s18 =	simm.s32 $0x1E00;
	s3 =	sadd.s32 s3, s16  }
0x46: {  	s23 =	simm.s32 $0x12;
	[smem:$0x7EC] =	sst s3;
	s3 =	sadd.s32 s6, s16  }
.Ltmp0:
0x47: {  	[smem:$0x7EE] =	sst s3;
	s3 =	sshrl.u32 s7, $0x3;
	(pc) =	sbr.rel .LBB2_1-.Ltmp0, $4  }
0x48: {  	[smem:$0x7FB] =	sst s24;
	s24 =	simm.s32 $0xF;
	s3 =	sadd.s32 s3, s16  }
0x49: {  	s7 =	simm.s32 $0xA00;
	[smem:$0x7EF] =	sst s3;
	s3 =	sadd.s32 s11, s16  }
0x4a: {  	[smem:$0x7F2] =	sst s3;
	s3 =	sadd.s32 s14, s16;
	s14 =	simm.s32 $0x400  }
0x4b: {  	v0 =	vimm.f32 $0.0e+00;
	s16 =	simm.s32 $0x17;
	[smem:$0x7F3] =	sst s3;
	s3 =	simm.s32 $0x14  }
.LBB2_6:
0x4c: {  	s12 =	simm.s32 $0x1A  }
0x4d: {  	_ =	swait.ge [sflag:s12], $0x1400  }
0x4e: {  	[sflag:s12] =	ssyncset.done $0x0  }
0x4f: {  	s13 =	simm.s32 $0x1B;
	[sflag:s12] =	ssyncadd.s32 $0xFFFFEC00  }
0x50: {  	_ =	swait.ge [sflag:s13], $0x1400  }
0x51: {  	[sflag:s13] =	ssyncset.done $0x0  }
0x52: {  	s6 =	simm.s32 $0x1C;
	[sflag:s13] =	ssyncadd.s32 $0xFFFFEC00  }
0x53: {  	_ =	swait.ge [sflag:s6], $0x1400  }
0x54: {  	[sflag:s6] =	ssyncset.done $0x0  }
0x55: {  	s14 =	simm.s32 $0x1D;
	[sflag:s6] =	ssyncadd.s32 $0xFFFFEC00  }
0x56: {  	_ =	swait.ge [sflag:s14], $0x1400  }
0x57: {  	[sflag:s14] =	ssyncset.done $0x0  }
0x58: {  	s8 =	simm.s32 $0x1E;
	[sflag:s14] =	ssyncadd.s32 $0xFFFFEC00  }
0x59: {  	_ =	swait.ge [sflag:s8], $0x1400  }
0x5a: {  	[sflag:s8] =	ssyncset.done $0x0  }
0x5b: {  	[sflag:s8] =	ssyncadd.s32 $0xFFFFEC00  }
0x5c: {  	s4 =	stileid.u32;
	[bflag:$0x0] =	sbarrier.arrive $0xFFFF  }
0x5d: {  	s4 =	sshll.u32 s4, $0x6;
	s15 =	rddreg [dreg:$0x5]  }
0x5e: {  	s5 =	sor.u32 $0x1C1A, s4;
	s11 =	rddreg [dreg:$0xf];
	s10 =	sshrl.u32 s15, $0x3  }
0x5f: {  	[hbm:s11], [sflag:s5] =	dma.local [spmem:s10], $0x800  }
0x60: {  	s28 =	rddreg [dreg:$0x6]  }
0x61: {  	s5 =	sor.u32 $0x1C1B, s4;
	s11 =	rddreg [dreg:$0x10];
	s10 =	sshrl.u32 s28, $0x3  }
0x62: {  	[hbm:s11], [sflag:s5] =	dma.local [spmem:s10], $0x800  }
0x63: {  	s29 =	rddreg [dreg:$0x7]  }
0x64: {  	s5 =	sor.u32 $0x1C1C, s4;
	s11 =	rddreg [dreg:$0x11];
	s10 =	sshrl.u32 s29, $0x3  }
0x65: {  	[hbm:s11], [sflag:s5] =	dma.local [spmem:s10], $0x800  }
0x66: {  	s30 =	rddreg [dreg:$0x8]  }
0x67: {  	s5 =	sor.u32 $0x1C1D, s4;
	s11 =	rddreg [dreg:$0x12];
	s10 =	sshrl.u32 s30, $0x3  }
0x68: {  	[hbm:s11], [sflag:s5] =	dma.local [spmem:s10], $0x800  }
0x69: {  	s5 =	rddreg [dreg:$0x9]  }
0x6a: {  	s4 =	sor.u32 $0x1C1E, s4;
	s10 =	rddreg [dreg:$0x13];
	s5 =	sshrl.u32 s5, $0x3  }
0x6b: {  	[hbm:s10], [sflag:s4] =	dma.local [spmem:s5], $0x800  }
0x6c: {  	_ =	swait.ge [sflag:s12], $0x800  }
0x6d: {  	[sflag:s12] =	ssyncset.done $0x0  }
0x6e: {  	[sflag:s12] =	ssyncadd.s32 $0xFFFFF800  }
0x6f: {  	_ =	swait.ge [sflag:s13], $0x800  }
0x70: {  	[sflag:s13] =	ssyncset.done $0x0  }
0x71: {  	[sflag:s13] =	ssyncadd.s32 $0xFFFFF800  }
0x72: {  	_ =	swait.ge [sflag:s6], $0x800  }
0x73: {  	[sflag:s6] =	ssyncset.done $0x0  }
0x74: {  	[sflag:s6] =	ssyncadd.s32 $0xFFFFF800  }
0x75: {  	_ =	swait.ge [sflag:s14], $0x800  }
0x76: {  	[sflag:s14] =	ssyncset.done $0x0  }
0x77: {  	[sflag:s14] =	ssyncadd.s32 $0xFFFFF800  }
0x78: {  	_ =	swait.ge [sflag:s8], $0x800  }
0x79: {  	s13 =	sld [smem:$0x7E5];
	_ =	sdelay $0x2  }
0x7a: {  	s14 =	rddreg [dreg:$0x1a];
	s5 =	sadd.s32 $0x1, s13  }
0x7b: {  	p0 =	sne.s32 s5, s14  }
.Ltmp1:
0x7c: {  	_ = 	snop;
	(pc) =	sbr.rel @!p0 .LBB2_7-.Ltmp1, $3  }
0x7d: {  	_ =	sdelay $0x1  }
0x7e: {  	[sflag:s8] =	ssyncset.done $0x0  }
0x7f: {  	[sflag:s8] =	ssyncadd.s32 $0xFFFFF800;
	s14 =	simm.s32 $0x400  }
.LBB2_1:
0x80: {  	s13 =	simm.s32 $0x0  }
0x81: {  	s4 =	sand.u32 $0xFE00, s13  }
0x82: {  	[smem:$0x7E5] =	sst s5;
	s5 =	sand.u32 $0x70, s13;
	s10 =	sshrl.u32 s4, $0x2  }
0x83: {  	s4 =	simm.s32 $0x40;
	s10 =	sor.u32 s5, s10;
	s5 =	simm.s32 $0x0  }
.LBB2_2:
0x84: {  	p0 =	sne.s32 s4, $0xFFC0  }
0x85: {  	[tilespmem:s10+$0x6E00] =	vst v0;
	s5 =	sadd.s32 $0x10, s5;
	s10 =	smov.u32 s4;
	s4 =	sadd.s32 $0x40, s4  }
.Ltmp2:
0x86: {  	(pc) =	sbr.rel @p0 .LBB2_2-.Ltmp2, $4  }
0x87: {  	_ = 	snop  }
0x88: {  	s10 =	sand.u32 $0xFE00, s10  }
0x89: {  	s12 =	sand.u32 $0x70, s5;
	s10 =	sshrl.u32 s10, $0x2  }
0x8a: {  	s10 =	sor.u32 s12, s10  }
0x8b: {  	[tilespmem:s10+$0x6E00] =	vst v0;
	s5 =	simm.s32 $0x6E00  }
0x8c: {  	[spmem:s15] =	stream.linear.scatter [tilespmem:s5], [sflag:$0x1A], $0x4000, $0x38;
	[tilespmem:$0x1EE00] =	vst v63  }
0x8d: {  	_ = 	snop  }
0x8e: {  	[spmem:s28] =	stream.linear.scatter [tilespmem:s5], [sflag:$0x1B], $0x4000, $0x38;
	[tilespmem:$0x1EE00] =	vst v63  }
0x8f: {  	_ = 	snop  }
0x90: {  	[spmem:s29] =	stream.linear.scatter [tilespmem:s5], [sflag:$0x1C], $0x4000, $0x38;
	[tilespmem:$0x1EE00] =	vst v63  }
0x91: {  	_ = 	snop  }
0x92: {  	[spmem:s30] =	stream.linear.scatter [tilespmem:s5], [sflag:$0x1D], $0x4000, $0x38;
	[tilespmem:$0x1EE00] =	vst v63  }
0x93: {  	s4 =	rddreg [dreg:$0x9];
	s6 =	simm.s32 $0x1A  }
0x94: {  	[spmem:s4] =	stream.linear.scatter [tilespmem:s5], [sflag:$0x1E], $0x4000, $0x38;
	[tilespmem:$0x1EE00] =	vst v63  }
0x95: {  	_ =	swait.ge [sflag:s6], $0x4000  }
0x96: {  	[sflag:s6] =	ssyncset.done $0x0  }
0x97: {  	s8 =	simm.s32 $0x1B;
	[sflag:s6] =	ssyncadd.s32 $0xFFFFC000  }
0x98: {  	_ =	swait.ge [sflag:s8], $0x4000  }
0x99: {  	[sflag:s8] =	ssyncset.done $0x0  }
0x9a: {  	s10 =	simm.s32 $0x1C;
	[sflag:s8] =	ssyncadd.s32 $0xFFFFC000  }
0x9b: {  	_ =	swait.ge [sflag:s10], $0x4000  }
0x9c: {  	[sflag:s10] =	ssyncset.done $0x0  }
0x9d: {  	s11 =	simm.s32 $0x1D;
	[sflag:s10] =	ssyncadd.s32 $0xFFFFC000  }
0x9e: {  	_ =	swait.ge [sflag:s11], $0x4000  }
0x9f: {  	[sflag:s11] =	ssyncset.done $0x0  }
0xa0: {  	s12 =	simm.s32 $0x1E;
	[sflag:s11] =	ssyncadd.s32 $0xFFFFC000  }
0xa1: {  	_ =	swait.ge [sflag:s12], $0x4000  }
0xa2: {  	[sflag:s12] =	ssyncset.done $0x0  }
0xa3: {  	[sflag:s12] =	ssyncadd.s32 $0xFFFFC000  }
0xa4: {  	[bflag:$0x0] =	sbarrier.arrive $0xFFFF  }
0xa5: {  	s13 =	rddreg [dreg:$0xa]  }
0xa6: {  	s29 =	simm.s32 $0x0;
	s15 =	sld [smem:$0x7F5]  }
0xa7: {  	[tilespmem:s29], [sflag:$0x1] =	stream.linear.gather [hbm4b:s13+s29], $0x28, $0x38;
	[tilespmem:$0x1EE00] =	vst v63  }
0xa8: {  	s28 =	simm.s32 $0x500;
	s30 =	rddreg [dreg:$0xb]  }
0xa9: {  	[tilespmem:s28], [sflag:$0xB] =	stream.linear.gather [hbm4b:s15+s29], $0x28, $0x38;
	[tilespmem:$0x1EE00] =	vst v63  }
0xaa: {  	s5 =	simm.s32 $0x80;
	s6 =	rddreg [dreg:$0xc]  }
0xab: {  	[tilespmem:s5], [sflag:$0x2] =	stream.linear.gather [hbm4b:s30+s29], $0x28, $0x38;
	[tilespmem:$0x1EE00] =	vst v63  }
0xac: {  	s8 =	simm.s32 $0x580;
	s11 =	sld [smem:$0x7F6]  }
0xad: {  	[tilespmem:s8], [sflag:$0xC] =	stream.linear.gather [hbm4b:s6+s29], $0x28, $0x38;
	[tilespmem:$0x1EE00] =	vst v63  }
0xae: {  	s10 =	simm.s32 $0x100;
	s12 =	sld [smem:$0x7F7]  }
0xaf: {  	[tilespmem:s10], [sflag:$0x3] =	stream.linear.gather [hbm4b:s11+s29], $0x28, $0x38;
	[tilespmem:$0x1EE00] =	vst v63  }
0xb0: {  	s13 =	rddreg [dreg:$0xd];
	s11 =	simm.s32 $0x600  }
0xb1: {  	[tilespmem:s11], [sflag:$0xD] =	stream.linear.gather [hbm4b:s12+s29], $0x28, $0x38;
	[tilespmem:$0x1EE00] =	vst v63  }
0xb2: {  	s15 =	rddreg [dreg:$0xe];
	s11 =	simm.s32 $0x180  }
0xb3: {  	[tilespmem:s11], [sflag:$0x4] =	stream.linear.gather [hbm4b:s13+s29], $0x28, $0x38;
	[tilespmem:$0x1EE00] =	vst v63  }
0xb4: {  	s28 =	sld [smem:$0x7F8];
	s12 =	simm.s32 $0x680  }
0xb5: {  	[tilespmem:s12], [sflag:$0xE] =	stream.linear.gather [hbm4b:s15+s29], $0x28, $0x38;
	[tilespmem:$0x1EE00] =	vst v63  }
0xb6: {  	s30 =	simm.s32 $0x200;
	s6 =	sld [smem:$0x7F9]  }
0xb7: {  	[tilespmem:s30], [sflag:$0x5] =	stream.linear.gather [hbm4b:s28+s29], $0x28, $0x38;
	[tilespmem:$0x1EE00] =	vst v63  }
0xb8: {  	s8 =	simm.s32 $0x700;
	s13 =	rddreg [dreg:$0x14]  }
0xb9: {  	[tilespmem:s8], [sflag:$0xF] =	stream.linear.gather [hbm4b:s6+s29], $0x28, $0x38;
	[tilespmem:$0x1EE00] =	vst v63  }
0xba: {  	s15 =	simm.s32 $0x280;
	s28 =	rddreg [dreg:$0x15]  }
0xbb: {  	[tilespmem:s15], [sflag:$0x6] =	stream.linear.gather [hbm4b:s13+s29], $0x28, $0x38;
	[tilespmem:$0x1EE00] =	vst v63  }
0xbc: {  	s30 =	simm.s32 $0x780;
	s6 =	sld [smem:$0x7FA]  }
0xbd: {  	[tilespmem:s30], [sflag:$0x10] =	stream.linear.gather [hbm4b:s28+s29], $0x28, $0x38;
	[tilespmem:$0x1EE00] =	vst v63  }
0xbe: {  	s8 =	simm.s32 $0x300;
	s13 =	sld [smem:$0x7FB]  }
0xbf: {  	[tilespmem:s8], [sflag:$0x7] =	stream.linear.gather [hbm4b:s6+s29], $0x28, $0x38;
	[tilespmem:$0x1EE00] =	vst v63  }
0xc0: {  	s15 =	simm.s32 $0x800;
	s28 =	rddreg [dreg:$0x16]  }
0xc1: {  	[tilespmem:s15], [sflag:$0x11] =	stream.linear.gather [hbm4b:s13+s29], $0x28, $0x38;
	[tilespmem:$0x1EE00] =	vst v63  }
0xc2: {  	s30 =	simm.s32 $0x380;
	s6 =	rddreg [dreg:$0x17]  }
0xc3: {  	[tilespmem:s30], [sflag:$0x8] =	stream.linear.gather [hbm4b:s28+s29], $0x28, $0x38;
	[tilespmem:$0x1EE00] =	vst v63  }
0xc4: {  	s8 =	simm.s32 $0x880;
	s13 =	sld [smem:$0x7FC]  }
0xc5: {  	[tilespmem:s8], [sflag:$0x12] =	stream.linear.gather [hbm4b:s6+s29], $0x28, $0x38;
	[tilespmem:$0x1EE00] =	vst v63  }
0xc6: {  	s15 =	sld [smem:$0x7FD]  }
0xc7: {  	[tilespmem:s14], [sflag:$0x9] =	stream.linear.gather [hbm4b:s13+s29], $0x28, $0x38;
	[tilespmem:$0x1EE00] =	vst v63  }
0xc8: {  	s6 =	simm.s32 $0x900  }
0xc9: {  	[tilespmem:s6], [sflag:$0x13] =	stream.linear.gather [hbm4b:s15+s29], $0x28, $0x38;
	[tilespmem:$0x1EE00] =	vst v63  }
0xca: {  	s28 =	rddreg [dreg:$0x18];
	s30 =	simm.s32 $0x480  }
0xcb: {  	[tilespmem:s30], [sflag:$0xA] =	stream.linear.gather [hbm4b:s28+s29], $0x28, $0x38;
	[tilespmem:$0x1EE00] =	vst v63  }
0xcc: {  	s12 =	simm.s32 $0x980;
	s8 =	rddreg [dreg:$0x19];
	s13 =	simm.s32 $0x1  }
0xcd: {  	[tilespmem:s12], [sflag:$0x14] =	stream.linear.gather [hbm4b:s8+s29], $0x28, $0x38;
	[tilespmem:$0x1EE00] =	vst v63  }
0xce: {  	_ =	swait.ge [sflag:s13], $0x28  }
0xcf: {  	[sflag:s13] =	ssyncset.done $0x0  }
0xd0: {  	s15 =	simm.s32 $0x2;
	[sflag:s13] =	ssyncadd.s32 $0xFFFFFFD8  }
0xd1: {  	[tilespmem:s7], [sflag:$0x15] =	stream.indirect.gather [hbm4b:s1+s9], $0x80, s29, s9, $0xb8;
	[tilespmem:$0x1EE00] =	vst v63  }
0xd2: {  	_ =	swait.ge [sflag:s15], $0x28  }
0xd3: {  	[sflag:s15] =	ssyncset.done $0x0  }
0xd4: {  	s28 =	simm.s32 $0x3;
	[sflag:s15] =	ssyncadd.s32 $0xFFFFFFD8  }
0xd5: {  	[tilespmem:s18], [sflag:$0x16] =	stream.indirect.gather [hbm4b:s1+s9], $0x80, s5, s9, $0xb8;
	[tilespmem:$0x1EE00] =	vst v63  }
0xd6: {  	_ =	swait.ge [sflag:s28], $0x28  }
0xd7: {  	[sflag:s28] =	ssyncset.done $0x0  }
0xd8: {  	s30 =	simm.s32 $0x4;
	[sflag:s28] =	ssyncadd.s32 $0xFFFFFFD8  }
0xd9: {  	[tilespmem:s17], [sflag:$0x17] =	stream.indirect.gather [hbm4b:s1+s9], $0x80, s10, s9, $0xb8;
	[tilespmem:$0x1EE00] =	vst v63  }
0xda: {  	_ =	swait.ge [sflag:s30], $0x28  }
0xdb: {  	[sflag:s30] =	ssyncset.done $0x0  }
0xdc: {  	s10 =	sld [smem:$0x7F1];
	[sflag:s30] =	ssyncadd.s32 $0xFFFFFFD8  }
0xdd: {  	[tilespmem:s19], [sflag:$0x18] =	stream.indirect.gather [hbm4b:s1+s9], $0x80, s11, s9, $0xb8;
	[tilespmem:$0x1EE00] =	vst v63  }
.LBB2_4:
0xde: {  	p0 =	seq.s32 s29, $0x0  }
0xdf: {  	s4 =	simm.s32 @!p0 $0x1E  }
0xe0: {  	_ =	swait.ge @!p0 [sflag:s4], $0x1400  }
0xe1: {  	[sflag:s4] =	ssyncset.done @!p0 $0x0  }
0xe2: {  	s8 =	simm.s32 $0x5;
	[sflag:s4] =	ssyncadd.s32 @!p0 $0xFFFFEC00  }
0xe3: {  	_ =	swait.ge [sflag:s8], $0x28  }
0xe4: {  	[sflag:s8] =	ssyncset.done $0x0  }
0xe5: {  	s11 =	simm.s32 $0x200;
	[sflag:s8] =	ssyncadd.s32 $0xFFFFFFD8  }
0xe6: {  	[tilespmem:s31], [sflag:$0x19] =	stream.indirect.gather [hbm4b:s1+s9], $0x80, s11, s9, $0xb8;
	[tilespmem:$0x1EE00] =	vst v63  }
0xe7: {  	_ =	swait.ge [sflag:s0], $0x1400  }
0xe8: {  	[sflag:s0] =	ssyncset.done $0x0  }
0xe9: {  	s12 =	simm.s32 $0xB;
	[sflag:s0] =	ssyncadd.s32 $0xFFFFEC00  }
0xea: {  	_ =	swait.ge [sflag:s12], $0x28  }
0xeb: {  	[sflag:s12] =	ssyncset.done $0x0;
	s4 =	sld [smem:$0x7F3]  }
0xec: {  	s13 =	simm.s32 $0x500;
	s15 =	simm.s32 $0xA00;
	[sflag:s12] =	ssyncadd.s32 $0xFFFFFFD8  }
0xed: {  	[spmem:s2] =	stream.indirect.scatter.add.f32 [tilespmem:s15], [sflag:$0x1A], $0x80, s13, s9, $0xb8;
	[tilespmem:$0x1EE00] =	vst v63  }
0xee: {  	s5 =	simm.s32 @!p0 $0x0;
	s12 =	simm.s32 @!p0 $0x480;
	s4 =	sadd.s32 @!p0 s29, s4  }
0xef: {  	[tilespmem:s12], [sflag:$0xA] =	stream.linear.gather @!p0 [hbm4b:s4+s5], $0x28, $0x38;
	[tilespmem:$0x1EE00] =	vst v63  }
0xf0: {  	s4 =	sld [smem:$0x7F4];
	_ =	sdelay $0x2  }
0xf1: {  	s17 =	simm.s32 $0x1A;
	s12 =	simm.s32 @!p0 $0x980;
	s4 =	sadd.s32 @!p0 s29, s4  }
0xf2: {  	[tilespmem:s12], [sflag:$0x14] =	stream.linear.gather @!p0 [hbm4b:s4+s5], $0x28, $0x38;
	[tilespmem:$0x1EE00] =	vst v63  }
0xf3: {  	_ =	swait.ge [sflag:s17], $0x1400  }
0xf4: {  	[sflag:s17] =	ssyncset.done $0x0  }
0xf5: {  	s18 =	simm.s32 $0x6;
	[sflag:s17] =	ssyncadd.s32 $0xFFFFEC00  }
0xf6: {  	_ =	swait.ge [sflag:s18], $0x28  }
0xf7: {  	[sflag:s18] =	ssyncset.done $0x0  }
0xf8: {  	s19 =	simm.s32 $0x280;
	s28 =	simm.s32 $0x16;
	[sflag:s18] =	ssyncadd.s32 $0xFFFFFFD8  }
0xf9: {  	[tilespmem:s15], [sflag:$0x15] =	stream.indirect.gather [hbm4b:s1+s9], $0x80, s19, s9, $0xb8;
	[tilespmem:$0x1EE00] =	vst v63  }
0xfa: {  	_ =	swait.ge [sflag:s28], $0x1400  }
0xfb: {  	[sflag:s28] =	ssyncset.done $0x0  }
0xfc: {  	s30 =	simm.s32 $0xC;
	[sflag:s28] =	ssyncadd.s32 $0xFFFFEC00  }
0xfd: {  	_ =	swait.ge [sflag:s30], $0x28  }
0xfe: {  	s6 =	simm.s32 $0x1E00;
	[sflag:s30] =	ssyncset.done $0x0  }
0xff: {  	s5 =	simm.s32 $0x580;
	p0 =	seq.s32 s29, $0x4B0;
	[sflag:s30] =	ssyncadd.s32 $0xFFFFFFD8  }
0x100: {  	[spmem:s2] =	stream.indirect.scatter.add.f32 [tilespmem:s6], [sflag:$0x1B], $0x80, s5, s9, $0xb8;
	[tilespmem:$0x1EE00] =	vst v63  }
0x101: {  	s4 =	sshrl.u32 @!p0 s10, $0x3;
	s5 =	rddreg [dreg:$0x4]  }
0x102: {  	s30 =	simm.s32 @!p0 $0x0;
	s4 =	sadd.s32 @!p0 s5, s4  }
0x103: {  	[tilespmem:s30], [sflag:$0x1] =	stream.linear.gather @!p0 [hbm4b:s4+s30], $0x28, $0x38;
	[tilespmem:$0x1EE00] =	vst v63  }
0x104: {  	s4 =	sld [smem:$0x7F2];
	_ =	sdelay $0x2  }
0x105: {  	s7 =	simm.s32 $0x1B;
	s5 =	simm.s32 @!p0 $0x500;
	s4 =	sadd.s32 @!p0 s29, s4  }
0x106: {  	[tilespmem:s5], [sflag:$0xB] =	stream.linear.gather @!p0 [hbm4b:s4+s30], $0x28, $0x38;
	[tilespmem:$0x1EE00] =	vst v63  }
0x107: {  	_ =	swait.ge [sflag:s7], $0x1400  }
0x108: {  	[sflag:s7] =	ssyncset.done $0x0  }
0x109: {  	s8 =	simm.s32 $0x7;
	[sflag:s7] =	ssyncadd.s32 $0xFFFFEC00  }
0x10a: {  	_ =	swait.ge [sflag:s8], $0x28  }
0x10b: {  	[sflag:s8] =	ssyncset.done $0x0  }
0x10c: {  	s11 =	simm.s32 $0x300;
	[sflag:s8] =	ssyncadd.s32 $0xFFFFFFD8  }
0x10d: {  	[tilespmem:s6], [sflag:$0x16] =	stream.indirect.gather [hbm4b:s1+s9], $0x80, s11, s9, $0xb8;
	[tilespmem:$0x1EE00] =	vst v63  }
0x10e: {  	_ =	swait.ge [sflag:s16], $0x1400  }
0x10f: {  	[sflag:s16] =	ssyncset.done $0x0  }
0x110: {  	s12 =	simm.s32 $0xD;
	[sflag:s16] =	ssyncadd.s32 $0xFFFFEC00  }
0x111: {  	_ =	swait.ge [sflag:s12], $0x28  }
0x112: {  	[sflag:s12] =	ssyncset.done $0x0;
	s4 =	sld [smem:$0x7EF]  }
0x113: {  	s13 =	simm.s32 $0x600;
	s8 =	simm.s32 $0x3200;
	[sflag:s12] =	ssyncadd.s32 $0xFFFFFFD8  }
0x114: {  	[spmem:s2] =	stream.indirect.scatter.add.f32 [tilespmem:s8], [sflag:$0x1C], $0x80, s13, s9, $0xb8;
	[tilespmem:$0x1EE00] =	vst v63  }
0x115: {  	s12 =	simm.s32 @!p0 $0x80;
	s4 =	sadd.s32 @!p0 s29, s4  }
0x116: {  	[tilespmem:s12], [sflag:$0x2] =	stream.linear.gather @!p0 [hbm4b:s4+s30], $0x28, $0x38;
	[tilespmem:$0x1EE00] =	vst v63  }
0x117: {  	s4 =	sld [smem:$0x7F0];
	_ =	sdelay $0x2  }
0x118: {  	s17 =	simm.s32 $0x1C;
	s5 =	simm.s32 @!p0 $0x580;
	s4 =	sadd.s32 @!p0 s29, s4  }
0x119: {  	[tilespmem:s5], [sflag:$0xC] =	stream.linear.gather @!p0 [hbm4b:s4+s30], $0x28, $0x38;
	[tilespmem:$0x1EE00] =	vst v63  }
0x11a: {  	_ =	swait.ge [sflag:s17], $0x1400  }
0x11b: {  	[sflag:s17] =	ssyncset.done $0x0  }
0x11c: {  	s19 =	simm.s32 $0x8;
	[sflag:s17] =	ssyncadd.s32 $0xFFFFEC00  }
0x11d: {  	_ =	swait.ge [sflag:s19], $0x28  }
0x11e: {  	[sflag:s19] =	ssyncset.done $0x0  }
0x11f: {  	s28 =	simm.s32 $0x380;
	s5 =	simm.s32 $0x18;
	[sflag:s19] =	ssyncadd.s32 $0xFFFFFFD8  }
0x120: {  	[tilespmem:s8], [sflag:$0x17] =	stream.indirect.gather [hbm4b:s1+s9], $0x80, s28, s9, $0xb8;
	[tilespmem:$0x1EE00] =	vst v63  }
0x121: {  	_ =	swait.ge [sflag:s5], $0x1400  }
0x122: {  	[sflag:s5] =	ssyncset.done $0x0  }
0x123: {  	[sflag:s5] =	ssyncadd.s32 $0xFFFFEC00  }
0x124: {  	_ =	swait.ge [sflag:s20], $0x28  }
0x125: {  	[sflag:s20] =	ssyncset.done $0x0;
	s4 =	sld [smem:$0x7ED]  }
0x126: {  	s7 =	simm.s32 $0x4600;
	s6 =	simm.s32 $0x680;
	[sflag:s20] =	ssyncadd.s32 $0xFFFFFFD8  }
0x127: {  	[spmem:s2] =	stream.indirect.scatter.add.f32 [tilespmem:s7], [sflag:$0x1D], $0x80, s6, s9, $0xb8;
	[tilespmem:$0x1EE00] =	vst v63  }
0x128: {  	s5 =	sadd.s32 @!p0 s29, s4;
	s4 =	simm.s32 @!p0 $0x100  }
0x129: {  	[tilespmem:s4], [sflag:$0x3] =	stream.linear.gather @!p0 [hbm4b:s5+s30], $0x28, $0x38;
	[tilespmem:$0x1EE00] =	vst v63  }
0x12a: {  	s5 =	sld [smem:$0x7EE];
	_ =	sdelay $0x2  }
0x12b: {  	s11 =	simm.s32 $0x1D;
	s13 =	simm.s32 @!p0 $0x600;
	s5 =	sadd.s32 @!p0 s29, s5  }
0x12c: {  	[tilespmem:s13], [sflag:$0xD] =	stream.linear.gather @!p0 [hbm4b:s5+s30], $0x28, $0x38;
	[tilespmem:$0x1EE00] =	vst v63  }
0x12d: {  	_ =	swait.ge [sflag:s11], $0x1400  }
0x12e: {  	[sflag:s11] =	ssyncset.done $0x0  }
0x12f: {  	[sflag:s11] =	ssyncadd.s32 $0xFFFFEC00  }
0x130: {  	_ =	swait.ge [sflag:s21], $0x28  }
0x131: {  	[sflag:s21] =	ssyncset.done $0x0  }
0x132: {  	[sflag:s21] =	ssyncadd.s32 $0xFFFFFFD8  }
0x133: {  	[tilespmem:s7], [sflag:$0x18] =	stream.indirect.gather [hbm4b:s1+s9], $0x80, s14, s9, $0xb8;
	[tilespmem:$0x1EE00] =	vst v63  }
0x134: {  	_ =	swait.ge [sflag:s22], $0x1400  }
0x135: {  	[sflag:s22] =	ssyncset.done $0x0  }
0x136: {  	[sflag:s22] =	ssyncadd.s32 $0xFFFFEC00  }
0x137: {  	_ =	swait.ge [sflag:s24], $0x28  }
0x138: {  	[sflag:s24] =	ssyncset.done $0x0;
	s5 =	sld [smem:$0x7EB]  }
0x139: {  	s13 =	simm.s32 $0x700;
	s11 =	sld [smem:$0x7EC];
	[sflag:s24] =	ssyncadd.s32 $0xFFFFFFD8  }
0x13a: {  	[spmem:s2] =	stream.indirect.scatter.add.f32 [tilespmem:s31], [sflag:$0x1E], $0x80, s13, s9, $0xb8;
	[tilespmem:$0x1EE00] =	vst v63  }
0x13b: {  	s13 =	sadd.s32 @!p0 s29, s5;
	s5 =	simm.s32 @!p0 $0x180  }
0x13c: {  	[tilespmem:s5], [sflag:$0x4] =	stream.linear.gather @!p0 [hbm4b:s13+s30], $0x28, $0x38;
	[tilespmem:$0x1EE00] =	vst v63  }
0x13d: {  	s14 =	simm.s32 @!p0 $0x680;
	s7 =	simm.s32 $0x1E;
	s13 =	sadd.s32 @!p0 s29, s11  }
0x13e: {  	[tilespmem:s14], [sflag:$0xE] =	stream.linear.gather @!p0 [hbm4b:s13+s30], $0x28, $0x38;
	[tilespmem:$0x1EE00] =	vst v63  }
0x13f: {  	_ =	swait.ge [sflag:s7], $0x1400  }
0x140: {  	[sflag:s7] =	ssyncset.done $0x0  }
0x141: {  	[sflag:s7] =	ssyncadd.s32 $0xFFFFEC00  }
0x142: {  	_ =	swait.ge [sflag:s25], $0x28  }
0x143: {  	[sflag:s25] =	ssyncset.done $0x0  }
0x144: {  	s14 =	simm.s32 $0x480;
	[sflag:s25] =	ssyncadd.s32 $0xFFFFFFD8  }
0x145: {  	[tilespmem:s31], [sflag:$0x19] =	stream.indirect.gather [hbm4b:s1+s9], $0x80, s14, s9, $0xb8;
	[tilespmem:$0x1EE00] =	vst v63  }
0x146: {  	_ =	swait.ge [sflag:s0], $0x1400  }
0x147: {  	[sflag:s0] =	ssyncset.done $0x0  }
0x148: {  	[sflag:s0] =	ssyncadd.s32 $0xFFFFEC00  }
0x149: {  	_ =	swait.ge [sflag:s26], $0x28  }
0x14a: {  	[sflag:s26] =	ssyncset.done $0x0  }
0x14b: {  	s17 =	simm.s32 $0x780;
	s13 =	simm.s32 @p0 $0x16;
	[sflag:s26] =	ssyncadd.s32 $0xFFFFFFD8  }
0x14c: {  	[spmem:s2] =	stream.indirect.scatter.add.f32 [tilespmem:s15], [sflag:$0x1A], $0x80, s17, s9, $0xb8;
	[tilespmem:$0x1EE00] =	vst v63  }
0x14d: {  	_ =	swait.ge @p0 [sflag:s13], $0x1400  }
0x14e: {  	[sflag:s13] =	ssyncset.done @p0 $0x0  }
0x14f: {  	[sflag:s13] =	ssyncadd.s32 @p0 $0xFFFFEC00;
	s13 =	simm.s32 @p0 $0x11  }
0x150: {  	_ =	swait.ge @p0 [sflag:s13], $0x28  }
0x151: {  	s14 =	simm.s32 @p0 $0x28;
	[sflag:s13] =	ssyncset.done @p0 $0x0;
	s11 =	sld [smem:$0x7E9]  }
0x152: {  	s15 =	simm.s32 @p0 $0x1E00;
	[sflag:s13] =	ssyncadd.s32 @p0 $0xFFFFFFD8;
	s13 =	simm.s32 @p0 $0x800  }
0x153: {  	[spmem:s2] =	stream.indirect.scatter.add.f32 @p0 [tilespmem:s15], [sflag:$0x1B], $0x80, s13, s14, $0xb8;
	[tilespmem:$0x1EE00] =	vst v63  }
0x154: {  	s13 =	sadd.s32 @!p0 s29, s11;
	s11 =	sld [smem:$0x7EA]  }
0x155: {  	s15 =	simm.s32 @!p0 $0x200  }
0x156: {  	[tilespmem:s15], [sflag:$0x5] =	stream.linear.gather @!p0 [hbm4b:s13+s30], $0x28, $0x38;
	[tilespmem:$0x1EE00] =	vst v63  }
0x157: {  	s15 =	simm.s32 @!p0 $0x700;
	s13 =	sadd.s32 @!p0 s29, s11  }
0x158: {  	[tilespmem:s15], [sflag:$0xF] =	stream.linear.gather @!p0 [hbm4b:s13+s30], $0x28, $0x38;
	[tilespmem:$0x1EE00] =	vst v63  }
0x159: {  	s13 =	simm.s32 @!p0 $0x1A  }
0x15a: {  	_ =	swait.ge @!p0 [sflag:s13], $0x1400  }
0x15b: {  	[sflag:s13] =	ssyncset.done @!p0 $0x0  }
0x15c: {  	[sflag:s13] =	ssyncadd.s32 @!p0 $0xFFFFEC00;
	s13 =	simm.s32 @!p0 $0x1  }
0x15d: {  	_ =	swait.ge @!p0 [sflag:s13], $0x28  }
0x15e: {  	[sflag:s13] =	ssyncset.done @!p0 $0x0  }
0x15f: {  	s15 =	simm.s32 @!p0 $0xA00;
	[sflag:s13] =	ssyncadd.s32 @!p0 $0xFFFFFFD8;
	s13 =	simm.s32 @!p0 $0x28  }
0x160: {  	[tilespmem:s15], [sflag:$0x15] =	stream.indirect.gather @!p0 [hbm4b:s1+s13], $0x80, s30, s13, $0xb8;
	[tilespmem:$0x1EE00] =	vst v63  }
0x161: {  	s15 =	simm.s32 @!p0 $0x16  }
0x162: {  	_ =	swait.ge @!p0 [sflag:s15], $0x1400  }
0x163: {  	[sflag:s15] =	ssyncset.done @!p0 $0x0  }
0x164: {  	[sflag:s15] =	ssyncadd.s32 @!p0 $0xFFFFEC00;
	s15 =	simm.s32 @!p0 $0x11  }
0x165: {  	_ =	swait.ge @!p0 [sflag:s15], $0x28  }
0x166: {  	[sflag:s15] =	ssyncset.done @!p0 $0x0;
	s11 =	sld [smem:$0x7E7]  }
0x167: {  	s28 =	simm.s32 @!p0 $0x1E00;
	[sflag:s15] =	ssyncadd.s32 @!p0 $0xFFFFFFD8;
	s15 =	simm.s32 @!p0 $0x800  }
0x168: {  	[spmem:s2] =	stream.indirect.scatter.add.f32 @!p0 [tilespmem:s28], [sflag:$0x1B], $0x80, s15, s13, $0xb8;
	[tilespmem:$0x1EE00] =	vst v63  }
0x169: {  	s17 =	simm.s32 @!p0 $0x280;
	s11 =	sadd.s32 @!p0 s29, s11  }
0x16a: {  	[tilespmem:s17], [sflag:$0x6] =	stream.linear.gather @!p0 [hbm4b:s11+s30], $0x28, $0x38;
	[tilespmem:$0x1EE00] =	vst v63  }
0x16b: {  	s11 =	sld [smem:$0x7E8];
	_ =	sdelay $0x2  }
0x16c: {  	s17 =	simm.s32 @!p0 $0x780;
	s11 =	sadd.s32 @!p0 s29, s11  }
0x16d: {  	[tilespmem:s17], [sflag:$0x10] =	stream.linear.gather @!p0 [hbm4b:s11+s30], $0x28, $0x38;
	[tilespmem:$0x1EE00] =	vst v63  }
0x16e: {  	s11 =	simm.s32 @!p0 $0x1B  }
0x16f: {  	_ =	swait.ge @!p0 [sflag:s11], $0x1400  }
0x170: {  	[sflag:s11] =	ssyncset.done @!p0 $0x0  }
0x171: {  	[sflag:s11] =	ssyncadd.s32 @!p0 $0xFFFFEC00;
	s11 =	simm.s32 @!p0 $0x2  }
0x172: {  	_ =	swait.ge @!p0 [sflag:s11], $0x28  }
0x173: {  	[sflag:s11] =	ssyncset.done @!p0 $0x0  }
0x174: {  	[sflag:s11] =	ssyncadd.s32 @!p0 $0xFFFFFFD8  }
0x175: {  	[tilespmem:s28], [sflag:$0x16] =	stream.indirect.gather @!p0 [hbm4b:s1+s13], $0x80, s12, s13, $0xb8;
	[tilespmem:$0x1EE00] =	vst v63  }
0x176: {  	_ =	swait.ge [sflag:s16], $0x1400  }
0x177: {  	[sflag:s16] =	ssyncset.done $0x0  }
0x178: {  	[sflag:s16] =	ssyncadd.s32 $0xFFFFEC00  }
0x179: {  	_ =	swait.ge [sflag:s23], $0x28  }
0x17a: {  	[sflag:s23] =	ssyncset.done $0x0  }
0x17b: {  	s11 =	simm.s32 @p0 $0x18;
	s28 =	simm.s32 $0x880;
	[sflag:s23] =	ssyncadd.s32 $0xFFFFFFD8  }
0x17c: {  	[spmem:s2] =	stream.indirect.scatter.add.f32 [tilespmem:s8], [sflag:$0x1C], $0x80, s28, s9, $0xb8;
	[tilespmem:$0x1EE00] =	vst v63  }
0x17d: {  	_ =	swait.ge @p0 [sflag:s11], $0x1400  }
0x17e: {  	[sflag:s11] =	ssyncset.done @p0 $0x0  }
0x17f: {  	[sflag:s11] =	ssyncadd.s32 @p0 $0xFFFFEC00;
	s11 =	simm.s32 @p0 $0x13  }
0x180: {  	_ =	swait.ge @p0 [sflag:s11], $0x28  }
0x181: {  	[sflag:s11] =	ssyncset.done @p0 $0x0  }
0x182: {  	s12 =	simm.s32 @p0 $0x4600;
	[sflag:s11] =	ssyncadd.s32 @p0 $0xFFFFFFD8;
	s11 =	simm.s32 @p0 $0x900  }
0x183: {  	[spmem:s2] =	stream.indirect.scatter.add.f32 @p0 [tilespmem:s12], [sflag:$0x1D], $0x80, s11, s14, $0xb8;
	[tilespmem:$0x1EE00] =	vst v63  }
0x184: {  	s11 =	rddreg [dreg:$0x1f]  }
0x185: {  	s12 =	simm.s32 @!p0 $0x300;
	s11 =	sadd.s32 @!p0 s29, s11  }
0x186: {  	[tilespmem:s12], [sflag:$0x7] =	stream.linear.gather @!p0 [hbm4b:s11+s30], $0x28, $0x38;
	[tilespmem:$0x1EE00] =	vst v63  }
0x187: {  	s11 =	sld [smem:$0x7E6];
	_ =	sdelay $0x2  }
0x188: {  	s11 =	sadd.s32 @!p0 s29, s11  }
0x189: {  	[tilespmem:s15], [sflag:$0x11] =	stream.linear.gather @!p0 [hbm4b:s11+s30], $0x28, $0x38;
	[tilespmem:$0x1EE00] =	vst v63  }
0x18a: {  	s11 =	simm.s32 @!p0 $0x1C  }
0x18b: {  	_ =	swait.ge @!p0 [sflag:s11], $0x1400  }
0x18c: {  	[sflag:s11] =	ssyncset.done @!p0 $0x0  }
0x18d: {  	[sflag:s11] =	ssyncadd.s32 @!p0 $0xFFFFEC00;
	s11 =	simm.s32 @!p0 $0x3  }
0x18e: {  	_ =	swait.ge @!p0 [sflag:s11], $0x28  }
0x18f: {  	[sflag:s11] =	ssyncset.done @!p0 $0x0  }
0x190: {  	[sflag:s11] =	ssyncadd.s32 @!p0 $0xFFFFFFD8;
	s11 =	simm.s32 @!p0 $0x3200  }
0x191: {  	[tilespmem:s11], [sflag:$0x17] =	stream.indirect.gather @!p0 [hbm4b:s1+s13], $0x80, s4, s13, $0xb8;
	[tilespmem:$0x1EE00] =	vst v63  }
0x192: {  	s4 =	simm.s32 @!p0 $0x18  }
0x193: {  	_ =	swait.ge @!p0 [sflag:s4], $0x1400  }
0x194: {  	[sflag:s4] =	ssyncset.done @!p0 $0x0  }
0x195: {  	[sflag:s4] =	ssyncadd.s32 @!p0 $0xFFFFEC00;
	s4 =	simm.s32 @!p0 $0x13  }
0x196: {  	_ =	swait.ge @!p0 [sflag:s4], $0x28  }
0x197: {  	[sflag:s4] =	ssyncset.done @!p0 $0x0  }
0x198: {  	s11 =	simm.s32 @!p0 $0x4600;
	[sflag:s4] =	ssyncadd.s32 @!p0 $0xFFFFFFD8;
	s4 =	simm.s32 @!p0 $0x900  }
0x199: {  	[spmem:s2] =	stream.indirect.scatter.add.f32 @!p0 [tilespmem:s11], [sflag:$0x1D], $0x80, s4, s13, $0xb8;
	[tilespmem:$0x1EE00] =	vst v63  }
0x19a: {  	s4 =	rddreg [dreg:$0x1d]  }
0x19b: {  	s12 =	simm.s32 @!p0 $0x380;
	s4 =	sadd.s32 @!p0 s29, s4  }
0x19c: {  	[tilespmem:s12], [sflag:$0x8] =	stream.linear.gather @!p0 [hbm4b:s4+s30], $0x28, $0x38;
	[tilespmem:$0x1EE00] =	vst v63  }
0x19d: {  	s4 =	rddreg [dreg:$0x1e]  }
0x19e: {  	s12 =	simm.s32 @!p0 $0x880;
	s4 =	sadd.s32 @!p0 s29, s4  }
0x19f: {  	[tilespmem:s12], [sflag:$0x12] =	stream.linear.gather @!p0 [hbm4b:s4+s30], $0x28, $0x38;
	[tilespmem:$0x1EE00] =	vst v63  }
0x1a0: {  	s4 =	simm.s32 @!p0 $0x1D  }
0x1a1: {  	_ =	swait.ge @!p0 [sflag:s4], $0x1400  }
0x1a2: {  	[sflag:s4] =	ssyncset.done @!p0 $0x0  }
0x1a3: {  	[sflag:s4] =	ssyncadd.s32 @!p0 $0xFFFFEC00;
	s4 =	simm.s32 @!p0 $0x4  }
0x1a4: {  	_ =	swait.ge @!p0 [sflag:s4], $0x28  }
0x1a5: {  	[sflag:s4] =	ssyncset.done @!p0 $0x0  }
0x1a6: {  	[sflag:s4] =	ssyncadd.s32 @!p0 $0xFFFFFFD8  }
0x1a7: {  	[tilespmem:s11], [sflag:$0x18] =	stream.indirect.gather @!p0 [hbm4b:s1+s13], $0x80, s5, s13, $0xb8;
	[tilespmem:$0x1EE00] =	vst v63  }
0x1a8: {  	_ =	swait.ge [sflag:s22], $0x1400  }
0x1a9: {  	[sflag:s22] =	ssyncset.done $0x0  }
.Ltmp3:
0x1aa: {  	[sflag:s22] =	ssyncadd.s32 $0xFFFFEC00;
	(pc) =	sbr.rel @p0 .LBB2_6-.Ltmp3, $4  }
0x1ab: {  	s18 =	simm.s32 $0x1E00;
	s19 =	simm.s32 $0x4600;
	_ =	swait.ge [sflag:s3], $0x28  }
0x1ac: {  	s6 =	simm.s32 $0x400;
	s7 =	simm.s32 $0xA00;
	[sflag:s3] =	ssyncset.done $0x0  }
0x1ad: {  	s17 =	simm.s32 $0x3200;
	s30 =	simm.s32 $0x980;
	[sflag:s3] =	ssyncadd.s32 $0xFFFFFFD8  }
0x1ae: {  	[spmem:s2] =	stream.indirect.scatter.add.f32 [tilespmem:s31], [sflag:$0x1E], $0x80, s30, s9, $0xb8;
	[tilespmem:$0x1EE00] =	vst v63  }
0x1af: {  	s4 =	rddreg [dreg:$0x1b]  }
.Ltmp4:
0x1b0: {  	s5 =	simm.s32 $0x0;
	s28 =	rddreg [dreg:$0x1c];
	(pc) =	sbr.rel .LBB2_4-.Ltmp4, $4  }
0x1b1: {  	s30 =	simm.s32 $0x900;
	s10 =	sadd.s32 $0x190, s10;
	s4 =	sadd.s32 s29, s4  }
0x1b2: {  	[tilespmem:s6], [sflag:$0x9] =	stream.linear.gather [hbm4b:s4+s5], $0x28, $0x38;
	[tilespmem:$0x1EE00] =	vst v63  }
0x1b3: {  	s14 =	simm.s32 $0x400;
	s4 =	sadd.s32 s29, s28;
	s29 =	sadd.s32 $0x32, s29  }
0x1b4: {  	[tilespmem:s30], [sflag:$0x13] =	stream.linear.gather [hbm4b:s4+s5], $0x28, $0x38;
	[tilespmem:$0x1EE00] =	vst v63  }
.LBB2_7:
0x1b5: {  	_ =	sfence.sel $0x180000  }
0x1b6: {  	[bflag:$0x0] =	sbarrier.arrive $0xFFFF  }
0x1b7: {  	_ =	strace $0x9000004A  }
0x1b8: {  	s0 =	stileid.u32;
	[bflag:$0x2] =	sbarrier.arrive $0xFFFF  }
0x1b9: {  	p0 =	sne.s32 s0, $0x0;
	s0 =	rddreg [dreg:$0x3]  }
0x1ba: {  	s0 =	sadd.s32 @!p0 $0x100000, s0  }
0x1bb: {  	[sflag:s0] =	ssyncadd.tile.s32 @!p0 $0x1;
	_ =	shalt  }
.Lfunc_end2:
_tile_overlayer_lowered:
.L_overlay_start_2:
0x1bc: {  	(tag) =	ssettag $0x2  }
0x1bd: {  	s0 =	rddreg [dreg:$0x0];
	s2 =	stileid.u32  }
0x1be: {  	s1 =	rddreg [dreg:$0x1];
	p0 =	sne.s32 s2, $0x0  }
0x1bf: {  	s3 =	rddreg [dreg:$0x2];
	[bflag:$0x3] =	sbarrier.arrive $0xFFFF;
	s2 =	simm.s32 @!p0 $0x1C1F  }
0x1c0: {  	[timem:s3], [sflag:s2] =	dma.local @!p0 [hbm:s0], s1  }
0x1c1: {  	s0 =	simm.s32 @!p0 $0x1F  }
0x1c2: {  	_ =	swait.ge @!p0 [sflag:s0], s1  }
0x1c3: {  	s1 =	ssub.s32 @!p0 $0x0, s1;
	[sflag:s0] =	ssyncset.done @!p0 $0x0  }
0x1c4: {  	[sflag:s0] =	ssyncadd.s32 @!p0 s1  }
0x1c5: {  	[bflag:$0x3] =	sbarrier.arrive $0xFFFF  }
0x1c6: {  	_ =	shalt  }

// kernel: kernel.15.cloned.1.call-start
scs
__scs_entry_jumppad:
0x0: {  	(pc) =	sbr.rel $0x88, $3  }
0x1: {  	(tag) =	ssettag $0x0;
	lr =	simm.s32 $0x1  }
0x2: {  	[smem:$0x3F9B] =	sst lr;
	_ =	strace $0xD0000000  }
0x3: {  	_ = 	snop  }
0x4: {  	_ = 	snop  }
0x5: {  	_ = 	snop  }
0x6: {  	_ = 	snop  }
0x7: {  	_ = 	snop  }
__scs_overlays_trampoline_lowered:
0x8: {  	[smem:$0x3FAA] =	sst s0  }
0x9: {  	[smem:$0x3FAB] =	sst s1  }
0xa: {  	[smem:$0x3FAC] =	sst s2  }
0xb: {  	[smem:$0x3FAD] =	sst s3  }
0xc: {  	[smem:$0x3FAE] =	sst s4  }
0xd: {  	[smem:$0x3FAF] =	sst s5  }
0xe: {  	[smem:$0x3FB0] =	sst s6  }
0xf: {  	[smem:$0x3FB1] =	sst s7  }
0x10: {  	[smem:$0x3FB2] =	sst s8  }
0x11: {  	[smem:$0x3FB3] =	sst s9;
	s0 =	simm.s32 @!p0 $0x0  }
0x12: {  	s1 =	sld [smem:$0x3F99];
	s0 =	simm.s32 @p0 $0x1  }
0x13: {  	[smem:$0x3FB4] =	sst s0;
	s0 =	simm.s32 @!p1 $0x0  }
0x14: {  	s2 =	sld [smem:$0x3F98];
	s0 =	simm.s32 @p1 $0x1  }
0x15: {  	[smem:$0x3FB5] =	sst s0;
	s0 =	simm.s32 @!p2 $0x0  }
0x16: {  	s3 =	sld [smem:$0x3FDB];
	s0 =	simm.s32 @p2 $0x1  }
0x17: {  	s4 =	simm.s32 $0x1BF5;
	[smem:$0x3FB7] =	sst s0  }
0x18: {  	s0 =	sld [smem:$0x3F9A];
	_ =	swait.ge [sflag:s4], $0x0  }
0x19: {  	s7 =	sld [smem:$0x3F9B]  }
0x1a: {  	s8 =	sadd.s32 $0xFFFFE003, lr  }
0x1b: {  	s9 =	sadd.s32 $0xFFFFFEF7, lr;
	s5 =	simm.s32 $0xFFFFFFFF;
	p2 =	slt.u32 s8, $0xFFFFF086  }
0x1c: {  	p1 =	slt.u32 s9, $0xF7A;
	s5 =	simm.s32 @!p2 $0x0  }
0x1d: {  	s5 =	simm.s32 @p1 $0x1;
	p0 =	seq.s32 s7, s2  }
0x1e: {  	s7 =	smul.u32 @!p0 $0xF7A, s2;
	p2 =	seq.s32 @!p0 s5, $0x0  }
0x1f: {  	s9 =	smul.u32 $0xF7A, s1;
	s8 =	simm.s32 @!p0 $0x1BF5;
	p2 =	por !p2, p0  }
0x20: {  	[sflag:s8] =	ssyncset.s32 @!p0 $0xFFFFF086;
	s6 =	sadd.s32 @!p0 s3, s7;
	s7 =	simm.s32 @!p0 $0x108  }
0x21: {  	s3 =	sadd.s32 s3, s9;
	s6 =	sadd.s32 @!p0 $0x88, s6;
	s7 =	simm.s32 @p2 $0x1082  }
0x22: {  	[simem:s7], [sflag:s8] =	dma.local @!p0 [hbm:s6], $0xF7A  }
0x23: {  	s9 =	sor.u32 $0xD0000000, s2;
	s6 =	simm.s32 $0x108;
	_ =	swait.ge @!p0 [sflag:s8], $0x0  }
0x24: {  	s3 =	sadd.s32 $0x88, s3;
	s6 =	simm.s32 @!p1 $0x1082;
	[sflag:s4] =	ssyncset.s32 $0xFFFFF086  }
0x25: {  	[simem:s6], [sflag:s4] =	dma.local [hbm:s3], $0xF7A  }
0x26: {  	[smem:$0x3F9B] =	sst s1;
	(tag) =	ssettag s2;
	_ =	strace s9  }
0x27: {  	s1 =	sld [smem:$0x3FAB]  }
0x28: {  	s2 =	sld [smem:$0x3FAC]  }
0x29: {  	s4 =	sld [smem:$0x3FAE]  }
0x2a: {  	p0 =	seq.s32 s5, $0x0;
	s5 =	sld [smem:$0x3FAF]  }
0x2b: {  	s6 =	sld [smem:$0x3FB0]  }
0x2c: {  	s7 =	sld [smem:$0x3FB1]  }
0x2d: {  	s3 =	simm.s32 $0x108;
	s8 =	sld [smem:$0x3FB2]  }
0x2e: {  	s3 =	simm.s32 @!p0 $0x1082;
	s9 =	sld [smem:$0x3FB3]  }
0x2f: {  	lr =	sadd.s32 s0, s3;
	s0 =	sld [smem:$0x3FAA]  }
0x30: {  	s3 =	sld [smem:$0x3FAD]  }
0x31: {  	[smem:$0x3FB6] =	sst s10  }
0x32: {  	s10 =	sld [smem:$0x3FB4];
	_ =	sdelay $0x3  }
0x33: {  	p0 =	seq.s32 s10, $0x1;
	s10 =	sld [smem:$0x3FB6];
	_ =	sdelay $0x3  }
0x34: {  	[smem:$0x3FB6] =	sst s10  }
0x35: {  	s10 =	sld [smem:$0x3FB5];
	_ =	sdelay $0x3  }
0x36: {  	p1 =	seq.s32 s10, $0x1;
	s10 =	sld [smem:$0x3FB6];
	_ =	sdelay $0x3  }
0x37: {  	[smem:$0x3FB6] =	sst s10  }
0x38: {  	s10 =	sld [smem:$0x3FB7]  }
0x39: {  	_ = 	snop;
	(pc) =	sbr.ind lr, $3  }
0x3a: {  	_ = 	snop  }
0x3b: {  	_ = 	snop  }
0x3c: {  	p2 =	seq.s32 s10, $0x1;
	s10 =	sld [smem:$0x3FB6]  }
0x3d: {  	_ =	shalt  }
0x3e: {  	_ =	shalt  }
0x3f: {  	_ =	shalt  }
0x40: {  	_ =	shalt  }
0x41: {  	_ =	shalt  }
0x42: {  	_ =	shalt  }
0x43: {  	_ =	shalt  }
0x44: {  	_ =	shalt  }
0x45: {  	_ =	shalt  }
0x46: {  	_ =	shalt  }
0x47: {  	_ =	shalt  }
0x48: {  	_ =	shalt  }
0x49: {  	_ =	shalt  }
0x4a: {  	_ =	shalt  }
0x4b: {  	_ =	shalt  }
0x4c: {  	_ =	shalt  }
0x4d: {  	_ =	shalt  }
0x4e: {  	_ =	shalt  }
0x4f: {  	_ =	shalt  }
0x50: {  	_ =	shalt  }
0x51: {  	_ =	shalt  }
0x52: {  	_ =	shalt  }
0x53: {  	_ =	shalt  }
0x54: {  	_ =	shalt  }
0x55: {  	_ =	shalt  }
0x56: {  	_ =	shalt  }
0x57: {  	_ =	shalt  }
0x58: {  	_ =	shalt  }
0x59: {  	_ =	shalt  }
0x5a: {  	_ =	shalt  }
0x5b: {  	_ =	shalt  }
0x5c: {  	_ =	shalt  }
0x5d: {  	_ =	shalt  }
0x5e: {  	_ =	shalt  }
0x5f: {  	_ =	shalt  }
0x60: {  	_ =	shalt  }
0x61: {  	_ =	shalt  }
0x62: {  	_ =	shalt  }
0x63: {  	_ =	shalt  }
0x64: {  	_ =	shalt  }
0x65: {  	_ =	shalt  }
0x66: {  	_ =	shalt  }
0x67: {  	_ =	shalt  }
0x68: {  	_ =	shalt  }
0x69: {  	_ =	shalt  }
0x6a: {  	_ =	shalt  }
0x6b: {  	_ =	shalt  }
0x6c: {  	_ =	shalt  }
0x6d: {  	_ =	shalt  }
0x6e: {  	_ =	shalt  }
0x6f: {  	_ =	shalt  }
0x70: {  	_ =	shalt  }
0x71: {  	_ =	shalt  }
0x72: {  	_ =	shalt  }
0x73: {  	_ =	shalt  }
0x74: {  	_ =	shalt  }
0x75: {  	_ =	shalt  }
0x76: {  	_ =	shalt  }
0x77: {  	_ =	shalt  }
0x78: {  	_ =	shalt  }
0x79: {  	_ =	shalt  }
0x7a: {  	_ =	shalt  }
0x7b: {  	_ =	shalt  }
0x7c: {  	_ =	shalt  }
0x7d: {  	_ =	shalt  }
0x7e: {  	_ =	shalt  }
0x7f: {  	_ =	shalt  }
0x80: {  	_ =	shalt  }
0x81: {  	_ =	shalt  }
0x82: {  	_ =	shalt  }
0x83: {  	_ =	shalt  }
0x84: {  	_ =	shalt  }
0x85: {  	_ =	shalt  }
0x86: {  	_ =	shalt  }
0x87: {  	_ =	shalt  }
.Lfunc_end0:
.L_simem_size_0:
called_computation.2_lowered:
.L_overlay_start_0:
0x88: {  	s2 =	sld [smem:$0x3FD9]  }
0x89: {  	s3 =	sld [smem:$0x3FFE];
	_ =	sdelay $0x1  }
0x8a: {  	s1 =	srdreg.scid  }
0x8b: {  	s0 =	sand.u32 $0x1, s1  }
0x8c: {  	s17 =	sshll.u32 s0, $0xA;
	s2 =	sadd.s32 s3, s2  }
0x8d: {  	s2 =	sadd.s32 s2, s17  }
0x8e: {  	[smem:$0x3FC2] =	sst s2  }
0x8f: {  	_ = 	snop  }
0x90: {  	s2 =	sld [smem:$0x3FD0];
	(tm) =	ssettm $0x1  }
0x91: {  	s18 =	sld [smem:$0x3FFB];
	_ =	sdelay $0x3  }
0x92: {  	_ =	strace s18  }
0x93: {  	s3 =	sld [smem:$0x3FFC];
	_ =	sdelay $0x3  }
0x94: {  	_ =	strace s3  }
0x95: {  	s3 =	sld [smem:$0x3FFD];
	_ =	sdelay $0x3  }
0x96: {  	_ =	strace s3  }
0x97: {  	_ =	strace $0x8FFFFFFF  }
0x98: {  	s19 =	sld [smem:$0x3FDB];
	_ =	sdelay $0x1  }
0x99: {  	s4 =	simm.s32 $_scs_section_size  }
0x9a: {  	s5 =	simm.s32 $_size__tile_overlayer_lowered;
	s6 =	simm.s32 $_tile_overlayer_lowered  }
0x9b: {  	s22 =	simm.s32 $0x1BFF;
	s21 =	sshll.u32 s6, $0x1;
	s3 =	sadd.s32 s4, s19  }
0x9c: {  	s7 =	simm.s32 $0x0;
	s20 =	sshll.u32 s5, $0x1;
	s5 =	sadd.s32 s21, s3  }
0x9d: {  	[timem:s7], [sflag:s22] =	dma.local [hbm:s5], s20  }
0x9e: {  	_ =	swait.ge [sflag:s22], s20  }
0x9f: {  	s4 =	ssub.s32 $0x0, s20;
	[sflag:s22] =	ssyncset.done $0x0  }
0xa0: {  	[sflag:s22] =	ssyncadd.s32 s4;
	_ =	sdelay $0x1  }
0xa1: {  	s23 =	simm.s32 $0x1B8B  }
0xa2: {  	_ =	swait.ge [sflag:s23], $0x1  }
0xa3: {  	[sflag:s23] =	ssyncset.done $0x0  }
0xa4: {  	s25 =	simm.s32 $0x1B8E;
	s24 =	sld [smem:$0x3FFE];
	[sflag:s23] =	ssyncadd.s32 $0xFFFFFFFF  }
0xa5: {  	s26 =	simm.s32 $execute0_lowered;
	[smem:$0x3FD2] =	sst s25  }
0xa6: {  	s5 =	sshll.u32 s26, $0x1;
	_ =	strace $0x8000004C;
	[dreg:$0x1] =	wrdreg $0xFFFFFFFF  }
0xa7: {  	s28 =	simm.s32 $_size_execute0_lowered;
	s3 =	sadd.s32 s3, s5;
	[dreg:$0x0] =	wrdreg $0x0  }
0xa8: {  	s5 =	sshll.u32 s28, $0x1;
	[dreg:$0x2] =	wrdreg s3  }
0xa9: {  	[dreg:$0x3] =	wrdreg s5  }
0xaa: {  	[dreg:$0x4] =	wrdreg $0xC0  }
0xab: {  	_ =	task [dreg:s7], $0x5FFFF  }
0xac: {  	[dreg:$0x1] =	wrdreg $0xFFFFFFFF  }
0xad: {  	[dreg:$0x0] =	wrdreg $0x60  }
0xae: {  	[dreg:$0x2] =	wrdreg s2  }
0xaf: {  	[dreg:$0x3] =	wrdreg s24  }
0xb0: {  	[dreg:$0x4] =	wrdreg $0xAE000  }
0xb1: {  	[dreg:$0x5] =	wrdreg $0x9  }
0xb2: {  	_ =	task.clear_ibuf [dreg:s7], $0x6FFFF;
	_ =	strace $0x9000004C  }
0xb3: {  	s29 =	simm.s32 $0x9;
	_ =	strace $0x8000004E  }
0xb4: {  	_ =	swait.ge [sflag:s29], $0x1  }
0xb5: {  	[sflag:s29] =	ssyncadd.s32 $0xFFFFFFFF  }
0xb6: {  	_ =	strace $0x9000004E  }
0xb7: {  	_ =	sfence  }
0xb8: {  	s30 =	sld [smem:$0x0];
	_ =	sdelay $0x2  }
0xb9: {  	s31 =	sshll.u32 s1, $0xD;
	s1 =	sshrl.u32 s1, $0x2  }
0xba: {  	s3 =	sand.u32 $0x4000, s31;
	s1 =	sadd.s32 s1, s30  }
0xbb: {  	s0 =	sor.u32 s3, s0;
	s1 =	sshll.u32 s1, $0x11  }
0xbc: {  	s0 =	sor.u32 s1, s0  }
0xbd: {  	s0 =	sadd.s32 $0x8F2B, s0  }
0xbe: {  	[sflag:s0] =	ssyncadd.remote.s32 $0x1  }
0xbf: {  	_ =	sfence.sel $0xFFFF  }
0xc0: {  	[dreg:$0x0] =	wrdreg $0xFFFFFFFF;
	(pc) =	sbr.abs _section_cstart, $3  }
0xc1: {  	[dreg:$0x1] =	wrdreg $0xFFFFFFFF  }
0xc2: {  	_ =	task.clear_ibuf [dreg:s7], $0x2FFFF;
	_ =	strace $0x9FFFFFFF  }
0xc3: {  	(tm) =	ssettm $0x7FFFFFFF  }
tec
execute0_lowered:
.L_overlay_start_1:
0x0: {  	(tag) =	ssettag $0x1  }
0x1: {  	s1 =	rddreg [dreg:$0x0]  }
0x2: {  	s0 =	rddreg [dreg:$0x1]  }
0x3: {  	s2 =	rddreg [dreg:$0x2]  }
0x4: {  	s3 =	simm.s32 $0x0;
	s19 =	srdreg.scid;
	s17 =	stileid.u32  }
0x5: {  	s31 =	simm.s32 $0x5A00;
	[smem:$0x7FF] =	sst s3;
	s6 =	smul.u32 $0x50000, s17  }
0x6: {  	s16 =	sadd.s32 $0x2600, s0;
	s4 =	sand.u32 $0x1, s19;
	s8 =	smul.u32 $0x14000, s17  }
0x7: {  	s0 =	sadd.s32 $0x16000, s0;
	_ =	strace $0x8000004D;
	s14 =	smul.u32 $0x140000, s4  }
0x8: {  	s3 =	ssub.s32 $0x2, s4;
	s5 =	sshll.u32 s4, $0x4;
	s4 =	smul.u32 $0x27100, s4  }
0x9: {  	[dreg:$0x4] =	wrdreg s16;
	s7 =	sshrl.u32 s3, $0x1;
	s5 =	sor.u32 s17, s5  }
0xa: {  	s6 =	sshrl.u32 s6, $0x2;
	s20 =	sadd.s32 $0x4000, s8;
	s21 =	sadd.s32 $0x8000, s8  }
0xb: {  	s9 =	sadd.s32 $0xC000, s8;
	s10 =	sadd.s32 $0x10000, s8;
	s3 =	ssub.s32 s3, s7  }
0xc: {  	s5 =	smul.u32 $0x2710, s5;
	s15 =	sadd.s32 s6, s2;
	s12 =	sadd.s32 s10, s2  }
0xd: {  	s28 =	sadd.s32 s20, s2;
	s29 =	sadd.s32 s21, s2;
	[dreg:$0x9] =	wrdreg s12  }
0xe: {  	s30 =	sadd.s32 s9, s2;
	s8 =	sadd.s32 s8, s14;
	[dreg:$0x5] =	wrdreg s15  }
0xf: {  	s6 =	sadd.s32 s14, s20;
	s7 =	sadd.s32 s14, s21;
	[dreg:$0x6] =	wrdreg s28  }
0x10: {  	s8 =	sshrl.u32 s8, $0x3;
	s6 =	sshrl.u32 s6, $0x3;
	[dreg:$0x7] =	wrdreg s29  }
0x11: {  	s7 =	sshrl.u32 s7, $0x3;
	s3 =	smax.u32 s3, $0x1;
	[dreg:$0x8] =	wrdreg s30  }
0x12: {  	s11 =	sadd.s32 $0x28, s5;
	s22 =	sshrl.u32 s5, $0x3;
	s23 =	sadd.s32 $0x4E228, s5  }
0x13: {  	s24 =	sadd.s32 $0x78, s5;
	s13 =	sadd.s32 $0x4E278, s5;
	s8 =	sadd.s32 s0, s8  }
0x14: {  	s6 =	sadd.s32 s0, s6;
	s7 =	sadd.s32 s0, s7;
	[dreg:$0x1a] =	wrdreg s3  }
0x15: {  	s19 =	sadd.s32 $0x4E318, s5;
	s21 =	sadd.s32 $0x168, s5;
	[dreg:$0xf] =	wrdreg s8  }
0x16: {  	s11 =	sshrl.u32 s11, $0x3;
	s18 =	sadd.s32 s16, s22;
	[dreg:$0x10] =	wrdreg s6  }
0x17: {  	s12 =	sshrl.u32 s24, $0x3;
	s13 =	sshrl.u32 s13, $0x3;
	[dreg:$0x11] =	wrdreg s7  }
0x18: {  	s8 =	sadd.s32 s14, s9;
	s9 =	sadd.s32 s14, s10;
	s10 =	smul.u32 $0x2710, s17  }
0x19: {  	s14 =	sadd.s32 $0x118, s5;
	s20 =	sshrl.u32 s19, $0x3;
	s22 =	sshrl.u32 s21, $0x3  }
0x1a: {  	s11 =	sadd.s32 s16, s11;
	s25 =	sadd.s32 s16, s12;
	[dreg:$0xa] =	wrdreg s18  }
0x1b: {  	s26 =	sadd.s32 s16, s13;
	s6 =	sshrl.u32 s8, $0x3;
	[dreg:$0xb] =	wrdreg s11  }
0x1c: {  	s7 =	sshrl.u32 s9, $0x3;
	s13 =	sadd.s32 $0x4E2C8, s5;
	[dreg:$0xd] =	wrdreg s25  }
0x1d: {  	s17 =	sshrl.u32 s14, $0x3;
	[dreg:$0xe] =	wrdreg s26;
	s6 =	sadd.s32 s0, s6  }
0x1e: {  	s11 =	sshrl.u32 s23, $0x3;
	s0 =	sadd.s32 s0, s7;
	[dreg:$0x12] =	wrdreg s6  }
0x1f: {  	s11 =	sadd.s32 s16, s11;
	[dreg:$0x13] =	wrdreg s0;
	s0 =	sadd.s32 s10, s4  }
0x20: {  	s4 =	sshrl.u32 s13, $0x3;
	[dreg:$0xc] =	wrdreg s11;
	s11 =	sadd.s32 $0xC8, s5  }
0x21: {  	s4 =	sadd.s32 s16, s4;
	s5 =	sadd.s32 $0x4E368, s5;
	s24 =	sadd.s32 $0x2D0, s0  }
0x22: {  	s26 =	sadd.s32 $0x4E4D0, s0;
	s7 =	sadd.s32 $0x4E4A8, s0;
	s8 =	sadd.s32 $0x280, s0  }
0x23: {  	s13 =	sadd.s32 $0x4E458, s0;
	s19 =	sadd.s32 $0x230, s0;
	s21 =	sadd.s32 $0x208, s0  }
0x24: {  	s12 =	sshrl.u32 s11, $0x3;
	[dreg:$0x15] =	wrdreg s4;
	s4 =	sadd.s32 s16, s17  }
0x25: {  	s23 =	sshrl.u32 s5, $0x3;
	s25 =	sshrl.u32 s24, $0x3;
	s5 =	sshrl.u32 s26, $0x3  }
0x26: {  	s10 =	sshrl.u32 s8, $0x3;
	s11 =	sadd.s32 $0x4E480, s0;
	s17 =	sshrl.u32 s13, $0x3  }
0x27: {  	s24 =	sadd.s32 $0x4E408, s0;
	s26 =	sadd.s32 $0x4E3E0, s0;
	s8 =	sadd.s32 $0x4E3B8, s0  }
0x28: {  	s13 =	sadd.s32 $0x168, s0;
	s6 =	sadd.s32 s16, s12;
	[dreg:$0x16] =	wrdreg s4  }
0x29: {  	s4 =	sadd.s32 s16, s20;
	s3 =	sadd.s32 s5, s16;
	[dreg:$0x14] =	wrdreg s6  }
0x2a: {  	s12 =	sadd.s32 $0x258, s0;
	s20 =	sadd.s32 $0x4E430, s0;
	[dreg:$0x17] =	wrdreg s4  }
0x2b: {  	s5 =	simm.s32 $0x0;
	s4 =	sadd.s32 s16, s22;
	[dreg:$0x1c] =	wrdreg s3  }
0x2c: {  	s6 =	sadd.s32 $0x2A8, s0;
	[dreg:$0x18] =	wrdreg s4;
	s4 =	sadd.s32 s16, s23  }
0x2d: {  	s3 =	sshrl.u32 s6, $0x3;
	s23 =	sshrl.u32 s21, $0x3;
	s6 =	sshrl.u32 s26, $0x3  }
0x2e: {  	s21 =	sadd.s32 $0x14, s18;
	s26 =	sadd.s32 $0x9C68, s18;
	[dreg:$0x19] =	wrdreg s4  }
0x2f: {  	s4 =	sadd.s32 s25, s16;
	s3 =	sadd.s32 s3, s16;
	[smem:$0x7F8] =	sst s21  }
0x30: {  	s25 =	sadd.s32 $0x1E0, s0;
	[smem:$0x7FD] =	sst s26;
	s21 =	simm.s32 $0x9  }
0x31: {  	s26 =	simm.s32 $0x10;
	[dreg:$0x1b] =	wrdreg s4;
	s4 =	sshrl.u32 s7, $0x3  }
0x32: {  	[dreg:$0x1d] =	wrdreg s3;
	s3 =	sadd.s32 s10, s16;
	s7 =	sadd.s32 $0x1B8, s0  }
0x33: {  	s9 =	sadd.s32 s4, s16;
	[dreg:$0x1f] =	wrdreg s3;
	s3 =	sshrl.u32 s11, $0x3  }
0x34: {  	s4 =	sshrl.u32 s12, $0x3;
	s12 =	sadd.s32 $0x190, s0;
	[dreg:$0x1e] =	wrdreg s9  }
0x35: {  	s3 =	sadd.s32 s3, s16;
	s14 =	sadd.s32 s4, s16;
	[smem:$0x7F1] =	sst s12  }
0x36: {  	s4 =	sshrl.u32 s20, $0x3;
	s9 =	sadd.s32 $0x4E390, s0;
	[smem:$0x7E6] =	sst s3  }
0x37: {  	s0 =	sadd.s32 $0x4E368, s0;
	s20 =	sadd.s32 $0x9C4A, s18;
	[smem:$0x7E7] =	sst s14  }
0x38: {  	s3 =	sadd.s32 s17, s16;
	s22 =	sadd.s32 s4, s16;
	[smem:$0x7F7] =	sst s20  }
0x39: {  	s4 =	sshrl.u32 s25, $0x3;
	s11 =	sshrl.u32 s9, $0x3;
	[smem:$0x7E8] =	sst s3  }
0x3a: {  	s14 =	sshrl.u32 s13, $0x3;
	s17 =	sadd.s32 $0x9C40, s18;
	[smem:$0x7EA] =	sst s22  }
0x3b: {  	s0 =	sshrl.u32 s0, $0x3;
	s25 =	sadd.s32 $0x28, s18;
	[smem:$0x7F5] =	sst s17  }
0x3c: {  	s9 =	simm.s32 $0x28;
	s4 =	sadd.s32 s4, s16;
	[smem:$0x7FC] =	sst s25  }
0x3d: {  	s20 =	simm.s32 $0xE;
	s0 =	sadd.s32 s0, s16;
	[smem:$0x7ED] =	sst s4  }
0x3e: {  	s3 =	sshrl.u32 s19, $0x3;
	s19 =	sadd.s32 $0xA, s18;
	[smem:$0x7F4] =	sst s0  }
0x3f: {  	s22 =	sadd.s32 $0x9C54, s18;
	s17 =	simm.s32 $0x3200;
	[smem:$0x7F6] =	sst s19  }
0x40: {  	s25 =	simm.s32 $0xA;
	s3 =	sadd.s32 s3, s16;
	[smem:$0x7F9] =	sst s22  }
0x41: {  	s4 =	sshrl.u32 s8, $0x3;
	[smem:$0x7E9] =	sst s3;
	s3 =	sadd.s32 s23, s16  }
0x42: {  	s19 =	simm.s32 $0x4600;
	s10 =	sadd.s32 s4, s16;
	[smem:$0x7EB] =	sst s3  }
0x43: {  	s0 =	simm.s32 $0x15;
	s23 =	sadd.s32 $0x1E, s18;
	[smem:$0x7F0] =	sst s10  }
0x44: {  	s22 =	simm.s32 $0x19;
	s3 =	sshrl.u32 s24, $0x3;
	[smem:$0x7FA] =	sst s23  }
0x45: {  	s24 =	sadd.s32 $0x9C5E, s18;
	s18 =	simm.s32 $0x1E00;
	s3 =	sadd.s32 s3, s16  }
0x46: {  	s23 =	simm.s32 $0x12;
	[smem:$0x7EC] =	sst s3;
	s3 =	sadd.s32 s6, s16  }
.Ltmp0:
0x47: {  	[smem:$0x7EE] =	sst s3;
	s3 =	sshrl.u32 s7, $0x3;
	(pc) =	sbr.rel .LBB2_1-.Ltmp0, $4  }
0x48: {  	[smem:$0x7FB] =	sst s24;
	s24 =	simm.s32 $0xF;
	s3 =	sadd.s32 s3, s16  }
0x49: {  	s7 =	simm.s32 $0xA00;
	[smem:$0x7EF] =	sst s3;
	s3 =	sadd.s32 s11, s16  }
0x4a: {  	[smem:$0x7F2] =	sst s3;
	s3 =	sadd.s32 s14, s16;
	s14 =	simm.s32 $0x400  }
0x4b: {  	v0 =	vimm.f32 $0.0e+00;
	s16 =	simm.s32 $0x17;
	[smem:$0x7F3] =	sst s3;
	s3 =	simm.s32 $0x14  }
.LBB2_6:
0x4c: {  	s12 =	simm.s32 $0x1A  }
0x4d: {  	_ =	swait.ge [sflag:s12], $0x1400  }
0x4e: {  	[sflag:s12] =	ssyncset.done $0x0  }
0x4f: {  	s13 =	simm.s32 $0x1B;
	[sflag:s12] =	ssyncadd.s32 $0xFFFFEC00  }
0x50: {  	_ =	swait.ge [sflag:s13], $0x1400  }
0x51: {  	[sflag:s13] =	ssyncset.done $0x0  }
0x52: {  	s6 =	simm.s32 $0x1C;
	[sflag:s13] =	ssyncadd.s32 $0xFFFFEC00  }
0x53: {  	_ =	swait.ge [sflag:s6], $0x1400  }
0x54: {  	[sflag:s6] =	ssyncset.done $0x0  }
0x55: {  	s14 =	simm.s32 $0x1D;
	[sflag:s6] =	ssyncadd.s32 $0xFFFFEC00  }
0x56: {  	_ =	swait.ge [sflag:s14], $0x1400  }
0x57: {  	[sflag:s14] =	ssyncset.done $0x0  }
0x58: {  	s8 =	simm.s32 $0x1E;
	[sflag:s14] =	ssyncadd.s32 $0xFFFFEC00  }
0x59: {  	_ =	swait.ge [sflag:s8], $0x1400  }
0x5a: {  	[sflag:s8] =	ssyncset.done $0x0  }
0x5b: {  	[sflag:s8] =	ssyncadd.s32 $0xFFFFEC00  }
0x5c: {  	s4 =	stileid.u32;
	[bflag:$0x0] =	sbarrier.arrive $0xFFFF  }
0x5d: {  	s4 =	sshll.u32 s4, $0x6;
	s15 =	rddreg [dreg:$0x5]  }
0x5e: {  	s5 =	sor.u32 $0x1C1A, s4;
	s11 =	rddreg [dreg:$0xf];
	s10 =	sshrl.u32 s15, $0x3  }
0x5f: {  	[hbm:s11], [sflag:s5] =	dma.local [spmem:s10], $0x800  }
0x60: {  	s28 =	rddreg [dreg:$0x6]  }
0x61: {  	s5 =	sor.u32 $0x1C1B, s4;
	s11 =	rddreg [dreg:$0x10];
	s10 =	sshrl.u32 s28, $0x3  }
0x62: {  	[hbm:s11], [sflag:s5] =	dma.local [spmem:s10], $0x800  }
0x63: {  	s29 =	rddreg [dreg:$0x7]  }
0x64: {  	s5 =	sor.u32 $0x1C1C, s4;
	s11 =	rddreg [dreg:$0x11];
	s10 =	sshrl.u32 s29, $0x3  }
0x65: {  	[hbm:s11], [sflag:s5] =	dma.local [spmem:s10], $0x800  }
0x66: {  	s30 =	rddreg [dreg:$0x8]  }
0x67: {  	s5 =	sor.u32 $0x1C1D, s4;
	s11 =	rddreg [dreg:$0x12];
	s10 =	sshrl.u32 s30, $0x3  }
0x68: {  	[hbm:s11], [sflag:s5] =	dma.local [spmem:s10], $0x800  }
0x69: {  	s5 =	rddreg [dreg:$0x9]  }
0x6a: {  	s4 =	sor.u32 $0x1C1E, s4;
	s10 =	rddreg [dreg:$0x13];
	s5 =	sshrl.u32 s5, $0x3  }
0x6b: {  	[hbm:s10], [sflag:s4] =	dma.local [spmem:s5], $0x800  }
0x6c: {  	_ =	swait.ge [sflag:s12], $0x800  }
0x6d: {  	[sflag:s12] =	ssyncset.done $0x0  }
0x6e: {  	[sflag:s12] =	ssyncadd.s32 $0xFFFFF800  }
0x6f: {  	_ =	swait.ge [sflag:s13], $0x800  }
0x70: {  	[sflag:s13] =	ssyncset.done $0x0  }
0x71: {  	[sflag:s13] =	ssyncadd.s32 $0xFFFFF800  }
0x72: {  	_ =	swait.ge [sflag:s6], $0x800  }
0x73: {  	[sflag:s6] =	ssyncset.done $0x0  }
0x74: {  	[sflag:s6] =	ssyncadd.s32 $0xFFFFF800  }
0x75: {  	_ =	swait.ge [sflag:s14], $0x800  }
0x76: {  	[sflag:s14] =	ssyncset.done $0x0  }
0x77: {  	[sflag:s14] =	ssyncadd.s32 $0xFFFFF800  }
0x78: {  	_ =	swait.ge [sflag:s8], $0x800  }
0x79: {  	s13 =	sld [smem:$0x7E5];
	_ =	sdelay $0x2  }
0x7a: {  	s14 =	rddreg [dreg:$0x1a];
	s5 =	sadd.s32 $0x1, s13  }
0x7b: {  	p0 =	sne.s32 s5, s14  }
.Ltmp1:
0x7c: {  	_ = 	snop;
	(pc) =	sbr.rel @!p0 .LBB2_7-.Ltmp1, $3  }
0x7d: {  	_ =	sdelay $0x1  }
0x7e: {  	[sflag:s8] =	ssyncset.done $0x0  }
0x7f: {  	[sflag:s8] =	ssyncadd.s32 $0xFFFFF800;
	s14 =	simm.s32 $0x400  }
.LBB2_1:
0x80: {  	s13 =	simm.s32 $0x0  }
0x81: {  	s4 =	sand.u32 $0xFE00, s13  }
0x82: {  	[smem:$0x7E5] =	sst s5;
	s5 =	sand.u32 $0x70, s13;
	s10 =	sshrl.u32 s4, $0x2  }
0x83: {  	s4 =	simm.s32 $0x40;
	s10 =	sor.u32 s5, s10;
	s5 =	simm.s32 $0x0  }
.LBB2_2:
0x84: {  	p0 =	sne.s32 s4, $0xFFC0  }
0x85: {  	[tilespmem:s10+$0x6E00] =	vst v0;
	s5 =	sadd.s32 $0x10, s5;
	s10 =	smov.u32 s4;
	s4 =	sadd.s32 $0x40, s4  }
.Ltmp2:
0x86: {  	(pc) =	sbr.rel @p0 .LBB2_2-.Ltmp2, $4  }
0x87: {  	_ = 	snop  }
0x88: {  	s10 =	sand.u32 $0xFE00, s10  }
0x89: {  	s12 =	sand.u32 $0x70, s5;
	s10 =	sshrl.u32 s10, $0x2  }
0x8a: {  	s10 =	sor.u32 s12, s10  }
0x8b: {  	[tilespmem:s10+$0x6E00] =	vst v0;
	s5 =	simm.s32 $0x6E00  }
0x8c: {  	[spmem:s15] =	stream.linear.scatter [tilespmem:s5], [sflag:$0x1A], $0x4000, $0x38;
	[tilespmem:$0x1EE00] =	vst v63  }
0x8d: {  	_ = 	snop  }
0x8e: {  	[spmem:s28] =	stream.linear.scatter [tilespmem:s5], [sflag:$0x1B], $0x4000, $0x38;
	[tilespmem:$0x1EE00] =	vst v63  }
0x8f: {  	_ = 	snop  }
0x90: {  	[spmem:s29] =	stream.linear.scatter [tilespmem:s5], [sflag:$0x1C], $0x4000, $0x38;
	[tilespmem:$0x1EE00] =	vst v63  }
0x91: {  	_ = 	snop  }
0x92: {  	[spmem:s30] =	stream.linear.scatter [tilespmem:s5], [sflag:$0x1D], $0x4000, $0x38;
	[tilespmem:$0x1EE00] =	vst v63  }
0x93: {  	s4 =	rddreg [dreg:$0x9];
	s6 =	simm.s32 $0x1A  }
0x94: {  	[spmem:s4] =	stream.linear.scatter [tilespmem:s5], [sflag:$0x1E], $0x4000, $0x38;
	[tilespmem:$0x1EE00] =	vst v63  }
0x95: {  	_ =	swait.ge [sflag:s6], $0x4000  }
0x96: {  	[sflag:s6] =	ssyncset.done $0x0  }
0x97: {  	s8 =	simm.s32 $0x1B;
	[sflag:s6] =	ssyncadd.s32 $0xFFFFC000  }
0x98: {  	_ =	swait.ge [sflag:s8], $0x4000  }
0x99: {  	[sflag:s8] =	ssyncset.done $0x0  }
0x9a: {  	s10 =	simm.s32 $0x1C;
	[sflag:s8] =	ssyncadd.s32 $0xFFFFC000  }
0x9b: {  	_ =	swait.ge [sflag:s10], $0x4000  }
0x9c: {  	[sflag:s10] =	ssyncset.done $0x0  }
0x9d: {  	s11 =	simm.s32 $0x1D;
	[sflag:s10] =	ssyncadd.s32 $0xFFFFC000  }
0x9e: {  	_ =	swait.ge [sflag:s11], $0x4000  }
0x9f: {  	[sflag:s11] =	ssyncset.done $0x0  }
0xa0: {  	s12 =	simm.s32 $0x1E;
	[sflag:s11] =	ssyncadd.s32 $0xFFFFC000  }
0xa1: {  	_ =	swait.ge [sflag:s12], $0x4000  }
0xa2: {  	[sflag:s12] =	ssyncset.done $0x0  }
0xa3: {  	[sflag:s12] =	ssyncadd.s32 $0xFFFFC000  }
0xa4: {  	[bflag:$0x0] =	sbarrier.arrive $0xFFFF  }
0xa5: {  	s13 =	rddreg [dreg:$0xa]  }
0xa6: {  	s29 =	simm.s32 $0x0;
	s15 =	sld [smem:$0x7F5]  }
0xa7: {  	[tilespmem:s29], [sflag:$0x1] =	stream.linear.gather [hbm4b:s13+s29], $0x28, $0x38;
	[tilespmem:$0x1EE00] =	vst v63  }
0xa8: {  	s28 =	simm.s32 $0x500;
	s30 =	rddreg [dreg:$0xb]  }
0xa9: {  	[tilespmem:s28], [sflag:$0xB] =	stream.linear.gather [hbm4b:s15+s29], $0x28, $0x38;
	[tilespmem:$0x1EE00] =	vst v63  }
0xaa: {  	s5 =	simm.s32 $0x80;
	s6 =	rddreg [dreg:$0xc]  }
0xab: {  	[tilespmem:s5], [sflag:$0x2] =	stream.linear.gather [hbm4b:s30+s29], $0x28, $0x38;
	[tilespmem:$0x1EE00] =	vst v63  }
0xac: {  	s8 =	simm.s32 $0x580;
	s11 =	sld [smem:$0x7F6]  }
0xad: {  	[tilespmem:s8], [sflag:$0xC] =	stream.linear.gather [hbm4b:s6+s29], $0x28, $0x38;
	[tilespmem:$0x1EE00] =	vst v63  }
0xae: {  	s10 =	simm.s32 $0x100;
	s12 =	sld [smem:$0x7F7]  }
0xaf: {  	[tilespmem:s10], [sflag:$0x3] =	stream.linear.gather [hbm4b:s11+s29], $0x28, $0x38;
	[tilespmem:$0x1EE00] =	vst v63  }
0xb0: {  	s13 =	rddreg [dreg:$0xd];
	s11 =	simm.s32 $0x600  }
0xb1: {  	[tilespmem:s11], [sflag:$0xD] =	stream.linear.gather [hbm4b:s12+s29], $0x28, $0x38;
	[tilespmem:$0x1EE00] =	vst v63  }
0xb2: {  	s15 =	rddreg [dreg:$0xe];
	s11 =	simm.s32 $0x180  }
0xb3: {  	[tilespmem:s11], [sflag:$0x4] =	stream.linear.gather [hbm4b:s13+s29], $0x28, $0x38;
	[tilespmem:$0x1EE00] =	vst v63  }
0xb4: {  	s28 =	sld [smem:$0x7F8];
	s12 =	simm.s32 $0x680  }
0xb5: {  	[tilespmem:s12], [sflag:$0xE] =	stream.linear.gather [hbm4b:s15+s29], $0x28, $0x38;
	[tilespmem:$0x1EE00] =	vst v63  }
0xb6: {  	s30 =	simm.s32 $0x200;
	s6 =	sld [smem:$0x7F9]  }
0xb7: {  	[tilespmem:s30], [sflag:$0x5] =	stream.linear.gather [hbm4b:s28+s29], $0x28, $0x38;
	[tilespmem:$0x1EE00] =	vst v63  }
0xb8: {  	s8 =	simm.s32 $0x700;
	s13 =	rddreg [dreg:$0x14]  }
0xb9: {  	[tilespmem:s8], [sflag:$0xF] =	stream.linear.gather [hbm4b:s6+s29], $0x28, $0x38;
	[tilespmem:$0x1EE00] =	vst v63  }
0xba: {  	s15 =	simm.s32 $0x280;
	s28 =	rddreg [dreg:$0x15]  }
0xbb: {  	[tilespmem:s15], [sflag:$0x6] =	stream.linear.gather [hbm4b:s13+s29], $0x28, $0x38;
	[tilespmem:$0x1EE00] =	vst v63  }
0xbc: {  	s30 =	simm.s32 $0x780;
	s6 =	sld [smem:$0x7FA]  }
0xbd: {  	[tilespmem:s30], [sflag:$0x10] =	stream.linear.gather [hbm4b:s28+s29], $0x28, $0x38;
	[tilespmem:$0x1EE00] =	vst v63  }
0xbe: {  	s8 =	simm.s32 $0x300;
	s13 =	sld [smem:$0x7FB]  }
0xbf: {  	[tilespmem:s8], [sflag:$0x7] =	stream.linear.gather [hbm4b:s6+s29], $0x28, $0x38;
	[tilespmem:$0x1EE00] =	vst v63  }
0xc0: {  	s15 =	simm.s32 $0x800;
	s28 =	rddreg [dreg:$0x16]  }
0xc1: {  	[tilespmem:s15], [sflag:$0x11] =	stream.linear.gather [hbm4b:s13+s29], $0x28, $0x38;
	[tilespmem:$0x1EE00] =	vst v63  }
0xc2: {  	s30 =	simm.s32 $0x380;
	s6 =	rddreg [dreg:$0x17]  }
0xc3: {  	[tilespmem:s30], [sflag:$0x8] =	stream.linear.gather [hbm4b:s28+s29], $0x28, $0x38;
	[tilespmem:$0x1EE00] =	vst v63  }
0xc4: {  	s8 =	simm.s32 $0x880;
	s13 =	sld [smem:$0x7FC]  }
0xc5: {  	[tilespmem:s8], [sflag:$0x12] =	stream.linear.gather [hbm4b:s6+s29], $0x28, $0x38;
	[tilespmem:$0x1EE00] =	vst v63  }
0xc6: {  	s15 =	sld [smem:$0x7FD]  }
0xc7: {  	[tilespmem:s14], [sflag:$0x9] =	stream.linear.gather [hbm4b:s13+s29], $0x28, $0x38;
	[tilespmem:$0x1EE00] =	vst v63  }
0xc8: {  	s6 =	simm.s32 $0x900  }
0xc9: {  	[tilespmem:s6], [sflag:$0x13] =	stream.linear.gather [hbm4b:s15+s29], $0x28, $0x38;
	[tilespmem:$0x1EE00] =	vst v63  }
0xca: {  	s28 =	rddreg [dreg:$0x18];
	s30 =	simm.s32 $0x480  }
0xcb: {  	[tilespmem:s30], [sflag:$0xA] =	stream.linear.gather [hbm4b:s28+s29], $0x28, $0x38;
	[tilespmem:$0x1EE00] =	vst v63  }
0xcc: {  	s12 =	simm.s32 $0x980;
	s8 =	rddreg [dreg:$0x19];
	s13 =	simm.s32 $0x1  }
0xcd: {  	[tilespmem:s12], [sflag:$0x14] =	stream.linear.gather [hbm4b:s8+s29], $0x28, $0x38;
	[tilespmem:$0x1EE00] =	vst v63  }
0xce: {  	_ =	swait.ge [sflag:s13], $0x28  }
0xcf: {  	[sflag:s13] =	ssyncset.done $0x0  }
0xd0: {  	s15 =	simm.s32 $0x2;
	[sflag:s13] =	ssyncadd.s32 $0xFFFFFFD8  }
0xd1: {  	[tilespmem:s7], [sflag:$0x15] =	stream.indirect.gather [hbm4b:s1+s9], $0x80, s29, s9, $0xb8;
	[tilespmem:$0x1EE00] =	vst v63  }
0xd2: {  	_ =	swait.ge [sflag:s15], $0x28  }
0xd3: {  	[sflag:s15] =	ssyncset.done $0x0  }
0xd4: {  	s28 =	simm.s32 $0x3;
	[sflag:s15] =	ssyncadd.s32 $0xFFFFFFD8  }
0xd5: {  	[tilespmem:s18], [sflag:$0x16] =	stream.indirect.gather [hbm4b:s1+s9], $0x80, s5, s9, $0xb8;
	[tilespmem:$0x1EE00] =	vst v63  }
0xd6: {  	_ =	swait.ge [sflag:s28], $0x28  }
0xd7: {  	[sflag:s28] =	ssyncset.done $0x0  }
0xd8: {  	s30 =	simm.s32 $0x4;
	[sflag:s28] =	ssyncadd.s32 $0xFFFFFFD8  }
0xd9: {  	[tilespmem:s17], [sflag:$0x17] =	stream.indirect.gather [hbm4b:s1+s9], $0x80, s10, s9, $0xb8;
	[tilespmem:$0x1EE00] =	vst v63  }
0xda: {  	_ =	swait.ge [sflag:s30], $0x28  }
0xdb: {  	[sflag:s30] =	ssyncset.done $0x0  }
0xdc: {  	s10 =	sld [smem:$0x7F1];
	[sflag:s30] =	ssyncadd.s32 $0xFFFFFFD8  }
0xdd: {  	[tilespmem:s19], [sflag:$0x18] =	stream.indirect.gather [hbm4b:s1+s9], $0x80, s11, s9, $0xb8;
	[tilespmem:$0x1EE00] =	vst v63  }
.LBB2_4:
0xde: {  	p0 =	seq.s32 s29, $0x0  }
0xdf: {  	s4 =	simm.s32 @!p0 $0x1E  }
0xe0: {  	_ =	swait.ge @!p0 [sflag:s4], $0x1400  }
0xe1: {  	[sflag:s4] =	ssyncset.done @!p0 $0x0  }
0xe2: {  	s8 =	simm.s32 $0x5;
	[sflag:s4] =	ssyncadd.s32 @!p0 $0xFFFFEC00  }
0xe3: {  	_ =	swait.ge [sflag:s8], $0x28  }
0xe4: {  	[sflag:s8] =	ssyncset.done $0x0  }
0xe5: {  	s11 =	simm.s32 $0x200;
	[sflag:s8] =	ssyncadd.s32 $0xFFFFFFD8  }
0xe6: {  	[tilespmem:s31], [sflag:$0x19] =	stream.indirect.gather [hbm4b:s1+s9], $0x80, s11, s9, $0xb8;
	[tilespmem:$0x1EE00] =	vst v63  }
0xe7: {  	_ =	swait.ge [sflag:s0], $0x1400  }
0xe8: {  	[sflag:s0] =	ssyncset.done $0x0  }
0xe9: {  	s12 =	simm.s32 $0xB;
	[sflag:s0] =	ssyncadd.s32 $0xFFFFEC00  }
0xea: {  	_ =	swait.ge [sflag:s12], $0x28  }
0xeb: {  	[sflag:s12] =	ssyncset.done $0x0;
	s4 =	sld [smem:$0x7F3]  }
0xec: {  	s13 =	simm.s32 $0x500;
	s15 =	simm.s32 $0xA00;
	[sflag:s12] =	ssyncadd.s32 $0xFFFFFFD8  }
0xed: {  	[spmem:s2] =	stream.indirect.scatter.add.f32 [tilespmem:s15], [sflag:$0x1A], $0x80, s13, s9, $0xb8;
	[tilespmem:$0x1EE00] =	vst v63  }
0xee: {  	s5 =	simm.s32 @!p0 $0x0;
	s12 =	simm.s32 @!p0 $0x480;
	s4 =	sadd.s32 @!p0 s29, s4  }
0xef: {  	[tilespmem:s12], [sflag:$0xA] =	stream.linear.gather @!p0 [hbm4b:s4+s5], $0x28, $0x38;
	[tilespmem:$0x1EE00] =	vst v63  }
0xf0: {  	s4 =	sld [smem:$0x7F4];
	_ =	sdelay $0x2  }
0xf1: {  	s17 =	simm.s32 $0x1A;
	s12 =	simm.s32 @!p0 $0x980;
	s4 =	sadd.s32 @!p0 s29, s4  }
0xf2: {  	[tilespmem:s12], [sflag:$0x14] =	stream.linear.gather @!p0 [hbm4b:s4+s5], $0x28, $0x38;
	[tilespmem:$0x1EE00] =	vst v63  }
0xf3: {  	_ =	swait.ge [sflag:s17], $0x1400  }
0xf4: {  	[sflag:s17] =	ssyncset.done $0x0  }
0xf5: {  	s18 =	simm.s32 $0x6;
	[sflag:s17] =	ssyncadd.s32 $0xFFFFEC00  }
0xf6: {  	_ =	swait.ge [sflag:s18], $0x28  }
0xf7: {  	[sflag:s18] =	ssyncset.done $0x0  }
0xf8: {  	s19 =	simm.s32 $0x280;
	s28 =	simm.s32 $0x16;
	[sflag:s18] =	ssyncadd.s32 $0xFFFFFFD8  }
0xf9: {  	[tilespmem:s15], [sflag:$0x15] =	stream.indirect.gather [hbm4b:s1+s9], $0x80, s19, s9, $0xb8;
	[tilespmem:$0x1EE00] =	vst v63  }
0xfa: {  	_ =	swait.ge [sflag:s28], $0x1400  }
0xfb: {  	[sflag:s28] =	ssyncset.done $0x0  }
0xfc: {  	s30 =	simm.s32 $0xC;
	[sflag:s28] =	ssyncadd.s32 $0xFFFFEC00  }
0xfd: {  	_ =	swait.ge [sflag:s30], $0x28  }
0xfe: {  	s6 =	simm.s32 $0x1E00;
	[sflag:s30] =	ssyncset.done $0x0  }
0xff: {  	s5 =	simm.s32 $0x580;
	p0 =	seq.s32 s29, $0x4B0;
	[sflag:s30] =	ssyncadd.s32 $0xFFFFFFD8  }
0x100: {  	[spmem:s2] =	stream.indirect.scatter.add.f32 [tilespmem:s6], [sflag:$0x1B], $0x80, s5, s9, $0xb8;
	[tilespmem:$0x1EE00] =	vst v63  }
0x101: {  	s4 =	sshrl.u32 @!p0 s10, $0x3;
	s5 =	rddreg [dreg:$0x4]  }
0x102: {  	s30 =	simm.s32 @!p0 $0x0;
	s4 =	sadd.s32 @!p0 s5, s4  }
0x103: {  	[tilespmem:s30], [sflag:$0x1] =	stream.linear.gather @!p0 [hbm4b:s4+s30], $0x28, $0x38;
	[tilespmem:$0x1EE00] =	vst v63  }
0x104: {  	s4 =	sld [smem:$0x7F2];
	_ =	sdelay $0x2  }
0x105: {  	s7 =	simm.s32 $0x1B;
	s5 =	simm.s32 @!p0 $0x500;
	s4 =	sadd.s32 @!p0 s29, s4  }
0x106: {  	[tilespmem:s5], [sflag:$0xB] =	stream.linear.gather @!p0 [hbm4b:s4+s30], $0x28, $0x38;
	[tilespmem:$0x1EE00] =	vst v63  }
0x107: {  	_ =	swait.ge [sflag:s7], $0x1400  }
0x108: {  	[sflag:s7] =	ssyncset.done $0x0  }
0x109: {  	s8 =	simm.s32 $0x7;
	[sflag:s7] =	ssyncadd.s32 $0xFFFFEC00  }
0x10a: {  	_ =	swait.ge [sflag:s8], $0x28  }
0x10b: {  	[sflag:s8] =	ssyncset.done $0x0  }
0x10c: {  	s11 =	simm.s32 $0x300;
	[sflag:s8] =	ssyncadd.s32 $0xFFFFFFD8  }
0x10d: {  	[tilespmem:s6], [sflag:$0x16] =	stream.indirect.gather [hbm4b:s1+s9], $0x80, s11, s9, $0xb8;
	[tilespmem:$0x1EE00] =	vst v63  }
0x10e: {  	_ =	swait.ge [sflag:s16], $0x1400  }
0x10f: {  	[sflag:s16] =	ssyncset.done $0x0  }
0x110: {  	s12 =	simm.s32 $0xD;
	[sflag:s16] =	ssyncadd.s32 $0xFFFFEC00  }
0x111: {  	_ =	swait.ge [sflag:s12], $0x28  }
0x112: {  	[sflag:s12] =	ssyncset.done $0x0;
	s4 =	sld [smem:$0x7EF]  }
0x113: {  	s13 =	simm.s32 $0x600;
	s8 =	simm.s32 $0x3200;
	[sflag:s12] =	ssyncadd.s32 $0xFFFFFFD8  }
0x114: {  	[spmem:s2] =	stream.indirect.scatter.add.f32 [tilespmem:s8], [sflag:$0x1C], $0x80, s13, s9, $0xb8;
	[tilespmem:$0x1EE00] =	vst v63  }
0x115: {  	s12 =	simm.s32 @!p0 $0x80;
	s4 =	sadd.s32 @!p0 s29, s4  }
0x116: {  	[tilespmem:s12], [sflag:$0x2] =	stream.linear.gather @!p0 [hbm4b:s4+s30], $0x28, $0x38;
	[tilespmem:$0x1EE00] =	vst v63  }
0x117: {  	s4 =	sld [smem:$0x7F0];
	_ =	sdelay $0x2  }
0x118: {  	s17 =	simm.s32 $0x1C;
	s5 =	simm.s32 @!p0 $0x580;
	s4 =	sadd.s32 @!p0 s29, s4  }
0x119: {  	[tilespmem:s5], [sflag:$0xC] =	stream.linear.gather @!p0 [hbm4b:s4+s30], $0x28, $0x38;
	[tilespmem:$0x1EE00] =	vst v63  }
0x11a: {  	_ =	swait.ge [sflag:s17], $0x1400  }
0x11b: {  	[sflag:s17] =	ssyncset.done $0x0  }
0x11c: {  	s19 =	simm.s32 $0x8;
	[sflag:s17] =	ssyncadd.s32 $0xFFFFEC00  }
0x11d: {  	_ =	swait.ge [sflag:s19], $0x28  }
0x11e: {  	[sflag:s19] =	ssyncset.done $0x0  }
0x11f: {  	s28 =	simm.s32 $0x380;
	s5 =	simm.s32 $0x18;
	[sflag:s19] =	ssyncadd.s32 $0xFFFFFFD8  }
0x120: {  	[tilespmem:s8], [sflag:$0x17] =	stream.indirect.gather [hbm4b:s1+s9], $0x80, s28, s9, $0xb8;
	[tilespmem:$0x1EE00] =	vst v63  }
0x121: {  	_ =	swait.ge [sflag:s5], $0x1400  }
0x122: {  	[sflag:s5] =	ssyncset.done $0x0  }
0x123: {  	[sflag:s5] =	ssyncadd.s32 $0xFFFFEC00  }
0x124: {  	_ =	swait.ge [sflag:s20], $0x28  }
0x125: {  	[sflag:s20] =	ssyncset.done $0x0;
	s4 =	sld [smem:$0x7ED]  }
0x126: {  	s7 =	simm.s32 $0x4600;
	s6 =	simm.s32 $0x680;
	[sflag:s20] =	ssyncadd.s32 $0xFFFFFFD8  }
0x127: {  	[spmem:s2] =	stream.indirect.scatter.add.f32 [tilespmem:s7], [sflag:$0x1D], $0x80, s6, s9, $0xb8;
	[tilespmem:$0x1EE00] =	vst v63  }
0x128: {  	s5 =	sadd.s32 @!p0 s29, s4;
	s4 =	simm.s32 @!p0 $0x100  }
0x129: {  	[tilespmem:s4], [sflag:$0x3] =	stream.linear.gather @!p0 [hbm4b:s5+s30], $0x28, $0x38;
	[tilespmem:$0x1EE00] =	vst v63  }
0x12a: {  	s5 =	sld [smem:$0x7EE];
	_ =	sdelay $0x2  }
0x12b: {  	s11 =	simm.s32 $0x1D;
	s13 =	simm.s32 @!p0 $0x600;
	s5 =	sadd.s32 @!p0 s29, s5  }
0x12c: {  	[tilespmem:s13], [sflag:$0xD] =	stream.linear.gather @!p0 [hbm4b:s5+s30], $0x28, $0x38;
	[tilespmem:$0x1EE00] =	vst v63  }
0x12d: {  	_ =	swait.ge [sflag:s11], $0x1400  }
0x12e: {  	[sflag:s11] =	ssyncset.done $0x0  }
0x12f: {  	[sflag:s11] =	ssyncadd.s32 $0xFFFFEC00  }
0x130: {  	_ =	swait.ge [sflag:s21], $0x28  }
0x131: {  	[sflag:s21] =	ssyncset.done $0x0  }
0x132: {  	[sflag:s21] =	ssyncadd.s32 $0xFFFFFFD8  }
0x133: {  	[tilespmem:s7], [sflag:$0x18] =	stream.indirect.gather [hbm4b:s1+s9], $0x80, s14, s9, $0xb8;
	[tilespmem:$0x1EE00] =	vst v63  }
0x134: {  	_ =	swait.ge [sflag:s22], $0x1400  }
0x135: {  	[sflag:s22] =	ssyncset.done $0x0  }
0x136: {  	[sflag:s22] =	ssyncadd.s32 $0xFFFFEC00  }
0x137: {  	_ =	swait.ge [sflag:s24], $0x28  }
0x138: {  	[sflag:s24] =	ssyncset.done $0x0;
	s5 =	sld [smem:$0x7EB]  }
0x139: {  	s13 =	simm.s32 $0x700;
	s11 =	sld [smem:$0x7EC];
	[sflag:s24] =	ssyncadd.s32 $0xFFFFFFD8  }
0x13a: {  	[spmem:s2] =	stream.indirect.scatter.add.f32 [tilespmem:s31], [sflag:$0x1E], $0x80, s13, s9, $0xb8;
	[tilespmem:$0x1EE00] =	vst v63  }
0x13b: {  	s13 =	sadd.s32 @!p0 s29, s5;
	s5 =	simm.s32 @!p0 $0x180  }
0x13c: {  	[tilespmem:s5], [sflag:$0x4] =	stream.linear.gather @!p0 [hbm4b:s13+s30], $0x28, $0x38;
	[tilespmem:$0x1EE00] =	vst v63  }
0x13d: {  	s14 =	simm.s32 @!p0 $0x680;
	s7 =	simm.s32 $0x1E;
	s13 =	sadd.s32 @!p0 s29, s11  }
0x13e: {  	[tilespmem:s14], [sflag:$0xE] =	stream.linear.gather @!p0 [hbm4b:s13+s30], $0x28, $0x38;
	[tilespmem:$0x1EE00] =	vst v63  }
0x13f: {  	_ =	swait.ge [sflag:s7], $0x1400  }
0x140: {  	[sflag:s7] =	ssyncset.done $0x0  }
0x141: {  	[sflag:s7] =	ssyncadd.s32 $0xFFFFEC00  }
0x142: {  	_ =	swait.ge [sflag:s25], $0x28  }
0x143: {  	[sflag:s25] =	ssyncset.done $0x0  }
0x144: {  	s14 =	simm.s32 $0x480;
	[sflag:s25] =	ssyncadd.s32 $0xFFFFFFD8  }
0x145: {  	[tilespmem:s31], [sflag:$0x19] =	stream.indirect.gather [hbm4b:s1+s9], $0x80, s14, s9, $0xb8;
	[tilespmem:$0x1EE00] =	vst v63  }
0x146: {  	_ =	swait.ge [sflag:s0], $0x1400  }
0x147: {  	[sflag:s0] =	ssyncset.done $0x0  }
0x148: {  	[sflag:s0] =	ssyncadd.s32 $0xFFFFEC00  }
0x149: {  	_ =	swait.ge [sflag:s26], $0x28  }
0x14a: {  	[sflag:s26] =	ssyncset.done $0x0  }
0x14b: {  	s17 =	simm.s32 $0x780;
	s13 =	simm.s32 @p0 $0x16;
	[sflag:s26] =	ssyncadd.s32 $0xFFFFFFD8  }
0x14c: {  	[spmem:s2] =	stream.indirect.scatter.add.f32 [tilespmem:s15], [sflag:$0x1A], $0x80, s17, s9, $0xb8;
	[tilespmem:$0x1EE00] =	vst v63  }
0x14d: {  	_ =	swait.ge @p0 [sflag:s13], $0x1400  }
0x14e: {  	[sflag:s13] =	ssyncset.done @p0 $0x0  }
0x14f: {  	[sflag:s13] =	ssyncadd.s32 @p0 $0xFFFFEC00;
	s13 =	simm.s32 @p0 $0x11  }
0x150: {  	_ =	swait.ge @p0 [sflag:s13], $0x28  }
0x151: {  	s14 =	simm.s32 @p0 $0x28;
	[sflag:s13] =	ssyncset.done @p0 $0x0;
	s11 =	sld [smem:$0x7E9]  }
0x152: {  	s15 =	simm.s32 @p0 $0x1E00;
	[sflag:s13] =	ssyncadd.s32 @p0 $0xFFFFFFD8;
	s13 =	simm.s32 @p0 $0x800  }
0x153: {  	[spmem:s2] =	stream.indirect.scatter.add.f32 @p0 [tilespmem:s15], [sflag:$0x1B], $0x80, s13, s14, $0xb8;
	[tilespmem:$0x1EE00] =	vst v63  }
0x154: {  	s13 =	sadd.s32 @!p0 s29, s11;
	s11 =	sld [smem:$0x7EA]  }
0x155: {  	s15 =	simm.s32 @!p0 $0x200  }
0x156: {  	[tilespmem:s15], [sflag:$0x5] =	stream.linear.gather @!p0 [hbm4b:s13+s30], $0x28, $0x38;
	[tilespmem:$0x1EE00] =	vst v63  }
0x157: {  	s15 =	simm.s32 @!p0 $0x700;
	s13 =	sadd.s32 @!p0 s29, s11  }
0x158: {  	[tilespmem:s15], [sflag:$0xF] =	stream.linear.gather @!p0 [hbm4b:s13+s30], $0x28, $0x38;
	[tilespmem:$0x1EE00] =	vst v63  }
0x159: {  	s13 =	simm.s32 @!p0 $0x1A  }
0x15a: {  	_ =	swait.ge @!p0 [sflag:s13], $0x1400  }
0x15b: {  	[sflag:s13] =	ssyncset.done @!p0 $0x0  }
0x15c: {  	[sflag:s13] =	ssyncadd.s32 @!p0 $0xFFFFEC00;
	s13 =	simm.s32 @!p0 $0x1  }
0x15d: {  	_ =	swait.ge @!p0 [sflag:s13], $0x28  }
0x15e: {  	[sflag:s13] =	ssyncset.done @!p0 $0x0  }
0x15f: {  	s15 =	simm.s32 @!p0 $0xA00;
	[sflag:s13] =	ssyncadd.s32 @!p0 $0xFFFFFFD8;
	s13 =	simm.s32 @!p0 $0x28  }
0x160: {  	[tilespmem:s15], [sflag:$0x15] =	stream.indirect.gather @!p0 [hbm4b:s1+s13], $0x80, s30, s13, $0xb8;
	[tilespmem:$0x1EE00] =	vst v63  }
0x161: {  	s15 =	simm.s32 @!p0 $0x16  }
0x162: {  	_ =	swait.ge @!p0 [sflag:s15], $0x1400  }
0x163: {  	[sflag:s15] =	ssyncset.done @!p0 $0x0  }
0x164: {  	[sflag:s15] =	ssyncadd.s32 @!p0 $0xFFFFEC00;
	s15 =	simm.s32 @!p0 $0x11  }
0x165: {  	_ =	swait.ge @!p0 [sflag:s15], $0x28  }
0x166: {  	[sflag:s15] =	ssyncset.done @!p0 $0x0;
	s11 =	sld [smem:$0x7E7]  }
0x167: {  	s28 =	simm.s32 @!p0 $0x1E00;
	[sflag:s15] =	ssyncadd.s32 @!p0 $0xFFFFFFD8;
	s15 =	simm.s32 @!p0 $0x800  }
0x168: {  	[spmem:s2] =	stream.indirect.scatter.add.f32 @!p0 [tilespmem:s28], [sflag:$0x1B], $0x80, s15, s13, $0xb8;
	[tilespmem:$0x1EE00] =	vst v63  }
0x169: {  	s17 =	simm.s32 @!p0 $0x280;
	s11 =	sadd.s32 @!p0 s29, s11  }
0x16a: {  	[tilespmem:s17], [sflag:$0x6] =	stream.linear.gather @!p0 [hbm4b:s11+s30], $0x28, $0x38;
	[tilespmem:$0x1EE00] =	vst v63  }
0x16b: {  	s11 =	sld [smem:$0x7E8];
	_ =	sdelay $0x2  }
0x16c: {  	s17 =	simm.s32 @!p0 $0x780;
	s11 =	sadd.s32 @!p0 s29, s11  }
0x16d: {  	[tilespmem:s17], [sflag:$0x10] =	stream.linear.gather @!p0 [hbm4b:s11+s30], $0x28, $0x38;
	[tilespmem:$0x1EE00] =	vst v63  }
0x16e: {  	s11 =	simm.s32 @!p0 $0x1B  }
0x16f: {  	_ =	swait.ge @!p0 [sflag:s11], $0x1400  }
0x170: {  	[sflag:s11] =	ssyncset.done @!p0 $0x0  }
0x171: {  	[sflag:s11] =	ssyncadd.s32 @!p0 $0xFFFFEC00;
	s11 =	simm.s32 @!p0 $0x2  }
0x172: {  	_ =	swait.ge @!p0 [sflag:s11], $0x28  }
0x173: {  	[sflag:s11] =	ssyncset.done @!p0 $0x0  }
0x174: {  	[sflag:s11] =	ssyncadd.s32 @!p0 $0xFFFFFFD8  }
0x175: {  	[tilespmem:s28], [sflag:$0x16] =	stream.indirect.gather @!p0 [hbm4b:s1+s13], $0x80, s12, s13, $0xb8;
	[tilespmem:$0x1EE00] =	vst v63  }
0x176: {  	_ =	swait.ge [sflag:s16], $0x1400  }
0x177: {  	[sflag:s16] =	ssyncset.done $0x0  }
0x178: {  	[sflag:s16] =	ssyncadd.s32 $0xFFFFEC00  }
0x179: {  	_ =	swait.ge [sflag:s23], $0x28  }
0x17a: {  	[sflag:s23] =	ssyncset.done $0x0  }
0x17b: {  	s11 =	simm.s32 @p0 $0x18;
	s28 =	simm.s32 $0x880;
	[sflag:s23] =	ssyncadd.s32 $0xFFFFFFD8  }
0x17c: {  	[spmem:s2] =	stream.indirect.scatter.add.f32 [tilespmem:s8], [sflag:$0x1C], $0x80, s28, s9, $0xb8;
	[tilespmem:$0x1EE00] =	vst v63  }
0x17d: {  	_ =	swait.ge @p0 [sflag:s11], $0x1400  }
0x17e: {  	[sflag:s11] =	ssyncset.done @p0 $0x0  }
0x17f: {  	[sflag:s11] =	ssyncadd.s32 @p0 $0xFFFFEC00;
	s11 =	simm.s32 @p0 $0x13  }
0x180: {  	_ =	swait.ge @p0 [sflag:s11], $0x28  }
0x181: {  	[sflag:s11] =	ssyncset.done @p0 $0x0  }
0x182: {  	s12 =	simm.s32 @p0 $0x4600;
	[sflag:s11] =	ssyncadd.s32 @p0 $0xFFFFFFD8;
	s11 =	simm.s32 @p0 $0x900  }
0x183: {  	[spmem:s2] =	stream.indirect.scatter.add.f32 @p0 [tilespmem:s12], [sflag:$0x1D], $0x80, s11, s14, $0xb8;
	[tilespmem:$0x1EE00] =	vst v63  }
0x184: {  	s11 =	rddreg [dreg:$0x1f]  }
0x185: {  	s12 =	simm.s32 @!p0 $0x300;
	s11 =	sadd.s32 @!p0 s29, s11  }
0x186: {  	[tilespmem:s12], [sflag:$0x7] =	stream.linear.gather @!p0 [hbm4b:s11+s30], $0x28, $0x38;
	[tilespmem:$0x1EE00] =	vst v63  }
0x187: {  	s11 =	sld [smem:$0x7E6];
	_ =	sdelay $0x2  }
0x188: {  	s11 =	sadd.s32 @!p0 s29, s11  }
0x189: {  	[tilespmem:s15], [sflag:$0x11] =	stream.linear.gather @!p0 [hbm4b:s11+s30], $0x28, $0x38;
	[tilespmem:$0x1EE00] =	vst v63  }
0x18a: {  	s11 =	simm.s32 @!p0 $0x1C  }
0x18b: {  	_ =	swait.ge @!p0 [sflag:s11], $0x1400  }
0x18c: {  	[sflag:s11] =	ssyncset.done @!p0 $0x0  }
0x18d: {  	[sflag:s11] =	ssyncadd.s32 @!p0 $0xFFFFEC00;
	s11 =	simm.s32 @!p0 $0x3  }
0x18e: {  	_ =	swait.ge @!p0 [sflag:s11], $0x28  }
0x18f: {  	[sflag:s11] =	ssyncset.done @!p0 $0x0  }
0x190: {  	[sflag:s11] =	ssyncadd.s32 @!p0 $0xFFFFFFD8;
	s11 =	simm.s32 @!p0 $0x3200  }
0x191: {  	[tilespmem:s11], [sflag:$0x17] =	stream.indirect.gather @!p0 [hbm4b:s1+s13], $0x80, s4, s13, $0xb8;
	[tilespmem:$0x1EE00] =	vst v63  }
0x192: {  	s4 =	simm.s32 @!p0 $0x18  }
0x193: {  	_ =	swait.ge @!p0 [sflag:s4], $0x1400  }
0x194: {  	[sflag:s4] =	ssyncset.done @!p0 $0x0  }
0x195: {  	[sflag:s4] =	ssyncadd.s32 @!p0 $0xFFFFEC00;
	s4 =	simm.s32 @!p0 $0x13  }
0x196: {  	_ =	swait.ge @!p0 [sflag:s4], $0x28  }
0x197: {  	[sflag:s4] =	ssyncset.done @!p0 $0x0  }
0x198: {  	s11 =	simm.s32 @!p0 $0x4600;
	[sflag:s4] =	ssyncadd.s32 @!p0 $0xFFFFFFD8;
	s4 =	simm.s32 @!p0 $0x900  }
0x199: {  	[spmem:s2] =	stream.indirect.scatter.add.f32 @!p0 [tilespmem:s11], [sflag:$0x1D], $0x80, s4, s13, $0xb8;
	[tilespmem:$0x1EE00] =	vst v63  }
0x19a: {  	s4 =	rddreg [dreg:$0x1d]  }
0x19b: {  	s12 =	simm.s32 @!p0 $0x380;
	s4 =	sadd.s32 @!p0 s29, s4  }
0x19c: {  	[tilespmem:s12], [sflag:$0x8] =	stream.linear.gather @!p0 [hbm4b:s4+s30], $0x28, $0x38;
	[tilespmem:$0x1EE00] =	vst v63  }
0x19d: {  	s4 =	rddreg [dreg:$0x1e]  }
0x19e: {  	s12 =	simm.s32 @!p0 $0x880;
	s4 =	sadd.s32 @!p0 s29, s4  }
0x19f: {  	[tilespmem:s12], [sflag:$0x12] =	stream.linear.gather @!p0 [hbm4b:s4+s30], $0x28, $0x38;
	[tilespmem:$0x1EE00] =	vst v63  }
0x1a0: {  	s4 =	simm.s32 @!p0 $0x1D  }
0x1a1: {  	_ =	swait.ge @!p0 [sflag:s4], $0x1400  }
0x1a2: {  	[sflag:s4] =	ssyncset.done @!p0 $0x0  }
0x1a3: {  	[sflag:s4] =	ssyncadd.s32 @!p0 $0xFFFFEC00;
	s4 =	simm.s32 @!p0 $0x4  }
0x1a4: {  	_ =	swait.ge @!p0 [sflag:s4], $0x28  }
0x1a5: {  	[sflag:s4] =	ssyncset.done @!p0 $0x0  }
0x1a6: {  	[sflag:s4] =	ssyncadd.s32 @!p0 $0xFFFFFFD8  }
0x1a7: {  	[tilespmem:s11], [sflag:$0x18] =	stream.indirect.gather @!p0 [hbm4b:s1+s13], $0x80, s5, s13, $0xb8;
	[tilespmem:$0x1EE00] =	vst v63  }
0x1a8: {  	_ =	swait.ge [sflag:s22], $0x1400  }
0x1a9: {  	[sflag:s22] =	ssyncset.done $0x0  }
.Ltmp3:
0x1aa: {  	[sflag:s22] =	ssyncadd.s32 $0xFFFFEC00;
	(pc) =	sbr.rel @p0 .LBB2_6-.Ltmp3, $4  }
0x1ab: {  	s18 =	simm.s32 $0x1E00;
	s19 =	simm.s32 $0x4600;
	_ =	swait.ge [sflag:s3], $0x28  }
0x1ac: {  	s6 =	simm.s32 $0x400;
	s7 =	simm.s32 $0xA00;
	[sflag:s3] =	ssyncset.done $0x0  }
0x1ad: {  	s17 =	simm.s32 $0x3200;
	s30 =	simm.s32 $0x980;
	[sflag:s3] =	ssyncadd.s32 $0xFFFFFFD8  }
0x1ae: {  	[spmem:s2] =	stream.indirect.scatter.add.f32 [tilespmem:s31], [sflag:$0x1E], $0x80, s30, s9, $0xb8;
	[tilespmem:$0x1EE00] =	vst v63  }
0x1af: {  	s4 =	rddreg [dreg:$0x1b]  }
.Ltmp4:
0x1b0: {  	s5 =	simm.s32 $0x0;
	s28 =	rddreg [dreg:$0x1c];
	(pc) =	sbr.rel .LBB2_4-.Ltmp4, $4  }
0x1b1: {  	s30 =	simm.s32 $0x900;
	s10 =	sadd.s32 $0x190, s10;
	s4 =	sadd.s32 s29, s4  }
0x1b2: {  	[tilespmem:s6], [sflag:$0x9] =	stream.linear.gather [hbm4b:s4+s5], $0x28, $0x38;
	[tilespmem:$0x1EE00] =	vst v63  }
0x1b3: {  	s14 =	simm.s32 $0x400;
	s4 =	sadd.s32 s29, s28;
	s29 =	sadd.s32 $0x32, s29  }
0x1b4: {  	[tilespmem:s30], [sflag:$0x13] =	stream.linear.gather [hbm4b:s4+s5], $0x28, $0x38;
	[tilespmem:$0x1EE00] =	vst v63  }
.LBB2_7:
0x1b5: {  	_ =	sfence.sel $0x180000  }
0x1b6: {  	[bflag:$0x0] =	sbarrier.arrive $0xFFFF  }
0x1b7: {  	_ =	strace $0x9000004D  }
0x1b8: {  	s0 =	stileid.u32;
	[bflag:$0x2] =	sbarrier.arrive $0xFFFF  }
0x1b9: {  	p0 =	sne.s32 s0, $0x0;
	s0 =	rddreg [dreg:$0x3]  }
0x1ba: {  	s0 =	sadd.s32 @!p0 $0x100000, s0  }
0x1bb: {  	[sflag:s0] =	ssyncadd.tile.s32 @!p0 $0x1;
	_ =	shalt  }
.Lfunc_end2:
_tile_overlayer_lowered:
.L_overlay_start_2:
0x1bc: {  	(tag) =	ssettag $0x2  }
0x1bd: {  	s0 =	rddreg [dreg:$0x0];
	s2 =	stileid.u32  }
0x1be: {  	s1 =	rddreg [dreg:$0x1];
	p0 =	sne.s32 s2, $0x0  }
0x1bf: {  	s3 =	rddreg [dreg:$0x2];
	[bflag:$0x3] =	sbarrier.arrive $0xFFFF;
	s2 =	simm.s32 @!p0 $0x1C1F  }
0x1c0: {  	[timem:s3], [sflag:s2] =	dma.local @!p0 [hbm:s0], s1  }
0x1c1: {  	s0 =	simm.s32 @!p0 $0x1F  }
0x1c2: {  	_ =	swait.ge @!p0 [sflag:s0], s1  }
0x1c3: {  	s1 =	ssub.s32 @!p0 $0x0, s1;
	[sflag:s0] =	ssyncset.done @!p0 $0x0  }
0x1c4: {  	[sflag:s0] =	ssyncadd.s32 @!p0 s1  }
0x1c5: {  	[bflag:$0x3] =	sbarrier.arrive $0xFFFF  }
0x1c6: {  	_ =	shalt  }

// kernel: kernel.9.cloned.1.call-start
scs
__scs_entry_jumppad:
0x0: {  	(pc) =	sbr.rel $0x88, $3  }
0x1: {  	(tag) =	ssettag $0x0;
	lr =	simm.s32 $0x1  }
0x2: {  	[smem:$0x3F9B] =	sst lr;
	_ =	strace $0xD0000000  }
0x3: {  	_ = 	snop  }
0x4: {  	_ = 	snop  }
0x5: {  	_ = 	snop  }
0x6: {  	_ = 	snop  }
0x7: {  	_ = 	snop  }
__scs_overlays_trampoline_lowered:
0x8: {  	[smem:$0x3FAA] =	sst s0  }
0x9: {  	[smem:$0x3FAB] =	sst s1  }
0xa: {  	[smem:$0x3FAC] =	sst s2  }
0xb: {  	[smem:$0x3FAD] =	sst s3  }
0xc: {  	[smem:$0x3FAE] =	sst s4  }
0xd: {  	[smem:$0x3FAF] =	sst s5  }
0xe: {  	[smem:$0x3FB0] =	sst s6  }
0xf: {  	[smem:$0x3FB1] =	sst s7  }
0x10: {  	[smem:$0x3FB2] =	sst s8  }
0x11: {  	[smem:$0x3FB3] =	sst s9;
	s0 =	simm.s32 @!p0 $0x0  }
0x12: {  	s1 =	sld [smem:$0x3F99];
	s0 =	simm.s32 @p0 $0x1  }
0x13: {  	[smem:$0x3FB4] =	sst s0;
	s0 =	simm.s32 @!p1 $0x0  }
0x14: {  	s2 =	sld [smem:$0x3F98];
	s0 =	simm.s32 @p1 $0x1  }
0x15: {  	[smem:$0x3FB5] =	sst s0;
	s0 =	simm.s32 @!p2 $0x0  }
0x16: {  	s3 =	sld [smem:$0x3FDB];
	s0 =	simm.s32 @p2 $0x1  }
0x17: {  	s4 =	simm.s32 $0x1BF5;
	[smem:$0x3FB7] =	sst s0  }
0x18: {  	s0 =	sld [smem:$0x3F9A];
	_ =	swait.ge [sflag:s4], $0x0  }
0x19: {  	s7 =	sld [smem:$0x3F9B]  }
0x1a: {  	s8 =	sadd.s32 $0xFFFFE003, lr  }
0x1b: {  	s9 =	sadd.s32 $0xFFFFFEF7, lr;
	s5 =	simm.s32 $0xFFFFFFFF;
	p2 =	slt.u32 s8, $0xFFFFF086  }
0x1c: {  	p1 =	slt.u32 s9, $0xF7A;
	s5 =	simm.s32 @!p2 $0x0  }
0x1d: {  	s5 =	simm.s32 @p1 $0x1;
	p0 =	seq.s32 s7, s2  }
0x1e: {  	s7 =	smul.u32 @!p0 $0xF7A, s2;
	p2 =	seq.s32 @!p0 s5, $0x0  }
0x1f: {  	s9 =	smul.u32 $0xF7A, s1;
	s8 =	simm.s32 @!p0 $0x1BF5;
	p2 =	por !p2, p0  }
0x20: {  	[sflag:s8] =	ssyncset.s32 @!p0 $0xFFFFF086;
	s6 =	sadd.s32 @!p0 s3, s7;
	s7 =	simm.s32 @!p0 $0x108  }
0x21: {  	s3 =	sadd.s32 s3, s9;
	s6 =	sadd.s32 @!p0 $0x88, s6;
	s7 =	simm.s32 @p2 $0x1082  }
0x22: {  	[simem:s7], [sflag:s8] =	dma.local @!p0 [hbm:s6], $0xF7A  }
0x23: {  	s9 =	sor.u32 $0xD0000000, s2;
	s6 =	simm.s32 $0x108;
	_ =	swait.ge @!p0 [sflag:s8], $0x0  }
0x24: {  	s3 =	sadd.s32 $0x88, s3;
	s6 =	simm.s32 @!p1 $0x1082;
	[sflag:s4] =	ssyncset.s32 $0xFFFFF086  }
0x25: {  	[simem:s6], [sflag:s4] =	dma.local [hbm:s3], $0xF7A  }
0x26: {  	[smem:$0x3F9B] =	sst s1;
	(tag) =	ssettag s2;
	_ =	strace s9  }
0x27: {  	s1 =	sld [smem:$0x3FAB]  }
0x28: {  	s2 =	sld [smem:$0x3FAC]  }
0x29: {  	s4 =	sld [smem:$0x3FAE]  }
0x2a: {  	p0 =	seq.s32 s5, $0x0;
	s5 =	sld [smem:$0x3FAF]  }
0x2b: {  	s6 =	sld [smem:$0x3FB0]  }
0x2c: {  	s7 =	sld [smem:$0x3FB1]  }
0x2d: {  	s3 =	simm.s32 $0x108;
	s8 =	sld [smem:$0x3FB2]  }
0x2e: {  	s3 =	simm.s32 @!p0 $0x1082;
	s9 =	sld [smem:$0x3FB3]  }
0x2f: {  	lr =	sadd.s32 s0, s3;
	s0 =	sld [smem:$0x3FAA]  }
0x30: {  	s3 =	sld [smem:$0x3FAD]  }
0x31: {  	[smem:$0x3FB6] =	sst s10  }
0x32: {  	s10 =	sld [smem:$0x3FB4];
	_ =	sdelay $0x3  }
0x33: {  	p0 =	seq.s32 s10, $0x1;
	s10 =	sld [smem:$0x3FB6];
	_ =	sdelay $0x3  }
0x34: {  	[smem:$0x3FB6] =	sst s10  }
0x35: {  	s10 =	sld [smem:$0x3FB5];
	_ =	sdelay $0x3  }
0x36: {  	p1 =	seq.s32 s10, $0x1;
	s10 =	sld [smem:$0x3FB6];
	_ =	sdelay $0x3  }
0x37: {  	[smem:$0x3FB6] =	sst s10  }
0x38: {  	s10 =	sld [smem:$0x3FB7]  }
0x39: {  	_ = 	snop;
	(pc) =	sbr.ind lr, $3  }
0x3a: {  	_ = 	snop  }
0x3b: {  	_ = 	snop  }
0x3c: {  	p2 =	seq.s32 s10, $0x1;
	s10 =	sld [smem:$0x3FB6]  }
0x3d: {  	_ =	shalt  }
0x3e: {  	_ =	shalt  }
0x3f: {  	_ =	shalt  }
0x40: {  	_ =	shalt  }
0x41: {  	_ =	shalt  }
0x42: {  	_ =	shalt  }
0x43: {  	_ =	shalt  }
0x44: {  	_ =	shalt  }
0x45: {  	_ =	shalt  }
0x46: {  	_ =	shalt  }
0x47: {  	_ =	shalt  }
0x48: {  	_ =	shalt  }
0x49: {  	_ =	shalt  }
0x4a: {  	_ =	shalt  }
0x4b: {  	_ =	shalt  }
0x4c: {  	_ =	shalt  }
0x4d: {  	_ =	shalt  }
0x4e: {  	_ =	shalt  }
0x4f: {  	_ =	shalt  }
0x50: {  	_ =	shalt  }
0x51: {  	_ =	shalt  }
0x52: {  	_ =	shalt  }
0x53: {  	_ =	shalt  }
0x54: {  	_ =	shalt  }
0x55: {  	_ =	shalt  }
0x56: {  	_ =	shalt  }
0x57: {  	_ =	shalt  }
0x58: {  	_ =	shalt  }
0x59: {  	_ =	shalt  }
0x5a: {  	_ =	shalt  }
0x5b: {  	_ =	shalt  }
0x5c: {  	_ =	shalt  }
0x5d: {  	_ =	shalt  }
0x5e: {  	_ =	shalt  }
0x5f: {  	_ =	shalt  }
0x60: {  	_ =	shalt  }
0x61: {  	_ =	shalt  }
0x62: {  	_ =	shalt  }
0x63: {  	_ =	shalt  }
0x64: {  	_ =	shalt  }
0x65: {  	_ =	shalt  }
0x66: {  	_ =	shalt  }
0x67: {  	_ =	shalt  }
0x68: {  	_ =	shalt  }
0x69: {  	_ =	shalt  }
0x6a: {  	_ =	shalt  }
0x6b: {  	_ =	shalt  }
0x6c: {  	_ =	shalt  }
0x6d: {  	_ =	shalt  }
0x6e: {  	_ =	shalt  }
0x6f: {  	_ =	shalt  }
0x70: {  	_ =	shalt  }
0x71: {  	_ =	shalt  }
0x72: {  	_ =	shalt  }
0x73: {  	_ =	shalt  }
0x74: {  	_ =	shalt  }
0x75: {  	_ =	shalt  }
0x76: {  	_ =	shalt  }
0x77: {  	_ =	shalt  }
0x78: {  	_ =	shalt  }
0x79: {  	_ =	shalt  }
0x7a: {  	_ =	shalt  }
0x7b: {  	_ =	shalt  }
0x7c: {  	_ =	shalt  }
0x7d: {  	_ =	shalt  }
0x7e: {  	_ =	shalt  }
0x7f: {  	_ =	shalt  }
0x80: {  	_ =	shalt  }
0x81: {  	_ =	shalt  }
0x82: {  	_ =	shalt  }
0x83: {  	_ =	shalt  }
0x84: {  	_ =	shalt  }
0x85: {  	_ =	shalt  }
0x86: {  	_ =	shalt  }
0x87: {  	_ =	shalt  }
.Lfunc_end0:
.L_simem_size_0:
called_computation_lowered:
.L_overlay_start_0:
0x88: {  	s2 =	sld [smem:$0x3FD9]  }
0x89: {  	s3 =	sld [smem:$0x3FFE];
	_ =	sdelay $0x1  }
0x8a: {  	s1 =	srdreg.scid  }
0x8b: {  	s0 =	sand.u32 $0x1, s1  }
0x8c: {  	s17 =	sshll.u32 s0, $0xA;
	s2 =	sadd.s32 s3, s2  }
0x8d: {  	s2 =	sadd.s32 s2, s17  }
0x8e: {  	[smem:$0x3FC2] =	sst s2  }
0x8f: {  	_ = 	snop  }
0x90: {  	s2 =	sld [smem:$0x3FD0];
	(tm) =	ssettm $0x1  }
0x91: {  	s18 =	sld [smem:$0x3FFB];
	_ =	sdelay $0x3  }
0x92: {  	_ =	strace s18  }
0x93: {  	s3 =	sld [smem:$0x3FFC];
	_ =	sdelay $0x3  }
0x94: {  	_ =	strace s3  }
0x95: {  	s3 =	sld [smem:$0x3FFD];
	_ =	sdelay $0x3  }
0x96: {  	_ =	strace s3  }
0x97: {  	_ =	strace $0x8FFFFFFF  }
0x98: {  	s19 =	sld [smem:$0x3FDB];
	_ =	sdelay $0x1  }
0x99: {  	s4 =	simm.s32 $_scs_section_size  }
0x9a: {  	s5 =	simm.s32 $_size__tile_overlayer_lowered;
	s6 =	simm.s32 $_tile_overlayer_lowered  }
0x9b: {  	s22 =	simm.s32 $0x1BFF;
	s21 =	sshll.u32 s6, $0x1;
	s3 =	sadd.s32 s4, s19  }
0x9c: {  	s7 =	simm.s32 $0x0;
	s20 =	sshll.u32 s5, $0x1;
	s5 =	sadd.s32 s21, s3  }
0x9d: {  	[timem:s7], [sflag:s22] =	dma.local [hbm:s5], s20  }
0x9e: {  	_ =	swait.ge [sflag:s22], s20  }
0x9f: {  	s4 =	ssub.s32 $0x0, s20;
	[sflag:s22] =	ssyncset.done $0x0  }
0xa0: {  	[sflag:s22] =	ssyncadd.s32 s4;
	_ =	sdelay $0x1  }
0xa1: {  	s23 =	simm.s32 $0x1B8B  }
0xa2: {  	_ =	swait.ge [sflag:s23], $0x1  }
0xa3: {  	[sflag:s23] =	ssyncset.done $0x0  }
0xa4: {  	s25 =	simm.s32 $0x1B8E;
	s24 =	sld [smem:$0x3FFE];
	[sflag:s23] =	ssyncadd.s32 $0xFFFFFFFF  }
0xa5: {  	s26 =	simm.s32 $execute0_lowered;
	[smem:$0x3FD2] =	sst s25  }
0xa6: {  	s5 =	sshll.u32 s26, $0x1;
	_ =	strace $0x80000046;
	[dreg:$0x1] =	wrdreg $0xFFFFFFFF  }
0xa7: {  	s28 =	simm.s32 $_size_execute0_lowered;
	s3 =	sadd.s32 s3, s5;
	[dreg:$0x0] =	wrdreg $0x0  }
0xa8: {  	s5 =	sshll.u32 s28, $0x1;
	[dreg:$0x2] =	wrdreg s3  }
0xa9: {  	[dreg:$0x3] =	wrdreg s5  }
0xaa: {  	[dreg:$0x4] =	wrdreg $0xC0  }
0xab: {  	_ =	task [dreg:s7], $0x5FFFF  }
0xac: {  	[dreg:$0x1] =	wrdreg $0xFFFFFFFF  }
0xad: {  	[dreg:$0x0] =	wrdreg $0x60  }
0xae: {  	[dreg:$0x2] =	wrdreg s24  }
0xaf: {  	[dreg:$0x3] =	wrdreg s2  }
0xb0: {  	[dreg:$0x4] =	wrdreg $0x5800  }
0xb1: {  	[dreg:$0x5] =	wrdreg $0x9  }
0xb2: {  	_ =	task.clear_ibuf [dreg:s7], $0x6FFFF;
	_ =	strace $0x90000046  }
0xb3: {  	s29 =	simm.s32 $0x9;
	_ =	strace $0x80000048  }
0xb4: {  	_ =	swait.ge [sflag:s29], $0x1  }
0xb5: {  	[sflag:s29] =	ssyncadd.s32 $0xFFFFFFFF  }
0xb6: {  	_ =	strace $0x90000048  }
0xb7: {  	_ =	sfence  }
0xb8: {  	s30 =	sld [smem:$0x0];
	_ =	sdelay $0x2  }
0xb9: {  	s31 =	sshll.u32 s1, $0xD;
	s1 =	sshrl.u32 s1, $0x2  }
0xba: {  	s3 =	sand.u32 $0x4000, s31;
	s1 =	sadd.s32 s1, s30  }
0xbb: {  	s0 =	sor.u32 s3, s0;
	s1 =	sshll.u32 s1, $0x11  }
0xbc: {  	s0 =	sor.u32 s1, s0  }
0xbd: {  	s0 =	sadd.s32 $0x8F2B, s0  }
0xbe: {  	[sflag:s0] =	ssyncadd.remote.s32 $0x1  }
0xbf: {  	_ =	sfence.sel $0xFFFF  }
0xc0: {  	[dreg:$0x0] =	wrdreg $0xFFFFFFFF;
	(pc) =	sbr.abs _section_cstart, $3  }
0xc1: {  	[dreg:$0x1] =	wrdreg $0xFFFFFFFF  }
0xc2: {  	_ =	task.clear_ibuf [dreg:s7], $0x2FFFF;
	_ =	strace $0x9FFFFFFF  }
0xc3: {  	(tm) =	ssettm $0x7FFFFFFF  }
tec
execute0_lowered:
.L_overlay_start_1:
0x0: {  	(tag) =	ssettag $0x1  }
0x1: {  	s0 =	rddreg [dreg:$0x0]  }
0x2: {  	s2 =	rddreg [dreg:$0x1]  }
0x3: {  	s1 =	rddreg [dreg:$0x2]  }
0x4: {  	s3 =	srdreg.scid;
	s8 =	stileid.u32  }
0x5: {  	s18 =	simm.s32 $0xB;
	s20 =	simm.s32 $0x100;
	s28 =	simm.s32 $0x3  }
0x6: {  	s29 =	simm.s32 $0x8;
	s30 =	simm.s32 $0x5;
	s31 =	simm.s32 $0xA  }
0x7: {  	s4 =	sand.u32 $0x1, s3;
	s3 =	simm.s32 $0x0;
	s10 =	smul.u32 $0x280, s8  }
0x8: {  	s0 =	sadd.s32 $0x2600, s0;
	s14 =	smul.u32 $0x2710, s8;
	s5 =	sshll.u32 s4, $0x4  }
0x9: {  	[smem:$0x7FF] =	sst s3;
	s6 =	ssub.s32 $0x2, s4;
	s11 =	smul.u32 $0x2800, s4  }
0xa: {  	s13 =	smul.u32 $0x27100, s4;
	s5 =	sor.u32 s8, s5;
	_ =	strace $0x80000047  }
0xb: {  	s7 =	sshrl.u32 s6, $0x1;
	s4 =	sadd.s32 s10, s1;
	s5 =	smul.u32 $0x2710, s5  }
0xc: {  	s12 =	ssub.s32 s6, s7;
	s10 =	sadd.s32 s10, s11;
	s14 =	sadd.s32 s14, s13  }
0xd: {  	s10 =	sshrl.u32 s10, $0x3;
	s24 =	sadd.s32 $0x4E4D0, s14;
	s13 =	sadd.s32 $0x4E480, s14  }
0xe: {  	s11 =	smax.u32 s12, $0x1;
	s26 =	sadd.s32 $0x4E430, s14;
	s15 =	sadd.s32 $0x4E3E0, s14  }
0xf: {  	s14 =	sadd.s32 $0x4E390, s14;
	s5 =	sshrl.u32 s5, $0x3;
	s10 =	sadd.s32 s2, s10  }
0x10: {  	s25 =	sshrl.u32 s24, $0x3;
	s13 =	sshrl.u32 s13, $0x3;
	s2 =	sshrl.u32 s26, $0x3  }
0x11: {  	s15 =	sshrl.u32 s15, $0x3;
	s16 =	sshrl.u32 s14, $0x3;
	s24 =	simm.s32 $0x50  }
0x12: {  	s26 =	simm.s32 $0x6;
	s9 =	sadd.s32 s0, s5;
	s12 =	sadd.s32 s25, s0  }
0x13: {  	s13 =	sadd.s32 s13, s0;
	s14 =	sadd.s32 s2, s0;
	s15 =	sadd.s32 s15, s0  }
.Ltmp0:
0x14: {  	s16 =	sadd.s32 s16, s0;
	s5 =	sadd.s32 $0x9C40, s9;
	(pc) =	sbr.rel .LBB2_1-.Ltmp0, $4  }
0x15: {  	s25 =	simm.s32 $0x280;
	s21 =	sadd.s32 $0x9C4A, s9;
	[dreg:$0x4] =	wrdreg s5  }
0x16: {  	s0 =	simm.s32 $0x0;
	s22 =	sadd.s32 $0x9C54, s9;
	[dreg:$0x5] =	wrdreg s21  }
0x17: {  	s23 =	sadd.s32 $0x9C5E, s9;
	s9 =	sadd.s32 $0x9C68, s9;
	[dreg:$0x6] =	wrdreg s22  }
0x18: {  	v0 =	vimm.f32 $1.000000000e+00;
	v1 =	vimm.f32 $0.0e+00;
	[dreg:$0x7] =	wrdreg s23;
	s22 =	simm.s32 $0x200;
	s23 =	simm.s32 $0x1  }
.LBB2_4:
0x19: {  	s2 =	stileid.u32;
	s0 =	sadd.s32 $0x1, s0  }
0x1a: {  	[bflag:$0x0] =	sbarrier.arrive $0xFFFF;
	s2 =	sshll.u32 s2, $0x6;
	p0 =	sne.s32 s0, s11  }
.Ltmp1:
0x1b: {  	s5 =	sshrl.u32 s4, $0x3;
	s2 =	sor.u32 $0x1C0B, s2;
	(pc) =	sbr.rel @!p0 .LBB2_5-.Ltmp1, $4  }
0x1c: {  	[hbm:s10], [sflag:s2] =	dma.local [spmem:s5], $0x50  }
0x1d: {  	_ =	swait.ge [sflag:s18], $0x50  }
0x1e: {  	[sflag:s18] =	ssyncset.done $0x0  }
0x1f: {  	[sflag:s18] =	ssyncadd.s32 $0xFFFFFFB0  }
.LBB2_1:
0x20: {  	[tilespmem:$0x280] =	vst v0  }
0x21: {  	[tilespmem:$0x290] =	vst v0  }
0x22: {  	[tilespmem:$0x2A0] =	vst v0  }
0x23: {  	[tilespmem:$0x2B0] =	vst v0  }
0x24: {  	[tilespmem:$0x2C0] =	vst v0  }
0x25: {  	[tilespmem:$0x300] =	vst v1  }
0x26: {  	[tilespmem:$0x310] =	vst v1  }
0x27: {  	[tilespmem:$0x320] =	vst v1  }
0x28: {  	[tilespmem:$0x330] =	vst v1  }
0x29: {  	[tilespmem:$0x340] =	vst v1  }
0x2a: {  	[tilespmem:$0x350] =	vst v1  }
0x2b: {  	[tilespmem:$0x360] =	vst v1  }
0x2c: {  	[tilespmem:$0x370] =	vst v1  }
0x2d: {  	[tilespmem:$0x380] =	vst v1  }
0x2e: {  	[tilespmem:$0x390] =	vst v1  }
0x2f: {  	[tilespmem:$0x3A0] =	vst v1  }
0x30: {  	[tilespmem:$0x3B0] =	vst v1  }
0x31: {  	[tilespmem:$0x3C0] =	vst v1  }
0x32: {  	[tilespmem:$0x3D0] =	vst v1  }
0x33: {  	[tilespmem:$0x3E0] =	vst v1  }
0x34: {  	[tilespmem:$0x3F0] =	vst v1  }
0x35: {  	[tilespmem:$0x400] =	vst v1  }
0x36: {  	[tilespmem:$0x410] =	vst v1  }
0x37: {  	[tilespmem:$0x420] =	vst v1  }
0x38: {  	[tilespmem:$0x430] =	vst v1  }
0x39: {  	[tilespmem:$0x440] =	vst v1  }
0x3a: {  	[tilespmem:$0x450] =	vst v1  }
0x3b: {  	[tilespmem:$0x460] =	vst v1  }
0x3c: {  	[tilespmem:$0x470] =	vst v1  }
0x3d: {  	[tilespmem:$0x480] =	vst v1  }
0x3e: {  	[tilespmem:$0x490] =	vst v1  }
0x3f: {  	[tilespmem:$0x4A0] =	vst v1  }
0x40: {  	[tilespmem:$0x4B0] =	vst v1  }
0x41: {  	[tilespmem:$0x4C0] =	vst v1  }
0x42: {  	[tilespmem:$0x4D0] =	vst v1  }
0x43: {  	[tilespmem:$0x4E0] =	vst v1  }
0x44: {  	[tilespmem:$0x4F0] =	vst v1  }
0x45: {  	[tilespmem:$0x500] =	vst v1  }
0x46: {  	[tilespmem:$0x510] =	vst v1  }
0x47: {  	[tilespmem:$0x520] =	vst v1  }
0x48: {  	[tilespmem:$0x530] =	vst v1  }
0x49: {  	[tilespmem:$0x540] =	vst v1  }
0x4a: {  	[tilespmem:$0x550] =	vst v1  }
0x4b: {  	[tilespmem:$0x560] =	vst v1  }
0x4c: {  	[tilespmem:$0x570] =	vst v1;
	s2 =	simm.s32 $0x300  }
0x4d: {  	[spmem:s4] =	stream.linear.scatter [tilespmem:s2], [sflag:$0xB], $0x280, $0x38;
	[tilespmem:$0x800] =	vst v63  }
0x4e: {  	_ =	swait.ge [sflag:s18], $0x280  }
0x4f: {  	[sflag:s18] =	ssyncset.done $0x0  }
0x50: {  	[sflag:s18] =	ssyncadd.s32 $0xFFFFFD80  }
0x51: {  	[bflag:$0x0] =	sbarrier.arrive $0xFFFF  }
0x52: {  	s7 =	rddreg [dreg:$0x4]  }
0x53: {  	[tilespmem:s3], [sflag:$0x1] =	stream.linear.gather [hbm4b:s7+s3], $0x50, $0x38;
	[tilespmem:$0x800] =	vst v63  }
0x54: {  	s5 =	simm.s32 $0x80;
	s8 =	rddreg [dreg:$0x5]  }
0x55: {  	[tilespmem:s5], [sflag:$0x2] =	stream.linear.gather [hbm4b:s8+s3], $0x50, $0x38;
	[tilespmem:$0x800] =	vst v63  }
0x56: {  	s17 =	rddreg [dreg:$0x6]  }
0x57: {  	[tilespmem:s20], [sflag:$0x3] =	stream.linear.gather [hbm4b:s17+s3], $0x50, $0x38;
	[tilespmem:$0x800] =	vst v63  }
0x58: {  	s21 =	simm.s32 $0x180;
	s19 =	rddreg [dreg:$0x7]  }
0x59: {  	[tilespmem:s21], [sflag:$0x4] =	stream.linear.gather [hbm4b:s19+s3], $0x50, $0x38;
	[tilespmem:$0x800] =	vst v63  }
0x5a: {  	s2 =	simm.s32 $0x0  }
0x5b: {  	[tilespmem:s22], [sflag:$0x5] =	stream.linear.gather [hbm4b:s9+s3], $0x50, $0x38;
	[tilespmem:$0x800] =	vst v63  }
.LBB2_2:
0x5c: {  	_ =	swait.ge [sflag:s23], $0x50  }
0x5d: {  	[sflag:s23] =	ssyncset.done $0x0  }
0x5e: {  	[sflag:s23] =	ssyncadd.s32 $0xFFFFFFB0  }
0x5f: {  	[spmem:s1] =	stream.indirect.scatter.add.f32 [tilespmem:s25], [sflag:$0x6], $0x1, s3, s24, $0xb8;
	[tilespmem:$0x800] =	vst v63  }
0x60: {  	_ =	swait.ge [sflag:s26], $0x50  }
0x61: {  	p0 =	seq.s32 s2, $0x4B0;
	[sflag:s26] =	ssyncset.done $0x0  }
0x62: {  	s17 =	simm.s32 @p0 $0x2;
	[sflag:s26] =	ssyncadd.s32 $0xFFFFFFB0  }
0x63: {  	_ =	swait.ge @p0 [sflag:s17], $0x50  }
0x64: {  	s19 =	simm.s32 @p0 $0x80;
	[sflag:s17] =	ssyncset.done @p0 $0x0  }
0x65: {  	s21 =	simm.s32 @p0 $0x280;
	[sflag:s17] =	ssyncadd.s32 @p0 $0xFFFFFFB0;
	s17 =	simm.s32 @p0 $0x50  }
0x66: {  	[spmem:s1] =	stream.indirect.scatter.add.f32 @p0 [tilespmem:s21], [sflag:$0x7], $0x1, s19, s17, $0xb8;
	[tilespmem:$0x800] =	vst v63  }
0x67: {  	s19 =	simm.s32 @p0 $0x7  }
0x68: {  	_ =	swait.ge @p0 [sflag:s19], $0x50  }
0x69: {  	[sflag:s19] =	ssyncset.done @p0 $0x0  }
0x6a: {  	s5 =	simm.s32 @!p0 $0x0;
	[sflag:s19] =	ssyncadd.s32 @p0 $0xFFFFFFB0;
	s19 =	sadd.s32 @!p0 s2, s16  }
0x6b: {  	[tilespmem:s5], [sflag:$0x1] =	stream.linear.gather @!p0 [hbm4b:s19+s5], $0x50, $0x38;
	[tilespmem:$0x800] =	vst v63  }
0x6c: {  	s19 =	simm.s32 @!p0 $0x2  }
0x6d: {  	_ =	swait.ge @!p0 [sflag:s19], $0x50  }
0x6e: {  	s6 =	simm.s32 @!p0 $0x80;
	s7 =	simm.s32 @!p0 $0x280;
	[sflag:s19] =	ssyncset.done @!p0 $0x0  }
0x6f: {  	s8 =	simm.s32 @!p0 $0x7;
	[sflag:s19] =	ssyncadd.s32 @!p0 $0xFFFFFFB0;
	s19 =	simm.s32 @!p0 $0x50  }
0x70: {  	[spmem:s1] =	stream.indirect.scatter.add.f32 @!p0 [tilespmem:s7], [sflag:$0x7], $0x1, s6, s19, $0xb8;
	[tilespmem:$0x800] =	vst v63  }
0x71: {  	_ =	swait.ge @!p0 [sflag:s8], $0x50  }
0x72: {  	[sflag:s8] =	ssyncset.done @!p0 $0x0  }
0x73: {  	[sflag:s8] =	ssyncadd.s32 @!p0 $0xFFFFFFB0;
	s8 =	sadd.s32 @!p0 s2, s15  }
0x74: {  	[tilespmem:s6], [sflag:$0x2] =	stream.linear.gather @!p0 [hbm4b:s8+s5], $0x50, $0x38;
	[tilespmem:$0x800] =	vst v63  }
0x75: {  	_ =	swait.ge [sflag:s28], $0x50  }
0x76: {  	[sflag:s28] =	ssyncset.done $0x0  }
0x77: {  	[sflag:s28] =	ssyncadd.s32 $0xFFFFFFB0  }
0x78: {  	[spmem:s1] =	stream.indirect.scatter.add.f32 [tilespmem:s25], [sflag:$0x8], $0x1, s20, s24, $0xb8;
	[tilespmem:$0x800] =	vst v63  }
0x79: {  	_ =	swait.ge [sflag:s29], $0x50  }
0x7a: {  	[sflag:s29] =	ssyncset.done $0x0  }
0x7b: {  	s6 =	simm.s32 @p0 $0x4;
	[sflag:s29] =	ssyncadd.s32 $0xFFFFFFB0  }
0x7c: {  	_ =	swait.ge @p0 [sflag:s6], $0x50  }
0x7d: {  	[sflag:s6] =	ssyncset.done @p0 $0x0  }
0x7e: {  	[sflag:s6] =	ssyncadd.s32 @p0 $0xFFFFFFB0;
	s6 =	simm.s32 @p0 $0x180  }
0x7f: {  	[spmem:s1] =	stream.indirect.scatter.add.f32 @p0 [tilespmem:s21], [sflag:$0x9], $0x1, s6, s17, $0xb8;
	[tilespmem:$0x800] =	vst v63  }
0x80: {  	s6 =	simm.s32 @p0 $0x9  }
0x81: {  	_ =	swait.ge @p0 [sflag:s6], $0x50  }
0x82: {  	[sflag:s6] =	ssyncset.done @p0 $0x0  }
0x83: {  	s8 =	simm.s32 @!p0 $0x100;
	[sflag:s6] =	ssyncadd.s32 @p0 $0xFFFFFFB0;
	s6 =	sadd.s32 @!p0 s2, s14  }
0x84: {  	[tilespmem:s8], [sflag:$0x3] =	stream.linear.gather @!p0 [hbm4b:s6+s5], $0x50, $0x38;
	[tilespmem:$0x800] =	vst v63  }
0x85: {  	s6 =	simm.s32 @!p0 $0x4  }
0x86: {  	_ =	swait.ge @!p0 [sflag:s6], $0x50  }
0x87: {  	[sflag:s6] =	ssyncset.done @!p0 $0x0  }
0x88: {  	[sflag:s6] =	ssyncadd.s32 @!p0 $0xFFFFFFB0;
	s6 =	simm.s32 @!p0 $0x180  }
0x89: {  	[spmem:s1] =	stream.indirect.scatter.add.f32 @!p0 [tilespmem:s7], [sflag:$0x9], $0x1, s6, s19, $0xb8;
	[tilespmem:$0x800] =	vst v63  }
0x8a: {  	s7 =	simm.s32 @!p0 $0x9  }
0x8b: {  	_ =	swait.ge @!p0 [sflag:s7], $0x50  }
0x8c: {  	[sflag:s7] =	ssyncset.done @!p0 $0x0  }
0x8d: {  	[sflag:s7] =	ssyncadd.s32 @!p0 $0xFFFFFFB0;
	s7 =	sadd.s32 @!p0 s2, s13  }
0x8e: {  	[tilespmem:s6], [sflag:$0x4] =	stream.linear.gather @!p0 [hbm4b:s7+s5], $0x50, $0x38;
	[tilespmem:$0x800] =	vst v63  }
0x8f: {  	_ =	swait.ge [sflag:s30], $0x50  }
0x90: {  	[sflag:s30] =	ssyncset.done $0x0  }
.Ltmp2:
0x91: {  	[sflag:s30] =	ssyncadd.s32 $0xFFFFFFB0;
	(pc) =	sbr.rel @p0 .LBB2_4-.Ltmp2, $4  }
0x92: {  	[spmem:s1] =	stream.indirect.scatter.add.f32 [tilespmem:s25], [sflag:$0xA], $0x1, s22, s24, $0xb8;
	[tilespmem:$0x800] =	vst v63  }
0x93: {  	_ =	swait.ge [sflag:s31], $0x50  }
0x94: {  	[sflag:s31] =	ssyncset.done $0x0  }
0x95: {  	[sflag:s31] =	ssyncadd.s32 $0xFFFFFFB0  }
.Ltmp3:
0x96: {  	(pc) =	sbr.rel .LBB2_2-.Ltmp3, $3  }
0x97: {  	_ =	sdelay $0x1  }
0x98: {  	s5 =	sadd.s32 s2, s12;
	s2 =	sadd.s32 $0x32, s2  }
0x99: {  	[tilespmem:s22], [sflag:$0x5] =	stream.linear.gather [hbm4b:s5+s3], $0x50, $0x38;
	[tilespmem:$0x800] =	vst v63  }
.LBB2_5:
0x9a: {  	_ =	sfence.sel $0x180000  }
0x9b: {  	[bflag:$0x0] =	sbarrier.arrive $0xFFFF  }
0x9c: {  	_ =	strace $0x90000047  }
0x9d: {  	s0 =	stileid.u32;
	[bflag:$0x2] =	sbarrier.arrive $0xFFFF  }
0x9e: {  	p0 =	sne.s32 s0, $0x0;
	s0 =	rddreg [dreg:$0x3]  }
0x9f: {  	s0 =	sadd.s32 @!p0 $0x100000, s0  }
0xa0: {  	[sflag:s0] =	ssyncadd.tile.s32 @!p0 $0x1;
	_ =	shalt  }
.Lfunc_end2:
_tile_overlayer_lowered:
.L_overlay_start_2:
0xa1: {  	(tag) =	ssettag $0x2  }
0xa2: {  	s0 =	rddreg [dreg:$0x0];
	s2 =	stileid.u32  }
0xa3: {  	s1 =	rddreg [dreg:$0x1];
	p0 =	sne.s32 s2, $0x0  }
0xa4: {  	s3 =	rddreg [dreg:$0x2];
	[bflag:$0x3] =	sbarrier.arrive $0xFFFF;
	s2 =	simm.s32 @!p0 $0x1C0B  }
0xa5: {  	[timem:s3], [sflag:s2] =	dma.local @!p0 [hbm:s0], s1  }
0xa6: {  	s0 =	simm.s32 @!p0 $0xB  }
0xa7: {  	_ =	swait.ge @!p0 [sflag:s0], s1  }
0xa8: {  	s1 =	ssub.s32 @!p0 $0x0, s1;
	[sflag:s0] =	ssyncset.done @!p0 $0x0  }
0xa9: {  	[sflag:s0] =	ssyncadd.s32 @!p0 s1  }
0xaa: {  	[bflag:$0x3] =	sbarrier.arrive $0xFFFF  }
0xab: {  	_ =	shalt  }

</sc_bundles>
